<compile_context>
chip_gen: v7x
topology: tpu7x:2x2x1
jax: 0.10.2.dev20260603
libtpu: 0.0.44.dev20260713+nightly
codegen_flags: <defaults>
</compile_context>

<pallas_src>
import functools

import jax
import jax.numpy as jnp
from jax import lax
from jax.experimental import pallas as pl
from jax.experimental.pallas import tpu as pltpu
from jax.experimental.pallas import tpu_sc as plsc

B = 16384
N_SPARSE = 26
N_DENSE = 13
N_FIELDS = N_SPARSE + N_DENSE
N_PAD = 48
VOCAB = 1000000

NC = 2
NS = 16
NW = NC * NS
ROWS_W = B // NW
CHUNK = 128
NCHUNK = ROWS_W // CHUNK
BCOLS = B // CHUNK


def _body(xi_hbm, xd_hbm, tab_hbm, ap_hbm, wp_hbm, out_hbm,
          idx_v, gat_v, xd_v, coef_v, cb_v, acc_v, ap_v, wp_v, sem):
    w = lax.axis_index("s") * NC + lax.axis_index("c")
    col0 = w * NCHUNK

    pltpu.sync_copy(xi_hbm.at[:, pl.ds(col0, NCHUNK), :], idx_v)
    pltpu.sync_copy(xd_hbm.at[:, pl.ds(col0, NCHUNK), :], xd_v)
    pltpu.sync_copy(ap_hbm, ap_v)
    pltpu.sync_copy(wp_hbm, wp_v)

    for i in range(N_PAD // 16):
        sl = pl.ds(i * 16, 16)
        e = jnp.exp(2.0 * ap_v[sl])
        coef_v[sl] = (e - 1.0) / (e + 1.0) * wp_v[sl]
    for f in range(N_FIELDS):
        grp = coef_v[pl.ds((f // 16) * 16, 16)]
        lane = jnp.full((16,), f % 16, dtype=jnp.int32)
        cb_v[pl.ds(f * 16, 16)] = grp.at[lane].get(mode="promise_in_bounds")

    def add_off(t, carry):
        f = t // (NCHUNK * (CHUNK // 16))
        r = (t // (CHUNK // 16)) % NCHUNK
        i = t % (CHUNK // 16)
        sl = pl.ds(i * 16, 16)
        idx_v[f, r, sl] = idx_v[f, r, sl] + f * VOCAB
        return carry
    lax.fori_loop(0, N_SPARSE * NCHUNK * (CHUNK // 16), add_off, 0)

    copies = []
    for f in range(N_SPARSE):
        for r in range(NCHUNK):
            cp = pltpu.make_async_copy(
                tab_hbm.at[idx_v.at[f, r]], gat_v.at[f, r], sem)
            cp.start()
            copies.append(cp)
    for cp in copies:
        cp.wait()

    def reduce_chunk(t, carry):
        r = t // (CHUNK // 16)
        i = t % (CHUNK // 16)
        sl = pl.ds(i * 16, 16)
        acc = jnp.zeros((16,), dtype=jnp.float32)
        for f in range(N_SPARSE):
            acc = acc + cb_v[pl.ds(f * 16, 16)] * gat_v[f, r, sl]
        for d in range(N_DENSE):
            acc = acc + cb_v[pl.ds((N_SPARSE + d) * 16, 16)] * xd_v[d, r, sl]
        acc_v[r, sl] = acc
        return carry
    lax.fori_loop(0, NCHUNK * (CHUNK // 16), reduce_chunk, 0)

    pltpu.sync_copy(acc_v, out_hbm.at[pl.ds(col0, NCHUNK), :])


@jax.jit
def _run(xi3, xd3, tab, apad, wpad):
    mesh = plsc.VectorSubcoreMesh(core_axis_name="c", subcore_axis_name="s")
    fn = pl.kernel(
        _body,
        out_type=jax.ShapeDtypeStruct((BCOLS, CHUNK), jnp.float32),
        mesh=mesh,
        scratch_types=[
            pltpu.VMEM((N_SPARSE, NCHUNK, CHUNK), jnp.int32),
            pltpu.VMEM((N_SPARSE, NCHUNK, CHUNK), jnp.float32),
            pltpu.VMEM((N_DENSE, NCHUNK, CHUNK), jnp.float32),
            pltpu.VMEM((N_PAD,), jnp.float32),
            pltpu.VMEM((N_FIELDS * 16,), jnp.float32),
            pltpu.VMEM((NCHUNK, CHUNK), jnp.float32),
            pltpu.VMEM((N_PAD,), jnp.float32),
            pltpu.VMEM((N_PAD,), jnp.float32),
            pltpu.SemaphoreType.DMA,
        ],
    )
    return fn(xi3, xd3, tab, apad, wpad)


def kernel(X, tables, weight, alpha):
    xi3 = X[:, :N_SPARSE].astype(jnp.int32).T.reshape(N_SPARSE, BCOLS, CHUNK)
    xd3 = X[:, N_SPARSE:].T.reshape(N_DENSE, BCOLS, CHUNK)
    tab = tables.reshape(-1)
    apad = jnp.pad(alpha, (0, N_PAD - N_FIELDS))
    wpad = jnp.concatenate(
        [jnp.ones((N_SPARSE,), jnp.float32), weight[:, 0],
         jnp.zeros((N_PAD - N_FIELDS,), jnp.float32)])
    out = _run(xi3, xd3, tab, apad, wpad)
    return out.reshape(B, 1)

# --- scband reference (transcript-rebuilt; emitter-appended) ---
"""Pipeline reference for scband-normalized-weighted-linear-layer-66176856096971 (READ-ONLY COPY).

The authoritative reference and input builder live on the scoring server;
editing this copy changes nothing except your own understanding.
"""

import jax, jax.numpy as jnp
import numpy as np

B = 16384
N_SPARSE = 26
N_DENSE = 13
VOCAB = 1000000
INIT_STD = 1e-4
ALPHA_MEAN = 0.5
ALPHA_RADIUS = 0.001


def setup_inputs(seed: int = 0) -> dict:
    key = jax.random.key(seed)
    k1, k2, k3, k4 = jax.random.split(key, 4)
    # X: first 26 columns are sparse feature ids (stored as float, cast to int in forward),
    # last 13 columns are dense values.
    X = jax.random.randint(k1, (B, N_SPARSE + N_DENSE), 0, VOCAB).astype(jnp.float32)
    # Per-field linear embedding tables (embedding_dim=1, squeezed to [vocab]).
    tables = INIT_STD * jax.random.normal(k2, (N_SPARSE, VOCAB), dtype=jnp.float32)
    # Dense linear weight [n_dense, 1].
    weight = INIT_STD * jax.random.normal(k3, (N_DENSE, 1), dtype=jnp.float32)
    # Structure param alpha, uniform in [mean-radius, mean+radius].
    alpha = ALPHA_MEAN + ALPHA_RADIUS * (2.0 * jax.random.uniform(k4, (N_SPARSE + N_DENSE,), dtype=jnp.float32) - 1.0)
    return {"X": X, "tables": tables, "weight": weight, "alpha": alpha}


def reference(X, tables, weight, alpha):
    # Sparse part: per-field embedding lookup with embedding_dim=1.
    idx = X[:, :N_SPARSE].astype(jnp.int32)                      # [B, 26]
    field_ids = jnp.arange(N_SPARSE)[None, :]                    # [1, 26]
    sparse_logit = tables[field_ids, idx]                        # [B, 26] (== cat(embs,dim=1).squeeze(-1))
    # Dense part: elementwise weighted dense values.
    dense_vals = X[:, N_SPARSE:]                                 # [B, 13]
    dense_logit = dense_vals * weight.transpose(1, 0)            # [B, 13]
    # Combine with normalized structure weights alpha.
    logit = jnp.concatenate([sparse_logit, dense_logit], axis=1) * jnp.tanh(alpha)
    linear_logit = jnp.sum(logit, axis=-1, keepdims=True)        # [B, 1]
    return linear_logit

if __name__ == "__main__":
    import jax
    _d = setup_inputs()
    print(jax.jit(kernel)(*tuple(_d.values())))

</pallas_src>

<mosaic_0001>
#map = affine_map<(d0, d1) -> (0, 0, 0)>
#map1 = affine_map<(d0, d1) -> (0)>
#map2 = affine_map<(d0, d1) -> (0, 0)>
module attributes {stable_mosaic.version = 14 : i64} {
  func.func @_body(%arg0: i32, %arg1: i32, %arg2: memref<26x128x128xi32, #tpu.memory_space<hbm>>, %arg3: memref<13x128x128xf32, #tpu.memory_space<hbm>>, %arg4: memref<26000000xf32, #tpu.memory_space<hbm>>, %arg5: memref<48xf32, #tpu.memory_space<hbm>>, %arg6: memref<48xf32, #tpu.memory_space<hbm>>, %arg7: memref<128x128xf32, #tpu.memory_space<hbm>>, %arg8: memref<26x4x128xi32, #tpu.memory_space<vmem>>, %arg9: memref<26x4x128xf32, #tpu.memory_space<vmem>>, %arg10: memref<13x4x128xf32, #tpu.memory_space<vmem>>, %arg11: memref<48xf32, #tpu.memory_space<vmem>>, %arg12: memref<624xf32, #tpu.memory_space<vmem>>, %arg13: memref<4x128xf32, #tpu.memory_space<vmem>>, %arg14: memref<48xf32, #tpu.memory_space<vmem>>, %arg15: memref<48xf32, #tpu.memory_space<vmem>>, %arg16: memref<!tpu.dma_semaphore, #tpu.memory_space<semaphore_mem>>) attributes {dimension_semantics = [#tpu.dimension_semantics<core_parallel>, #tpu.dimension_semantics<subcore_parallel>], iteration_bounds = array<i64: 2, 16>, scalar_prefetch = 0 : i64, scratch_operands = 9 : i64, tpu.core_type = #tpu.core_type<sc_vector_subcore>, window_params = [{transform_indices = #map}, {transform_indices = #map}, {transform_indices = #map1}, {transform_indices = #map1}, {transform_indices = #map1}, {transform_indices = #map2}]} {
    %mul3A = arith.constant 2 : i32
    %mul3A_0 = arith.muli %arg1, %mul3A : i32
    %add3A = arith.addi %mul3A_0, %arg0 : i32
    %mul3A_1 = arith.constant 4 : i32
    %mul3A_2 = arith.muli %add3A, %mul3A_1 : i32
    "tpu.region"() ({
      %run_scoped3A = tpu.sem_alloc : memref<!tpu.dma_semaphore, #tpu.memory_space<semaphore_mem>>
      %dma_start3A_3306 = arith.constant 0 : i32
      %dma_start3A_3307 = arith.constant 0 : i32
      %dma_start3A_3308 = tpu.memref_slice %arg2[%dma_start3A_3306, %mul3A_2, %dma_start3A_3307] : memref<26x128x128xi32, #tpu.memory_space<hbm>> -> memref<26x4x128xi32, #tpu.memory_space<hbm>>
      %dma_start3A_3309 = arith.constant 0 : i32
      %dma_start3A_3310 = arith.constant 0 : i32
      %dma_start3A_3311 = tpu.memref_slice %arg2[%dma_start3A_3309, %mul3A_2, %dma_start3A_3310] : memref<26x128x128xi32, #tpu.memory_space<hbm>> -> memref<26x4x128xi32, #tpu.memory_space<hbm>>
      tpu.enqueue_dma source(%dma_start3A_3311 : memref<26x4x128xi32, #tpu.memory_space<hbm>>) target(%arg8 : memref<26x4x128xi32, #tpu.memory_space<vmem>>) target_semaphore(%run_scoped3A : memref<!tpu.dma_semaphore, #tpu.memory_space<semaphore_mem>>)
      %dma_wait3A_3312 = arith.constant 0 : i32
      %dma_wait3A_3313 = arith.constant 0 : i32
      %dma_wait3A_3314 = tpu.memref_slice %arg2[%dma_wait3A_3312, %mul3A_2, %dma_wait3A_3313] : memref<26x128x128xi32, #tpu.memory_space<hbm>> -> memref<26x4x128xi32, #tpu.memory_space<hbm>>
      %dma_wait3A_3315 = arith.constant 0 : i32
      %dma_wait3A_3316 = arith.constant 0 : i32
      %dma_wait3A_3317 = tpu.memref_slice %arg2[%dma_wait3A_3315, %mul3A_2, %dma_wait3A_3316] : memref<26x128x128xi32, #tpu.memory_space<hbm>> -> memref<26x4x128xi32, #tpu.memory_space<hbm>>
      tpu.wait_dma2 semaphore(%run_scoped3A : memref<!tpu.dma_semaphore, #tpu.memory_space<semaphore_mem>>) src(%dma_wait3A_3317 : memref<26x4x128xi32, #tpu.memory_space<hbm>>) dst(%arg8 : memref<26x4x128xi32, #tpu.memory_space<vmem>>)
      tpu.yield
    }) : () -> ()
    "tpu.region"() ({
      %run_scoped3A = tpu.sem_alloc : memref<!tpu.dma_semaphore, #tpu.memory_space<semaphore_mem>>
      %dma_start3A_3306 = arith.constant 0 : i32
      %dma_start3A_3307 = arith.constant 0 : i32
      %dma_start3A_3308 = tpu.memref_slice %arg3[%dma_start3A_3306, %mul3A_2, %dma_start3A_3307] : memref<13x128x128xf32, #tpu.memory_space<hbm>> -> memref<13x4x128xf32, #tpu.memory_space<hbm>>
      %dma_start3A_3309 = arith.constant 0 : i32
      %dma_start3A_3310 = arith.constant 0 : i32
      %dma_start3A_3311 = tpu.memref_slice %arg3[%dma_start3A_3309, %mul3A_2, %dma_start3A_3310] : memref<13x128x128xf32, #tpu.memory_space<hbm>> -> memref<13x4x128xf32, #tpu.memory_space<hbm>>
      tpu.enqueue_dma source(%dma_start3A_3311 : memref<13x4x128xf32, #tpu.memory_space<hbm>>) target(%arg10 : memref<13x4x128xf32, #tpu.memory_space<vmem>>) target_semaphore(%run_scoped3A : memref<!tpu.dma_semaphore, #tpu.memory_space<semaphore_mem>>)
      %dma_wait3A_3312 = arith.constant 0 : i32
      %dma_wait3A_3313 = arith.constant 0 : i32
      %dma_wait3A_3314 = tpu.memref_slice %arg3[%dma_wait3A_3312, %mul3A_2, %dma_wait3A_3313] : memref<13x128x128xf32, #tpu.memory_space<hbm>> -> memref<13x4x128xf32, #tpu.memory_space<hbm>>
      %dma_wait3A_3315 = arith.constant 0 : i32
      %dma_wait3A_3316 = arith.constant 0 : i32
      %dma_wait3A_3317 = tpu.memref_slice %arg3[%dma_wait3A_3315, %mul3A_2, %dma_wait3A_3316] : memref<13x128x128xf32, #tpu.memory_space<hbm>> -> memref<13x4x128xf32, #tpu.memory_space<hbm>>
      tpu.wait_dma2 semaphore(%run_scoped3A : memref<!tpu.dma_semaphore, #tpu.memory_space<semaphore_mem>>) src(%dma_wait3A_3317 : memref<13x4x128xf32, #tpu.memory_space<hbm>>) dst(%arg10 : memref<13x4x128xf32, #tpu.memory_space<vmem>>)
      tpu.yield
    }) : () -> ()
    "tpu.region"() ({
      %run_scoped3A = tpu.sem_alloc : memref<!tpu.dma_semaphore, #tpu.memory_space<semaphore_mem>>
      tpu.enqueue_dma source(%arg5 : memref<48xf32, #tpu.memory_space<hbm>>) target(%arg14 : memref<48xf32, #tpu.memory_space<vmem>>) target_semaphore(%run_scoped3A : memref<!tpu.dma_semaphore, #tpu.memory_space<semaphore_mem>>)
      tpu.wait_dma2 semaphore(%run_scoped3A : memref<!tpu.dma_semaphore, #tpu.memory_space<semaphore_mem>>) src(%arg5 : memref<48xf32, #tpu.memory_space<hbm>>) dst(%arg14 : memref<48xf32, #tpu.memory_space<vmem>>)
      tpu.yield
    }) : () -> ()
    "tpu.region"() ({
      %run_scoped3A = tpu.sem_alloc : memref<!tpu.dma_semaphore, #tpu.memory_space<semaphore_mem>>
      tpu.enqueue_dma source(%arg6 : memref<48xf32, #tpu.memory_space<hbm>>) target(%arg15 : memref<48xf32, #tpu.memory_space<vmem>>) target_semaphore(%run_scoped3A : memref<!tpu.dma_semaphore, #tpu.memory_space<semaphore_mem>>)
      tpu.wait_dma2 semaphore(%run_scoped3A : memref<!tpu.dma_semaphore, #tpu.memory_space<semaphore_mem>>) src(%arg6 : memref<48xf32, #tpu.memory_space<hbm>>) dst(%arg15 : memref<48xf32, #tpu.memory_space<vmem>>)
      tpu.yield
    }) : () -> ()
    %get3A = arith.constant 0 : index
    %get3A_3 = tpu.vector_load %arg14[%get3A] {strides = array<i32>} : memref<48xf32, #tpu.memory_space<vmem>>, vector<16xf32>,
    %get3A_4 = vector.shape_cast %get3A_3 : vector<16xf32> to vector<16xf32>
    %mul3A_5 = arith.constant 2.000000e+00 : f32
    %mul3A_6 = vector.broadcast %mul3A_5 : f32 to vector<16xf32>
    %mul3A_7 = arith.mulf %mul3A_6, %get3A_4 : vector<16xf32>
    %exp3A = math.exp %mul3A_7 : vector<16xf32>
    %sub3A = arith.constant 1.000000e+00 : f32
    %sub3A_8 = vector.broadcast %sub3A : f32 to vector<16xf32>
    %sub3A_9 = arith.subf %exp3A, %sub3A_8 : vector<16xf32>
    %add3A_10 = arith.constant 1.000000e+00 : f32
    %add3A_11 = vector.broadcast %add3A_10 : f32 to vector<16xf32>
    %add3A_12 = arith.addf %exp3A, %add3A_11 : vector<16xf32>
    %div3A = arith.divf %sub3A_9, %add3A_12 : vector<16xf32>
    %get3A_13 = arith.constant 0 : index
    %get3A_14 = tpu.vector_load %arg15[%get3A_13] {strides = array<i32>} : memref<48xf32, #tpu.memory_space<vmem>>, vector<16xf32>,
    %get3A_15 = vector.shape_cast %get3A_14 : vector<16xf32> to vector<16xf32>
    %mul3A_16 = arith.mulf %div3A, %get3A_15 : vector<16xf32>
    %swap3A = arith.constant 0 : index
    %swap3A_17 = tpu.vector_load %arg11[%swap3A] {strides = array<i32>} : memref<48xf32, #tpu.memory_space<vmem>>, vector<16xf32>,
    %swap3A_18 = vector.shape_cast %swap3A_17 : vector<16xf32> to vector<16xf32>
    %swap3A_19 = vector.shape_cast %mul3A_16 : vector<16xf32> to vector<16xf32>
    tpu.vector_store %arg11[%swap3A], %swap3A_19 {strides = array<i32>} : memref<48xf32, #tpu.memory_space<vmem>>, vector<16xf32>,
    %get3A_20 = arith.constant 16 : index
    %get3A_21 = tpu.vector_load %arg14[%get3A_20] {strides = array<i32>} : memref<48xf32, #tpu.memory_space<vmem>>, vector<16xf32>,
    %get3A_22 = vector.shape_cast %get3A_21 : vector<16xf32> to vector<16xf32>
    %mul3A_23 = arith.constant 2.000000e+00 : f32
    %mul3A_24 = vector.broadcast %mul3A_23 : f32 to vector<16xf32>
    %mul3A_25 = arith.mulf %mul3A_24, %get3A_22 : vector<16xf32>
    %exp3A_26 = math.exp %mul3A_25 : vector<16xf32>
    %sub3A_27 = arith.constant 1.000000e+00 : f32
    %sub3A_28 = vector.broadcast %sub3A_27 : f32 to vector<16xf32>
    %sub3A_29 = arith.subf %exp3A_26, %sub3A_28 : vector<16xf32>
    %add3A_30 = arith.constant 1.000000e+00 : f32
    %add3A_31 = vector.broadcast %add3A_30 : f32 to vector<16xf32>
    %add3A_32 = arith.addf %exp3A_26, %add3A_31 : vector<16xf32>
    %div3A_33 = arith.divf %sub3A_29, %add3A_32 : vector<16xf32>
    %get3A_34 = arith.constant 16 : index
    %get3A_35 = tpu.vector_load %arg15[%get3A_34] {strides = array<i32>} : memref<48xf32, #tpu.memory_space<vmem>>, vector<16xf32>,
    %get3A_36 = vector.shape_cast %get3A_35 : vector<16xf32> to vector<16xf32>
    %mul3A_37 = arith.mulf %div3A_33, %get3A_36 : vector<16xf32>
    %swap3A_38 = arith.constant 16 : index
    %swap3A_39 = tpu.vector_load %arg11[%swap3A_38] {strides = array<i32>} : memref<48xf32, #tpu.memory_space<vmem>>, vector<16xf32>,
    %swap3A_40 = vector.shape_cast %swap3A_39 : vector<16xf32> to vector<16xf32>
    %swap3A_41 = vector.shape_cast %mul3A_37 : vector<16xf32> to vector<16xf32>
    tpu.vector_store %arg11[%swap3A_38], %swap3A_41 {strides = array<i32>} : memref<48xf32, #tpu.memory_space<vmem>>, vector<16xf32>,
    %get3A_42 = arith.constant 32 : index
    %get3A_43 = tpu.vector_load %arg14[%get3A_42] {strides = array<i32>} : memref<48xf32, #tpu.memory_space<vmem>>, vector<16xf32>,
    %get3A_44 = vector.shape_cast %get3A_43 : vector<16xf32> to vector<16xf32>
    %mul3A_45 = arith.constant 2.000000e+00 : f32
    %mul3A_46 = vector.broadcast %mul3A_45 : f32 to vector<16xf32>
    %mul3A_47 = arith.mulf %mul3A_46, %get3A_44 : vector<16xf32>
    %exp3A_48 = math.exp %mul3A_47 : vector<16xf32>
    %sub3A_49 = arith.constant 1.000000e+00 : f32
    %sub3A_50 = vector.broadcast %sub3A_49 : f32 to vector<16xf32>
    %sub3A_51 = arith.subf %exp3A_48, %sub3A_50 : vector<16xf32>
    %add3A_52 = arith.constant 1.000000e+00 : f32
    %add3A_53 = vector.broadcast %add3A_52 : f32 to vector<16xf32>
    %add3A_54 = arith.addf %exp3A_48, %add3A_53 : vector<16xf32>
    %div3A_55 = arith.divf %sub3A_51, %add3A_54 : vector<16xf32>
    %get3A_56 = arith.constant 32 : index
    %get3A_57 = tpu.vector_load %arg15[%get3A_56] {strides = array<i32>} : memref<48xf32, #tpu.memory_space<vmem>>, vector<16xf32>,
    %get3A_58 = vector.shape_cast %get3A_57 : vector<16xf32> to vector<16xf32>
    %mul3A_59 = arith.mulf %div3A_55, %get3A_58 : vector<16xf32>
    %swap3A_60 = arith.constant 32 : index
    %swap3A_61 = tpu.vector_load %arg11[%swap3A_60] {strides = array<i32>} : memref<48xf32, #tpu.memory_space<vmem>>, vector<16xf32>,
    %swap3A_62 = vector.shape_cast %swap3A_61 : vector<16xf32> to vector<16xf32>
    %swap3A_63 = vector.shape_cast %mul3A_59 : vector<16xf32> to vector<16xf32>
    tpu.vector_store %arg11[%swap3A_60], %swap3A_63 {strides = array<i32>} : memref<48xf32, #tpu.memory_space<vmem>>, vector<16xf32>,
    %get3A_64 = arith.constant 0 : index
    %get3A_65 = tpu.vector_load %arg11[%get3A_64] {strides = array<i32>} : memref<48xf32, #tpu.memory_space<vmem>>, vector<16xf32>,
    %get3A_66 = vector.shape_cast %get3A_65 : vector<16xf32> to vector<16xf32>
    %broadcast_in_dim3A = arith.constant 0 : i32
    %broadcast_in_dim3A_67 = vector.broadcast %broadcast_in_dim3A : i32 to vector<16xi32>
    %lt3A = arith.constant 0 : i32
    %lt3A_68 = vector.broadcast %lt3A : i32 to vector<16xi32>
    %lt3A_69 = arith.cmpi slt, %broadcast_in_dim3A_67, %lt3A_68 : vector<16xi32>
    %add3A_70 = arith.constant 16 : i32
    %add3A_71 = vector.broadcast %add3A_70 : i32 to vector<16xi32>
    %add3A_72 = arith.addi %broadcast_in_dim3A_67, %add3A_71 : vector<16xi32>
    %select_n3A = arith.select %lt3A_69, %add3A_72, %broadcast_in_dim3A_67 : vector<16xi1>, vector<16xi32>
    %broadcast_in_dim3A_73 = vector.shape_cast %select_n3A : vector<16xi32> to vector<16x1xi32>
    %gather3A = vector.shape_cast %broadcast_in_dim3A_73 : vector<16x1xi32> to vector<16xi32>
    %gather3A_74 = tpu.dynamic_gather %get3A_66[%gather3A] in [0] : vector<16xf32>, vector<16xi32> -> vector<16xf32>
    %swap3A_75 = arith.constant 0 : index
    %swap3A_76 = tpu.vector_load %arg12[%swap3A_75] {strides = array<i32>} : memref<624xf32, #tpu.memory_space<vmem>>, vector<16xf32>,
    %swap3A_77 = vector.shape_cast %swap3A_76 : vector<16xf32> to vector<16xf32>
    %swap3A_78 = vector.shape_cast %gather3A_74 : vector<16xf32> to vector<16xf32>
    tpu.vector_store %arg12[%swap3A_75], %swap3A_78 {strides = array<i32>} : memref<624xf32, #tpu.memory_space<vmem>>, vector<16xf32>,
    %get3A_79 = arith.constant 0 : index
    %get3A_80 = tpu.vector_load %arg11[%get3A_79] {strides = array<i32>} : memref<48xf32, #tpu.memory_space<vmem>>, vector<16xf32>,
    %get3A_81 = vector.shape_cast %get3A_80 : vector<16xf32> to vector<16xf32>
    %broadcast_in_dim3A_82 = arith.constant 1 : i32
    %broadcast_in_dim3A_83 = vector.broadcast %broadcast_in_dim3A_82 : i32 to vector<16xi32>
    %lt3A_84 = arith.constant 0 : i32
    %lt3A_85 = vector.broadcast %lt3A_84 : i32 to vector<16xi32>
    %lt3A_86 = arith.cmpi slt, %broadcast_in_dim3A_83, %lt3A_85 : vector<16xi32>
    %add3A_87 = arith.constant 16 : i32
    %add3A_88 = vector.broadcast %add3A_87 : i32 to vector<16xi32>
    %add3A_89 = arith.addi %broadcast_in_dim3A_83, %add3A_88 : vector<16xi32>
    %select_n3A_90 = arith.select %lt3A_86, %add3A_89, %broadcast_in_dim3A_83 : vector<16xi1>, vector<16xi32>
    %broadcast_in_dim3A_91 = vector.shape_cast %select_n3A_90 : vector<16xi32> to vector<16x1xi32>
    %gather3A_92 = vector.shape_cast %broadcast_in_dim3A_91 : vector<16x1xi32> to vector<16xi32>
    %gather3A_93 = tpu.dynamic_gather %get3A_81[%gather3A_92] in [0] : vector<16xf32>, vector<16xi32> -> vector<16xf32>
    %swap3A_94 = arith.constant 16 : index
    %swap3A_95 = tpu.vector_load %arg12[%swap3A_94] {strides = array<i32>} : memref<624xf32, #tpu.memory_space<vmem>>, vector<16xf32>,
    %swap3A_96 = vector.shape_cast %swap3A_95 : vector<16xf32> to vector<16xf32>
    %swap3A_97 = vector.shape_cast %gather3A_93 : vector<16xf32> to vector<16xf32>
    tpu.vector_store %arg12[%swap3A_94], %swap3A_97 {strides = array<i32>} : memref<624xf32, #tpu.memory_space<vmem>>, vector<16xf32>,
    %get3A_98 = arith.constant 0 : index
    %get3A_99 = tpu.vector_load %arg11[%get3A_98] {strides = array<i32>} : memref<48xf32, #tpu.memory_space<vmem>>, vector<16xf32>,
    %get3A_100 = vector.shape_cast %get3A_99 : vector<16xf32> to vector<16xf32>
    %broadcast_in_dim3A_101 = arith.constant 2 : i32
    %broadcast_in_dim3A_102 = vector.broadcast %broadcast_in_dim3A_101 : i32 to vector<16xi32>
    %lt3A_103 = arith.constant 0 : i32
    %lt3A_104 = vector.broadcast %lt3A_103 : i32 to vector<16xi32>
    %lt3A_105 = arith.cmpi slt, %broadcast_in_dim3A_102, %lt3A_104 : vector<16xi32>
    %add3A_106 = arith.constant 16 : i32
    %add3A_107 = vector.broadcast %add3A_106 : i32 to vector<16xi32>
    %add3A_108 = arith.addi %broadcast_in_dim3A_102, %add3A_107 : vector<16xi32>
    %select_n3A_109 = arith.select %lt3A_105, %add3A_108, %broadcast_in_dim3A_102 : vector<16xi1>, vector<16xi32>
    %broadcast_in_dim3A_110 = vector.shape_cast %select_n3A_109 : vector<16xi32> to vector<16x1xi32>
    %gather3A_111 = vector.shape_cast %broadcast_in_dim3A_110 : vector<16x1xi32> to vector<16xi32>
    %gather3A_112 = tpu.dynamic_gather %get3A_100[%gather3A_111] in [0] : vector<16xf32>, vector<16xi32> -> vector<16xf32>
    %swap3A_113 = arith.constant 32 : index
    %swap3A_114 = tpu.vector_load %arg12[%swap3A_113] {strides = array<i32>} : memref<624xf32, #tpu.memory_space<vmem>>, vector<16xf32>,
    %swap3A_115 = vector.shape_cast %swap3A_114 : vector<16xf32> to vector<16xf32>
    %swap3A_116 = vector.shape_cast %gather3A_112 : vector<16xf32> to vector<16xf32>
    tpu.vector_store %arg12[%swap3A_113], %swap3A_116 {strides = array<i32>} : memref<624xf32, #tpu.memory_space<vmem>>, vector<16xf32>,
    %get3A_117 = arith.constant 0 : index
    %get3A_118 = tpu.vector_load %arg11[%get3A_117] {strides = array<i32>} : memref<48xf32, #tpu.memory_space<vmem>>, vector<16xf32>,
    %get3A_119 = vector.shape_cast %get3A_118 : vector<16xf32> to vector<16xf32>
    %broadcast_in_dim3A_120 = arith.constant 3 : i32
    %broadcast_in_dim3A_121 = vector.broadcast %broadcast_in_dim3A_120 : i32 to vector<16xi32>
    %lt3A_122 = arith.constant 0 : i32
    %lt3A_123 = vector.broadcast %lt3A_122 : i32 to vector<16xi32>
    %lt3A_124 = arith.cmpi slt, %broadcast_in_dim3A_121, %lt3A_123 : vector<16xi32>
    %add3A_125 = arith.constant 16 : i32
    %add3A_126 = vector.broadcast %add3A_125 : i32 to vector<16xi32>
    %add3A_127 = arith.addi %broadcast_in_dim3A_121, %add3A_126 : vector<16xi32>
    %select_n3A_128 = arith.select %lt3A_124, %add3A_127, %broadcast_in_dim3A_121 : vector<16xi1>, vector<16xi32>
    %broadcast_in_dim3A_129 = vector.shape_cast %select_n3A_128 : vector<16xi32> to vector<16x1xi32>
    %gather3A_130 = vector.shape_cast %broadcast_in_dim3A_129 : vector<16x1xi32> to vector<16xi32>
    %gather3A_131 = tpu.dynamic_gather %get3A_119[%gather3A_130] in [0] : vector<16xf32>, vector<16xi32> -> vector<16xf32>
    %swap3A_132 = arith.constant 48 : index
    %swap3A_133 = tpu.vector_load %arg12[%swap3A_132] {strides = array<i32>} : memref<624xf32, #tpu.memory_space<vmem>>, vector<16xf32>,
    %swap3A_134 = vector.shape_cast %swap3A_133 : vector<16xf32> to vector<16xf32>
    %swap3A_135 = vector.shape_cast %gather3A_131 : vector<16xf32> to vector<16xf32>
    tpu.vector_store %arg12[%swap3A_132], %swap3A_135 {strides = array<i32>} : memref<624xf32, #tpu.memory_space<vmem>>, vector<16xf32>,
    %get3A_136 = arith.constant 0 : index
    %get3A_137 = tpu.vector_load %arg11[%get3A_136] {strides = array<i32>} : memref<48xf32, #tpu.memory_space<vmem>>, vector<16xf32>,
    %get3A_138 = vector.shape_cast %get3A_137 : vector<16xf32> to vector<16xf32>
    %broadcast_in_dim3A_139 = arith.constant 4 : i32
    %broadcast_in_dim3A_140 = vector.broadcast %broadcast_in_dim3A_139 : i32 to vector<16xi32>
    %lt3A_141 = arith.constant 0 : i32
    %lt3A_142 = vector.broadcast %lt3A_141 : i32 to vector<16xi32>
    %lt3A_143 = arith.cmpi slt, %broadcast_in_dim3A_140, %lt3A_142 : vector<16xi32>
    %add3A_144 = arith.constant 16 : i32
    %add3A_145 = vector.broadcast %add3A_144 : i32 to vector<16xi32>
    %add3A_146 = arith.addi %broadcast_in_dim3A_140, %add3A_145 : vector<16xi32>
    %select_n3A_147 = arith.select %lt3A_143, %add3A_146, %broadcast_in_dim3A_140 : vector<16xi1>, vector<16xi32>
    %broadcast_in_dim3A_148 = vector.shape_cast %select_n3A_147 : vector<16xi32> to vector<16x1xi32>
    %gather3A_149 = vector.shape_cast %broadcast_in_dim3A_148 : vector<16x1xi32> to vector<16xi32>
    %gather3A_150 = tpu.dynamic_gather %get3A_138[%gather3A_149] in [0] : vector<16xf32>, vector<16xi32> -> vector<16xf32>
    %swap3A_151 = arith.constant 64 : index
    %swap3A_152 = tpu.vector_load %arg12[%swap3A_151] {strides = array<i32>} : memref<624xf32, #tpu.memory_space<vmem>>, vector<16xf32>,
    %swap3A_153 = vector.shape_cast %swap3A_152 : vector<16xf32> to vector<16xf32>
    %swap3A_154 = vector.shape_cast %gather3A_150 : vector<16xf32> to vector<16xf32>
    tpu.vector_store %arg12[%swap3A_151], %swap3A_154 {strides = array<i32>} : memref<624xf32, #tpu.memory_space<vmem>>, vector<16xf32>,
    %get3A_155 = arith.constant 0 : index
    %get3A_156 = tpu.vector_load %arg11[%get3A_155] {strides = array<i32>} : memref<48xf32, #tpu.memory_space<vmem>>, vector<16xf32>,
    %get3A_157 = vector.shape_cast %get3A_156 : vector<16xf32> to vector<16xf32>
    %broadcast_in_dim3A_158 = arith.constant 5 : i32
    %broadcast_in_dim3A_159 = vector.broadcast %broadcast_in_dim3A_158 : i32 to vector<16xi32>
    %lt3A_160 = arith.constant 0 : i32
    %lt3A_161 = vector.broadcast %lt3A_160 : i32 to vector<16xi32>
    %lt3A_162 = arith.cmpi slt, %broadcast_in_dim3A_159, %lt3A_161 : vector<16xi32>
    %add3A_163 = arith.constant 16 : i32
    %add3A_164 = vector.broadcast %add3A_163 : i32 to vector<16xi32>
    %add3A_165 = arith.addi %broadcast_in_dim3A_159, %add3A_164 : vector<16xi32>
    %select_n3A_166 = arith.select %lt3A_162, %add3A_165, %broadcast_in_dim3A_159 : vector<16xi1>, vector<16xi32>
    %broadcast_in_dim3A_167 = vector.shape_cast %select_n3A_166 : vector<16xi32> to vector<16x1xi32>
    %gather3A_168 = vector.shape_cast %broadcast_in_dim3A_167 : vector<16x1xi32> to vector<16xi32>
    %gather3A_169 = tpu.dynamic_gather %get3A_157[%gather3A_168] in [0] : vector<16xf32>, vector<16xi32> -> vector<16xf32>
    %swap3A_170 = arith.constant 80 : index
    %swap3A_171 = tpu.vector_load %arg12[%swap3A_170] {strides = array<i32>} : memref<624xf32, #tpu.memory_space<vmem>>, vector<16xf32>,
    %swap3A_172 = vector.shape_cast %swap3A_171 : vector<16xf32> to vector<16xf32>
    %swap3A_173 = vector.shape_cast %gather3A_169 : vector<16xf32> to vector<16xf32>
    tpu.vector_store %arg12[%swap3A_170], %swap3A_173 {strides = array<i32>} : memref<624xf32, #tpu.memory_space<vmem>>, vector<16xf32>,
    %get3A_174 = arith.constant 0 : index
    %get3A_175 = tpu.vector_load %arg11[%get3A_174] {strides = array<i32>} : memref<48xf32, #tpu.memory_space<vmem>>, vector<16xf32>,
    %get3A_176 = vector.shape_cast %get3A_175 : vector<16xf32> to vector<16xf32>
    %broadcast_in_dim3A_177 = arith.constant 6 : i32
    %broadcast_in_dim3A_178 = vector.broadcast %broadcast_in_dim3A_177 : i32 to vector<16xi32>
    %lt3A_179 = arith.constant 0 : i32
    %lt3A_180 = vector.broadcast %lt3A_179 : i32 to vector<16xi32>
    %lt3A_181 = arith.cmpi slt, %broadcast_in_dim3A_178, %lt3A_180 : vector<16xi32>
    %add3A_182 = arith.constant 16 : i32
    %add3A_183 = vector.broadcast %add3A_182 : i32 to vector<16xi32>
    %add3A_184 = arith.addi %broadcast_in_dim3A_178, %add3A_183 : vector<16xi32>
    %select_n3A_185 = arith.select %lt3A_181, %add3A_184, %broadcast_in_dim3A_178 : vector<16xi1>, vector<16xi32>
    %broadcast_in_dim3A_186 = vector.shape_cast %select_n3A_185 : vector<16xi32> to vector<16x1xi32>
    %gather3A_187 = vector.shape_cast %broadcast_in_dim3A_186 : vector<16x1xi32> to vector<16xi32>
    %gather3A_188 = tpu.dynamic_gather %get3A_176[%gather3A_187] in [0] : vector<16xf32>, vector<16xi32> -> vector<16xf32>
    %swap3A_189 = arith.constant 96 : index
    %swap3A_190 = tpu.vector_load %arg12[%swap3A_189] {strides = array<i32>} : memref<624xf32, #tpu.memory_space<vmem>>, vector<16xf32>,
    %swap3A_191 = vector.shape_cast %swap3A_190 : vector<16xf32> to vector<16xf32>
    %swap3A_192 = vector.shape_cast %gather3A_188 : vector<16xf32> to vector<16xf32>
    tpu.vector_store %arg12[%swap3A_189], %swap3A_192 {strides = array<i32>} : memref<624xf32, #tpu.memory_space<vmem>>, vector<16xf32>,
    %get3A_193 = arith.constant 0 : index
    %get3A_194 = tpu.vector_load %arg11[%get3A_193] {strides = array<i32>} : memref<48xf32, #tpu.memory_space<vmem>>, vector<16xf32>,
    %get3A_195 = vector.shape_cast %get3A_194 : vector<16xf32> to vector<16xf32>
    %broadcast_in_dim3A_196 = arith.constant 7 : i32
    %broadcast_in_dim3A_197 = vector.broadcast %broadcast_in_dim3A_196 : i32 to vector<16xi32>
    %lt3A_198 = arith.constant 0 : i32
    %lt3A_199 = vector.broadcast %lt3A_198 : i32 to vector<16xi32>
    %lt3A_200 = arith.cmpi slt, %broadcast_in_dim3A_197, %lt3A_199 : vector<16xi32>
    %add3A_201 = arith.constant 16 : i32
    %add3A_202 = vector.broadcast %add3A_201 : i32 to vector<16xi32>
    %add3A_203 = arith.addi %broadcast_in_dim3A_197, %add3A_202 : vector<16xi32>
    %select_n3A_204 = arith.select %lt3A_200, %add3A_203, %broadcast_in_dim3A_197 : vector<16xi1>, vector<16xi32>
    %broadcast_in_dim3A_205 = vector.shape_cast %select_n3A_204 : vector<16xi32> to vector<16x1xi32>
    %gather3A_206 = vector.shape_cast %broadcast_in_dim3A_205 : vector<16x1xi32> to vector<16xi32>
    %gather3A_207 = tpu.dynamic_gather %get3A_195[%gather3A_206] in [0] : vector<16xf32>, vector<16xi32> -> vector<16xf32>
    %swap3A_208 = arith.constant 112 : index
    %swap3A_209 = tpu.vector_load %arg12[%swap3A_208] {strides = array<i32>} : memref<624xf32, #tpu.memory_space<vmem>>, vector<16xf32>,
    %swap3A_210 = vector.shape_cast %swap3A_209 : vector<16xf32> to vector<16xf32>
    %swap3A_211 = vector.shape_cast %gather3A_207 : vector<16xf32> to vector<16xf32>
    tpu.vector_store %arg12[%swap3A_208], %swap3A_211 {strides = array<i32>} : memref<624xf32, #tpu.memory_space<vmem>>, vector<16xf32>,
    %get3A_212 = arith.constant 0 : index
    %get3A_213 = tpu.vector_load %arg11[%get3A_212] {strides = array<i32>} : memref<48xf32, #tpu.memory_space<vmem>>, vector<16xf32>,
    %get3A_214 = vector.shape_cast %get3A_213 : vector<16xf32> to vector<16xf32>
    %broadcast_in_dim3A_215 = arith.constant 8 : i32
    %broadcast_in_dim3A_216 = vector.broadcast %broadcast_in_dim3A_215 : i32 to vector<16xi32>
    %lt3A_217 = arith.constant 0 : i32
    %lt3A_218 = vector.broadcast %lt3A_217 : i32 to vector<16xi32>
    %lt3A_219 = arith.cmpi slt, %broadcast_in_dim3A_216, %lt3A_218 : vector<16xi32>
    %add3A_220 = arith.constant 16 : i32
    %add3A_221 = vector.broadcast %add3A_220 : i32 to vector<16xi32>
    %add3A_222 = arith.addi %broadcast_in_dim3A_216, %add3A_221 : vector<16xi32>
    %select_n3A_223 = arith.select %lt3A_219, %add3A_222, %broadcast_in_dim3A_216 : vector<16xi1>, vector<16xi32>
    %broadcast_in_dim3A_224 = vector.shape_cast %select_n3A_223 : vector<16xi32> to vector<16x1xi32>
    %gather3A_225 = vector.shape_cast %broadcast_in_dim3A_224 : vector<16x1xi32> to vector<16xi32>
    %gather3A_226 = tpu.dynamic_gather %get3A_214[%gather3A_225] in [0] : vector<16xf32>, vector<16xi32> -> vector<16xf32>
    %swap3A_227 = arith.constant 128 : index
    %swap3A_228 = tpu.vector_load %arg12[%swap3A_227] {strides = array<i32>} : memref<624xf32, #tpu.memory_space<vmem>>, vector<16xf32>,
    %swap3A_229 = vector.shape_cast %swap3A_228 : vector<16xf32> to vector<16xf32>
    %swap3A_230 = vector.shape_cast %gather3A_226 : vector<16xf32> to vector<16xf32>
    tpu.vector_store %arg12[%swap3A_227], %swap3A_230 {strides = array<i32>} : memref<624xf32, #tpu.memory_space<vmem>>, vector<16xf32>,
    %get3A_231 = arith.constant 0 : index
    %get3A_232 = tpu.vector_load %arg11[%get3A_231] {strides = array<i32>} : memref<48xf32, #tpu.memory_space<vmem>>, vector<16xf32>,
    %get3A_233 = vector.shape_cast %get3A_232 : vector<16xf32> to vector<16xf32>
    %broadcast_in_dim3A_234 = arith.constant 9 : i32
    %broadcast_in_dim3A_235 = vector.broadcast %broadcast_in_dim3A_234 : i32 to vector<16xi32>
    %lt3A_236 = arith.constant 0 : i32
    %lt3A_237 = vector.broadcast %lt3A_236 : i32 to vector<16xi32>
    %lt3A_238 = arith.cmpi slt, %broadcast_in_dim3A_235, %lt3A_237 : vector<16xi32>
    %add3A_239 = arith.constant 16 : i32
    %add3A_240 = vector.broadcast %add3A_239 : i32 to vector<16xi32>
    %add3A_241 = arith.addi %broadcast_in_dim3A_235, %add3A_240 : vector<16xi32>
    %select_n3A_242 = arith.select %lt3A_238, %add3A_241, %broadcast_in_dim3A_235 : vector<16xi1>, vector<16xi32>
    %broadcast_in_dim3A_243 = vector.shape_cast %select_n3A_242 : vector<16xi32> to vector<16x1xi32>
    %gather3A_244 = vector.shape_cast %broadcast_in_dim3A_243 : vector<16x1xi32> to vector<16xi32>
    %gather3A_245 = tpu.dynamic_gather %get3A_233[%gather3A_244] in [0] : vector<16xf32>, vector<16xi32> -> vector<16xf32>
    %swap3A_246 = arith.constant 144 : index
    %swap3A_247 = tpu.vector_load %arg12[%swap3A_246] {strides = array<i32>} : memref<624xf32, #tpu.memory_space<vmem>>, vector<16xf32>,
    %swap3A_248 = vector.shape_cast %swap3A_247 : vector<16xf32> to vector<16xf32>
    %swap3A_249 = vector.shape_cast %gather3A_245 : vector<16xf32> to vector<16xf32>
    tpu.vector_store %arg12[%swap3A_246], %swap3A_249 {strides = array<i32>} : memref<624xf32, #tpu.memory_space<vmem>>, vector<16xf32>,
    %get3A_250 = arith.constant 0 : index
    %get3A_251 = tpu.vector_load %arg11[%get3A_250] {strides = array<i32>} : memref<48xf32, #tpu.memory_space<vmem>>, vector<16xf32>,
    %get3A_252 = vector.shape_cast %get3A_251 : vector<16xf32> to vector<16xf32>
    %broadcast_in_dim3A_253 = arith.constant 10 : i32
    %broadcast_in_dim3A_254 = vector.broadcast %broadcast_in_dim3A_253 : i32 to vector<16xi32>
    %lt3A_255 = arith.constant 0 : i32
    %lt3A_256 = vector.broadcast %lt3A_255 : i32 to vector<16xi32>
    %lt3A_257 = arith.cmpi slt, %broadcast_in_dim3A_254, %lt3A_256 : vector<16xi32>
    %add3A_258 = arith.constant 16 : i32
    %add3A_259 = vector.broadcast %add3A_258 : i32 to vector<16xi32>
    %add3A_260 = arith.addi %broadcast_in_dim3A_254, %add3A_259 : vector<16xi32>
    %select_n3A_261 = arith.select %lt3A_257, %add3A_260, %broadcast_in_dim3A_254 : vector<16xi1>, vector<16xi32>
    %broadcast_in_dim3A_262 = vector.shape_cast %select_n3A_261 : vector<16xi32> to vector<16x1xi32>
    %gather3A_263 = vector.shape_cast %broadcast_in_dim3A_262 : vector<16x1xi32> to vector<16xi32>
    %gather3A_264 = tpu.dynamic_gather %get3A_252[%gather3A_263] in [0] : vector<16xf32>, vector<16xi32> -> vector<16xf32>
    %swap3A_265 = arith.constant 160 : index
    %swap3A_266 = tpu.vector_load %arg12[%swap3A_265] {strides = array<i32>} : memref<624xf32, #tpu.memory_space<vmem>>, vector<16xf32>,
    %swap3A_267 = vector.shape_cast %swap3A_266 : vector<16xf32> to vector<16xf32>
    %swap3A_268 = vector.shape_cast %gather3A_264 : vector<16xf32> to vector<16xf32>
    tpu.vector_store %arg12[%swap3A_265], %swap3A_268 {strides = array<i32>} : memref<624xf32, #tpu.memory_space<vmem>>, vector<16xf32>,
    %get3A_269 = arith.constant 0 : index
    %get3A_270 = tpu.vector_load %arg11[%get3A_269] {strides = array<i32>} : memref<48xf32, #tpu.memory_space<vmem>>, vector<16xf32>,
    %get3A_271 = vector.shape_cast %get3A_270 : vector<16xf32> to vector<16xf32>
    %broadcast_in_dim3A_272 = arith.constant 11 : i32
    %broadcast_in_dim3A_273 = vector.broadcast %broadcast_in_dim3A_272 : i32 to vector<16xi32>
    %lt3A_274 = arith.constant 0 : i32
    %lt3A_275 = vector.broadcast %lt3A_274 : i32 to vector<16xi32>
    %lt3A_276 = arith.cmpi slt, %broadcast_in_dim3A_273, %lt3A_275 : vector<16xi32>
    %add3A_277 = arith.constant 16 : i32
    %add3A_278 = vector.broadcast %add3A_277 : i32 to vector<16xi32>
    %add3A_279 = arith.addi %broadcast_in_dim3A_273, %add3A_278 : vector<16xi32>
    %select_n3A_280 = arith.select %lt3A_276, %add3A_279, %broadcast_in_dim3A_273 : vector<16xi1>, vector<16xi32>
    %broadcast_in_dim3A_281 = vector.shape_cast %select_n3A_280 : vector<16xi32> to vector<16x1xi32>
    %gather3A_282 = vector.shape_cast %broadcast_in_dim3A_281 : vector<16x1xi32> to vector<16xi32>
    %gather3A_283 = tpu.dynamic_gather %get3A_271[%gather3A_282] in [0] : vector<16xf32>, vector<16xi32> -> vector<16xf32>
    %swap3A_284 = arith.constant 176 : index
    %swap3A_285 = tpu.vector_load %arg12[%swap3A_284] {strides = array<i32>} : memref<624xf32, #tpu.memory_space<vmem>>, vector<16xf32>,
    %swap3A_286 = vector.shape_cast %swap3A_285 : vector<16xf32> to vector<16xf32>
    %swap3A_287 = vector.shape_cast %gather3A_283 : vector<16xf32> to vector<16xf32>
    tpu.vector_store %arg12[%swap3A_284], %swap3A_287 {strides = array<i32>} : memref<624xf32, #tpu.memory_space<vmem>>, vector<16xf32>,
    %get3A_288 = arith.constant 0 : index
    %get3A_289 = tpu.vector_load %arg11[%get3A_288] {strides = array<i32>} : memref<48xf32, #tpu.memory_space<vmem>>, vector<16xf32>,
    %get3A_290 = vector.shape_cast %get3A_289 : vector<16xf32> to vector<16xf32>
    %broadcast_in_dim3A_291 = arith.constant 12 : i32
    %broadcast_in_dim3A_292 = vector.broadcast %broadcast_in_dim3A_291 : i32 to vector<16xi32>
    %lt3A_293 = arith.constant 0 : i32
    %lt3A_294 = vector.broadcast %lt3A_293 : i32 to vector<16xi32>
    %lt3A_295 = arith.cmpi slt, %broadcast_in_dim3A_292, %lt3A_294 : vector<16xi32>
    %add3A_296 = arith.constant 16 : i32
    %add3A_297 = vector.broadcast %add3A_296 : i32 to vector<16xi32>
    %add3A_298 = arith.addi %broadcast_in_dim3A_292, %add3A_297 : vector<16xi32>
    %select_n3A_299 = arith.select %lt3A_295, %add3A_298, %broadcast_in_dim3A_292 : vector<16xi1>, vector<16xi32>
    %broadcast_in_dim3A_300 = vector.shape_cast %select_n3A_299 : vector<16xi32> to vector<16x1xi32>
    %gather3A_301 = vector.shape_cast %broadcast_in_dim3A_300 : vector<16x1xi32> to vector<16xi32>
    %gather3A_302 = tpu.dynamic_gather %get3A_290[%gather3A_301] in [0] : vector<16xf32>, vector<16xi32> -> vector<16xf32>
    %swap3A_303 = arith.constant 192 : index
    %swap3A_304 = tpu.vector_load %arg12[%swap3A_303] {strides = array<i32>} : memref<624xf32, #tpu.memory_space<vmem>>, vector<16xf32>,
    %swap3A_305 = vector.shape_cast %swap3A_304 : vector<16xf32> to vector<16xf32>
    %swap3A_306 = vector.shape_cast %gather3A_302 : vector<16xf32> to vector<16xf32>
    tpu.vector_store %arg12[%swap3A_303], %swap3A_306 {strides = array<i32>} : memref<624xf32, #tpu.memory_space<vmem>>, vector<16xf32>,
    %get3A_307 = arith.constant 0 : index
    %get3A_308 = tpu.vector_load %arg11[%get3A_307] {strides = array<i32>} : memref<48xf32, #tpu.memory_space<vmem>>, vector<16xf32>,
    %get3A_309 = vector.shape_cast %get3A_308 : vector<16xf32> to vector<16xf32>
    %broadcast_in_dim3A_310 = arith.constant 13 : i32
    %broadcast_in_dim3A_311 = vector.broadcast %broadcast_in_dim3A_310 : i32 to vector<16xi32>
    %lt3A_312 = arith.constant 0 : i32
    %lt3A_313 = vector.broadcast %lt3A_312 : i32 to vector<16xi32>
    %lt3A_314 = arith.cmpi slt, %broadcast_in_dim3A_311, %lt3A_313 : vector<16xi32>
    %add3A_315 = arith.constant 16 : i32
    %add3A_316 = vector.broadcast %add3A_315 : i32 to vector<16xi32>
    %add3A_317 = arith.addi %broadcast_in_dim3A_311, %add3A_316 : vector<16xi32>
    %select_n3A_318 = arith.select %lt3A_314, %add3A_317, %broadcast_in_dim3A_311 : vector<16xi1>, vector<16xi32>
    %broadcast_in_dim3A_319 = vector.shape_cast %select_n3A_318 : vector<16xi32> to vector<16x1xi32>
    %gather3A_320 = vector.shape_cast %broadcast_in_dim3A_319 : vector<16x1xi32> to vector<16xi32>
    %gather3A_321 = tpu.dynamic_gather %get3A_309[%gather3A_320] in [0] : vector<16xf32>, vector<16xi32> -> vector<16xf32>
    %swap3A_322 = arith.constant 208 : index
    %swap3A_323 = tpu.vector_load %arg12[%swap3A_322] {strides = array<i32>} : memref<624xf32, #tpu.memory_space<vmem>>, vector<16xf32>,
    %swap3A_324 = vector.shape_cast %swap3A_323 : vector<16xf32> to vector<16xf32>
    %swap3A_325 = vector.shape_cast %gather3A_321 : vector<16xf32> to vector<16xf32>
    tpu.vector_store %arg12[%swap3A_322], %swap3A_325 {strides = array<i32>} : memref<624xf32, #tpu.memory_space<vmem>>, vector<16xf32>,
    %get3A_326 = arith.constant 0 : index
    %get3A_327 = tpu.vector_load %arg11[%get3A_326] {strides = array<i32>} : memref<48xf32, #tpu.memory_space<vmem>>, vector<16xf32>,
    %get3A_328 = vector.shape_cast %get3A_327 : vector<16xf32> to vector<16xf32>
    %broadcast_in_dim3A_329 = arith.constant 14 : i32
    %broadcast_in_dim3A_330 = vector.broadcast %broadcast_in_dim3A_329 : i32 to vector<16xi32>
    %lt3A_331 = arith.constant 0 : i32
    %lt3A_332 = vector.broadcast %lt3A_331 : i32 to vector<16xi32>
    %lt3A_333 = arith.cmpi slt, %broadcast_in_dim3A_330, %lt3A_332 : vector<16xi32>
    %add3A_334 = arith.constant 16 : i32
    %add3A_335 = vector.broadcast %add3A_334 : i32 to vector<16xi32>
    %add3A_336 = arith.addi %broadcast_in_dim3A_330, %add3A_335 : vector<16xi32>
    %select_n3A_337 = arith.select %lt3A_333, %add3A_336, %broadcast_in_dim3A_330 : vector<16xi1>, vector<16xi32>
    %broadcast_in_dim3A_338 = vector.shape_cast %select_n3A_337 : vector<16xi32> to vector<16x1xi32>
    %gather3A_339 = vector.shape_cast %broadcast_in_dim3A_338 : vector<16x1xi32> to vector<16xi32>
    %gather3A_340 = tpu.dynamic_gather %get3A_328[%gather3A_339] in [0] : vector<16xf32>, vector<16xi32> -> vector<16xf32>
    %swap3A_341 = arith.constant 224 : index
    %swap3A_342 = tpu.vector_load %arg12[%swap3A_341] {strides = array<i32>} : memref<624xf32, #tpu.memory_space<vmem>>, vector<16xf32>,
    %swap3A_343 = vector.shape_cast %swap3A_342 : vector<16xf32> to vector<16xf32>
    %swap3A_344 = vector.shape_cast %gather3A_340 : vector<16xf32> to vector<16xf32>
    tpu.vector_store %arg12[%swap3A_341], %swap3A_344 {strides = array<i32>} : memref<624xf32, #tpu.memory_space<vmem>>, vector<16xf32>,
    %get3A_345 = arith.constant 0 : index
    %get3A_346 = tpu.vector_load %arg11[%get3A_345] {strides = array<i32>} : memref<48xf32, #tpu.memory_space<vmem>>, vector<16xf32>,
    %get3A_347 = vector.shape_cast %get3A_346 : vector<16xf32> to vector<16xf32>
    %broadcast_in_dim3A_348 = arith.constant 15 : i32
    %broadcast_in_dim3A_349 = vector.broadcast %broadcast_in_dim3A_348 : i32 to vector<16xi32>
    %lt3A_350 = arith.constant 0 : i32
    %lt3A_351 = vector.broadcast %lt3A_350 : i32 to vector<16xi32>
    %lt3A_352 = arith.cmpi slt, %broadcast_in_dim3A_349, %lt3A_351 : vector<16xi32>
    %add3A_353 = arith.constant 16 : i32
    %add3A_354 = vector.broadcast %add3A_353 : i32 to vector<16xi32>
    %add3A_355 = arith.addi %broadcast_in_dim3A_349, %add3A_354 : vector<16xi32>
    %select_n3A_356 = arith.select %lt3A_352, %add3A_355, %broadcast_in_dim3A_349 : vector<16xi1>, vector<16xi32>
    %broadcast_in_dim3A_357 = vector.shape_cast %select_n3A_356 : vector<16xi32> to vector<16x1xi32>
    %gather3A_358 = vector.shape_cast %broadcast_in_dim3A_357 : vector<16x1xi32> to vector<16xi32>
    %gather3A_359 = tpu.dynamic_gather %get3A_347[%gather3A_358] in [0] : vector<16xf32>, vector<16xi32> -> vector<16xf32>
    %swap3A_360 = arith.constant 240 : index
    %swap3A_361 = tpu.vector_load %arg12[%swap3A_360] {strides = array<i32>} : memref<624xf32, #tpu.memory_space<vmem>>, vector<16xf32>,
    %swap3A_362 = vector.shape_cast %swap3A_361 : vector<16xf32> to vector<16xf32>
    %swap3A_363 = vector.shape_cast %gather3A_359 : vector<16xf32> to vector<16xf32>
    tpu.vector_store %arg12[%swap3A_360], %swap3A_363 {strides = array<i32>} : memref<624xf32, #tpu.memory_space<vmem>>, vector<16xf32>,
    %get3A_364 = arith.constant 16 : index
    %get3A_365 = tpu.vector_load %arg11[%get3A_364] {strides = array<i32>} : memref<48xf32, #tpu.memory_space<vmem>>, vector<16xf32>,
    %get3A_366 = vector.shape_cast %get3A_365 : vector<16xf32> to vector<16xf32>
    %broadcast_in_dim3A_367 = arith.constant 0 : i32
    %broadcast_in_dim3A_368 = vector.broadcast %broadcast_in_dim3A_367 : i32 to vector<16xi32>
    %lt3A_369 = arith.constant 0 : i32
    %lt3A_370 = vector.broadcast %lt3A_369 : i32 to vector<16xi32>
    %lt3A_371 = arith.cmpi slt, %broadcast_in_dim3A_368, %lt3A_370 : vector<16xi32>
    %add3A_372 = arith.constant 16 : i32
    %add3A_373 = vector.broadcast %add3A_372 : i32 to vector<16xi32>
    %add3A_374 = arith.addi %broadcast_in_dim3A_368, %add3A_373 : vector<16xi32>
    %select_n3A_375 = arith.select %lt3A_371, %add3A_374, %broadcast_in_dim3A_368 : vector<16xi1>, vector<16xi32>
    %broadcast_in_dim3A_376 = vector.shape_cast %select_n3A_375 : vector<16xi32> to vector<16x1xi32>
    %gather3A_377 = vector.shape_cast %broadcast_in_dim3A_376 : vector<16x1xi32> to vector<16xi32>
    %gather3A_378 = tpu.dynamic_gather %get3A_366[%gather3A_377] in [0] : vector<16xf32>, vector<16xi32> -> vector<16xf32>
    %swap3A_379 = arith.constant 256 : index
    %swap3A_380 = tpu.vector_load %arg12[%swap3A_379] {strides = array<i32>} : memref<624xf32, #tpu.memory_space<vmem>>, vector<16xf32>,
    %swap3A_381 = vector.shape_cast %swap3A_380 : vector<16xf32> to vector<16xf32>
    %swap3A_382 = vector.shape_cast %gather3A_378 : vector<16xf32> to vector<16xf32>
    tpu.vector_store %arg12[%swap3A_379], %swap3A_382 {strides = array<i32>} : memref<624xf32, #tpu.memory_space<vmem>>, vector<16xf32>,
    %get3A_383 = arith.constant 16 : index
    %get3A_384 = tpu.vector_load %arg11[%get3A_383] {strides = array<i32>} : memref<48xf32, #tpu.memory_space<vmem>>, vector<16xf32>,
    %get3A_385 = vector.shape_cast %get3A_384 : vector<16xf32> to vector<16xf32>
    %broadcast_in_dim3A_386 = arith.constant 1 : i32
    %broadcast_in_dim3A_387 = vector.broadcast %broadcast_in_dim3A_386 : i32 to vector<16xi32>
    %lt3A_388 = arith.constant 0 : i32
    %lt3A_389 = vector.broadcast %lt3A_388 : i32 to vector<16xi32>
    %lt3A_390 = arith.cmpi slt, %broadcast_in_dim3A_387, %lt3A_389 : vector<16xi32>
    %add3A_391 = arith.constant 16 : i32
    %add3A_392 = vector.broadcast %add3A_391 : i32 to vector<16xi32>
    %add3A_393 = arith.addi %broadcast_in_dim3A_387, %add3A_392 : vector<16xi32>
    %select_n3A_394 = arith.select %lt3A_390, %add3A_393, %broadcast_in_dim3A_387 : vector<16xi1>, vector<16xi32>
    %broadcast_in_dim3A_395 = vector.shape_cast %select_n3A_394 : vector<16xi32> to vector<16x1xi32>
    %gather3A_396 = vector.shape_cast %broadcast_in_dim3A_395 : vector<16x1xi32> to vector<16xi32>
    %gather3A_397 = tpu.dynamic_gather %get3A_385[%gather3A_396] in [0] : vector<16xf32>, vector<16xi32> -> vector<16xf32>
    %swap3A_398 = arith.constant 272 : index
    %swap3A_399 = tpu.vector_load %arg12[%swap3A_398] {strides = array<i32>} : memref<624xf32, #tpu.memory_space<vmem>>, vector<16xf32>,
    %swap3A_400 = vector.shape_cast %swap3A_399 : vector<16xf32> to vector<16xf32>
    %swap3A_401 = vector.shape_cast %gather3A_397 : vector<16xf32> to vector<16xf32>
    tpu.vector_store %arg12[%swap3A_398], %swap3A_401 {strides = array<i32>} : memref<624xf32, #tpu.memory_space<vmem>>, vector<16xf32>,
    %get3A_402 = arith.constant 16 : index
    %get3A_403 = tpu.vector_load %arg11[%get3A_402] {strides = array<i32>} : memref<48xf32, #tpu.memory_space<vmem>>, vector<16xf32>,
    %get3A_404 = vector.shape_cast %get3A_403 : vector<16xf32> to vector<16xf32>
    %broadcast_in_dim3A_405 = arith.constant 2 : i32
    %broadcast_in_dim3A_406 = vector.broadcast %broadcast_in_dim3A_405 : i32 to vector<16xi32>
    %lt3A_407 = arith.constant 0 : i32
    %lt3A_408 = vector.broadcast %lt3A_407 : i32 to vector<16xi32>
    %lt3A_409 = arith.cmpi slt, %broadcast_in_dim3A_406, %lt3A_408 : vector<16xi32>
    %add3A_410 = arith.constant 16 : i32
    %add3A_411 = vector.broadcast %add3A_410 : i32 to vector<16xi32>
    %add3A_412 = arith.addi %broadcast_in_dim3A_406, %add3A_411 : vector<16xi32>
    %select_n3A_413 = arith.select %lt3A_409, %add3A_412, %broadcast_in_dim3A_406 : vector<16xi1>, vector<16xi32>
    %broadcast_in_dim3A_414 = vector.shape_cast %select_n3A_413 : vector<16xi32> to vector<16x1xi32>
    %gather3A_415 = vector.shape_cast %broadcast_in_dim3A_414 : vector<16x1xi32> to vector<16xi32>
    %gather3A_416 = tpu.dynamic_gather %get3A_404[%gather3A_415] in [0] : vector<16xf32>, vector<16xi32> -> vector<16xf32>
    %swap3A_417 = arith.constant 288 : index
    %swap3A_418 = tpu.vector_load %arg12[%swap3A_417] {strides = array<i32>} : memref<624xf32, #tpu.memory_space<vmem>>, vector<16xf32>,
    %swap3A_419 = vector.shape_cast %swap3A_418 : vector<16xf32> to vector<16xf32>
    %swap3A_420 = vector.shape_cast %gather3A_416 : vector<16xf32> to vector<16xf32>
    tpu.vector_store %arg12[%swap3A_417], %swap3A_420 {strides = array<i32>} : memref<624xf32, #tpu.memory_space<vmem>>, vector<16xf32>,
    %get3A_421 = arith.constant 16 : index
    %get3A_422 = tpu.vector_load %arg11[%get3A_421] {strides = array<i32>} : memref<48xf32, #tpu.memory_space<vmem>>, vector<16xf32>,
    %get3A_423 = vector.shape_cast %get3A_422 : vector<16xf32> to vector<16xf32>
    %broadcast_in_dim3A_424 = arith.constant 3 : i32
    %broadcast_in_dim3A_425 = vector.broadcast %broadcast_in_dim3A_424 : i32 to vector<16xi32>
    %lt3A_426 = arith.constant 0 : i32
    %lt3A_427 = vector.broadcast %lt3A_426 : i32 to vector<16xi32>
    %lt3A_428 = arith.cmpi slt, %broadcast_in_dim3A_425, %lt3A_427 : vector<16xi32>
    %add3A_429 = arith.constant 16 : i32
    %add3A_430 = vector.broadcast %add3A_429 : i32 to vector<16xi32>
    %add3A_431 = arith.addi %broadcast_in_dim3A_425, %add3A_430 : vector<16xi32>
    %select_n3A_432 = arith.select %lt3A_428, %add3A_431, %broadcast_in_dim3A_425 : vector<16xi1>, vector<16xi32>
    %broadcast_in_dim3A_433 = vector.shape_cast %select_n3A_432 : vector<16xi32> to vector<16x1xi32>
    %gather3A_434 = vector.shape_cast %broadcast_in_dim3A_433 : vector<16x1xi32> to vector<16xi32>
    %gather3A_435 = tpu.dynamic_gather %get3A_423[%gather3A_434] in [0] : vector<16xf32>, vector<16xi32> -> vector<16xf32>
    %swap3A_436 = arith.constant 304 : index
    %swap3A_437 = tpu.vector_load %arg12[%swap3A_436] {strides = array<i32>} : memref<624xf32, #tpu.memory_space<vmem>>, vector<16xf32>,
    %swap3A_438 = vector.shape_cast %swap3A_437 : vector<16xf32> to vector<16xf32>
    %swap3A_439 = vector.shape_cast %gather3A_435 : vector<16xf32> to vector<16xf32>
    tpu.vector_store %arg12[%swap3A_436], %swap3A_439 {strides = array<i32>} : memref<624xf32, #tpu.memory_space<vmem>>, vector<16xf32>,
    %get3A_440 = arith.constant 16 : index
    %get3A_441 = tpu.vector_load %arg11[%get3A_440] {strides = array<i32>} : memref<48xf32, #tpu.memory_space<vmem>>, vector<16xf32>,
    %get3A_442 = vector.shape_cast %get3A_441 : vector<16xf32> to vector<16xf32>
    %broadcast_in_dim3A_443 = arith.constant 4 : i32
    %broadcast_in_dim3A_444 = vector.broadcast %broadcast_in_dim3A_443 : i32 to vector<16xi32>
    %lt3A_445 = arith.constant 0 : i32
    %lt3A_446 = vector.broadcast %lt3A_445 : i32 to vector<16xi32>
    %lt3A_447 = arith.cmpi slt, %broadcast_in_dim3A_444, %lt3A_446 : vector<16xi32>
    %add3A_448 = arith.constant 16 : i32
    %add3A_449 = vector.broadcast %add3A_448 : i32 to vector<16xi32>
    %add3A_450 = arith.addi %broadcast_in_dim3A_444, %add3A_449 : vector<16xi32>
    %select_n3A_451 = arith.select %lt3A_447, %add3A_450, %broadcast_in_dim3A_444 : vector<16xi1>, vector<16xi32>
    %broadcast_in_dim3A_452 = vector.shape_cast %select_n3A_451 : vector<16xi32> to vector<16x1xi32>
    %gather3A_453 = vector.shape_cast %broadcast_in_dim3A_452 : vector<16x1xi32> to vector<16xi32>
    %gather3A_454 = tpu.dynamic_gather %get3A_442[%gather3A_453] in [0] : vector<16xf32>, vector<16xi32> -> vector<16xf32>
    %swap3A_455 = arith.constant 320 : index
    %swap3A_456 = tpu.vector_load %arg12[%swap3A_455] {strides = array<i32>} : memref<624xf32, #tpu.memory_space<vmem>>, vector<16xf32>,
    %swap3A_457 = vector.shape_cast %swap3A_456 : vector<16xf32> to vector<16xf32>
    %swap3A_458 = vector.shape_cast %gather3A_454 : vector<16xf32> to vector<16xf32>
    tpu.vector_store %arg12[%swap3A_455], %swap3A_458 {strides = array<i32>} : memref<624xf32, #tpu.memory_space<vmem>>, vector<16xf32>,
    %get3A_459 = arith.constant 16 : index
    %get3A_460 = tpu.vector_load %arg11[%get3A_459] {strides = array<i32>} : memref<48xf32, #tpu.memory_space<vmem>>, vector<16xf32>,
    %get3A_461 = vector.shape_cast %get3A_460 : vector<16xf32> to vector<16xf32>
    %broadcast_in_dim3A_462 = arith.constant 5 : i32
    %broadcast_in_dim3A_463 = vector.broadcast %broadcast_in_dim3A_462 : i32 to vector<16xi32>
    %lt3A_464 = arith.constant 0 : i32
    %lt3A_465 = vector.broadcast %lt3A_464 : i32 to vector<16xi32>
    %lt3A_466 = arith.cmpi slt, %broadcast_in_dim3A_463, %lt3A_465 : vector<16xi32>
    %add3A_467 = arith.constant 16 : i32
    %add3A_468 = vector.broadcast %add3A_467 : i32 to vector<16xi32>
    %add3A_469 = arith.addi %broadcast_in_dim3A_463, %add3A_468 : vector<16xi32>
    %select_n3A_470 = arith.select %lt3A_466, %add3A_469, %broadcast_in_dim3A_463 : vector<16xi1>, vector<16xi32>
    %broadcast_in_dim3A_471 = vector.shape_cast %select_n3A_470 : vector<16xi32> to vector<16x1xi32>
    %gather3A_472 = vector.shape_cast %broadcast_in_dim3A_471 : vector<16x1xi32> to vector<16xi32>
    %gather3A_473 = tpu.dynamic_gather %get3A_461[%gather3A_472] in [0] : vector<16xf32>, vector<16xi32> -> vector<16xf32>
    %swap3A_474 = arith.constant 336 : index
    %swap3A_475 = tpu.vector_load %arg12[%swap3A_474] {strides = array<i32>} : memref<624xf32, #tpu.memory_space<vmem>>, vector<16xf32>,
    %swap3A_476 = vector.shape_cast %swap3A_475 : vector<16xf32> to vector<16xf32>
    %swap3A_477 = vector.shape_cast %gather3A_473 : vector<16xf32> to vector<16xf32>
    tpu.vector_store %arg12[%swap3A_474], %swap3A_477 {strides = array<i32>} : memref<624xf32, #tpu.memory_space<vmem>>, vector<16xf32>,
    %get3A_478 = arith.constant 16 : index
    %get3A_479 = tpu.vector_load %arg11[%get3A_478] {strides = array<i32>} : memref<48xf32, #tpu.memory_space<vmem>>, vector<16xf32>,
    %get3A_480 = vector.shape_cast %get3A_479 : vector<16xf32> to vector<16xf32>
    %broadcast_in_dim3A_481 = arith.constant 6 : i32
    %broadcast_in_dim3A_482 = vector.broadcast %broadcast_in_dim3A_481 : i32 to vector<16xi32>
    %lt3A_483 = arith.constant 0 : i32
    %lt3A_484 = vector.broadcast %lt3A_483 : i32 to vector<16xi32>
    %lt3A_485 = arith.cmpi slt, %broadcast_in_dim3A_482, %lt3A_484 : vector<16xi32>
    %add3A_486 = arith.constant 16 : i32
    %add3A_487 = vector.broadcast %add3A_486 : i32 to vector<16xi32>
    %add3A_488 = arith.addi %broadcast_in_dim3A_482, %add3A_487 : vector<16xi32>
    %select_n3A_489 = arith.select %lt3A_485, %add3A_488, %broadcast_in_dim3A_482 : vector<16xi1>, vector<16xi32>
    %broadcast_in_dim3A_490 = vector.shape_cast %select_n3A_489 : vector<16xi32> to vector<16x1xi32>
    %gather3A_491 = vector.shape_cast %broadcast_in_dim3A_490 : vector<16x1xi32> to vector<16xi32>
    %gather3A_492 = tpu.dynamic_gather %get3A_480[%gather3A_491] in [0] : vector<16xf32>, vector<16xi32> -> vector<16xf32>
    %swap3A_493 = arith.constant 352 : index
    %swap3A_494 = tpu.vector_load %arg12[%swap3A_493] {strides = array<i32>} : memref<624xf32, #tpu.memory_space<vmem>>, vector<16xf32>,
    %swap3A_495 = vector.shape_cast %swap3A_494 : vector<16xf32> to vector<16xf32>
    %swap3A_496 = vector.shape_cast %gather3A_492 : vector<16xf32> to vector<16xf32>
    tpu.vector_store %arg12[%swap3A_493], %swap3A_496 {strides = array<i32>} : memref<624xf32, #tpu.memory_space<vmem>>, vector<16xf32>,
    %get3A_497 = arith.constant 16 : index
    %get3A_498 = tpu.vector_load %arg11[%get3A_497] {strides = array<i32>} : memref<48xf32, #tpu.memory_space<vmem>>, vector<16xf32>,
    %get3A_499 = vector.shape_cast %get3A_498 : vector<16xf32> to vector<16xf32>
    %broadcast_in_dim3A_500 = arith.constant 7 : i32
    %broadcast_in_dim3A_501 = vector.broadcast %broadcast_in_dim3A_500 : i32 to vector<16xi32>
    %lt3A_502 = arith.constant 0 : i32
    %lt3A_503 = vector.broadcast %lt3A_502 : i32 to vector<16xi32>
    %lt3A_504 = arith.cmpi slt, %broadcast_in_dim3A_501, %lt3A_503 : vector<16xi32>
    %add3A_505 = arith.constant 16 : i32
    %add3A_506 = vector.broadcast %add3A_505 : i32 to vector<16xi32>
    %add3A_507 = arith.addi %broadcast_in_dim3A_501, %add3A_506 : vector<16xi32>
    %select_n3A_508 = arith.select %lt3A_504, %add3A_507, %broadcast_in_dim3A_501 : vector<16xi1>, vector<16xi32>
    %broadcast_in_dim3A_509 = vector.shape_cast %select_n3A_508 : vector<16xi32> to vector<16x1xi32>
    %gather3A_510 = vector.shape_cast %broadcast_in_dim3A_509 : vector<16x1xi32> to vector<16xi32>
    %gather3A_511 = tpu.dynamic_gather %get3A_499[%gather3A_510] in [0] : vector<16xf32>, vector<16xi32> -> vector<16xf32>
    %swap3A_512 = arith.constant 368 : index
    %swap3A_513 = tpu.vector_load %arg12[%swap3A_512] {strides = array<i32>} : memref<624xf32, #tpu.memory_space<vmem>>, vector<16xf32>,
    %swap3A_514 = vector.shape_cast %swap3A_513 : vector<16xf32> to vector<16xf32>
    %swap3A_515 = vector.shape_cast %gather3A_511 : vector<16xf32> to vector<16xf32>
    tpu.vector_store %arg12[%swap3A_512], %swap3A_515 {strides = array<i32>} : memref<624xf32, #tpu.memory_space<vmem>>, vector<16xf32>,
    %get3A_516 = arith.constant 16 : index
    %get3A_517 = tpu.vector_load %arg11[%get3A_516] {strides = array<i32>} : memref<48xf32, #tpu.memory_space<vmem>>, vector<16xf32>,
    %get3A_518 = vector.shape_cast %get3A_517 : vector<16xf32> to vector<16xf32>
    %broadcast_in_dim3A_519 = arith.constant 8 : i32
    %broadcast_in_dim3A_520 = vector.broadcast %broadcast_in_dim3A_519 : i32 to vector<16xi32>
    %lt3A_521 = arith.constant 0 : i32
    %lt3A_522 = vector.broadcast %lt3A_521 : i32 to vector<16xi32>
    %lt3A_523 = arith.cmpi slt, %broadcast_in_dim3A_520, %lt3A_522 : vector<16xi32>
    %add3A_524 = arith.constant 16 : i32
    %add3A_525 = vector.broadcast %add3A_524 : i32 to vector<16xi32>
    %add3A_526 = arith.addi %broadcast_in_dim3A_520, %add3A_525 : vector<16xi32>
    %select_n3A_527 = arith.select %lt3A_523, %add3A_526, %broadcast_in_dim3A_520 : vector<16xi1>, vector<16xi32>
    %broadcast_in_dim3A_528 = vector.shape_cast %select_n3A_527 : vector<16xi32> to vector<16x1xi32>
    %gather3A_529 = vector.shape_cast %broadcast_in_dim3A_528 : vector<16x1xi32> to vector<16xi32>
    %gather3A_530 = tpu.dynamic_gather %get3A_518[%gather3A_529] in [0] : vector<16xf32>, vector<16xi32> -> vector<16xf32>
    %swap3A_531 = arith.constant 384 : index
    %swap3A_532 = tpu.vector_load %arg12[%swap3A_531] {strides = array<i32>} : memref<624xf32, #tpu.memory_space<vmem>>, vector<16xf32>,
    %swap3A_533 = vector.shape_cast %swap3A_532 : vector<16xf32> to vector<16xf32>
    %swap3A_534 = vector.shape_cast %gather3A_530 : vector<16xf32> to vector<16xf32>
    tpu.vector_store %arg12[%swap3A_531], %swap3A_534 {strides = array<i32>} : memref<624xf32, #tpu.memory_space<vmem>>, vector<16xf32>,
    %get3A_535 = arith.constant 16 : index
    %get3A_536 = tpu.vector_load %arg11[%get3A_535] {strides = array<i32>} : memref<48xf32, #tpu.memory_space<vmem>>, vector<16xf32>,
    %get3A_537 = vector.shape_cast %get3A_536 : vector<16xf32> to vector<16xf32>
    %broadcast_in_dim3A_538 = arith.constant 9 : i32
    %broadcast_in_dim3A_539 = vector.broadcast %broadcast_in_dim3A_538 : i32 to vector<16xi32>
    %lt3A_540 = arith.constant 0 : i32
    %lt3A_541 = vector.broadcast %lt3A_540 : i32 to vector<16xi32>
    %lt3A_542 = arith.cmpi slt, %broadcast_in_dim3A_539, %lt3A_541 : vector<16xi32>
    %add3A_543 = arith.constant 16 : i32
    %add3A_544 = vector.broadcast %add3A_543 : i32 to vector<16xi32>
    %add3A_545 = arith.addi %broadcast_in_dim3A_539, %add3A_544 : vector<16xi32>
    %select_n3A_546 = arith.select %lt3A_542, %add3A_545, %broadcast_in_dim3A_539 : vector<16xi1>, vector<16xi32>
    %broadcast_in_dim3A_547 = vector.shape_cast %select_n3A_546 : vector<16xi32> to vector<16x1xi32>
    %gather3A_548 = vector.shape_cast %broadcast_in_dim3A_547 : vector<16x1xi32> to vector<16xi32>
    %gather3A_549 = tpu.dynamic_gather %get3A_537[%gather3A_548] in [0] : vector<16xf32>, vector<16xi32> -> vector<16xf32>
    %swap3A_550 = arith.constant 400 : index
    %swap3A_551 = tpu.vector_load %arg12[%swap3A_550] {strides = array<i32>} : memref<624xf32, #tpu.memory_space<vmem>>, vector<16xf32>,
    %swap3A_552 = vector.shape_cast %swap3A_551 : vector<16xf32> to vector<16xf32>
    %swap3A_553 = vector.shape_cast %gather3A_549 : vector<16xf32> to vector<16xf32>
    tpu.vector_store %arg12[%swap3A_550], %swap3A_553 {strides = array<i32>} : memref<624xf32, #tpu.memory_space<vmem>>, vector<16xf32>,
    %get3A_554 = arith.constant 16 : index
    %get3A_555 = tpu.vector_load %arg11[%get3A_554] {strides = array<i32>} : memref<48xf32, #tpu.memory_space<vmem>>, vector<16xf32>,
    %get3A_556 = vector.shape_cast %get3A_555 : vector<16xf32> to vector<16xf32>
    %broadcast_in_dim3A_557 = arith.constant 10 : i32
    %broadcast_in_dim3A_558 = vector.broadcast %broadcast_in_dim3A_557 : i32 to vector<16xi32>
    %lt3A_559 = arith.constant 0 : i32
    %lt3A_560 = vector.broadcast %lt3A_559 : i32 to vector<16xi32>
    %lt3A_561 = arith.cmpi slt, %broadcast_in_dim3A_558, %lt3A_560 : vector<16xi32>
    %add3A_562 = arith.constant 16 : i32
    %add3A_563 = vector.broadcast %add3A_562 : i32 to vector<16xi32>
    %add3A_564 = arith.addi %broadcast_in_dim3A_558, %add3A_563 : vector<16xi32>
    %select_n3A_565 = arith.select %lt3A_561, %add3A_564, %broadcast_in_dim3A_558 : vector<16xi1>, vector<16xi32>
    %broadcast_in_dim3A_566 = vector.shape_cast %select_n3A_565 : vector<16xi32> to vector<16x1xi32>
    %gather3A_567 = vector.shape_cast %broadcast_in_dim3A_566 : vector<16x1xi32> to vector<16xi32>
    %gather3A_568 = tpu.dynamic_gather %get3A_556[%gather3A_567] in [0] : vector<16xf32>, vector<16xi32> -> vector<16xf32>
    %swap3A_569 = arith.constant 416 : index
    %swap3A_570 = tpu.vector_load %arg12[%swap3A_569] {strides = array<i32>} : memref<624xf32, #tpu.memory_space<vmem>>, vector<16xf32>,
    %swap3A_571 = vector.shape_cast %swap3A_570 : vector<16xf32> to vector<16xf32>
    %swap3A_572 = vector.shape_cast %gather3A_568 : vector<16xf32> to vector<16xf32>
    tpu.vector_store %arg12[%swap3A_569], %swap3A_572 {strides = array<i32>} : memref<624xf32, #tpu.memory_space<vmem>>, vector<16xf32>,
    %get3A_573 = arith.constant 16 : index
    %get3A_574 = tpu.vector_load %arg11[%get3A_573] {strides = array<i32>} : memref<48xf32, #tpu.memory_space<vmem>>, vector<16xf32>,
    %get3A_575 = vector.shape_cast %get3A_574 : vector<16xf32> to vector<16xf32>
    %broadcast_in_dim3A_576 = arith.constant 11 : i32
    %broadcast_in_dim3A_577 = vector.broadcast %broadcast_in_dim3A_576 : i32 to vector<16xi32>
    %lt3A_578 = arith.constant 0 : i32
    %lt3A_579 = vector.broadcast %lt3A_578 : i32 to vector<16xi32>
    %lt3A_580 = arith.cmpi slt, %broadcast_in_dim3A_577, %lt3A_579 : vector<16xi32>
    %add3A_581 = arith.constant 16 : i32
    %add3A_582 = vector.broadcast %add3A_581 : i32 to vector<16xi32>
    %add3A_583 = arith.addi %broadcast_in_dim3A_577, %add3A_582 : vector<16xi32>
    %select_n3A_584 = arith.select %lt3A_580, %add3A_583, %broadcast_in_dim3A_577 : vector<16xi1>, vector<16xi32>
    %broadcast_in_dim3A_585 = vector.shape_cast %select_n3A_584 : vector<16xi32> to vector<16x1xi32>
    %gather3A_586 = vector.shape_cast %broadcast_in_dim3A_585 : vector<16x1xi32> to vector<16xi32>
    %gather3A_587 = tpu.dynamic_gather %get3A_575[%gather3A_586] in [0] : vector<16xf32>, vector<16xi32> -> vector<16xf32>
    %swap3A_588 = arith.constant 432 : index
    %swap3A_589 = tpu.vector_load %arg12[%swap3A_588] {strides = array<i32>} : memref<624xf32, #tpu.memory_space<vmem>>, vector<16xf32>,
    %swap3A_590 = vector.shape_cast %swap3A_589 : vector<16xf32> to vector<16xf32>
    %swap3A_591 = vector.shape_cast %gather3A_587 : vector<16xf32> to vector<16xf32>
    tpu.vector_store %arg12[%swap3A_588], %swap3A_591 {strides = array<i32>} : memref<624xf32, #tpu.memory_space<vmem>>, vector<16xf32>,
    %get3A_592 = arith.constant 16 : index
    %get3A_593 = tpu.vector_load %arg11[%get3A_592] {strides = array<i32>} : memref<48xf32, #tpu.memory_space<vmem>>, vector<16xf32>,
    %get3A_594 = vector.shape_cast %get3A_593 : vector<16xf32> to vector<16xf32>
    %broadcast_in_dim3A_595 = arith.constant 12 : i32
    %broadcast_in_dim3A_596 = vector.broadcast %broadcast_in_dim3A_595 : i32 to vector<16xi32>
    %lt3A_597 = arith.constant 0 : i32
    %lt3A_598 = vector.broadcast %lt3A_597 : i32 to vector<16xi32>
    %lt3A_599 = arith.cmpi slt, %broadcast_in_dim3A_596, %lt3A_598 : vector<16xi32>
    %add3A_600 = arith.constant 16 : i32
    %add3A_601 = vector.broadcast %add3A_600 : i32 to vector<16xi32>
    %add3A_602 = arith.addi %broadcast_in_dim3A_596, %add3A_601 : vector<16xi32>
    %select_n3A_603 = arith.select %lt3A_599, %add3A_602, %broadcast_in_dim3A_596 : vector<16xi1>, vector<16xi32>
    %broadcast_in_dim3A_604 = vector.shape_cast %select_n3A_603 : vector<16xi32> to vector<16x1xi32>
    %gather3A_605 = vector.shape_cast %broadcast_in_dim3A_604 : vector<16x1xi32> to vector<16xi32>
    %gather3A_606 = tpu.dynamic_gather %get3A_594[%gather3A_605] in [0] : vector<16xf32>, vector<16xi32> -> vector<16xf32>
    %swap3A_607 = arith.constant 448 : index
    %swap3A_608 = tpu.vector_load %arg12[%swap3A_607] {strides = array<i32>} : memref<624xf32, #tpu.memory_space<vmem>>, vector<16xf32>,
    %swap3A_609 = vector.shape_cast %swap3A_608 : vector<16xf32> to vector<16xf32>
    %swap3A_610 = vector.shape_cast %gather3A_606 : vector<16xf32> to vector<16xf32>
    tpu.vector_store %arg12[%swap3A_607], %swap3A_610 {strides = array<i32>} : memref<624xf32, #tpu.memory_space<vmem>>, vector<16xf32>,
    %get3A_611 = arith.constant 16 : index
    %get3A_612 = tpu.vector_load %arg11[%get3A_611] {strides = array<i32>} : memref<48xf32, #tpu.memory_space<vmem>>, vector<16xf32>,
    %get3A_613 = vector.shape_cast %get3A_612 : vector<16xf32> to vector<16xf32>
    %broadcast_in_dim3A_614 = arith.constant 13 : i32
    %broadcast_in_dim3A_615 = vector.broadcast %broadcast_in_dim3A_614 : i32 to vector<16xi32>
    %lt3A_616 = arith.constant 0 : i32
    %lt3A_617 = vector.broadcast %lt3A_616 : i32 to vector<16xi32>
    %lt3A_618 = arith.cmpi slt, %broadcast_in_dim3A_615, %lt3A_617 : vector<16xi32>
    %add3A_619 = arith.constant 16 : i32
    %add3A_620 = vector.broadcast %add3A_619 : i32 to vector<16xi32>
    %add3A_621 = arith.addi %broadcast_in_dim3A_615, %add3A_620 : vector<16xi32>
    %select_n3A_622 = arith.select %lt3A_618, %add3A_621, %broadcast_in_dim3A_615 : vector<16xi1>, vector<16xi32>
    %broadcast_in_dim3A_623 = vector.shape_cast %select_n3A_622 : vector<16xi32> to vector<16x1xi32>
    %gather3A_624 = vector.shape_cast %broadcast_in_dim3A_623 : vector<16x1xi32> to vector<16xi32>
    %gather3A_625 = tpu.dynamic_gather %get3A_613[%gather3A_624] in [0] : vector<16xf32>, vector<16xi32> -> vector<16xf32>
    %swap3A_626 = arith.constant 464 : index
    %swap3A_627 = tpu.vector_load %arg12[%swap3A_626] {strides = array<i32>} : memref<624xf32, #tpu.memory_space<vmem>>, vector<16xf32>,
    %swap3A_628 = vector.shape_cast %swap3A_627 : vector<16xf32> to vector<16xf32>
    %swap3A_629 = vector.shape_cast %gather3A_625 : vector<16xf32> to vector<16xf32>
    tpu.vector_store %arg12[%swap3A_626], %swap3A_629 {strides = array<i32>} : memref<624xf32, #tpu.memory_space<vmem>>, vector<16xf32>,
    %get3A_630 = arith.constant 16 : index
    %get3A_631 = tpu.vector_load %arg11[%get3A_630] {strides = array<i32>} : memref<48xf32, #tpu.memory_space<vmem>>, vector<16xf32>,
    %get3A_632 = vector.shape_cast %get3A_631 : vector<16xf32> to vector<16xf32>
    %broadcast_in_dim3A_633 = arith.constant 14 : i32
    %broadcast_in_dim3A_634 = vector.broadcast %broadcast_in_dim3A_633 : i32 to vector<16xi32>
    %lt3A_635 = arith.constant 0 : i32
    %lt3A_636 = vector.broadcast %lt3A_635 : i32 to vector<16xi32>
    %lt3A_637 = arith.cmpi slt, %broadcast_in_dim3A_634, %lt3A_636 : vector<16xi32>
    %add3A_638 = arith.constant 16 : i32
    %add3A_639 = vector.broadcast %add3A_638 : i32 to vector<16xi32>
    %add3A_640 = arith.addi %broadcast_in_dim3A_634, %add3A_639 : vector<16xi32>
    %select_n3A_641 = arith.select %lt3A_637, %add3A_640, %broadcast_in_dim3A_634 : vector<16xi1>, vector<16xi32>
    %broadcast_in_dim3A_642 = vector.shape_cast %select_n3A_641 : vector<16xi32> to vector<16x1xi32>
    %gather3A_643 = vector.shape_cast %broadcast_in_dim3A_642 : vector<16x1xi32> to vector<16xi32>
    %gather3A_644 = tpu.dynamic_gather %get3A_632[%gather3A_643] in [0] : vector<16xf32>, vector<16xi32> -> vector<16xf32>
    %swap3A_645 = arith.constant 480 : index
    %swap3A_646 = tpu.vector_load %arg12[%swap3A_645] {strides = array<i32>} : memref<624xf32, #tpu.memory_space<vmem>>, vector<16xf32>,
    %swap3A_647 = vector.shape_cast %swap3A_646 : vector<16xf32> to vector<16xf32>
    %swap3A_648 = vector.shape_cast %gather3A_644 : vector<16xf32> to vector<16xf32>
    tpu.vector_store %arg12[%swap3A_645], %swap3A_648 {strides = array<i32>} : memref<624xf32, #tpu.memory_space<vmem>>, vector<16xf32>,
    %get3A_649 = arith.constant 16 : index
    %get3A_650 = tpu.vector_load %arg11[%get3A_649] {strides = array<i32>} : memref<48xf32, #tpu.memory_space<vmem>>, vector<16xf32>,
    %get3A_651 = vector.shape_cast %get3A_650 : vector<16xf32> to vector<16xf32>
    %broadcast_in_dim3A_652 = arith.constant 15 : i32
    %broadcast_in_dim3A_653 = vector.broadcast %broadcast_in_dim3A_652 : i32 to vector<16xi32>
    %lt3A_654 = arith.constant 0 : i32
    %lt3A_655 = vector.broadcast %lt3A_654 : i32 to vector<16xi32>
    %lt3A_656 = arith.cmpi slt, %broadcast_in_dim3A_653, %lt3A_655 : vector<16xi32>
    %add3A_657 = arith.constant 16 : i32
    %add3A_658 = vector.broadcast %add3A_657 : i32 to vector<16xi32>
    %add3A_659 = arith.addi %broadcast_in_dim3A_653, %add3A_658 : vector<16xi32>
    %select_n3A_660 = arith.select %lt3A_656, %add3A_659, %broadcast_in_dim3A_653 : vector<16xi1>, vector<16xi32>
    %broadcast_in_dim3A_661 = vector.shape_cast %select_n3A_660 : vector<16xi32> to vector<16x1xi32>
    %gather3A_662 = vector.shape_cast %broadcast_in_dim3A_661 : vector<16x1xi32> to vector<16xi32>
    %gather3A_663 = tpu.dynamic_gather %get3A_651[%gather3A_662] in [0] : vector<16xf32>, vector<16xi32> -> vector<16xf32>
    %swap3A_664 = arith.constant 496 : index
    %swap3A_665 = tpu.vector_load %arg12[%swap3A_664] {strides = array<i32>} : memref<624xf32, #tpu.memory_space<vmem>>, vector<16xf32>,
    %swap3A_666 = vector.shape_cast %swap3A_665 : vector<16xf32> to vector<16xf32>
    %swap3A_667 = vector.shape_cast %gather3A_663 : vector<16xf32> to vector<16xf32>
    tpu.vector_store %arg12[%swap3A_664], %swap3A_667 {strides = array<i32>} : memref<624xf32, #tpu.memory_space<vmem>>, vector<16xf32>,
    %get3A_668 = arith.constant 32 : index
    %get3A_669 = tpu.vector_load %arg11[%get3A_668] {strides = array<i32>} : memref<48xf32, #tpu.memory_space<vmem>>, vector<16xf32>,
    %get3A_670 = vector.shape_cast %get3A_669 : vector<16xf32> to vector<16xf32>
    %broadcast_in_dim3A_671 = arith.constant 0 : i32
    %broadcast_in_dim3A_672 = vector.broadcast %broadcast_in_dim3A_671 : i32 to vector<16xi32>
    %lt3A_673 = arith.constant 0 : i32
    %lt3A_674 = vector.broadcast %lt3A_673 : i32 to vector<16xi32>
    %lt3A_675 = arith.cmpi slt, %broadcast_in_dim3A_672, %lt3A_674 : vector<16xi32>
    %add3A_676 = arith.constant 16 : i32
    %add3A_677 = vector.broadcast %add3A_676 : i32 to vector<16xi32>
    %add3A_678 = arith.addi %broadcast_in_dim3A_672, %add3A_677 : vector<16xi32>
    %select_n3A_679 = arith.select %lt3A_675, %add3A_678, %broadcast_in_dim3A_672 : vector<16xi1>, vector<16xi32>
    %broadcast_in_dim3A_680 = vector.shape_cast %select_n3A_679 : vector<16xi32> to vector<16x1xi32>
    %gather3A_681 = vector.shape_cast %broadcast_in_dim3A_680 : vector<16x1xi32> to vector<16xi32>
    %gather3A_682 = tpu.dynamic_gather %get3A_670[%gather3A_681] in [0] : vector<16xf32>, vector<16xi32> -> vector<16xf32>
    %swap3A_683 = arith.constant 512 : index
    %swap3A_684 = tpu.vector_load %arg12[%swap3A_683] {strides = array<i32>} : memref<624xf32, #tpu.memory_space<vmem>>, vector<16xf32>,
    %swap3A_685 = vector.shape_cast %swap3A_684 : vector<16xf32> to vector<16xf32>
    %swap3A_686 = vector.shape_cast %gather3A_682 : vector<16xf32> to vector<16xf32>
    tpu.vector_store %arg12[%swap3A_683], %swap3A_686 {strides = array<i32>} : memref<624xf32, #tpu.memory_space<vmem>>, vector<16xf32>,
    %get3A_687 = arith.constant 32 : index
    %get3A_688 = tpu.vector_load %arg11[%get3A_687] {strides = array<i32>} : memref<48xf32, #tpu.memory_space<vmem>>, vector<16xf32>,
    %get3A_689 = vector.shape_cast %get3A_688 : vector<16xf32> to vector<16xf32>
    %broadcast_in_dim3A_690 = arith.constant 1 : i32
    %broadcast_in_dim3A_691 = vector.broadcast %broadcast_in_dim3A_690 : i32 to vector<16xi32>
    %lt3A_692 = arith.constant 0 : i32
    %lt3A_693 = vector.broadcast %lt3A_692 : i32 to vector<16xi32>
    %lt3A_694 = arith.cmpi slt, %broadcast_in_dim3A_691, %lt3A_693 : vector<16xi32>
    %add3A_695 = arith.constant 16 : i32
    %add3A_696 = vector.broadcast %add3A_695 : i32 to vector<16xi32>
    %add3A_697 = arith.addi %broadcast_in_dim3A_691, %add3A_696 : vector<16xi32>
    %select_n3A_698 = arith.select %lt3A_694, %add3A_697, %broadcast_in_dim3A_691 : vector<16xi1>, vector<16xi32>
    %broadcast_in_dim3A_699 = vector.shape_cast %select_n3A_698 : vector<16xi32> to vector<16x1xi32>
    %gather3A_700 = vector.shape_cast %broadcast_in_dim3A_699 : vector<16x1xi32> to vector<16xi32>
    %gather3A_701 = tpu.dynamic_gather %get3A_689[%gather3A_700] in [0] : vector<16xf32>, vector<16xi32> -> vector<16xf32>
    %swap3A_702 = arith.constant 528 : index
    %swap3A_703 = tpu.vector_load %arg12[%swap3A_702] {strides = array<i32>} : memref<624xf32, #tpu.memory_space<vmem>>, vector<16xf32>,
    %swap3A_704 = vector.shape_cast %swap3A_703 : vector<16xf32> to vector<16xf32>
    %swap3A_705 = vector.shape_cast %gather3A_701 : vector<16xf32> to vector<16xf32>
    tpu.vector_store %arg12[%swap3A_702], %swap3A_705 {strides = array<i32>} : memref<624xf32, #tpu.memory_space<vmem>>, vector<16xf32>,
    %get3A_706 = arith.constant 32 : index
    %get3A_707 = tpu.vector_load %arg11[%get3A_706] {strides = array<i32>} : memref<48xf32, #tpu.memory_space<vmem>>, vector<16xf32>,
    %get3A_708 = vector.shape_cast %get3A_707 : vector<16xf32> to vector<16xf32>
    %broadcast_in_dim3A_709 = arith.constant 2 : i32
    %broadcast_in_dim3A_710 = vector.broadcast %broadcast_in_dim3A_709 : i32 to vector<16xi32>
    %lt3A_711 = arith.constant 0 : i32
    %lt3A_712 = vector.broadcast %lt3A_711 : i32 to vector<16xi32>
    %lt3A_713 = arith.cmpi slt, %broadcast_in_dim3A_710, %lt3A_712 : vector<16xi32>
    %add3A_714 = arith.constant 16 : i32
    %add3A_715 = vector.broadcast %add3A_714 : i32 to vector<16xi32>
    %add3A_716 = arith.addi %broadcast_in_dim3A_710, %add3A_715 : vector<16xi32>
    %select_n3A_717 = arith.select %lt3A_713, %add3A_716, %broadcast_in_dim3A_710 : vector<16xi1>, vector<16xi32>
    %broadcast_in_dim3A_718 = vector.shape_cast %select_n3A_717 : vector<16xi32> to vector<16x1xi32>
    %gather3A_719 = vector.shape_cast %broadcast_in_dim3A_718 : vector<16x1xi32> to vector<16xi32>
    %gather3A_720 = tpu.dynamic_gather %get3A_708[%gather3A_719] in [0] : vector<16xf32>, vector<16xi32> -> vector<16xf32>
    %swap3A_721 = arith.constant 544 : index
    %swap3A_722 = tpu.vector_load %arg12[%swap3A_721] {strides = array<i32>} : memref<624xf32, #tpu.memory_space<vmem>>, vector<16xf32>,
    %swap3A_723 = vector.shape_cast %swap3A_722 : vector<16xf32> to vector<16xf32>
    %swap3A_724 = vector.shape_cast %gather3A_720 : vector<16xf32> to vector<16xf32>
    tpu.vector_store %arg12[%swap3A_721], %swap3A_724 {strides = array<i32>} : memref<624xf32, #tpu.memory_space<vmem>>, vector<16xf32>,
    %get3A_725 = arith.constant 32 : index
    %get3A_726 = tpu.vector_load %arg11[%get3A_725] {strides = array<i32>} : memref<48xf32, #tpu.memory_space<vmem>>, vector<16xf32>,
    %get3A_727 = vector.shape_cast %get3A_726 : vector<16xf32> to vector<16xf32>
    %broadcast_in_dim3A_728 = arith.constant 3 : i32
    %broadcast_in_dim3A_729 = vector.broadcast %broadcast_in_dim3A_728 : i32 to vector<16xi32>
    %lt3A_730 = arith.constant 0 : i32
    %lt3A_731 = vector.broadcast %lt3A_730 : i32 to vector<16xi32>
    %lt3A_732 = arith.cmpi slt, %broadcast_in_dim3A_729, %lt3A_731 : vector<16xi32>
    %add3A_733 = arith.constant 16 : i32
    %add3A_734 = vector.broadcast %add3A_733 : i32 to vector<16xi32>
    %add3A_735 = arith.addi %broadcast_in_dim3A_729, %add3A_734 : vector<16xi32>
    %select_n3A_736 = arith.select %lt3A_732, %add3A_735, %broadcast_in_dim3A_729 : vector<16xi1>, vector<16xi32>
    %broadcast_in_dim3A_737 = vector.shape_cast %select_n3A_736 : vector<16xi32> to vector<16x1xi32>
    %gather3A_738 = vector.shape_cast %broadcast_in_dim3A_737 : vector<16x1xi32> to vector<16xi32>
    %gather3A_739 = tpu.dynamic_gather %get3A_727[%gather3A_738] in [0] : vector<16xf32>, vector<16xi32> -> vector<16xf32>
    %swap3A_740 = arith.constant 560 : index
    %swap3A_741 = tpu.vector_load %arg12[%swap3A_740] {strides = array<i32>} : memref<624xf32, #tpu.memory_space<vmem>>, vector<16xf32>,
    %swap3A_742 = vector.shape_cast %swap3A_741 : vector<16xf32> to vector<16xf32>
    %swap3A_743 = vector.shape_cast %gather3A_739 : vector<16xf32> to vector<16xf32>
    tpu.vector_store %arg12[%swap3A_740], %swap3A_743 {strides = array<i32>} : memref<624xf32, #tpu.memory_space<vmem>>, vector<16xf32>,
    %get3A_744 = arith.constant 32 : index
    %get3A_745 = tpu.vector_load %arg11[%get3A_744] {strides = array<i32>} : memref<48xf32, #tpu.memory_space<vmem>>, vector<16xf32>,
    %get3A_746 = vector.shape_cast %get3A_745 : vector<16xf32> to vector<16xf32>
    %broadcast_in_dim3A_747 = arith.constant 4 : i32
    %broadcast_in_dim3A_748 = vector.broadcast %broadcast_in_dim3A_747 : i32 to vector<16xi32>
    %lt3A_749 = arith.constant 0 : i32
    %lt3A_750 = vector.broadcast %lt3A_749 : i32 to vector<16xi32>
    %lt3A_751 = arith.cmpi slt, %broadcast_in_dim3A_748, %lt3A_750 : vector<16xi32>
    %add3A_752 = arith.constant 16 : i32
    %add3A_753 = vector.broadcast %add3A_752 : i32 to vector<16xi32>
    %add3A_754 = arith.addi %broadcast_in_dim3A_748, %add3A_753 : vector<16xi32>
    %select_n3A_755 = arith.select %lt3A_751, %add3A_754, %broadcast_in_dim3A_748 : vector<16xi1>, vector<16xi32>
    %broadcast_in_dim3A_756 = vector.shape_cast %select_n3A_755 : vector<16xi32> to vector<16x1xi32>
    %gather3A_757 = vector.shape_cast %broadcast_in_dim3A_756 : vector<16x1xi32> to vector<16xi32>
    %gather3A_758 = tpu.dynamic_gather %get3A_746[%gather3A_757] in [0] : vector<16xf32>, vector<16xi32> -> vector<16xf32>
    %swap3A_759 = arith.constant 576 : index
    %swap3A_760 = tpu.vector_load %arg12[%swap3A_759] {strides = array<i32>} : memref<624xf32, #tpu.memory_space<vmem>>, vector<16xf32>,
    %swap3A_761 = vector.shape_cast %swap3A_760 : vector<16xf32> to vector<16xf32>
    %swap3A_762 = vector.shape_cast %gather3A_758 : vector<16xf32> to vector<16xf32>
    tpu.vector_store %arg12[%swap3A_759], %swap3A_762 {strides = array<i32>} : memref<624xf32, #tpu.memory_space<vmem>>, vector<16xf32>,
    %get3A_763 = arith.constant 32 : index
    %get3A_764 = tpu.vector_load %arg11[%get3A_763] {strides = array<i32>} : memref<48xf32, #tpu.memory_space<vmem>>, vector<16xf32>,
    %get3A_765 = vector.shape_cast %get3A_764 : vector<16xf32> to vector<16xf32>
    %broadcast_in_dim3A_766 = arith.constant 5 : i32
    %broadcast_in_dim3A_767 = vector.broadcast %broadcast_in_dim3A_766 : i32 to vector<16xi32>
    %lt3A_768 = arith.constant 0 : i32
    %lt3A_769 = vector.broadcast %lt3A_768 : i32 to vector<16xi32>
    %lt3A_770 = arith.cmpi slt, %broadcast_in_dim3A_767, %lt3A_769 : vector<16xi32>
    %add3A_771 = arith.constant 16 : i32
    %add3A_772 = vector.broadcast %add3A_771 : i32 to vector<16xi32>
    %add3A_773 = arith.addi %broadcast_in_dim3A_767, %add3A_772 : vector<16xi32>
    %select_n3A_774 = arith.select %lt3A_770, %add3A_773, %broadcast_in_dim3A_767 : vector<16xi1>, vector<16xi32>
    %broadcast_in_dim3A_775 = vector.shape_cast %select_n3A_774 : vector<16xi32> to vector<16x1xi32>
    %gather3A_776 = vector.shape_cast %broadcast_in_dim3A_775 : vector<16x1xi32> to vector<16xi32>
    %gather3A_777 = tpu.dynamic_gather %get3A_765[%gather3A_776] in [0] : vector<16xf32>, vector<16xi32> -> vector<16xf32>
    %swap3A_778 = arith.constant 592 : index
    %swap3A_779 = tpu.vector_load %arg12[%swap3A_778] {strides = array<i32>} : memref<624xf32, #tpu.memory_space<vmem>>, vector<16xf32>,
    %swap3A_780 = vector.shape_cast %swap3A_779 : vector<16xf32> to vector<16xf32>
    %swap3A_781 = vector.shape_cast %gather3A_777 : vector<16xf32> to vector<16xf32>
    tpu.vector_store %arg12[%swap3A_778], %swap3A_781 {strides = array<i32>} : memref<624xf32, #tpu.memory_space<vmem>>, vector<16xf32>,
    %get3A_782 = arith.constant 32 : index
    %get3A_783 = tpu.vector_load %arg11[%get3A_782] {strides = array<i32>} : memref<48xf32, #tpu.memory_space<vmem>>, vector<16xf32>,
    %get3A_784 = vector.shape_cast %get3A_783 : vector<16xf32> to vector<16xf32>
    %broadcast_in_dim3A_785 = arith.constant 6 : i32
    %broadcast_in_dim3A_786 = vector.broadcast %broadcast_in_dim3A_785 : i32 to vector<16xi32>
    %lt3A_787 = arith.constant 0 : i32
    %lt3A_788 = vector.broadcast %lt3A_787 : i32 to vector<16xi32>
    %lt3A_789 = arith.cmpi slt, %broadcast_in_dim3A_786, %lt3A_788 : vector<16xi32>
    %add3A_790 = arith.constant 16 : i32
    %add3A_791 = vector.broadcast %add3A_790 : i32 to vector<16xi32>
    %add3A_792 = arith.addi %broadcast_in_dim3A_786, %add3A_791 : vector<16xi32>
    %select_n3A_793 = arith.select %lt3A_789, %add3A_792, %broadcast_in_dim3A_786 : vector<16xi1>, vector<16xi32>
    %broadcast_in_dim3A_794 = vector.shape_cast %select_n3A_793 : vector<16xi32> to vector<16x1xi32>
    %gather3A_795 = vector.shape_cast %broadcast_in_dim3A_794 : vector<16x1xi32> to vector<16xi32>
    %gather3A_796 = tpu.dynamic_gather %get3A_784[%gather3A_795] in [0] : vector<16xf32>, vector<16xi32> -> vector<16xf32>
    %swap3A_797 = arith.constant 608 : index
    %swap3A_798 = tpu.vector_load %arg12[%swap3A_797] {strides = array<i32>} : memref<624xf32, #tpu.memory_space<vmem>>, vector<16xf32>,
    %swap3A_799 = vector.shape_cast %swap3A_798 : vector<16xf32> to vector<16xf32>
    %swap3A_800 = vector.shape_cast %gather3A_796 : vector<16xf32> to vector<16xf32>
    tpu.vector_store %arg12[%swap3A_797], %swap3A_800 {strides = array<i32>} : memref<624xf32, #tpu.memory_space<vmem>>, vector<16xf32>,
    %scan3A = arith.constant 0 : i32
    %scan3A_801 = arith.constant 0 : i32
    %scan3A_802 = arith.constant 832 : i32
    %scan3A_803 = arith.addi %scan3A_801, %scan3A_802 : i32
    %scan3A_804 = arith.constant 1 : i32
    scf.for %scan3A_3306 = %scan3A_801 to %scan3A_803 step %scan3A_804  : i32 {
      %jit3A = arith.constant 32 : i32
      %div3A_3307 = arith.divsi %scan3A_3306, %jit3A : i32
      %sign3A = arith.constant 0 : i32
      %sign3A_3308 = arith.cmpi sgt, %scan3A_3306, %sign3A : i32
      %sign3A_3309 = arith.extui %sign3A_3308 : i1 to i32
      %sign3A_3310 = arith.constant 0 : i32
      %sign3A_3311 = arith.cmpi slt, %scan3A_3306, %sign3A_3310 : i32
      %sign3A_3312 = arith.extui %sign3A_3311 : i1 to i32
      %sign3A_3313 = arith.subi %sign3A_3309, %sign3A_3312 : i32
      %sign3A_3314 = arith.constant 0 : i32
      %sign3A_3315 = arith.cmpi sgt, %jit3A, %sign3A_3314 : i32
      %sign3A_3316 = arith.extui %sign3A_3315 : i1 to i32
      %sign3A_3317 = arith.constant 0 : i32
      %sign3A_3318 = arith.cmpi slt, %jit3A, %sign3A_3317 : i32
      %sign3A_3319 = arith.extui %sign3A_3318 : i1 to i32
      %sign3A_3320 = arith.subi %sign3A_3316, %sign3A_3319 : i32
      %ne3A = arith.cmpi ne, %sign3A_3313, %sign3A_3320 : i32
      %rem3A = arith.remsi %scan3A_3306, %jit3A : i32
      %ne3A_3321 = arith.constant 0 : i32
      %ne3A_3322 = arith.cmpi ne, %rem3A, %ne3A_3321 : i32
      %and3A = arith.andi %ne3A, %ne3A_3322 : i1
      %sub3A_3323 = arith.constant 1 : i32
      %sub3A_3324 = arith.subi %div3A_3307, %sub3A_3323 : i32
      %select_n3A_3325 = arith.select %and3A, %sub3A_3324, %div3A_3307 : i32
      %jit3A_3326 = arith.constant 8 : i32
      %div3A_3327 = arith.divsi %scan3A_3306, %jit3A_3326 : i32
      %sign3A_3328 = arith.constant 0 : i32
      %sign3A_3329 = arith.cmpi sgt, %scan3A_3306, %sign3A_3328 : i32
      %sign3A_3330 = arith.extui %sign3A_3329 : i1 to i32
      %sign3A_3331 = arith.constant 0 : i32
      %sign3A_3332 = arith.cmpi slt, %scan3A_3306, %sign3A_3331 : i32
      %sign3A_3333 = arith.extui %sign3A_3332 : i1 to i32
      %sign3A_3334 = arith.subi %sign3A_3330, %sign3A_3333 : i32
      %sign3A_3335 = arith.constant 0 : i32
      %sign3A_3336 = arith.cmpi sgt, %jit3A_3326, %sign3A_3335 : i32
      %sign3A_3337 = arith.extui %sign3A_3336 : i1 to i32
      %sign3A_3338 = arith.constant 0 : i32
      %sign3A_3339 = arith.cmpi slt, %jit3A_3326, %sign3A_3338 : i32
      %sign3A_3340 = arith.extui %sign3A_3339 : i1 to i32
      %sign3A_3341 = arith.subi %sign3A_3337, %sign3A_3340 : i32
      %ne3A_3342 = arith.cmpi ne, %sign3A_3334, %sign3A_3341 : i32
      %rem3A_3343 = arith.remsi %scan3A_3306, %jit3A_3326 : i32
      %ne3A_3344 = arith.constant 0 : i32
      %ne3A_3345 = arith.cmpi ne, %rem3A_3343, %ne3A_3344 : i32
      %and3A_3346 = arith.andi %ne3A_3342, %ne3A_3345 : i1
      %sub3A_3347 = arith.constant 1 : i32
      %sub3A_3348 = arith.subi %div3A_3327, %sub3A_3347 : i32
      %select_n3A_3349 = arith.select %and3A_3346, %sub3A_3348, %div3A_3327 : i32
      %jit3A_3350 = arith.constant 4 : i32
      %eq3A = arith.constant 0 : i32
      %eq3A_3351 = arith.cmpi eq, %jit3A_3350, %eq3A : i32
      %jit3A_3352 = arith.constant 1 : i32
      %select_n3A_3353 = arith.select %eq3A_3351, %jit3A_3352, %jit3A_3350 : i32
      %rem3A_3354 = arith.remsi %select_n3A_3349, %select_n3A_3353 : i32
      %ne3A_3355 = arith.constant 0 : i32
      %ne3A_3356 = arith.cmpi ne, %rem3A_3354, %ne3A_3355 : i32
      %lt3A_3357 = arith.constant 0 : i32
      %lt3A_3358 = arith.cmpi slt, %rem3A_3354, %lt3A_3357 : i32
      %lt3A_3359 = arith.constant 0 : i32
      %lt3A_3360 = arith.cmpi slt, %select_n3A_3353, %lt3A_3359 : i32
      %ne3A_3361 = arith.xori %lt3A_3358, %lt3A_3360 : i1
      %and3A_3362 = arith.andi %ne3A_3361, %ne3A_3356 : i1
      %add3A_3363 = arith.addi %rem3A_3354, %select_n3A_3353 : i32
      %select_n3A_3364 = arith.select %and3A_3362, %add3A_3363, %rem3A_3354 : i32
      %jit3A_3365 = arith.constant 8 : i32
      %eq3A_3366 = arith.constant 0 : i32
      %eq3A_3367 = arith.cmpi eq, %jit3A_3365, %eq3A_3366 : i32
      %jit3A_3368 = arith.constant 1 : i32
      %select_n3A_3369 = arith.select %eq3A_3367, %jit3A_3368, %jit3A_3365 : i32
      %rem3A_3370 = arith.remsi %scan3A_3306, %select_n3A_3369 : i32
      %ne3A_3371 = arith.constant 0 : i32
      %ne3A_3372 = arith.cmpi ne, %rem3A_3370, %ne3A_3371 : i32
      %lt3A_3373 = arith.constant 0 : i32
      %lt3A_3374 = arith.cmpi slt, %rem3A_3370, %lt3A_3373 : i32
      %lt3A_3375 = arith.constant 0 : i32
      %lt3A_3376 = arith.cmpi slt, %select_n3A_3369, %lt3A_3375 : i32
      %ne3A_3377 = arith.xori %lt3A_3374, %lt3A_3376 : i1
      %and3A_3378 = arith.andi %ne3A_3377, %ne3A_3372 : i1
      %add3A_3379 = arith.addi %rem3A_3370, %select_n3A_3369 : i32
      %select_n3A_3380 = arith.select %and3A_3378, %add3A_3379, %rem3A_3370 : i32
      %mul3A_3381 = arith.constant 16 : i32
      %mul3A_3382 = arith.muli %select_n3A_3380, %mul3A_3381 : i32
      %get3A_3383 = arith.index_cast %select_n3A_3325 : i32 to index
      %get3A_3384 = arith.index_cast %select_n3A_3364 : i32 to index
      %get3A_3385 = arith.index_cast %mul3A_3382 : i32 to index
      %get3A_3386 = tpu.vector_load %arg8[%get3A_3383, %get3A_3384, %get3A_3385] {strides = array<i32>} : memref<26x4x128xi32, #tpu.memory_space<vmem>>, vector<1x1x16xi32>,
      %get3A_3387 = vector.shape_cast %get3A_3386 : vector<1x1x16xi32> to vector<16xi32>
      %mul3A_3388 = arith.constant 1000000 : i32
      %mul3A_3389 = arith.muli %select_n3A_3325, %mul3A_3388 : i32
      %add3A_3390 = vector.broadcast %mul3A_3389 : i32 to vector<16xi32>
      %add3A_3391 = arith.addi %get3A_3387, %add3A_3390 : vector<16xi32>
      %swap3A_3392 = arith.index_cast %select_n3A_3325 : i32 to index
      %swap3A_3393 = arith.index_cast %select_n3A_3364 : i32 to index
      %swap3A_3394 = arith.index_cast %mul3A_3382 : i32 to index
      %swap3A_3395 = tpu.vector_load %arg8[%swap3A_3392, %swap3A_3393, %swap3A_3394] {strides = array<i32>} : memref<26x4x128xi32, #tpu.memory_space<vmem>>, vector<1x1x16xi32>,
      %swap3A_3396 = vector.shape_cast %swap3A_3395 : vector<1x1x16xi32> to vector<16xi32>
      %swap3A_3397 = vector.shape_cast %add3A_3391 : vector<16xi32> to vector<1x1x16xi32>
      tpu.vector_store %arg8[%swap3A_3392, %swap3A_3393, %swap3A_3394], %swap3A_3397 {strides = array<i32>} : memref<26x4x128xi32, #tpu.memory_space<vmem>>, vector<1x1x16xi32>,
    }
    %scan3A_805 = arith.constant 832 : i32
    %dma_start3A = arith.constant 0 : i32
    %dma_start3A_806 = arith.constant 0 : i32
    %dma_start3A_807 = arith.constant 0 : i32
    %dma_start3A_808 = arith.constant 0 : i32
    %dma_start3A_809 = arith.constant 0 : i32
    %dma_start3A_810 = tpu.memref_slice %arg9[%dma_start3A_807, %dma_start3A_808, %dma_start3A_809] : memref<26x4x128xf32, #tpu.memory_space<vmem>> -> memref<1x1x128xf32, #tpu.memory_space<vmem>>
    %dma_start3A_811 = tpu.memref_squeeze %dma_start3A_810 : memref<1x1x128xf32, #tpu.memory_space<vmem>> -> memref<128xf32, #tpu.memory_space<vmem>>
    %dma_start3A_812 = arith.constant 0 : i32
    %dma_start3A_813 = tpu.memref_slice %arg8[%dma_start3A, %dma_start3A_806, %dma_start3A_812] : memref<26x4x128xi32, #tpu.memory_space<vmem>> -> memref<1x1x128xi32, #tpu.memory_space<vmem>>
    %dma_start3A_814 = tpu.memref_squeeze %dma_start3A_813 : memref<1x1x128xi32, #tpu.memory_space<vmem>> -> memref<128xi32, #tpu.memory_space<vmem>>
    %dma_start3A_815 = arith.constant 0 : i32
    %dma_start3A_816 = tpu.memref_slice %arg4[%dma_start3A_815] : memref<26000000xf32, #tpu.memory_space<hbm>> -> memref<26000000xf32, #tpu.memory_space<hbm>>
    tpu.enqueue_indirect_dma source(%dma_start3A_816 : memref<26000000xf32, #tpu.memory_space<hbm>>) target(%dma_start3A_811 : memref<128xf32, #tpu.memory_space<vmem>>) offsets(%dma_start3A_814 : memref<128xi32, #tpu.memory_space<vmem>>) semaphore(%arg16 : memref<!tpu.dma_semaphore, #tpu.memory_space<semaphore_mem>>)
    %dma_start3A_817 = arith.constant 0 : i32
    %dma_start3A_818 = arith.constant 1 : i32
    %dma_start3A_819 = arith.constant 0 : i32
    %dma_start3A_820 = arith.constant 1 : i32
    %dma_start3A_821 = arith.constant 0 : i32
    %dma_start3A_822 = tpu.memref_slice %arg9[%dma_start3A_819, %dma_start3A_820, %dma_start3A_821] : memref<26x4x128xf32, #tpu.memory_space<vmem>> -> memref<1x1x128xf32, #tpu.memory_space<vmem>>
    %dma_start3A_823 = tpu.memref_squeeze %dma_start3A_822 : memref<1x1x128xf32, #tpu.memory_space<vmem>> -> memref<128xf32, #tpu.memory_space<vmem>>
    %dma_start3A_824 = arith.constant 0 : i32
    %dma_start3A_825 = tpu.memref_slice %arg8[%dma_start3A_817, %dma_start3A_818, %dma_start3A_824] : memref<26x4x128xi32, #tpu.memory_space<vmem>> -> memref<1x1x128xi32, #tpu.memory_space<vmem>>
    %dma_start3A_826 = tpu.memref_squeeze %dma_start3A_825 : memref<1x1x128xi32, #tpu.memory_space<vmem>> -> memref<128xi32, #tpu.memory_space<vmem>>
    %dma_start3A_827 = arith.constant 0 : i32
    %dma_start3A_828 = tpu.memref_slice %arg4[%dma_start3A_827] : memref<26000000xf32, #tpu.memory_space<hbm>> -> memref<26000000xf32, #tpu.memory_space<hbm>>
    tpu.enqueue_indirect_dma source(%dma_start3A_828 : memref<26000000xf32, #tpu.memory_space<hbm>>) target(%dma_start3A_823 : memref<128xf32, #tpu.memory_space<vmem>>) offsets(%dma_start3A_826 : memref<128xi32, #tpu.memory_space<vmem>>) semaphore(%arg16 : memref<!tpu.dma_semaphore, #tpu.memory_space<semaphore_mem>>)
    %dma_start3A_829 = arith.constant 0 : i32
    %dma_start3A_830 = arith.constant 2 : i32
    %dma_start3A_831 = arith.constant 0 : i32
    %dma_start3A_832 = arith.constant 2 : i32
    %dma_start3A_833 = arith.constant 0 : i32
    %dma_start3A_834 = tpu.memref_slice %arg9[%dma_start3A_831, %dma_start3A_832, %dma_start3A_833] : memref<26x4x128xf32, #tpu.memory_space<vmem>> -> memref<1x1x128xf32, #tpu.memory_space<vmem>>
    %dma_start3A_835 = tpu.memref_squeeze %dma_start3A_834 : memref<1x1x128xf32, #tpu.memory_space<vmem>> -> memref<128xf32, #tpu.memory_space<vmem>>
    %dma_start3A_836 = arith.constant 0 : i32
    %dma_start3A_837 = tpu.memref_slice %arg8[%dma_start3A_829, %dma_start3A_830, %dma_start3A_836] : memref<26x4x128xi32, #tpu.memory_space<vmem>> -> memref<1x1x128xi32, #tpu.memory_space<vmem>>
    %dma_start3A_838 = tpu.memref_squeeze %dma_start3A_837 : memref<1x1x128xi32, #tpu.memory_space<vmem>> -> memref<128xi32, #tpu.memory_space<vmem>>
    %dma_start3A_839 = arith.constant 0 : i32
    %dma_start3A_840 = tpu.memref_slice %arg4[%dma_start3A_839] : memref<26000000xf32, #tpu.memory_space<hbm>> -> memref<26000000xf32, #tpu.memory_space<hbm>>
    tpu.enqueue_indirect_dma source(%dma_start3A_840 : memref<26000000xf32, #tpu.memory_space<hbm>>) target(%dma_start3A_835 : memref<128xf32, #tpu.memory_space<vmem>>) offsets(%dma_start3A_838 : memref<128xi32, #tpu.memory_space<vmem>>) semaphore(%arg16 : memref<!tpu.dma_semaphore, #tpu.memory_space<semaphore_mem>>)
    %dma_start3A_841 = arith.constant 0 : i32
    %dma_start3A_842 = arith.constant 3 : i32
    %dma_start3A_843 = arith.constant 0 : i32
    %dma_start3A_844 = arith.constant 3 : i32
    %dma_start3A_845 = arith.constant 0 : i32
    %dma_start3A_846 = tpu.memref_slice %arg9[%dma_start3A_843, %dma_start3A_844, %dma_start3A_845] : memref<26x4x128xf32, #tpu.memory_space<vmem>> -> memref<1x1x128xf32, #tpu.memory_space<vmem>>
    %dma_start3A_847 = tpu.memref_squeeze %dma_start3A_846 : memref<1x1x128xf32, #tpu.memory_space<vmem>> -> memref<128xf32, #tpu.memory_space<vmem>>
    %dma_start3A_848 = arith.constant 0 : i32
    %dma_start3A_849 = tpu.memref_slice %arg8[%dma_start3A_841, %dma_start3A_842, %dma_start3A_848] : memref<26x4x128xi32, #tpu.memory_space<vmem>> -> memref<1x1x128xi32, #tpu.memory_space<vmem>>
    %dma_start3A_850 = tpu.memref_squeeze %dma_start3A_849 : memref<1x1x128xi32, #tpu.memory_space<vmem>> -> memref<128xi32, #tpu.memory_space<vmem>>
    %dma_start3A_851 = arith.constant 0 : i32
    %dma_start3A_852 = tpu.memref_slice %arg4[%dma_start3A_851] : memref<26000000xf32, #tpu.memory_space<hbm>> -> memref<26000000xf32, #tpu.memory_space<hbm>>
    tpu.enqueue_indirect_dma source(%dma_start3A_852 : memref<26000000xf32, #tpu.memory_space<hbm>>) target(%dma_start3A_847 : memref<128xf32, #tpu.memory_space<vmem>>) offsets(%dma_start3A_850 : memref<128xi32, #tpu.memory_space<vmem>>) semaphore(%arg16 : memref<!tpu.dma_semaphore, #tpu.memory_space<semaphore_mem>>)
    %dma_start3A_853 = arith.constant 1 : i32
    %dma_start3A_854 = arith.constant 0 : i32
    %dma_start3A_855 = arith.constant 1 : i32
    %dma_start3A_856 = arith.constant 0 : i32
    %dma_start3A_857 = arith.constant 0 : i32
    %dma_start3A_858 = tpu.memref_slice %arg9[%dma_start3A_855, %dma_start3A_856, %dma_start3A_857] : memref<26x4x128xf32, #tpu.memory_space<vmem>> -> memref<1x1x128xf32, #tpu.memory_space<vmem>>
    %dma_start3A_859 = tpu.memref_squeeze %dma_start3A_858 : memref<1x1x128xf32, #tpu.memory_space<vmem>> -> memref<128xf32, #tpu.memory_space<vmem>>
    %dma_start3A_860 = arith.constant 0 : i32
    %dma_start3A_861 = tpu.memref_slice %arg8[%dma_start3A_853, %dma_start3A_854, %dma_start3A_860] : memref<26x4x128xi32, #tpu.memory_space<vmem>> -> memref<1x1x128xi32, #tpu.memory_space<vmem>>
    %dma_start3A_862 = tpu.memref_squeeze %dma_start3A_861 : memref<1x1x128xi32, #tpu.memory_space<vmem>> -> memref<128xi32, #tpu.memory_space<vmem>>
    %dma_start3A_863 = arith.constant 0 : i32
    %dma_start3A_864 = tpu.memref_slice %arg4[%dma_start3A_863] : memref<26000000xf32, #tpu.memory_space<hbm>> -> memref<26000000xf32, #tpu.memory_space<hbm>>
    tpu.enqueue_indirect_dma source(%dma_start3A_864 : memref<26000000xf32, #tpu.memory_space<hbm>>) target(%dma_start3A_859 : memref<128xf32, #tpu.memory_space<vmem>>) offsets(%dma_start3A_862 : memref<128xi32, #tpu.memory_space<vmem>>) semaphore(%arg16 : memref<!tpu.dma_semaphore, #tpu.memory_space<semaphore_mem>>)
    %dma_start3A_865 = arith.constant 1 : i32
    %dma_start3A_866 = arith.constant 1 : i32
    %dma_start3A_867 = arith.constant 1 : i32
    %dma_start3A_868 = arith.constant 1 : i32
    %dma_start3A_869 = arith.constant 0 : i32
    %dma_start3A_870 = tpu.memref_slice %arg9[%dma_start3A_867, %dma_start3A_868, %dma_start3A_869] : memref<26x4x128xf32, #tpu.memory_space<vmem>> -> memref<1x1x128xf32, #tpu.memory_space<vmem>>
    %dma_start3A_871 = tpu.memref_squeeze %dma_start3A_870 : memref<1x1x128xf32, #tpu.memory_space<vmem>> -> memref<128xf32, #tpu.memory_space<vmem>>
    %dma_start3A_872 = arith.constant 0 : i32
    %dma_start3A_873 = tpu.memref_slice %arg8[%dma_start3A_865, %dma_start3A_866, %dma_start3A_872] : memref<26x4x128xi32, #tpu.memory_space<vmem>> -> memref<1x1x128xi32, #tpu.memory_space<vmem>>
    %dma_start3A_874 = tpu.memref_squeeze %dma_start3A_873 : memref<1x1x128xi32, #tpu.memory_space<vmem>> -> memref<128xi32, #tpu.memory_space<vmem>>
    %dma_start3A_875 = arith.constant 0 : i32
    %dma_start3A_876 = tpu.memref_slice %arg4[%dma_start3A_875] : memref<26000000xf32, #tpu.memory_space<hbm>> -> memref<26000000xf32, #tpu.memory_space<hbm>>
    tpu.enqueue_indirect_dma source(%dma_start3A_876 : memref<26000000xf32, #tpu.memory_space<hbm>>) target(%dma_start3A_871 : memref<128xf32, #tpu.memory_space<vmem>>) offsets(%dma_start3A_874 : memref<128xi32, #tpu.memory_space<vmem>>) semaphore(%arg16 : memref<!tpu.dma_semaphore, #tpu.memory_space<semaphore_mem>>)
    %dma_start3A_877 = arith.constant 1 : i32
    %dma_start3A_878 = arith.constant 2 : i32
    %dma_start3A_879 = arith.constant 1 : i32
    %dma_start3A_880 = arith.constant 2 : i32
    %dma_start3A_881 = arith.constant 0 : i32
    %dma_start3A_882 = tpu.memref_slice %arg9[%dma_start3A_879, %dma_start3A_880, %dma_start3A_881] : memref<26x4x128xf32, #tpu.memory_space<vmem>> -> memref<1x1x128xf32, #tpu.memory_space<vmem>>
    %dma_start3A_883 = tpu.memref_squeeze %dma_start3A_882 : memref<1x1x128xf32, #tpu.memory_space<vmem>> -> memref<128xf32, #tpu.memory_space<vmem>>
    %dma_start3A_884 = arith.constant 0 : i32
    %dma_start3A_885 = tpu.memref_slice %arg8[%dma_start3A_877, %dma_start3A_878, %dma_start3A_884] : memref<26x4x128xi32, #tpu.memory_space<vmem>> -> memref<1x1x128xi32, #tpu.memory_space<vmem>>
    %dma_start3A_886 = tpu.memref_squeeze %dma_start3A_885 : memref<1x1x128xi32, #tpu.memory_space<vmem>> -> memref<128xi32, #tpu.memory_space<vmem>>
    %dma_start3A_887 = arith.constant 0 : i32
    %dma_start3A_888 = tpu.memref_slice %arg4[%dma_start3A_887] : memref<26000000xf32, #tpu.memory_space<hbm>> -> memref<26000000xf32, #tpu.memory_space<hbm>>
    tpu.enqueue_indirect_dma source(%dma_start3A_888 : memref<26000000xf32, #tpu.memory_space<hbm>>) target(%dma_start3A_883 : memref<128xf32, #tpu.memory_space<vmem>>) offsets(%dma_start3A_886 : memref<128xi32, #tpu.memory_space<vmem>>) semaphore(%arg16 : memref<!tpu.dma_semaphore, #tpu.memory_space<semaphore_mem>>)
    %dma_start3A_889 = arith.constant 1 : i32
    %dma_start3A_890 = arith.constant 3 : i32
    %dma_start3A_891 = arith.constant 1 : i32
    %dma_start3A_892 = arith.constant 3 : i32
    %dma_start3A_893 = arith.constant 0 : i32
    %dma_start3A_894 = tpu.memref_slice %arg9[%dma_start3A_891, %dma_start3A_892, %dma_start3A_893] : memref<26x4x128xf32, #tpu.memory_space<vmem>> -> memref<1x1x128xf32, #tpu.memory_space<vmem>>
    %dma_start3A_895 = tpu.memref_squeeze %dma_start3A_894 : memref<1x1x128xf32, #tpu.memory_space<vmem>> -> memref<128xf32, #tpu.memory_space<vmem>>
    %dma_start3A_896 = arith.constant 0 : i32
    %dma_start3A_897 = tpu.memref_slice %arg8[%dma_start3A_889, %dma_start3A_890, %dma_start3A_896] : memref<26x4x128xi32, #tpu.memory_space<vmem>> -> memref<1x1x128xi32, #tpu.memory_space<vmem>>
    %dma_start3A_898 = tpu.memref_squeeze %dma_start3A_897 : memref<1x1x128xi32, #tpu.memory_space<vmem>> -> memref<128xi32, #tpu.memory_space<vmem>>
    %dma_start3A_899 = arith.constant 0 : i32
    %dma_start3A_900 = tpu.memref_slice %arg4[%dma_start3A_899] : memref<26000000xf32, #tpu.memory_space<hbm>> -> memref<26000000xf32, #tpu.memory_space<hbm>>
    tpu.enqueue_indirect_dma source(%dma_start3A_900 : memref<26000000xf32, #tpu.memory_space<hbm>>) target(%dma_start3A_895 : memref<128xf32, #tpu.memory_space<vmem>>) offsets(%dma_start3A_898 : memref<128xi32, #tpu.memory_space<vmem>>) semaphore(%arg16 : memref<!tpu.dma_semaphore, #tpu.memory_space<semaphore_mem>>)
    %dma_start3A_901 = arith.constant 2 : i32
    %dma_start3A_902 = arith.constant 0 : i32
    %dma_start3A_903 = arith.constant 2 : i32
    %dma_start3A_904 = arith.constant 0 : i32
    %dma_start3A_905 = arith.constant 0 : i32
    %dma_start3A_906 = tpu.memref_slice %arg9[%dma_start3A_903, %dma_start3A_904, %dma_start3A_905] : memref<26x4x128xf32, #tpu.memory_space<vmem>> -> memref<1x1x128xf32, #tpu.memory_space<vmem>>
    %dma_start3A_907 = tpu.memref_squeeze %dma_start3A_906 : memref<1x1x128xf32, #tpu.memory_space<vmem>> -> memref<128xf32, #tpu.memory_space<vmem>>
    %dma_start3A_908 = arith.constant 0 : i32
    %dma_start3A_909 = tpu.memref_slice %arg8[%dma_start3A_901, %dma_start3A_902, %dma_start3A_908] : memref<26x4x128xi32, #tpu.memory_space<vmem>> -> memref<1x1x128xi32, #tpu.memory_space<vmem>>
    %dma_start3A_910 = tpu.memref_squeeze %dma_start3A_909 : memref<1x1x128xi32, #tpu.memory_space<vmem>> -> memref<128xi32, #tpu.memory_space<vmem>>
    %dma_start3A_911 = arith.constant 0 : i32
    %dma_start3A_912 = tpu.memref_slice %arg4[%dma_start3A_911] : memref<26000000xf32, #tpu.memory_space<hbm>> -> memref<26000000xf32, #tpu.memory_space<hbm>>
    tpu.enqueue_indirect_dma source(%dma_start3A_912 : memref<26000000xf32, #tpu.memory_space<hbm>>) target(%dma_start3A_907 : memref<128xf32, #tpu.memory_space<vmem>>) offsets(%dma_start3A_910 : memref<128xi32, #tpu.memory_space<vmem>>) semaphore(%arg16 : memref<!tpu.dma_semaphore, #tpu.memory_space<semaphore_mem>>)
    %dma_start3A_913 = arith.constant 2 : i32
    %dma_start3A_914 = arith.constant 1 : i32
    %dma_start3A_915 = arith.constant 2 : i32
    %dma_start3A_916 = arith.constant 1 : i32
    %dma_start3A_917 = arith.constant 0 : i32
    %dma_start3A_918 = tpu.memref_slice %arg9[%dma_start3A_915, %dma_start3A_916, %dma_start3A_917] : memref<26x4x128xf32, #tpu.memory_space<vmem>> -> memref<1x1x128xf32, #tpu.memory_space<vmem>>
    %dma_start3A_919 = tpu.memref_squeeze %dma_start3A_918 : memref<1x1x128xf32, #tpu.memory_space<vmem>> -> memref<128xf32, #tpu.memory_space<vmem>>
    %dma_start3A_920 = arith.constant 0 : i32
    %dma_start3A_921 = tpu.memref_slice %arg8[%dma_start3A_913, %dma_start3A_914, %dma_start3A_920] : memref<26x4x128xi32, #tpu.memory_space<vmem>> -> memref<1x1x128xi32, #tpu.memory_space<vmem>>
    %dma_start3A_922 = tpu.memref_squeeze %dma_start3A_921 : memref<1x1x128xi32, #tpu.memory_space<vmem>> -> memref<128xi32, #tpu.memory_space<vmem>>
    %dma_start3A_923 = arith.constant 0 : i32
    %dma_start3A_924 = tpu.memref_slice %arg4[%dma_start3A_923] : memref<26000000xf32, #tpu.memory_space<hbm>> -> memref<26000000xf32, #tpu.memory_space<hbm>>
    tpu.enqueue_indirect_dma source(%dma_start3A_924 : memref<26000000xf32, #tpu.memory_space<hbm>>) target(%dma_start3A_919 : memref<128xf32, #tpu.memory_space<vmem>>) offsets(%dma_start3A_922 : memref<128xi32, #tpu.memory_space<vmem>>) semaphore(%arg16 : memref<!tpu.dma_semaphore, #tpu.memory_space<semaphore_mem>>)
    %dma_start3A_925 = arith.constant 2 : i32
    %dma_start3A_926 = arith.constant 2 : i32
    %dma_start3A_927 = arith.constant 2 : i32
    %dma_start3A_928 = arith.constant 2 : i32
    %dma_start3A_929 = arith.constant 0 : i32
    %dma_start3A_930 = tpu.memref_slice %arg9[%dma_start3A_927, %dma_start3A_928, %dma_start3A_929] : memref<26x4x128xf32, #tpu.memory_space<vmem>> -> memref<1x1x128xf32, #tpu.memory_space<vmem>>
    %dma_start3A_931 = tpu.memref_squeeze %dma_start3A_930 : memref<1x1x128xf32, #tpu.memory_space<vmem>> -> memref<128xf32, #tpu.memory_space<vmem>>
    %dma_start3A_932 = arith.constant 0 : i32
    %dma_start3A_933 = tpu.memref_slice %arg8[%dma_start3A_925, %dma_start3A_926, %dma_start3A_932] : memref<26x4x128xi32, #tpu.memory_space<vmem>> -> memref<1x1x128xi32, #tpu.memory_space<vmem>>
    %dma_start3A_934 = tpu.memref_squeeze %dma_start3A_933 : memref<1x1x128xi32, #tpu.memory_space<vmem>> -> memref<128xi32, #tpu.memory_space<vmem>>
    %dma_start3A_935 = arith.constant 0 : i32
    %dma_start3A_936 = tpu.memref_slice %arg4[%dma_start3A_935] : memref<26000000xf32, #tpu.memory_space<hbm>> -> memref<26000000xf32, #tpu.memory_space<hbm>>
    tpu.enqueue_indirect_dma source(%dma_start3A_936 : memref<26000000xf32, #tpu.memory_space<hbm>>) target(%dma_start3A_931 : memref<128xf32, #tpu.memory_space<vmem>>) offsets(%dma_start3A_934 : memref<128xi32, #tpu.memory_space<vmem>>) semaphore(%arg16 : memref<!tpu.dma_semaphore, #tpu.memory_space<semaphore_mem>>)
    %dma_start3A_937 = arith.constant 2 : i32
    %dma_start3A_938 = arith.constant 3 : i32
    %dma_start3A_939 = arith.constant 2 : i32
    %dma_start3A_940 = arith.constant 3 : i32
    %dma_start3A_941 = arith.constant 0 : i32
    %dma_start3A_942 = tpu.memref_slice %arg9[%dma_start3A_939, %dma_start3A_940, %dma_start3A_941] : memref<26x4x128xf32, #tpu.memory_space<vmem>> -> memref<1x1x128xf32, #tpu.memory_space<vmem>>
    %dma_start3A_943 = tpu.memref_squeeze %dma_start3A_942 : memref<1x1x128xf32, #tpu.memory_space<vmem>> -> memref<128xf32, #tpu.memory_space<vmem>>
    %dma_start3A_944 = arith.constant 0 : i32
    %dma_start3A_945 = tpu.memref_slice %arg8[%dma_start3A_937, %dma_start3A_938, %dma_start3A_944] : memref<26x4x128xi32, #tpu.memory_space<vmem>> -> memref<1x1x128xi32, #tpu.memory_space<vmem>>
    %dma_start3A_946 = tpu.memref_squeeze %dma_start3A_945 : memref<1x1x128xi32, #tpu.memory_space<vmem>> -> memref<128xi32, #tpu.memory_space<vmem>>
    %dma_start3A_947 = arith.constant 0 : i32
    %dma_start3A_948 = tpu.memref_slice %arg4[%dma_start3A_947] : memref<26000000xf32, #tpu.memory_space<hbm>> -> memref<26000000xf32, #tpu.memory_space<hbm>>
    tpu.enqueue_indirect_dma source(%dma_start3A_948 : memref<26000000xf32, #tpu.memory_space<hbm>>) target(%dma_start3A_943 : memref<128xf32, #tpu.memory_space<vmem>>) offsets(%dma_start3A_946 : memref<128xi32, #tpu.memory_space<vmem>>) semaphore(%arg16 : memref<!tpu.dma_semaphore, #tpu.memory_space<semaphore_mem>>)
    %dma_start3A_949 = arith.constant 3 : i32
    %dma_start3A_950 = arith.constant 0 : i32
    %dma_start3A_951 = arith.constant 3 : i32
    %dma_start3A_952 = arith.constant 0 : i32
    %dma_start3A_953 = arith.constant 0 : i32
    %dma_start3A_954 = tpu.memref_slice %arg9[%dma_start3A_951, %dma_start3A_952, %dma_start3A_953] : memref<26x4x128xf32, #tpu.memory_space<vmem>> -> memref<1x1x128xf32, #tpu.memory_space<vmem>>
    %dma_start3A_955 = tpu.memref_squeeze %dma_start3A_954 : memref<1x1x128xf32, #tpu.memory_space<vmem>> -> memref<128xf32, #tpu.memory_space<vmem>>
    %dma_start3A_956 = arith.constant 0 : i32
    %dma_start3A_957 = tpu.memref_slice %arg8[%dma_start3A_949, %dma_start3A_950, %dma_start3A_956] : memref<26x4x128xi32, #tpu.memory_space<vmem>> -> memref<1x1x128xi32, #tpu.memory_space<vmem>>
    %dma_start3A_958 = tpu.memref_squeeze %dma_start3A_957 : memref<1x1x128xi32, #tpu.memory_space<vmem>> -> memref<128xi32, #tpu.memory_space<vmem>>
    %dma_start3A_959 = arith.constant 0 : i32
    %dma_start3A_960 = tpu.memref_slice %arg4[%dma_start3A_959] : memref<26000000xf32, #tpu.memory_space<hbm>> -> memref<26000000xf32, #tpu.memory_space<hbm>>
    tpu.enqueue_indirect_dma source(%dma_start3A_960 : memref<26000000xf32, #tpu.memory_space<hbm>>) target(%dma_start3A_955 : memref<128xf32, #tpu.memory_space<vmem>>) offsets(%dma_start3A_958 : memref<128xi32, #tpu.memory_space<vmem>>) semaphore(%arg16 : memref<!tpu.dma_semaphore, #tpu.memory_space<semaphore_mem>>)
    %dma_start3A_961 = arith.constant 3 : i32
    %dma_start3A_962 = arith.constant 1 : i32
    %dma_start3A_963 = arith.constant 3 : i32
    %dma_start3A_964 = arith.constant 1 : i32
    %dma_start3A_965 = arith.constant 0 : i32
    %dma_start3A_966 = tpu.memref_slice %arg9[%dma_start3A_963, %dma_start3A_964, %dma_start3A_965] : memref<26x4x128xf32, #tpu.memory_space<vmem>> -> memref<1x1x128xf32, #tpu.memory_space<vmem>>
    %dma_start3A_967 = tpu.memref_squeeze %dma_start3A_966 : memref<1x1x128xf32, #tpu.memory_space<vmem>> -> memref<128xf32, #tpu.memory_space<vmem>>
    %dma_start3A_968 = arith.constant 0 : i32
    %dma_start3A_969 = tpu.memref_slice %arg8[%dma_start3A_961, %dma_start3A_962, %dma_start3A_968] : memref<26x4x128xi32, #tpu.memory_space<vmem>> -> memref<1x1x128xi32, #tpu.memory_space<vmem>>
    %dma_start3A_970 = tpu.memref_squeeze %dma_start3A_969 : memref<1x1x128xi32, #tpu.memory_space<vmem>> -> memref<128xi32, #tpu.memory_space<vmem>>
    %dma_start3A_971 = arith.constant 0 : i32
    %dma_start3A_972 = tpu.memref_slice %arg4[%dma_start3A_971] : memref<26000000xf32, #tpu.memory_space<hbm>> -> memref<26000000xf32, #tpu.memory_space<hbm>>
    tpu.enqueue_indirect_dma source(%dma_start3A_972 : memref<26000000xf32, #tpu.memory_space<hbm>>) target(%dma_start3A_967 : memref<128xf32, #tpu.memory_space<vmem>>) offsets(%dma_start3A_970 : memref<128xi32, #tpu.memory_space<vmem>>) semaphore(%arg16 : memref<!tpu.dma_semaphore, #tpu.memory_space<semaphore_mem>>)
    %dma_start3A_973 = arith.constant 3 : i32
    %dma_start3A_974 = arith.constant 2 : i32
    %dma_start3A_975 = arith.constant 3 : i32
    %dma_start3A_976 = arith.constant 2 : i32
    %dma_start3A_977 = arith.constant 0 : i32
    %dma_start3A_978 = tpu.memref_slice %arg9[%dma_start3A_975, %dma_start3A_976, %dma_start3A_977] : memref<26x4x128xf32, #tpu.memory_space<vmem>> -> memref<1x1x128xf32, #tpu.memory_space<vmem>>
    %dma_start3A_979 = tpu.memref_squeeze %dma_start3A_978 : memref<1x1x128xf32, #tpu.memory_space<vmem>> -> memref<128xf32, #tpu.memory_space<vmem>>
    %dma_start3A_980 = arith.constant 0 : i32
    %dma_start3A_981 = tpu.memref_slice %arg8[%dma_start3A_973, %dma_start3A_974, %dma_start3A_980] : memref<26x4x128xi32, #tpu.memory_space<vmem>> -> memref<1x1x128xi32, #tpu.memory_space<vmem>>
    %dma_start3A_982 = tpu.memref_squeeze %dma_start3A_981 : memref<1x1x128xi32, #tpu.memory_space<vmem>> -> memref<128xi32, #tpu.memory_space<vmem>>
    %dma_start3A_983 = arith.constant 0 : i32
    %dma_start3A_984 = tpu.memref_slice %arg4[%dma_start3A_983] : memref<26000000xf32, #tpu.memory_space<hbm>> -> memref<26000000xf32, #tpu.memory_space<hbm>>
    tpu.enqueue_indirect_dma source(%dma_start3A_984 : memref<26000000xf32, #tpu.memory_space<hbm>>) target(%dma_start3A_979 : memref<128xf32, #tpu.memory_space<vmem>>) offsets(%dma_start3A_982 : memref<128xi32, #tpu.memory_space<vmem>>) semaphore(%arg16 : memref<!tpu.dma_semaphore, #tpu.memory_space<semaphore_mem>>)
    %dma_start3A_985 = arith.constant 3 : i32
    %dma_start3A_986 = arith.constant 3 : i32
    %dma_start3A_987 = arith.constant 3 : i32
    %dma_start3A_988 = arith.constant 3 : i32
    %dma_start3A_989 = arith.constant 0 : i32
    %dma_start3A_990 = tpu.memref_slice %arg9[%dma_start3A_987, %dma_start3A_988, %dma_start3A_989] : memref<26x4x128xf32, #tpu.memory_space<vmem>> -> memref<1x1x128xf32, #tpu.memory_space<vmem>>
    %dma_start3A_991 = tpu.memref_squeeze %dma_start3A_990 : memref<1x1x128xf32, #tpu.memory_space<vmem>> -> memref<128xf32, #tpu.memory_space<vmem>>
    %dma_start3A_992 = arith.constant 0 : i32
    %dma_start3A_993 = tpu.memref_slice %arg8[%dma_start3A_985, %dma_start3A_986, %dma_start3A_992] : memref<26x4x128xi32, #tpu.memory_space<vmem>> -> memref<1x1x128xi32, #tpu.memory_space<vmem>>
    %dma_start3A_994 = tpu.memref_squeeze %dma_start3A_993 : memref<1x1x128xi32, #tpu.memory_space<vmem>> -> memref<128xi32, #tpu.memory_space<vmem>>
    %dma_start3A_995 = arith.constant 0 : i32
    %dma_start3A_996 = tpu.memref_slice %arg4[%dma_start3A_995] : memref<26000000xf32, #tpu.memory_space<hbm>> -> memref<26000000xf32, #tpu.memory_space<hbm>>
    tpu.enqueue_indirect_dma source(%dma_start3A_996 : memref<26000000xf32, #tpu.memory_space<hbm>>) target(%dma_start3A_991 : memref<128xf32, #tpu.memory_space<vmem>>) offsets(%dma_start3A_994 : memref<128xi32, #tpu.memory_space<vmem>>) semaphore(%arg16 : memref<!tpu.dma_semaphore, #tpu.memory_space<semaphore_mem>>)
    %dma_start3A_997 = arith.constant 4 : i32
    %dma_start3A_998 = arith.constant 0 : i32
    %dma_start3A_999 = arith.constant 4 : i32
    %dma_start3A_1000 = arith.constant 0 : i32
    %dma_start3A_1001 = arith.constant 0 : i32
    %dma_start3A_1002 = tpu.memref_slice %arg9[%dma_start3A_999, %dma_start3A_1000, %dma_start3A_1001] : memref<26x4x128xf32, #tpu.memory_space<vmem>> -> memref<1x1x128xf32, #tpu.memory_space<vmem>>
    %dma_start3A_1003 = tpu.memref_squeeze %dma_start3A_1002 : memref<1x1x128xf32, #tpu.memory_space<vmem>> -> memref<128xf32, #tpu.memory_space<vmem>>
    %dma_start3A_1004 = arith.constant 0 : i32
    %dma_start3A_1005 = tpu.memref_slice %arg8[%dma_start3A_997, %dma_start3A_998, %dma_start3A_1004] : memref<26x4x128xi32, #tpu.memory_space<vmem>> -> memref<1x1x128xi32, #tpu.memory_space<vmem>>
    %dma_start3A_1006 = tpu.memref_squeeze %dma_start3A_1005 : memref<1x1x128xi32, #tpu.memory_space<vmem>> -> memref<128xi32, #tpu.memory_space<vmem>>
    %dma_start3A_1007 = arith.constant 0 : i32
    %dma_start3A_1008 = tpu.memref_slice %arg4[%dma_start3A_1007] : memref<26000000xf32, #tpu.memory_space<hbm>> -> memref<26000000xf32, #tpu.memory_space<hbm>>
    tpu.enqueue_indirect_dma source(%dma_start3A_1008 : memref<26000000xf32, #tpu.memory_space<hbm>>) target(%dma_start3A_1003 : memref<128xf32, #tpu.memory_space<vmem>>) offsets(%dma_start3A_1006 : memref<128xi32, #tpu.memory_space<vmem>>) semaphore(%arg16 : memref<!tpu.dma_semaphore, #tpu.memory_space<semaphore_mem>>)
    %dma_start3A_1009 = arith.constant 4 : i32
    %dma_start3A_1010 = arith.constant 1 : i32
    %dma_start3A_1011 = arith.constant 4 : i32
    %dma_start3A_1012 = arith.constant 1 : i32
    %dma_start3A_1013 = arith.constant 0 : i32
    %dma_start3A_1014 = tpu.memref_slice %arg9[%dma_start3A_1011, %dma_start3A_1012, %dma_start3A_1013] : memref<26x4x128xf32, #tpu.memory_space<vmem>> -> memref<1x1x128xf32, #tpu.memory_space<vmem>>
    %dma_start3A_1015 = tpu.memref_squeeze %dma_start3A_1014 : memref<1x1x128xf32, #tpu.memory_space<vmem>> -> memref<128xf32, #tpu.memory_space<vmem>>
    %dma_start3A_1016 = arith.constant 0 : i32
    %dma_start3A_1017 = tpu.memref_slice %arg8[%dma_start3A_1009, %dma_start3A_1010, %dma_start3A_1016] : memref<26x4x128xi32, #tpu.memory_space<vmem>> -> memref<1x1x128xi32, #tpu.memory_space<vmem>>
    %dma_start3A_1018 = tpu.memref_squeeze %dma_start3A_1017 : memref<1x1x128xi32, #tpu.memory_space<vmem>> -> memref<128xi32, #tpu.memory_space<vmem>>
    %dma_start3A_1019 = arith.constant 0 : i32
    %dma_start3A_1020 = tpu.memref_slice %arg4[%dma_start3A_1019] : memref<26000000xf32, #tpu.memory_space<hbm>> -> memref<26000000xf32, #tpu.memory_space<hbm>>
    tpu.enqueue_indirect_dma source(%dma_start3A_1020 : memref<26000000xf32, #tpu.memory_space<hbm>>) target(%dma_start3A_1015 : memref<128xf32, #tpu.memory_space<vmem>>) offsets(%dma_start3A_1018 : memref<128xi32, #tpu.memory_space<vmem>>) semaphore(%arg16 : memref<!tpu.dma_semaphore, #tpu.memory_space<semaphore_mem>>)
    %dma_start3A_1021 = arith.constant 4 : i32
    %dma_start3A_1022 = arith.constant 2 : i32
    %dma_start3A_1023 = arith.constant 4 : i32
    %dma_start3A_1024 = arith.constant 2 : i32
    %dma_start3A_1025 = arith.constant 0 : i32
    %dma_start3A_1026 = tpu.memref_slice %arg9[%dma_start3A_1023, %dma_start3A_1024, %dma_start3A_1025] : memref<26x4x128xf32, #tpu.memory_space<vmem>> -> memref<1x1x128xf32, #tpu.memory_space<vmem>>
    %dma_start3A_1027 = tpu.memref_squeeze %dma_start3A_1026 : memref<1x1x128xf32, #tpu.memory_space<vmem>> -> memref<128xf32, #tpu.memory_space<vmem>>
    %dma_start3A_1028 = arith.constant 0 : i32
    %dma_start3A_1029 = tpu.memref_slice %arg8[%dma_start3A_1021, %dma_start3A_1022, %dma_start3A_1028] : memref<26x4x128xi32, #tpu.memory_space<vmem>> -> memref<1x1x128xi32, #tpu.memory_space<vmem>>
    %dma_start3A_1030 = tpu.memref_squeeze %dma_start3A_1029 : memref<1x1x128xi32, #tpu.memory_space<vmem>> -> memref<128xi32, #tpu.memory_space<vmem>>
    %dma_start3A_1031 = arith.constant 0 : i32
    %dma_start3A_1032 = tpu.memref_slice %arg4[%dma_start3A_1031] : memref<26000000xf32, #tpu.memory_space<hbm>> -> memref<26000000xf32, #tpu.memory_space<hbm>>
    tpu.enqueue_indirect_dma source(%dma_start3A_1032 : memref<26000000xf32, #tpu.memory_space<hbm>>) target(%dma_start3A_1027 : memref<128xf32, #tpu.memory_space<vmem>>) offsets(%dma_start3A_1030 : memref<128xi32, #tpu.memory_space<vmem>>) semaphore(%arg16 : memref<!tpu.dma_semaphore, #tpu.memory_space<semaphore_mem>>)
    %dma_start3A_1033 = arith.constant 4 : i32
    %dma_start3A_1034 = arith.constant 3 : i32
    %dma_start3A_1035 = arith.constant 4 : i32
    %dma_start3A_1036 = arith.constant 3 : i32
    %dma_start3A_1037 = arith.constant 0 : i32
    %dma_start3A_1038 = tpu.memref_slice %arg9[%dma_start3A_1035, %dma_start3A_1036, %dma_start3A_1037] : memref<26x4x128xf32, #tpu.memory_space<vmem>> -> memref<1x1x128xf32, #tpu.memory_space<vmem>>
    %dma_start3A_1039 = tpu.memref_squeeze %dma_start3A_1038 : memref<1x1x128xf32, #tpu.memory_space<vmem>> -> memref<128xf32, #tpu.memory_space<vmem>>
    %dma_start3A_1040 = arith.constant 0 : i32
    %dma_start3A_1041 = tpu.memref_slice %arg8[%dma_start3A_1033, %dma_start3A_1034, %dma_start3A_1040] : memref<26x4x128xi32, #tpu.memory_space<vmem>> -> memref<1x1x128xi32, #tpu.memory_space<vmem>>
    %dma_start3A_1042 = tpu.memref_squeeze %dma_start3A_1041 : memref<1x1x128xi32, #tpu.memory_space<vmem>> -> memref<128xi32, #tpu.memory_space<vmem>>
    %dma_start3A_1043 = arith.constant 0 : i32
    %dma_start3A_1044 = tpu.memref_slice %arg4[%dma_start3A_1043] : memref<26000000xf32, #tpu.memory_space<hbm>> -> memref<26000000xf32, #tpu.memory_space<hbm>>
    tpu.enqueue_indirect_dma source(%dma_start3A_1044 : memref<26000000xf32, #tpu.memory_space<hbm>>) target(%dma_start3A_1039 : memref<128xf32, #tpu.memory_space<vmem>>) offsets(%dma_start3A_1042 : memref<128xi32, #tpu.memory_space<vmem>>) semaphore(%arg16 : memref<!tpu.dma_semaphore, #tpu.memory_space<semaphore_mem>>)
    %dma_start3A_1045 = arith.constant 5 : i32
    %dma_start3A_1046 = arith.constant 0 : i32
    %dma_start3A_1047 = arith.constant 5 : i32
    %dma_start3A_1048 = arith.constant 0 : i32
    %dma_start3A_1049 = arith.constant 0 : i32
    %dma_start3A_1050 = tpu.memref_slice %arg9[%dma_start3A_1047, %dma_start3A_1048, %dma_start3A_1049] : memref<26x4x128xf32, #tpu.memory_space<vmem>> -> memref<1x1x128xf32, #tpu.memory_space<vmem>>
    %dma_start3A_1051 = tpu.memref_squeeze %dma_start3A_1050 : memref<1x1x128xf32, #tpu.memory_space<vmem>> -> memref<128xf32, #tpu.memory_space<vmem>>
    %dma_start3A_1052 = arith.constant 0 : i32
    %dma_start3A_1053 = tpu.memref_slice %arg8[%dma_start3A_1045, %dma_start3A_1046, %dma_start3A_1052] : memref<26x4x128xi32, #tpu.memory_space<vmem>> -> memref<1x1x128xi32, #tpu.memory_space<vmem>>
    %dma_start3A_1054 = tpu.memref_squeeze %dma_start3A_1053 : memref<1x1x128xi32, #tpu.memory_space<vmem>> -> memref<128xi32, #tpu.memory_space<vmem>>
    %dma_start3A_1055 = arith.constant 0 : i32
    %dma_start3A_1056 = tpu.memref_slice %arg4[%dma_start3A_1055] : memref<26000000xf32, #tpu.memory_space<hbm>> -> memref<26000000xf32, #tpu.memory_space<hbm>>
    tpu.enqueue_indirect_dma source(%dma_start3A_1056 : memref<26000000xf32, #tpu.memory_space<hbm>>) target(%dma_start3A_1051 : memref<128xf32, #tpu.memory_space<vmem>>) offsets(%dma_start3A_1054 : memref<128xi32, #tpu.memory_space<vmem>>) semaphore(%arg16 : memref<!tpu.dma_semaphore, #tpu.memory_space<semaphore_mem>>)
    %dma_start3A_1057 = arith.constant 5 : i32
    %dma_start3A_1058 = arith.constant 1 : i32
    %dma_start3A_1059 = arith.constant 5 : i32
    %dma_start3A_1060 = arith.constant 1 : i32
    %dma_start3A_1061 = arith.constant 0 : i32
    %dma_start3A_1062 = tpu.memref_slice %arg9[%dma_start3A_1059, %dma_start3A_1060, %dma_start3A_1061] : memref<26x4x128xf32, #tpu.memory_space<vmem>> -> memref<1x1x128xf32, #tpu.memory_space<vmem>>
    %dma_start3A_1063 = tpu.memref_squeeze %dma_start3A_1062 : memref<1x1x128xf32, #tpu.memory_space<vmem>> -> memref<128xf32, #tpu.memory_space<vmem>>
    %dma_start3A_1064 = arith.constant 0 : i32
    %dma_start3A_1065 = tpu.memref_slice %arg8[%dma_start3A_1057, %dma_start3A_1058, %dma_start3A_1064] : memref<26x4x128xi32, #tpu.memory_space<vmem>> -> memref<1x1x128xi32, #tpu.memory_space<vmem>>
    %dma_start3A_1066 = tpu.memref_squeeze %dma_start3A_1065 : memref<1x1x128xi32, #tpu.memory_space<vmem>> -> memref<128xi32, #tpu.memory_space<vmem>>
    %dma_start3A_1067 = arith.constant 0 : i32
    %dma_start3A_1068 = tpu.memref_slice %arg4[%dma_start3A_1067] : memref<26000000xf32, #tpu.memory_space<hbm>> -> memref<26000000xf32, #tpu.memory_space<hbm>>
    tpu.enqueue_indirect_dma source(%dma_start3A_1068 : memref<26000000xf32, #tpu.memory_space<hbm>>) target(%dma_start3A_1063 : memref<128xf32, #tpu.memory_space<vmem>>) offsets(%dma_start3A_1066 : memref<128xi32, #tpu.memory_space<vmem>>) semaphore(%arg16 : memref<!tpu.dma_semaphore, #tpu.memory_space<semaphore_mem>>)
    %dma_start3A_1069 = arith.constant 5 : i32
    %dma_start3A_1070 = arith.constant 2 : i32
    %dma_start3A_1071 = arith.constant 5 : i32
    %dma_start3A_1072 = arith.constant 2 : i32
    %dma_start3A_1073 = arith.constant 0 : i32
    %dma_start3A_1074 = tpu.memref_slice %arg9[%dma_start3A_1071, %dma_start3A_1072, %dma_start3A_1073] : memref<26x4x128xf32, #tpu.memory_space<vmem>> -> memref<1x1x128xf32, #tpu.memory_space<vmem>>
    %dma_start3A_1075 = tpu.memref_squeeze %dma_start3A_1074 : memref<1x1x128xf32, #tpu.memory_space<vmem>> -> memref<128xf32, #tpu.memory_space<vmem>>
    %dma_start3A_1076 = arith.constant 0 : i32
    %dma_start3A_1077 = tpu.memref_slice %arg8[%dma_start3A_1069, %dma_start3A_1070, %dma_start3A_1076] : memref<26x4x128xi32, #tpu.memory_space<vmem>> -> memref<1x1x128xi32, #tpu.memory_space<vmem>>
    %dma_start3A_1078 = tpu.memref_squeeze %dma_start3A_1077 : memref<1x1x128xi32, #tpu.memory_space<vmem>> -> memref<128xi32, #tpu.memory_space<vmem>>
    %dma_start3A_1079 = arith.constant 0 : i32
    %dma_start3A_1080 = tpu.memref_slice %arg4[%dma_start3A_1079] : memref<26000000xf32, #tpu.memory_space<hbm>> -> memref<26000000xf32, #tpu.memory_space<hbm>>
    tpu.enqueue_indirect_dma source(%dma_start3A_1080 : memref<26000000xf32, #tpu.memory_space<hbm>>) target(%dma_start3A_1075 : memref<128xf32, #tpu.memory_space<vmem>>) offsets(%dma_start3A_1078 : memref<128xi32, #tpu.memory_space<vmem>>) semaphore(%arg16 : memref<!tpu.dma_semaphore, #tpu.memory_space<semaphore_mem>>)
    %dma_start3A_1081 = arith.constant 5 : i32
    %dma_start3A_1082 = arith.constant 3 : i32
    %dma_start3A_1083 = arith.constant 5 : i32
    %dma_start3A_1084 = arith.constant 3 : i32
    %dma_start3A_1085 = arith.constant 0 : i32
    %dma_start3A_1086 = tpu.memref_slice %arg9[%dma_start3A_1083, %dma_start3A_1084, %dma_start3A_1085] : memref<26x4x128xf32, #tpu.memory_space<vmem>> -> memref<1x1x128xf32, #tpu.memory_space<vmem>>
    %dma_start3A_1087 = tpu.memref_squeeze %dma_start3A_1086 : memref<1x1x128xf32, #tpu.memory_space<vmem>> -> memref<128xf32, #tpu.memory_space<vmem>>
    %dma_start3A_1088 = arith.constant 0 : i32
    %dma_start3A_1089 = tpu.memref_slice %arg8[%dma_start3A_1081, %dma_start3A_1082, %dma_start3A_1088] : memref<26x4x128xi32, #tpu.memory_space<vmem>> -> memref<1x1x128xi32, #tpu.memory_space<vmem>>
    %dma_start3A_1090 = tpu.memref_squeeze %dma_start3A_1089 : memref<1x1x128xi32, #tpu.memory_space<vmem>> -> memref<128xi32, #tpu.memory_space<vmem>>
    %dma_start3A_1091 = arith.constant 0 : i32
    %dma_start3A_1092 = tpu.memref_slice %arg4[%dma_start3A_1091] : memref<26000000xf32, #tpu.memory_space<hbm>> -> memref<26000000xf32, #tpu.memory_space<hbm>>
    tpu.enqueue_indirect_dma source(%dma_start3A_1092 : memref<26000000xf32, #tpu.memory_space<hbm>>) target(%dma_start3A_1087 : memref<128xf32, #tpu.memory_space<vmem>>) offsets(%dma_start3A_1090 : memref<128xi32, #tpu.memory_space<vmem>>) semaphore(%arg16 : memref<!tpu.dma_semaphore, #tpu.memory_space<semaphore_mem>>)
    %dma_start3A_1093 = arith.constant 6 : i32
    %dma_start3A_1094 = arith.constant 0 : i32
    %dma_start3A_1095 = arith.constant 6 : i32
    %dma_start3A_1096 = arith.constant 0 : i32
    %dma_start3A_1097 = arith.constant 0 : i32
    %dma_start3A_1098 = tpu.memref_slice %arg9[%dma_start3A_1095, %dma_start3A_1096, %dma_start3A_1097] : memref<26x4x128xf32, #tpu.memory_space<vmem>> -> memref<1x1x128xf32, #tpu.memory_space<vmem>>
    %dma_start3A_1099 = tpu.memref_squeeze %dma_start3A_1098 : memref<1x1x128xf32, #tpu.memory_space<vmem>> -> memref<128xf32, #tpu.memory_space<vmem>>
    %dma_start3A_1100 = arith.constant 0 : i32
    %dma_start3A_1101 = tpu.memref_slice %arg8[%dma_start3A_1093, %dma_start3A_1094, %dma_start3A_1100] : memref<26x4x128xi32, #tpu.memory_space<vmem>> -> memref<1x1x128xi32, #tpu.memory_space<vmem>>
    %dma_start3A_1102 = tpu.memref_squeeze %dma_start3A_1101 : memref<1x1x128xi32, #tpu.memory_space<vmem>> -> memref<128xi32, #tpu.memory_space<vmem>>
    %dma_start3A_1103 = arith.constant 0 : i32
    %dma_start3A_1104 = tpu.memref_slice %arg4[%dma_start3A_1103] : memref<26000000xf32, #tpu.memory_space<hbm>> -> memref<26000000xf32, #tpu.memory_space<hbm>>
    tpu.enqueue_indirect_dma source(%dma_start3A_1104 : memref<26000000xf32, #tpu.memory_space<hbm>>) target(%dma_start3A_1099 : memref<128xf32, #tpu.memory_space<vmem>>) offsets(%dma_start3A_1102 : memref<128xi32, #tpu.memory_space<vmem>>) semaphore(%arg16 : memref<!tpu.dma_semaphore, #tpu.memory_space<semaphore_mem>>)
    %dma_start3A_1105 = arith.constant 6 : i32
    %dma_start3A_1106 = arith.constant 1 : i32
    %dma_start3A_1107 = arith.constant 6 : i32
    %dma_start3A_1108 = arith.constant 1 : i32
    %dma_start3A_1109 = arith.constant 0 : i32
    %dma_start3A_1110 = tpu.memref_slice %arg9[%dma_start3A_1107, %dma_start3A_1108, %dma_start3A_1109] : memref<26x4x128xf32, #tpu.memory_space<vmem>> -> memref<1x1x128xf32, #tpu.memory_space<vmem>>
    %dma_start3A_1111 = tpu.memref_squeeze %dma_start3A_1110 : memref<1x1x128xf32, #tpu.memory_space<vmem>> -> memref<128xf32, #tpu.memory_space<vmem>>
    %dma_start3A_1112 = arith.constant 0 : i32
    %dma_start3A_1113 = tpu.memref_slice %arg8[%dma_start3A_1105, %dma_start3A_1106, %dma_start3A_1112] : memref<26x4x128xi32, #tpu.memory_space<vmem>> -> memref<1x1x128xi32, #tpu.memory_space<vmem>>
    %dma_start3A_1114 = tpu.memref_squeeze %dma_start3A_1113 : memref<1x1x128xi32, #tpu.memory_space<vmem>> -> memref<128xi32, #tpu.memory_space<vmem>>
    %dma_start3A_1115 = arith.constant 0 : i32
    %dma_start3A_1116 = tpu.memref_slice %arg4[%dma_start3A_1115] : memref<26000000xf32, #tpu.memory_space<hbm>> -> memref<26000000xf32, #tpu.memory_space<hbm>>
    tpu.enqueue_indirect_dma source(%dma_start3A_1116 : memref<26000000xf32, #tpu.memory_space<hbm>>) target(%dma_start3A_1111 : memref<128xf32, #tpu.memory_space<vmem>>) offsets(%dma_start3A_1114 : memref<128xi32, #tpu.memory_space<vmem>>) semaphore(%arg16 : memref<!tpu.dma_semaphore, #tpu.memory_space<semaphore_mem>>)
    %dma_start3A_1117 = arith.constant 6 : i32
    %dma_start3A_1118 = arith.constant 2 : i32
    %dma_start3A_1119 = arith.constant 6 : i32
    %dma_start3A_1120 = arith.constant 2 : i32
    %dma_start3A_1121 = arith.constant 0 : i32
    %dma_start3A_1122 = tpu.memref_slice %arg9[%dma_start3A_1119, %dma_start3A_1120, %dma_start3A_1121] : memref<26x4x128xf32, #tpu.memory_space<vmem>> -> memref<1x1x128xf32, #tpu.memory_space<vmem>>
    %dma_start3A_1123 = tpu.memref_squeeze %dma_start3A_1122 : memref<1x1x128xf32, #tpu.memory_space<vmem>> -> memref<128xf32, #tpu.memory_space<vmem>>
    %dma_start3A_1124 = arith.constant 0 : i32
    %dma_start3A_1125 = tpu.memref_slice %arg8[%dma_start3A_1117, %dma_start3A_1118, %dma_start3A_1124] : memref<26x4x128xi32, #tpu.memory_space<vmem>> -> memref<1x1x128xi32, #tpu.memory_space<vmem>>
    %dma_start3A_1126 = tpu.memref_squeeze %dma_start3A_1125 : memref<1x1x128xi32, #tpu.memory_space<vmem>> -> memref<128xi32, #tpu.memory_space<vmem>>
    %dma_start3A_1127 = arith.constant 0 : i32
    %dma_start3A_1128 = tpu.memref_slice %arg4[%dma_start3A_1127] : memref<26000000xf32, #tpu.memory_space<hbm>> -> memref<26000000xf32, #tpu.memory_space<hbm>>
    tpu.enqueue_indirect_dma source(%dma_start3A_1128 : memref<26000000xf32, #tpu.memory_space<hbm>>) target(%dma_start3A_1123 : memref<128xf32, #tpu.memory_space<vmem>>) offsets(%dma_start3A_1126 : memref<128xi32, #tpu.memory_space<vmem>>) semaphore(%arg16 : memref<!tpu.dma_semaphore, #tpu.memory_space<semaphore_mem>>)
    %dma_start3A_1129 = arith.constant 6 : i32
    %dma_start3A_1130 = arith.constant 3 : i32
    %dma_start3A_1131 = arith.constant 6 : i32
    %dma_start3A_1132 = arith.constant 3 : i32
    %dma_start3A_1133 = arith.constant 0 : i32
    %dma_start3A_1134 = tpu.memref_slice %arg9[%dma_start3A_1131, %dma_start3A_1132, %dma_start3A_1133] : memref<26x4x128xf32, #tpu.memory_space<vmem>> -> memref<1x1x128xf32, #tpu.memory_space<vmem>>
    %dma_start3A_1135 = tpu.memref_squeeze %dma_start3A_1134 : memref<1x1x128xf32, #tpu.memory_space<vmem>> -> memref<128xf32, #tpu.memory_space<vmem>>
    %dma_start3A_1136 = arith.constant 0 : i32
    %dma_start3A_1137 = tpu.memref_slice %arg8[%dma_start3A_1129, %dma_start3A_1130, %dma_start3A_1136] : memref<26x4x128xi32, #tpu.memory_space<vmem>> -> memref<1x1x128xi32, #tpu.memory_space<vmem>>
    %dma_start3A_1138 = tpu.memref_squeeze %dma_start3A_1137 : memref<1x1x128xi32, #tpu.memory_space<vmem>> -> memref<128xi32, #tpu.memory_space<vmem>>
    %dma_start3A_1139 = arith.constant 0 : i32
    %dma_start3A_1140 = tpu.memref_slice %arg4[%dma_start3A_1139] : memref<26000000xf32, #tpu.memory_space<hbm>> -> memref<26000000xf32, #tpu.memory_space<hbm>>
    tpu.enqueue_indirect_dma source(%dma_start3A_1140 : memref<26000000xf32, #tpu.memory_space<hbm>>) target(%dma_start3A_1135 : memref<128xf32, #tpu.memory_space<vmem>>) offsets(%dma_start3A_1138 : memref<128xi32, #tpu.memory_space<vmem>>) semaphore(%arg16 : memref<!tpu.dma_semaphore, #tpu.memory_space<semaphore_mem>>)
    %dma_start3A_1141 = arith.constant 7 : i32
    %dma_start3A_1142 = arith.constant 0 : i32
    %dma_start3A_1143 = arith.constant 7 : i32
    %dma_start3A_1144 = arith.constant 0 : i32
    %dma_start3A_1145 = arith.constant 0 : i32
    %dma_start3A_1146 = tpu.memref_slice %arg9[%dma_start3A_1143, %dma_start3A_1144, %dma_start3A_1145] : memref<26x4x128xf32, #tpu.memory_space<vmem>> -> memref<1x1x128xf32, #tpu.memory_space<vmem>>
    %dma_start3A_1147 = tpu.memref_squeeze %dma_start3A_1146 : memref<1x1x128xf32, #tpu.memory_space<vmem>> -> memref<128xf32, #tpu.memory_space<vmem>>
    %dma_start3A_1148 = arith.constant 0 : i32
    %dma_start3A_1149 = tpu.memref_slice %arg8[%dma_start3A_1141, %dma_start3A_1142, %dma_start3A_1148] : memref<26x4x128xi32, #tpu.memory_space<vmem>> -> memref<1x1x128xi32, #tpu.memory_space<vmem>>
    %dma_start3A_1150 = tpu.memref_squeeze %dma_start3A_1149 : memref<1x1x128xi32, #tpu.memory_space<vmem>> -> memref<128xi32, #tpu.memory_space<vmem>>
    %dma_start3A_1151 = arith.constant 0 : i32
    %dma_start3A_1152 = tpu.memref_slice %arg4[%dma_start3A_1151] : memref<26000000xf32, #tpu.memory_space<hbm>> -> memref<26000000xf32, #tpu.memory_space<hbm>>
    tpu.enqueue_indirect_dma source(%dma_start3A_1152 : memref<26000000xf32, #tpu.memory_space<hbm>>) target(%dma_start3A_1147 : memref<128xf32, #tpu.memory_space<vmem>>) offsets(%dma_start3A_1150 : memref<128xi32, #tpu.memory_space<vmem>>) semaphore(%arg16 : memref<!tpu.dma_semaphore, #tpu.memory_space<semaphore_mem>>)
    %dma_start3A_1153 = arith.constant 7 : i32
    %dma_start3A_1154 = arith.constant 1 : i32
    %dma_start3A_1155 = arith.constant 7 : i32
    %dma_start3A_1156 = arith.constant 1 : i32
    %dma_start3A_1157 = arith.constant 0 : i32
    %dma_start3A_1158 = tpu.memref_slice %arg9[%dma_start3A_1155, %dma_start3A_1156, %dma_start3A_1157] : memref<26x4x128xf32, #tpu.memory_space<vmem>> -> memref<1x1x128xf32, #tpu.memory_space<vmem>>
    %dma_start3A_1159 = tpu.memref_squeeze %dma_start3A_1158 : memref<1x1x128xf32, #tpu.memory_space<vmem>> -> memref<128xf32, #tpu.memory_space<vmem>>
    %dma_start3A_1160 = arith.constant 0 : i32
    %dma_start3A_1161 = tpu.memref_slice %arg8[%dma_start3A_1153, %dma_start3A_1154, %dma_start3A_1160] : memref<26x4x128xi32, #tpu.memory_space<vmem>> -> memref<1x1x128xi32, #tpu.memory_space<vmem>>
    %dma_start3A_1162 = tpu.memref_squeeze %dma_start3A_1161 : memref<1x1x128xi32, #tpu.memory_space<vmem>> -> memref<128xi32, #tpu.memory_space<vmem>>
    %dma_start3A_1163 = arith.constant 0 : i32
    %dma_start3A_1164 = tpu.memref_slice %arg4[%dma_start3A_1163] : memref<26000000xf32, #tpu.memory_space<hbm>> -> memref<26000000xf32, #tpu.memory_space<hbm>>
    tpu.enqueue_indirect_dma source(%dma_start3A_1164 : memref<26000000xf32, #tpu.memory_space<hbm>>) target(%dma_start3A_1159 : memref<128xf32, #tpu.memory_space<vmem>>) offsets(%dma_start3A_1162 : memref<128xi32, #tpu.memory_space<vmem>>) semaphore(%arg16 : memref<!tpu.dma_semaphore, #tpu.memory_space<semaphore_mem>>)
    %dma_start3A_1165 = arith.constant 7 : i32
    %dma_start3A_1166 = arith.constant 2 : i32
    %dma_start3A_1167 = arith.constant 7 : i32
    %dma_start3A_1168 = arith.constant 2 : i32
    %dma_start3A_1169 = arith.constant 0 : i32
    %dma_start3A_1170 = tpu.memref_slice %arg9[%dma_start3A_1167, %dma_start3A_1168, %dma_start3A_1169] : memref<26x4x128xf32, #tpu.memory_space<vmem>> -> memref<1x1x128xf32, #tpu.memory_space<vmem>>
    %dma_start3A_1171 = tpu.memref_squeeze %dma_start3A_1170 : memref<1x1x128xf32, #tpu.memory_space<vmem>> -> memref<128xf32, #tpu.memory_space<vmem>>
    %dma_start3A_1172 = arith.constant 0 : i32
    %dma_start3A_1173 = tpu.memref_slice %arg8[%dma_start3A_1165, %dma_start3A_1166, %dma_start3A_1172] : memref<26x4x128xi32, #tpu.memory_space<vmem>> -> memref<1x1x128xi32, #tpu.memory_space<vmem>>
    %dma_start3A_1174 = tpu.memref_squeeze %dma_start3A_1173 : memref<1x1x128xi32, #tpu.memory_space<vmem>> -> memref<128xi32, #tpu.memory_space<vmem>>
    %dma_start3A_1175 = arith.constant 0 : i32
    %dma_start3A_1176 = tpu.memref_slice %arg4[%dma_start3A_1175] : memref<26000000xf32, #tpu.memory_space<hbm>> -> memref<26000000xf32, #tpu.memory_space<hbm>>
    tpu.enqueue_indirect_dma source(%dma_start3A_1176 : memref<26000000xf32, #tpu.memory_space<hbm>>) target(%dma_start3A_1171 : memref<128xf32, #tpu.memory_space<vmem>>) offsets(%dma_start3A_1174 : memref<128xi32, #tpu.memory_space<vmem>>) semaphore(%arg16 : memref<!tpu.dma_semaphore, #tpu.memory_space<semaphore_mem>>)
    %dma_start3A_1177 = arith.constant 7 : i32
    %dma_start3A_1178 = arith.constant 3 : i32
    %dma_start3A_1179 = arith.constant 7 : i32
    %dma_start3A_1180 = arith.constant 3 : i32
    %dma_start3A_1181 = arith.constant 0 : i32
    %dma_start3A_1182 = tpu.memref_slice %arg9[%dma_start3A_1179, %dma_start3A_1180, %dma_start3A_1181] : memref<26x4x128xf32, #tpu.memory_space<vmem>> -> memref<1x1x128xf32, #tpu.memory_space<vmem>>
    %dma_start3A_1183 = tpu.memref_squeeze %dma_start3A_1182 : memref<1x1x128xf32, #tpu.memory_space<vmem>> -> memref<128xf32, #tpu.memory_space<vmem>>
    %dma_start3A_1184 = arith.constant 0 : i32
    %dma_start3A_1185 = tpu.memref_slice %arg8[%dma_start3A_1177, %dma_start3A_1178, %dma_start3A_1184] : memref<26x4x128xi32, #tpu.memory_space<vmem>> -> memref<1x1x128xi32, #tpu.memory_space<vmem>>
    %dma_start3A_1186 = tpu.memref_squeeze %dma_start3A_1185 : memref<1x1x128xi32, #tpu.memory_space<vmem>> -> memref<128xi32, #tpu.memory_space<vmem>>
    %dma_start3A_1187 = arith.constant 0 : i32
    %dma_start3A_1188 = tpu.memref_slice %arg4[%dma_start3A_1187] : memref<26000000xf32, #tpu.memory_space<hbm>> -> memref<26000000xf32, #tpu.memory_space<hbm>>
    tpu.enqueue_indirect_dma source(%dma_start3A_1188 : memref<26000000xf32, #tpu.memory_space<hbm>>) target(%dma_start3A_1183 : memref<128xf32, #tpu.memory_space<vmem>>) offsets(%dma_start3A_1186 : memref<128xi32, #tpu.memory_space<vmem>>) semaphore(%arg16 : memref<!tpu.dma_semaphore, #tpu.memory_space<semaphore_mem>>)
    %dma_start3A_1189 = arith.constant 8 : i32
    %dma_start3A_1190 = arith.constant 0 : i32
    %dma_start3A_1191 = arith.constant 8 : i32
    %dma_start3A_1192 = arith.constant 0 : i32
    %dma_start3A_1193 = arith.constant 0 : i32
    %dma_start3A_1194 = tpu.memref_slice %arg9[%dma_start3A_1191, %dma_start3A_1192, %dma_start3A_1193] : memref<26x4x128xf32, #tpu.memory_space<vmem>> -> memref<1x1x128xf32, #tpu.memory_space<vmem>>
    %dma_start3A_1195 = tpu.memref_squeeze %dma_start3A_1194 : memref<1x1x128xf32, #tpu.memory_space<vmem>> -> memref<128xf32, #tpu.memory_space<vmem>>
    %dma_start3A_1196 = arith.constant 0 : i32
    %dma_start3A_1197 = tpu.memref_slice %arg8[%dma_start3A_1189, %dma_start3A_1190, %dma_start3A_1196] : memref<26x4x128xi32, #tpu.memory_space<vmem>> -> memref<1x1x128xi32, #tpu.memory_space<vmem>>
    %dma_start3A_1198 = tpu.memref_squeeze %dma_start3A_1197 : memref<1x1x128xi32, #tpu.memory_space<vmem>> -> memref<128xi32, #tpu.memory_space<vmem>>
    %dma_start3A_1199 = arith.constant 0 : i32
    %dma_start3A_1200 = tpu.memref_slice %arg4[%dma_start3A_1199] : memref<26000000xf32, #tpu.memory_space<hbm>> -> memref<26000000xf32, #tpu.memory_space<hbm>>
    tpu.enqueue_indirect_dma source(%dma_start3A_1200 : memref<26000000xf32, #tpu.memory_space<hbm>>) target(%dma_start3A_1195 : memref<128xf32, #tpu.memory_space<vmem>>) offsets(%dma_start3A_1198 : memref<128xi32, #tpu.memory_space<vmem>>) semaphore(%arg16 : memref<!tpu.dma_semaphore, #tpu.memory_space<semaphore_mem>>)
    %dma_start3A_1201 = arith.constant 8 : i32
    %dma_start3A_1202 = arith.constant 1 : i32
    %dma_start3A_1203 = arith.constant 8 : i32
    %dma_start3A_1204 = arith.constant 1 : i32
    %dma_start3A_1205 = arith.constant 0 : i32
    %dma_start3A_1206 = tpu.memref_slice %arg9[%dma_start3A_1203, %dma_start3A_1204, %dma_start3A_1205] : memref<26x4x128xf32, #tpu.memory_space<vmem>> -> memref<1x1x128xf32, #tpu.memory_space<vmem>>
    %dma_start3A_1207 = tpu.memref_squeeze %dma_start3A_1206 : memref<1x1x128xf32, #tpu.memory_space<vmem>> -> memref<128xf32, #tpu.memory_space<vmem>>
    %dma_start3A_1208 = arith.constant 0 : i32
    %dma_start3A_1209 = tpu.memref_slice %arg8[%dma_start3A_1201, %dma_start3A_1202, %dma_start3A_1208] : memref<26x4x128xi32, #tpu.memory_space<vmem>> -> memref<1x1x128xi32, #tpu.memory_space<vmem>>
    %dma_start3A_1210 = tpu.memref_squeeze %dma_start3A_1209 : memref<1x1x128xi32, #tpu.memory_space<vmem>> -> memref<128xi32, #tpu.memory_space<vmem>>
    %dma_start3A_1211 = arith.constant 0 : i32
    %dma_start3A_1212 = tpu.memref_slice %arg4[%dma_start3A_1211] : memref<26000000xf32, #tpu.memory_space<hbm>> -> memref<26000000xf32, #tpu.memory_space<hbm>>
    tpu.enqueue_indirect_dma source(%dma_start3A_1212 : memref<26000000xf32, #tpu.memory_space<hbm>>) target(%dma_start3A_1207 : memref<128xf32, #tpu.memory_space<vmem>>) offsets(%dma_start3A_1210 : memref<128xi32, #tpu.memory_space<vmem>>) semaphore(%arg16 : memref<!tpu.dma_semaphore, #tpu.memory_space<semaphore_mem>>)
    %dma_start3A_1213 = arith.constant 8 : i32
    %dma_start3A_1214 = arith.constant 2 : i32
    %dma_start3A_1215 = arith.constant 8 : i32
    %dma_start3A_1216 = arith.constant 2 : i32
    %dma_start3A_1217 = arith.constant 0 : i32
    %dma_start3A_1218 = tpu.memref_slice %arg9[%dma_start3A_1215, %dma_start3A_1216, %dma_start3A_1217] : memref<26x4x128xf32, #tpu.memory_space<vmem>> -> memref<1x1x128xf32, #tpu.memory_space<vmem>>
    %dma_start3A_1219 = tpu.memref_squeeze %dma_start3A_1218 : memref<1x1x128xf32, #tpu.memory_space<vmem>> -> memref<128xf32, #tpu.memory_space<vmem>>
    %dma_start3A_1220 = arith.constant 0 : i32
    %dma_start3A_1221 = tpu.memref_slice %arg8[%dma_start3A_1213, %dma_start3A_1214, %dma_start3A_1220] : memref<26x4x128xi32, #tpu.memory_space<vmem>> -> memref<1x1x128xi32, #tpu.memory_space<vmem>>
    %dma_start3A_1222 = tpu.memref_squeeze %dma_start3A_1221 : memref<1x1x128xi32, #tpu.memory_space<vmem>> -> memref<128xi32, #tpu.memory_space<vmem>>
    %dma_start3A_1223 = arith.constant 0 : i32
    %dma_start3A_1224 = tpu.memref_slice %arg4[%dma_start3A_1223] : memref<26000000xf32, #tpu.memory_space<hbm>> -> memref<26000000xf32, #tpu.memory_space<hbm>>
    tpu.enqueue_indirect_dma source(%dma_start3A_1224 : memref<26000000xf32, #tpu.memory_space<hbm>>) target(%dma_start3A_1219 : memref<128xf32, #tpu.memory_space<vmem>>) offsets(%dma_start3A_1222 : memref<128xi32, #tpu.memory_space<vmem>>) semaphore(%arg16 : memref<!tpu.dma_semaphore, #tpu.memory_space<semaphore_mem>>)
    %dma_start3A_1225 = arith.constant 8 : i32
    %dma_start3A_1226 = arith.constant 3 : i32
    %dma_start3A_1227 = arith.constant 8 : i32
    %dma_start3A_1228 = arith.constant 3 : i32
    %dma_start3A_1229 = arith.constant 0 : i32
    %dma_start3A_1230 = tpu.memref_slice %arg9[%dma_start3A_1227, %dma_start3A_1228, %dma_start3A_1229] : memref<26x4x128xf32, #tpu.memory_space<vmem>> -> memref<1x1x128xf32, #tpu.memory_space<vmem>>
    %dma_start3A_1231 = tpu.memref_squeeze %dma_start3A_1230 : memref<1x1x128xf32, #tpu.memory_space<vmem>> -> memref<128xf32, #tpu.memory_space<vmem>>
    %dma_start3A_1232 = arith.constant 0 : i32
    %dma_start3A_1233 = tpu.memref_slice %arg8[%dma_start3A_1225, %dma_start3A_1226, %dma_start3A_1232] : memref<26x4x128xi32, #tpu.memory_space<vmem>> -> memref<1x1x128xi32, #tpu.memory_space<vmem>>
    %dma_start3A_1234 = tpu.memref_squeeze %dma_start3A_1233 : memref<1x1x128xi32, #tpu.memory_space<vmem>> -> memref<128xi32, #tpu.memory_space<vmem>>
    %dma_start3A_1235 = arith.constant 0 : i32
    %dma_start3A_1236 = tpu.memref_slice %arg4[%dma_start3A_1235] : memref<26000000xf32, #tpu.memory_space<hbm>> -> memref<26000000xf32, #tpu.memory_space<hbm>>
    tpu.enqueue_indirect_dma source(%dma_start3A_1236 : memref<26000000xf32, #tpu.memory_space<hbm>>) target(%dma_start3A_1231 : memref<128xf32, #tpu.memory_space<vmem>>) offsets(%dma_start3A_1234 : memref<128xi32, #tpu.memory_space<vmem>>) semaphore(%arg16 : memref<!tpu.dma_semaphore, #tpu.memory_space<semaphore_mem>>)
    %dma_start3A_1237 = arith.constant 9 : i32
    %dma_start3A_1238 = arith.constant 0 : i32
    %dma_start3A_1239 = arith.constant 9 : i32
    %dma_start3A_1240 = arith.constant 0 : i32
    %dma_start3A_1241 = arith.constant 0 : i32
    %dma_start3A_1242 = tpu.memref_slice %arg9[%dma_start3A_1239, %dma_start3A_1240, %dma_start3A_1241] : memref<26x4x128xf32, #tpu.memory_space<vmem>> -> memref<1x1x128xf32, #tpu.memory_space<vmem>>
    %dma_start3A_1243 = tpu.memref_squeeze %dma_start3A_1242 : memref<1x1x128xf32, #tpu.memory_space<vmem>> -> memref<128xf32, #tpu.memory_space<vmem>>
    %dma_start3A_1244 = arith.constant 0 : i32
    %dma_start3A_1245 = tpu.memref_slice %arg8[%dma_start3A_1237, %dma_start3A_1238, %dma_start3A_1244] : memref<26x4x128xi32, #tpu.memory_space<vmem>> -> memref<1x1x128xi32, #tpu.memory_space<vmem>>
    %dma_start3A_1246 = tpu.memref_squeeze %dma_start3A_1245 : memref<1x1x128xi32, #tpu.memory_space<vmem>> -> memref<128xi32, #tpu.memory_space<vmem>>
    %dma_start3A_1247 = arith.constant 0 : i32
    %dma_start3A_1248 = tpu.memref_slice %arg4[%dma_start3A_1247] : memref<26000000xf32, #tpu.memory_space<hbm>> -> memref<26000000xf32, #tpu.memory_space<hbm>>
    tpu.enqueue_indirect_dma source(%dma_start3A_1248 : memref<26000000xf32, #tpu.memory_space<hbm>>) target(%dma_start3A_1243 : memref<128xf32, #tpu.memory_space<vmem>>) offsets(%dma_start3A_1246 : memref<128xi32, #tpu.memory_space<vmem>>) semaphore(%arg16 : memref<!tpu.dma_semaphore, #tpu.memory_space<semaphore_mem>>)
    %dma_start3A_1249 = arith.constant 9 : i32
    %dma_start3A_1250 = arith.constant 1 : i32
    %dma_start3A_1251 = arith.constant 9 : i32
    %dma_start3A_1252 = arith.constant 1 : i32
    %dma_start3A_1253 = arith.constant 0 : i32
    %dma_start3A_1254 = tpu.memref_slice %arg9[%dma_start3A_1251, %dma_start3A_1252, %dma_start3A_1253] : memref<26x4x128xf32, #tpu.memory_space<vmem>> -> memref<1x1x128xf32, #tpu.memory_space<vmem>>
    %dma_start3A_1255 = tpu.memref_squeeze %dma_start3A_1254 : memref<1x1x128xf32, #tpu.memory_space<vmem>> -> memref<128xf32, #tpu.memory_space<vmem>>
    %dma_start3A_1256 = arith.constant 0 : i32
    %dma_start3A_1257 = tpu.memref_slice %arg8[%dma_start3A_1249, %dma_start3A_1250, %dma_start3A_1256] : memref<26x4x128xi32, #tpu.memory_space<vmem>> -> memref<1x1x128xi32, #tpu.memory_space<vmem>>
    %dma_start3A_1258 = tpu.memref_squeeze %dma_start3A_1257 : memref<1x1x128xi32, #tpu.memory_space<vmem>> -> memref<128xi32, #tpu.memory_space<vmem>>
    %dma_start3A_1259 = arith.constant 0 : i32
    %dma_start3A_1260 = tpu.memref_slice %arg4[%dma_start3A_1259] : memref<26000000xf32, #tpu.memory_space<hbm>> -> memref<26000000xf32, #tpu.memory_space<hbm>>
    tpu.enqueue_indirect_dma source(%dma_start3A_1260 : memref<26000000xf32, #tpu.memory_space<hbm>>) target(%dma_start3A_1255 : memref<128xf32, #tpu.memory_space<vmem>>) offsets(%dma_start3A_1258 : memref<128xi32, #tpu.memory_space<vmem>>) semaphore(%arg16 : memref<!tpu.dma_semaphore, #tpu.memory_space<semaphore_mem>>)
    %dma_start3A_1261 = arith.constant 9 : i32
    %dma_start3A_1262 = arith.constant 2 : i32
    %dma_start3A_1263 = arith.constant 9 : i32
    %dma_start3A_1264 = arith.constant 2 : i32
    %dma_start3A_1265 = arith.constant 0 : i32
    %dma_start3A_1266 = tpu.memref_slice %arg9[%dma_start3A_1263, %dma_start3A_1264, %dma_start3A_1265] : memref<26x4x128xf32, #tpu.memory_space<vmem>> -> memref<1x1x128xf32, #tpu.memory_space<vmem>>
    %dma_start3A_1267 = tpu.memref_squeeze %dma_start3A_1266 : memref<1x1x128xf32, #tpu.memory_space<vmem>> -> memref<128xf32, #tpu.memory_space<vmem>>
    %dma_start3A_1268 = arith.constant 0 : i32
    %dma_start3A_1269 = tpu.memref_slice %arg8[%dma_start3A_1261, %dma_start3A_1262, %dma_start3A_1268] : memref<26x4x128xi32, #tpu.memory_space<vmem>> -> memref<1x1x128xi32, #tpu.memory_space<vmem>>
    %dma_start3A_1270 = tpu.memref_squeeze %dma_start3A_1269 : memref<1x1x128xi32, #tpu.memory_space<vmem>> -> memref<128xi32, #tpu.memory_space<vmem>>
    %dma_start3A_1271 = arith.constant 0 : i32
    %dma_start3A_1272 = tpu.memref_slice %arg4[%dma_start3A_1271] : memref<26000000xf32, #tpu.memory_space<hbm>> -> memref<26000000xf32, #tpu.memory_space<hbm>>
    tpu.enqueue_indirect_dma source(%dma_start3A_1272 : memref<26000000xf32, #tpu.memory_space<hbm>>) target(%dma_start3A_1267 : memref<128xf32, #tpu.memory_space<vmem>>) offsets(%dma_start3A_1270 : memref<128xi32, #tpu.memory_space<vmem>>) semaphore(%arg16 : memref<!tpu.dma_semaphore, #tpu.memory_space<semaphore_mem>>)
    %dma_start3A_1273 = arith.constant 9 : i32
    %dma_start3A_1274 = arith.constant 3 : i32
    %dma_start3A_1275 = arith.constant 9 : i32
    %dma_start3A_1276 = arith.constant 3 : i32
    %dma_start3A_1277 = arith.constant 0 : i32
    %dma_start3A_1278 = tpu.memref_slice %arg9[%dma_start3A_1275, %dma_start3A_1276, %dma_start3A_1277] : memref<26x4x128xf32, #tpu.memory_space<vmem>> -> memref<1x1x128xf32, #tpu.memory_space<vmem>>
    %dma_start3A_1279 = tpu.memref_squeeze %dma_start3A_1278 : memref<1x1x128xf32, #tpu.memory_space<vmem>> -> memref<128xf32, #tpu.memory_space<vmem>>
    %dma_start3A_1280 = arith.constant 0 : i32
    %dma_start3A_1281 = tpu.memref_slice %arg8[%dma_start3A_1273, %dma_start3A_1274, %dma_start3A_1280] : memref<26x4x128xi32, #tpu.memory_space<vmem>> -> memref<1x1x128xi32, #tpu.memory_space<vmem>>
    %dma_start3A_1282 = tpu.memref_squeeze %dma_start3A_1281 : memref<1x1x128xi32, #tpu.memory_space<vmem>> -> memref<128xi32, #tpu.memory_space<vmem>>
    %dma_start3A_1283 = arith.constant 0 : i32
    %dma_start3A_1284 = tpu.memref_slice %arg4[%dma_start3A_1283] : memref<26000000xf32, #tpu.memory_space<hbm>> -> memref<26000000xf32, #tpu.memory_space<hbm>>
    tpu.enqueue_indirect_dma source(%dma_start3A_1284 : memref<26000000xf32, #tpu.memory_space<hbm>>) target(%dma_start3A_1279 : memref<128xf32, #tpu.memory_space<vmem>>) offsets(%dma_start3A_1282 : memref<128xi32, #tpu.memory_space<vmem>>) semaphore(%arg16 : memref<!tpu.dma_semaphore, #tpu.memory_space<semaphore_mem>>)
    %dma_start3A_1285 = arith.constant 10 : i32
    %dma_start3A_1286 = arith.constant 0 : i32
    %dma_start3A_1287 = arith.constant 10 : i32
    %dma_start3A_1288 = arith.constant 0 : i32
    %dma_start3A_1289 = arith.constant 0 : i32
    %dma_start3A_1290 = tpu.memref_slice %arg9[%dma_start3A_1287, %dma_start3A_1288, %dma_start3A_1289] : memref<26x4x128xf32, #tpu.memory_space<vmem>> -> memref<1x1x128xf32, #tpu.memory_space<vmem>>
    %dma_start3A_1291 = tpu.memref_squeeze %dma_start3A_1290 : memref<1x1x128xf32, #tpu.memory_space<vmem>> -> memref<128xf32, #tpu.memory_space<vmem>>
    %dma_start3A_1292 = arith.constant 0 : i32
    %dma_start3A_1293 = tpu.memref_slice %arg8[%dma_start3A_1285, %dma_start3A_1286, %dma_start3A_1292] : memref<26x4x128xi32, #tpu.memory_space<vmem>> -> memref<1x1x128xi32, #tpu.memory_space<vmem>>
    %dma_start3A_1294 = tpu.memref_squeeze %dma_start3A_1293 : memref<1x1x128xi32, #tpu.memory_space<vmem>> -> memref<128xi32, #tpu.memory_space<vmem>>
    %dma_start3A_1295 = arith.constant 0 : i32
    %dma_start3A_1296 = tpu.memref_slice %arg4[%dma_start3A_1295] : memref<26000000xf32, #tpu.memory_space<hbm>> -> memref<26000000xf32, #tpu.memory_space<hbm>>
    tpu.enqueue_indirect_dma source(%dma_start3A_1296 : memref<26000000xf32, #tpu.memory_space<hbm>>) target(%dma_start3A_1291 : memref<128xf32, #tpu.memory_space<vmem>>) offsets(%dma_start3A_1294 : memref<128xi32, #tpu.memory_space<vmem>>) semaphore(%arg16 : memref<!tpu.dma_semaphore, #tpu.memory_space<semaphore_mem>>)
    %dma_start3A_1297 = arith.constant 10 : i32
    %dma_start3A_1298 = arith.constant 1 : i32
    %dma_start3A_1299 = arith.constant 10 : i32
    %dma_start3A_1300 = arith.constant 1 : i32
    %dma_start3A_1301 = arith.constant 0 : i32
    %dma_start3A_1302 = tpu.memref_slice %arg9[%dma_start3A_1299, %dma_start3A_1300, %dma_start3A_1301] : memref<26x4x128xf32, #tpu.memory_space<vmem>> -> memref<1x1x128xf32, #tpu.memory_space<vmem>>
    %dma_start3A_1303 = tpu.memref_squeeze %dma_start3A_1302 : memref<1x1x128xf32, #tpu.memory_space<vmem>> -> memref<128xf32, #tpu.memory_space<vmem>>
    %dma_start3A_1304 = arith.constant 0 : i32
    %dma_start3A_1305 = tpu.memref_slice %arg8[%dma_start3A_1297, %dma_start3A_1298, %dma_start3A_1304] : memref<26x4x128xi32, #tpu.memory_space<vmem>> -> memref<1x1x128xi32, #tpu.memory_space<vmem>>
    %dma_start3A_1306 = tpu.memref_squeeze %dma_start3A_1305 : memref<1x1x128xi32, #tpu.memory_space<vmem>> -> memref<128xi32, #tpu.memory_space<vmem>>
    %dma_start3A_1307 = arith.constant 0 : i32
    %dma_start3A_1308 = tpu.memref_slice %arg4[%dma_start3A_1307] : memref<26000000xf32, #tpu.memory_space<hbm>> -> memref<26000000xf32, #tpu.memory_space<hbm>>
    tpu.enqueue_indirect_dma source(%dma_start3A_1308 : memref<26000000xf32, #tpu.memory_space<hbm>>) target(%dma_start3A_1303 : memref<128xf32, #tpu.memory_space<vmem>>) offsets(%dma_start3A_1306 : memref<128xi32, #tpu.memory_space<vmem>>) semaphore(%arg16 : memref<!tpu.dma_semaphore, #tpu.memory_space<semaphore_mem>>)
    %dma_start3A_1309 = arith.constant 10 : i32
    %dma_start3A_1310 = arith.constant 2 : i32
    %dma_start3A_1311 = arith.constant 10 : i32
    %dma_start3A_1312 = arith.constant 2 : i32
    %dma_start3A_1313 = arith.constant 0 : i32
    %dma_start3A_1314 = tpu.memref_slice %arg9[%dma_start3A_1311, %dma_start3A_1312, %dma_start3A_1313] : memref<26x4x128xf32, #tpu.memory_space<vmem>> -> memref<1x1x128xf32, #tpu.memory_space<vmem>>
    %dma_start3A_1315 = tpu.memref_squeeze %dma_start3A_1314 : memref<1x1x128xf32, #tpu.memory_space<vmem>> -> memref<128xf32, #tpu.memory_space<vmem>>
    %dma_start3A_1316 = arith.constant 0 : i32
    %dma_start3A_1317 = tpu.memref_slice %arg8[%dma_start3A_1309, %dma_start3A_1310, %dma_start3A_1316] : memref<26x4x128xi32, #tpu.memory_space<vmem>> -> memref<1x1x128xi32, #tpu.memory_space<vmem>>
    %dma_start3A_1318 = tpu.memref_squeeze %dma_start3A_1317 : memref<1x1x128xi32, #tpu.memory_space<vmem>> -> memref<128xi32, #tpu.memory_space<vmem>>
    %dma_start3A_1319 = arith.constant 0 : i32
    %dma_start3A_1320 = tpu.memref_slice %arg4[%dma_start3A_1319] : memref<26000000xf32, #tpu.memory_space<hbm>> -> memref<26000000xf32, #tpu.memory_space<hbm>>
    tpu.enqueue_indirect_dma source(%dma_start3A_1320 : memref<26000000xf32, #tpu.memory_space<hbm>>) target(%dma_start3A_1315 : memref<128xf32, #tpu.memory_space<vmem>>) offsets(%dma_start3A_1318 : memref<128xi32, #tpu.memory_space<vmem>>) semaphore(%arg16 : memref<!tpu.dma_semaphore, #tpu.memory_space<semaphore_mem>>)
    %dma_start3A_1321 = arith.constant 10 : i32
    %dma_start3A_1322 = arith.constant 3 : i32
    %dma_start3A_1323 = arith.constant 10 : i32
    %dma_start3A_1324 = arith.constant 3 : i32
    %dma_start3A_1325 = arith.constant 0 : i32
    %dma_start3A_1326 = tpu.memref_slice %arg9[%dma_start3A_1323, %dma_start3A_1324, %dma_start3A_1325] : memref<26x4x128xf32, #tpu.memory_space<vmem>> -> memref<1x1x128xf32, #tpu.memory_space<vmem>>
    %dma_start3A_1327 = tpu.memref_squeeze %dma_start3A_1326 : memref<1x1x128xf32, #tpu.memory_space<vmem>> -> memref<128xf32, #tpu.memory_space<vmem>>
    %dma_start3A_1328 = arith.constant 0 : i32
    %dma_start3A_1329 = tpu.memref_slice %arg8[%dma_start3A_1321, %dma_start3A_1322, %dma_start3A_1328] : memref<26x4x128xi32, #tpu.memory_space<vmem>> -> memref<1x1x128xi32, #tpu.memory_space<vmem>>
    %dma_start3A_1330 = tpu.memref_squeeze %dma_start3A_1329 : memref<1x1x128xi32, #tpu.memory_space<vmem>> -> memref<128xi32, #tpu.memory_space<vmem>>
    %dma_start3A_1331 = arith.constant 0 : i32
    %dma_start3A_1332 = tpu.memref_slice %arg4[%dma_start3A_1331] : memref<26000000xf32, #tpu.memory_space<hbm>> -> memref<26000000xf32, #tpu.memory_space<hbm>>
    tpu.enqueue_indirect_dma source(%dma_start3A_1332 : memref<26000000xf32, #tpu.memory_space<hbm>>) target(%dma_start3A_1327 : memref<128xf32, #tpu.memory_space<vmem>>) offsets(%dma_start3A_1330 : memref<128xi32, #tpu.memory_space<vmem>>) semaphore(%arg16 : memref<!tpu.dma_semaphore, #tpu.memory_space<semaphore_mem>>)
    %dma_start3A_1333 = arith.constant 11 : i32
    %dma_start3A_1334 = arith.constant 0 : i32
    %dma_start3A_1335 = arith.constant 11 : i32
    %dma_start3A_1336 = arith.constant 0 : i32
    %dma_start3A_1337 = arith.constant 0 : i32
    %dma_start3A_1338 = tpu.memref_slice %arg9[%dma_start3A_1335, %dma_start3A_1336, %dma_start3A_1337] : memref<26x4x128xf32, #tpu.memory_space<vmem>> -> memref<1x1x128xf32, #tpu.memory_space<vmem>>
    %dma_start3A_1339 = tpu.memref_squeeze %dma_start3A_1338 : memref<1x1x128xf32, #tpu.memory_space<vmem>> -> memref<128xf32, #tpu.memory_space<vmem>>
    %dma_start3A_1340 = arith.constant 0 : i32
    %dma_start3A_1341 = tpu.memref_slice %arg8[%dma_start3A_1333, %dma_start3A_1334, %dma_start3A_1340] : memref<26x4x128xi32, #tpu.memory_space<vmem>> -> memref<1x1x128xi32, #tpu.memory_space<vmem>>
    %dma_start3A_1342 = tpu.memref_squeeze %dma_start3A_1341 : memref<1x1x128xi32, #tpu.memory_space<vmem>> -> memref<128xi32, #tpu.memory_space<vmem>>
    %dma_start3A_1343 = arith.constant 0 : i32
    %dma_start3A_1344 = tpu.memref_slice %arg4[%dma_start3A_1343] : memref<26000000xf32, #tpu.memory_space<hbm>> -> memref<26000000xf32, #tpu.memory_space<hbm>>
    tpu.enqueue_indirect_dma source(%dma_start3A_1344 : memref<26000000xf32, #tpu.memory_space<hbm>>) target(%dma_start3A_1339 : memref<128xf32, #tpu.memory_space<vmem>>) offsets(%dma_start3A_1342 : memref<128xi32, #tpu.memory_space<vmem>>) semaphore(%arg16 : memref<!tpu.dma_semaphore, #tpu.memory_space<semaphore_mem>>)
    %dma_start3A_1345 = arith.constant 11 : i32
    %dma_start3A_1346 = arith.constant 1 : i32
    %dma_start3A_1347 = arith.constant 11 : i32
    %dma_start3A_1348 = arith.constant 1 : i32
    %dma_start3A_1349 = arith.constant 0 : i32
    %dma_start3A_1350 = tpu.memref_slice %arg9[%dma_start3A_1347, %dma_start3A_1348, %dma_start3A_1349] : memref<26x4x128xf32, #tpu.memory_space<vmem>> -> memref<1x1x128xf32, #tpu.memory_space<vmem>>
    %dma_start3A_1351 = tpu.memref_squeeze %dma_start3A_1350 : memref<1x1x128xf32, #tpu.memory_space<vmem>> -> memref<128xf32, #tpu.memory_space<vmem>>
    %dma_start3A_1352 = arith.constant 0 : i32
    %dma_start3A_1353 = tpu.memref_slice %arg8[%dma_start3A_1345, %dma_start3A_1346, %dma_start3A_1352] : memref<26x4x128xi32, #tpu.memory_space<vmem>> -> memref<1x1x128xi32, #tpu.memory_space<vmem>>
    %dma_start3A_1354 = tpu.memref_squeeze %dma_start3A_1353 : memref<1x1x128xi32, #tpu.memory_space<vmem>> -> memref<128xi32, #tpu.memory_space<vmem>>
    %dma_start3A_1355 = arith.constant 0 : i32
    %dma_start3A_1356 = tpu.memref_slice %arg4[%dma_start3A_1355] : memref<26000000xf32, #tpu.memory_space<hbm>> -> memref<26000000xf32, #tpu.memory_space<hbm>>
    tpu.enqueue_indirect_dma source(%dma_start3A_1356 : memref<26000000xf32, #tpu.memory_space<hbm>>) target(%dma_start3A_1351 : memref<128xf32, #tpu.memory_space<vmem>>) offsets(%dma_start3A_1354 : memref<128xi32, #tpu.memory_space<vmem>>) semaphore(%arg16 : memref<!tpu.dma_semaphore, #tpu.memory_space<semaphore_mem>>)
    %dma_start3A_1357 = arith.constant 11 : i32
    %dma_start3A_1358 = arith.constant 2 : i32
    %dma_start3A_1359 = arith.constant 11 : i32
    %dma_start3A_1360 = arith.constant 2 : i32
    %dma_start3A_1361 = arith.constant 0 : i32
    %dma_start3A_1362 = tpu.memref_slice %arg9[%dma_start3A_1359, %dma_start3A_1360, %dma_start3A_1361] : memref<26x4x128xf32, #tpu.memory_space<vmem>> -> memref<1x1x128xf32, #tpu.memory_space<vmem>>
    %dma_start3A_1363 = tpu.memref_squeeze %dma_start3A_1362 : memref<1x1x128xf32, #tpu.memory_space<vmem>> -> memref<128xf32, #tpu.memory_space<vmem>>
    %dma_start3A_1364 = arith.constant 0 : i32
    %dma_start3A_1365 = tpu.memref_slice %arg8[%dma_start3A_1357, %dma_start3A_1358, %dma_start3A_1364] : memref<26x4x128xi32, #tpu.memory_space<vmem>> -> memref<1x1x128xi32, #tpu.memory_space<vmem>>
    %dma_start3A_1366 = tpu.memref_squeeze %dma_start3A_1365 : memref<1x1x128xi32, #tpu.memory_space<vmem>> -> memref<128xi32, #tpu.memory_space<vmem>>
    %dma_start3A_1367 = arith.constant 0 : i32
    %dma_start3A_1368 = tpu.memref_slice %arg4[%dma_start3A_1367] : memref<26000000xf32, #tpu.memory_space<hbm>> -> memref<26000000xf32, #tpu.memory_space<hbm>>
    tpu.enqueue_indirect_dma source(%dma_start3A_1368 : memref<26000000xf32, #tpu.memory_space<hbm>>) target(%dma_start3A_1363 : memref<128xf32, #tpu.memory_space<vmem>>) offsets(%dma_start3A_1366 : memref<128xi32, #tpu.memory_space<vmem>>) semaphore(%arg16 : memref<!tpu.dma_semaphore, #tpu.memory_space<semaphore_mem>>)
    %dma_start3A_1369 = arith.constant 11 : i32
    %dma_start3A_1370 = arith.constant 3 : i32
    %dma_start3A_1371 = arith.constant 11 : i32
    %dma_start3A_1372 = arith.constant 3 : i32
    %dma_start3A_1373 = arith.constant 0 : i32
    %dma_start3A_1374 = tpu.memref_slice %arg9[%dma_start3A_1371, %dma_start3A_1372, %dma_start3A_1373] : memref<26x4x128xf32, #tpu.memory_space<vmem>> -> memref<1x1x128xf32, #tpu.memory_space<vmem>>
    %dma_start3A_1375 = tpu.memref_squeeze %dma_start3A_1374 : memref<1x1x128xf32, #tpu.memory_space<vmem>> -> memref<128xf32, #tpu.memory_space<vmem>>
    %dma_start3A_1376 = arith.constant 0 : i32
    %dma_start3A_1377 = tpu.memref_slice %arg8[%dma_start3A_1369, %dma_start3A_1370, %dma_start3A_1376] : memref<26x4x128xi32, #tpu.memory_space<vmem>> -> memref<1x1x128xi32, #tpu.memory_space<vmem>>
    %dma_start3A_1378 = tpu.memref_squeeze %dma_start3A_1377 : memref<1x1x128xi32, #tpu.memory_space<vmem>> -> memref<128xi32, #tpu.memory_space<vmem>>
    %dma_start3A_1379 = arith.constant 0 : i32
    %dma_start3A_1380 = tpu.memref_slice %arg4[%dma_start3A_1379] : memref<26000000xf32, #tpu.memory_space<hbm>> -> memref<26000000xf32, #tpu.memory_space<hbm>>
    tpu.enqueue_indirect_dma source(%dma_start3A_1380 : memref<26000000xf32, #tpu.memory_space<hbm>>) target(%dma_start3A_1375 : memref<128xf32, #tpu.memory_space<vmem>>) offsets(%dma_start3A_1378 : memref<128xi32, #tpu.memory_space<vmem>>) semaphore(%arg16 : memref<!tpu.dma_semaphore, #tpu.memory_space<semaphore_mem>>)
    %dma_start3A_1381 = arith.constant 12 : i32
    %dma_start3A_1382 = arith.constant 0 : i32
    %dma_start3A_1383 = arith.constant 12 : i32
    %dma_start3A_1384 = arith.constant 0 : i32
    %dma_start3A_1385 = arith.constant 0 : i32
    %dma_start3A_1386 = tpu.memref_slice %arg9[%dma_start3A_1383, %dma_start3A_1384, %dma_start3A_1385] : memref<26x4x128xf32, #tpu.memory_space<vmem>> -> memref<1x1x128xf32, #tpu.memory_space<vmem>>
    %dma_start3A_1387 = tpu.memref_squeeze %dma_start3A_1386 : memref<1x1x128xf32, #tpu.memory_space<vmem>> -> memref<128xf32, #tpu.memory_space<vmem>>
    %dma_start3A_1388 = arith.constant 0 : i32
    %dma_start3A_1389 = tpu.memref_slice %arg8[%dma_start3A_1381, %dma_start3A_1382, %dma_start3A_1388] : memref<26x4x128xi32, #tpu.memory_space<vmem>> -> memref<1x1x128xi32, #tpu.memory_space<vmem>>
    %dma_start3A_1390 = tpu.memref_squeeze %dma_start3A_1389 : memref<1x1x128xi32, #tpu.memory_space<vmem>> -> memref<128xi32, #tpu.memory_space<vmem>>
    %dma_start3A_1391 = arith.constant 0 : i32
    %dma_start3A_1392 = tpu.memref_slice %arg4[%dma_start3A_1391] : memref<26000000xf32, #tpu.memory_space<hbm>> -> memref<26000000xf32, #tpu.memory_space<hbm>>
    tpu.enqueue_indirect_dma source(%dma_start3A_1392 : memref<26000000xf32, #tpu.memory_space<hbm>>) target(%dma_start3A_1387 : memref<128xf32, #tpu.memory_space<vmem>>) offsets(%dma_start3A_1390 : memref<128xi32, #tpu.memory_space<vmem>>) semaphore(%arg16 : memref<!tpu.dma_semaphore, #tpu.memory_space<semaphore_mem>>)
    %dma_start3A_1393 = arith.constant 12 : i32
    %dma_start3A_1394 = arith.constant 1 : i32
    %dma_start3A_1395 = arith.constant 12 : i32
    %dma_start3A_1396 = arith.constant 1 : i32
    %dma_start3A_1397 = arith.constant 0 : i32
    %dma_start3A_1398 = tpu.memref_slice %arg9[%dma_start3A_1395, %dma_start3A_1396, %dma_start3A_1397] : memref<26x4x128xf32, #tpu.memory_space<vmem>> -> memref<1x1x128xf32, #tpu.memory_space<vmem>>
    %dma_start3A_1399 = tpu.memref_squeeze %dma_start3A_1398 : memref<1x1x128xf32, #tpu.memory_space<vmem>> -> memref<128xf32, #tpu.memory_space<vmem>>
    %dma_start3A_1400 = arith.constant 0 : i32
    %dma_start3A_1401 = tpu.memref_slice %arg8[%dma_start3A_1393, %dma_start3A_1394, %dma_start3A_1400] : memref<26x4x128xi32, #tpu.memory_space<vmem>> -> memref<1x1x128xi32, #tpu.memory_space<vmem>>
    %dma_start3A_1402 = tpu.memref_squeeze %dma_start3A_1401 : memref<1x1x128xi32, #tpu.memory_space<vmem>> -> memref<128xi32, #tpu.memory_space<vmem>>
    %dma_start3A_1403 = arith.constant 0 : i32
    %dma_start3A_1404 = tpu.memref_slice %arg4[%dma_start3A_1403] : memref<26000000xf32, #tpu.memory_space<hbm>> -> memref<26000000xf32, #tpu.memory_space<hbm>>
    tpu.enqueue_indirect_dma source(%dma_start3A_1404 : memref<26000000xf32, #tpu.memory_space<hbm>>) target(%dma_start3A_1399 : memref<128xf32, #tpu.memory_space<vmem>>) offsets(%dma_start3A_1402 : memref<128xi32, #tpu.memory_space<vmem>>) semaphore(%arg16 : memref<!tpu.dma_semaphore, #tpu.memory_space<semaphore_mem>>)
    %dma_start3A_1405 = arith.constant 12 : i32
    %dma_start3A_1406 = arith.constant 2 : i32
    %dma_start3A_1407 = arith.constant 12 : i32
    %dma_start3A_1408 = arith.constant 2 : i32
    %dma_start3A_1409 = arith.constant 0 : i32
    %dma_start3A_1410 = tpu.memref_slice %arg9[%dma_start3A_1407, %dma_start3A_1408, %dma_start3A_1409] : memref<26x4x128xf32, #tpu.memory_space<vmem>> -> memref<1x1x128xf32, #tpu.memory_space<vmem>>
    %dma_start3A_1411 = tpu.memref_squeeze %dma_start3A_1410 : memref<1x1x128xf32, #tpu.memory_space<vmem>> -> memref<128xf32, #tpu.memory_space<vmem>>
    %dma_start3A_1412 = arith.constant 0 : i32
    %dma_start3A_1413 = tpu.memref_slice %arg8[%dma_start3A_1405, %dma_start3A_1406, %dma_start3A_1412] : memref<26x4x128xi32, #tpu.memory_space<vmem>> -> memref<1x1x128xi32, #tpu.memory_space<vmem>>
    %dma_start3A_1414 = tpu.memref_squeeze %dma_start3A_1413 : memref<1x1x128xi32, #tpu.memory_space<vmem>> -> memref<128xi32, #tpu.memory_space<vmem>>
    %dma_start3A_1415 = arith.constant 0 : i32
    %dma_start3A_1416 = tpu.memref_slice %arg4[%dma_start3A_1415] : memref<26000000xf32, #tpu.memory_space<hbm>> -> memref<26000000xf32, #tpu.memory_space<hbm>>
    tpu.enqueue_indirect_dma source(%dma_start3A_1416 : memref<26000000xf32, #tpu.memory_space<hbm>>) target(%dma_start3A_1411 : memref<128xf32, #tpu.memory_space<vmem>>) offsets(%dma_start3A_1414 : memref<128xi32, #tpu.memory_space<vmem>>) semaphore(%arg16 : memref<!tpu.dma_semaphore, #tpu.memory_space<semaphore_mem>>)
    %dma_start3A_1417 = arith.constant 12 : i32
    %dma_start3A_1418 = arith.constant 3 : i32
    %dma_start3A_1419 = arith.constant 12 : i32
    %dma_start3A_1420 = arith.constant 3 : i32
    %dma_start3A_1421 = arith.constant 0 : i32
    %dma_start3A_1422 = tpu.memref_slice %arg9[%dma_start3A_1419, %dma_start3A_1420, %dma_start3A_1421] : memref<26x4x128xf32, #tpu.memory_space<vmem>> -> memref<1x1x128xf32, #tpu.memory_space<vmem>>
    %dma_start3A_1423 = tpu.memref_squeeze %dma_start3A_1422 : memref<1x1x128xf32, #tpu.memory_space<vmem>> -> memref<128xf32, #tpu.memory_space<vmem>>
    %dma_start3A_1424 = arith.constant 0 : i32
    %dma_start3A_1425 = tpu.memref_slice %arg8[%dma_start3A_1417, %dma_start3A_1418, %dma_start3A_1424] : memref<26x4x128xi32, #tpu.memory_space<vmem>> -> memref<1x1x128xi32, #tpu.memory_space<vmem>>
    %dma_start3A_1426 = tpu.memref_squeeze %dma_start3A_1425 : memref<1x1x128xi32, #tpu.memory_space<vmem>> -> memref<128xi32, #tpu.memory_space<vmem>>
    %dma_start3A_1427 = arith.constant 0 : i32
    %dma_start3A_1428 = tpu.memref_slice %arg4[%dma_start3A_1427] : memref<26000000xf32, #tpu.memory_space<hbm>> -> memref<26000000xf32, #tpu.memory_space<hbm>>
    tpu.enqueue_indirect_dma source(%dma_start3A_1428 : memref<26000000xf32, #tpu.memory_space<hbm>>) target(%dma_start3A_1423 : memref<128xf32, #tpu.memory_space<vmem>>) offsets(%dma_start3A_1426 : memref<128xi32, #tpu.memory_space<vmem>>) semaphore(%arg16 : memref<!tpu.dma_semaphore, #tpu.memory_space<semaphore_mem>>)
    %dma_start3A_1429 = arith.constant 13 : i32
    %dma_start3A_1430 = arith.constant 0 : i32
    %dma_start3A_1431 = arith.constant 13 : i32
    %dma_start3A_1432 = arith.constant 0 : i32
    %dma_start3A_1433 = arith.constant 0 : i32
    %dma_start3A_1434 = tpu.memref_slice %arg9[%dma_start3A_1431, %dma_start3A_1432, %dma_start3A_1433] : memref<26x4x128xf32, #tpu.memory_space<vmem>> -> memref<1x1x128xf32, #tpu.memory_space<vmem>>
    %dma_start3A_1435 = tpu.memref_squeeze %dma_start3A_1434 : memref<1x1x128xf32, #tpu.memory_space<vmem>> -> memref<128xf32, #tpu.memory_space<vmem>>
    %dma_start3A_1436 = arith.constant 0 : i32
    %dma_start3A_1437 = tpu.memref_slice %arg8[%dma_start3A_1429, %dma_start3A_1430, %dma_start3A_1436] : memref<26x4x128xi32, #tpu.memory_space<vmem>> -> memref<1x1x128xi32, #tpu.memory_space<vmem>>
    %dma_start3A_1438 = tpu.memref_squeeze %dma_start3A_1437 : memref<1x1x128xi32, #tpu.memory_space<vmem>> -> memref<128xi32, #tpu.memory_space<vmem>>
    %dma_start3A_1439 = arith.constant 0 : i32
    %dma_start3A_1440 = tpu.memref_slice %arg4[%dma_start3A_1439] : memref<26000000xf32, #tpu.memory_space<hbm>> -> memref<26000000xf32, #tpu.memory_space<hbm>>
    tpu.enqueue_indirect_dma source(%dma_start3A_1440 : memref<26000000xf32, #tpu.memory_space<hbm>>) target(%dma_start3A_1435 : memref<128xf32, #tpu.memory_space<vmem>>) offsets(%dma_start3A_1438 : memref<128xi32, #tpu.memory_space<vmem>>) semaphore(%arg16 : memref<!tpu.dma_semaphore, #tpu.memory_space<semaphore_mem>>)
    %dma_start3A_1441 = arith.constant 13 : i32
    %dma_start3A_1442 = arith.constant 1 : i32
    %dma_start3A_1443 = arith.constant 13 : i32
    %dma_start3A_1444 = arith.constant 1 : i32
    %dma_start3A_1445 = arith.constant 0 : i32
    %dma_start3A_1446 = tpu.memref_slice %arg9[%dma_start3A_1443, %dma_start3A_1444, %dma_start3A_1445] : memref<26x4x128xf32, #tpu.memory_space<vmem>> -> memref<1x1x128xf32, #tpu.memory_space<vmem>>
    %dma_start3A_1447 = tpu.memref_squeeze %dma_start3A_1446 : memref<1x1x128xf32, #tpu.memory_space<vmem>> -> memref<128xf32, #tpu.memory_space<vmem>>
    %dma_start3A_1448 = arith.constant 0 : i32
    %dma_start3A_1449 = tpu.memref_slice %arg8[%dma_start3A_1441, %dma_start3A_1442, %dma_start3A_1448] : memref<26x4x128xi32, #tpu.memory_space<vmem>> -> memref<1x1x128xi32, #tpu.memory_space<vmem>>
    %dma_start3A_1450 = tpu.memref_squeeze %dma_start3A_1449 : memref<1x1x128xi32, #tpu.memory_space<vmem>> -> memref<128xi32, #tpu.memory_space<vmem>>
    %dma_start3A_1451 = arith.constant 0 : i32
    %dma_start3A_1452 = tpu.memref_slice %arg4[%dma_start3A_1451] : memref<26000000xf32, #tpu.memory_space<hbm>> -> memref<26000000xf32, #tpu.memory_space<hbm>>
    tpu.enqueue_indirect_dma source(%dma_start3A_1452 : memref<26000000xf32, #tpu.memory_space<hbm>>) target(%dma_start3A_1447 : memref<128xf32, #tpu.memory_space<vmem>>) offsets(%dma_start3A_1450 : memref<128xi32, #tpu.memory_space<vmem>>) semaphore(%arg16 : memref<!tpu.dma_semaphore, #tpu.memory_space<semaphore_mem>>)
    %dma_start3A_1453 = arith.constant 13 : i32
    %dma_start3A_1454 = arith.constant 2 : i32
    %dma_start3A_1455 = arith.constant 13 : i32
    %dma_start3A_1456 = arith.constant 2 : i32
    %dma_start3A_1457 = arith.constant 0 : i32
    %dma_start3A_1458 = tpu.memref_slice %arg9[%dma_start3A_1455, %dma_start3A_1456, %dma_start3A_1457] : memref<26x4x128xf32, #tpu.memory_space<vmem>> -> memref<1x1x128xf32, #tpu.memory_space<vmem>>
    %dma_start3A_1459 = tpu.memref_squeeze %dma_start3A_1458 : memref<1x1x128xf32, #tpu.memory_space<vmem>> -> memref<128xf32, #tpu.memory_space<vmem>>
    %dma_start3A_1460 = arith.constant 0 : i32
    %dma_start3A_1461 = tpu.memref_slice %arg8[%dma_start3A_1453, %dma_start3A_1454, %dma_start3A_1460] : memref<26x4x128xi32, #tpu.memory_space<vmem>> -> memref<1x1x128xi32, #tpu.memory_space<vmem>>
    %dma_start3A_1462 = tpu.memref_squeeze %dma_start3A_1461 : memref<1x1x128xi32, #tpu.memory_space<vmem>> -> memref<128xi32, #tpu.memory_space<vmem>>
    %dma_start3A_1463 = arith.constant 0 : i32
    %dma_start3A_1464 = tpu.memref_slice %arg4[%dma_start3A_1463] : memref<26000000xf32, #tpu.memory_space<hbm>> -> memref<26000000xf32, #tpu.memory_space<hbm>>
    tpu.enqueue_indirect_dma source(%dma_start3A_1464 : memref<26000000xf32, #tpu.memory_space<hbm>>) target(%dma_start3A_1459 : memref<128xf32, #tpu.memory_space<vmem>>) offsets(%dma_start3A_1462 : memref<128xi32, #tpu.memory_space<vmem>>) semaphore(%arg16 : memref<!tpu.dma_semaphore, #tpu.memory_space<semaphore_mem>>)
    %dma_start3A_1465 = arith.constant 13 : i32
    %dma_start3A_1466 = arith.constant 3 : i32
    %dma_start3A_1467 = arith.constant 13 : i32
    %dma_start3A_1468 = arith.constant 3 : i32
    %dma_start3A_1469 = arith.constant 0 : i32
    %dma_start3A_1470 = tpu.memref_slice %arg9[%dma_start3A_1467, %dma_start3A_1468, %dma_start3A_1469] : memref<26x4x128xf32, #tpu.memory_space<vmem>> -> memref<1x1x128xf32, #tpu.memory_space<vmem>>
    %dma_start3A_1471 = tpu.memref_squeeze %dma_start3A_1470 : memref<1x1x128xf32, #tpu.memory_space<vmem>> -> memref<128xf32, #tpu.memory_space<vmem>>
    %dma_start3A_1472 = arith.constant 0 : i32
    %dma_start3A_1473 = tpu.memref_slice %arg8[%dma_start3A_1465, %dma_start3A_1466, %dma_start3A_1472] : memref<26x4x128xi32, #tpu.memory_space<vmem>> -> memref<1x1x128xi32, #tpu.memory_space<vmem>>
    %dma_start3A_1474 = tpu.memref_squeeze %dma_start3A_1473 : memref<1x1x128xi32, #tpu.memory_space<vmem>> -> memref<128xi32, #tpu.memory_space<vmem>>
    %dma_start3A_1475 = arith.constant 0 : i32
    %dma_start3A_1476 = tpu.memref_slice %arg4[%dma_start3A_1475] : memref<26000000xf32, #tpu.memory_space<hbm>> -> memref<26000000xf32, #tpu.memory_space<hbm>>
    tpu.enqueue_indirect_dma source(%dma_start3A_1476 : memref<26000000xf32, #tpu.memory_space<hbm>>) target(%dma_start3A_1471 : memref<128xf32, #tpu.memory_space<vmem>>) offsets(%dma_start3A_1474 : memref<128xi32, #tpu.memory_space<vmem>>) semaphore(%arg16 : memref<!tpu.dma_semaphore, #tpu.memory_space<semaphore_mem>>)
    %dma_start3A_1477 = arith.constant 14 : i32
    %dma_start3A_1478 = arith.constant 0 : i32
    %dma_start3A_1479 = arith.constant 14 : i32
    %dma_start3A_1480 = arith.constant 0 : i32
    %dma_start3A_1481 = arith.constant 0 : i32
    %dma_start3A_1482 = tpu.memref_slice %arg9[%dma_start3A_1479, %dma_start3A_1480, %dma_start3A_1481] : memref<26x4x128xf32, #tpu.memory_space<vmem>> -> memref<1x1x128xf32, #tpu.memory_space<vmem>>
    %dma_start3A_1483 = tpu.memref_squeeze %dma_start3A_1482 : memref<1x1x128xf32, #tpu.memory_space<vmem>> -> memref<128xf32, #tpu.memory_space<vmem>>
    %dma_start3A_1484 = arith.constant 0 : i32
    %dma_start3A_1485 = tpu.memref_slice %arg8[%dma_start3A_1477, %dma_start3A_1478, %dma_start3A_1484] : memref<26x4x128xi32, #tpu.memory_space<vmem>> -> memref<1x1x128xi32, #tpu.memory_space<vmem>>
    %dma_start3A_1486 = tpu.memref_squeeze %dma_start3A_1485 : memref<1x1x128xi32, #tpu.memory_space<vmem>> -> memref<128xi32, #tpu.memory_space<vmem>>
    %dma_start3A_1487 = arith.constant 0 : i32
    %dma_start3A_1488 = tpu.memref_slice %arg4[%dma_start3A_1487] : memref<26000000xf32, #tpu.memory_space<hbm>> -> memref<26000000xf32, #tpu.memory_space<hbm>>
    tpu.enqueue_indirect_dma source(%dma_start3A_1488 : memref<26000000xf32, #tpu.memory_space<hbm>>) target(%dma_start3A_1483 : memref<128xf32, #tpu.memory_space<vmem>>) offsets(%dma_start3A_1486 : memref<128xi32, #tpu.memory_space<vmem>>) semaphore(%arg16 : memref<!tpu.dma_semaphore, #tpu.memory_space<semaphore_mem>>)
    %dma_start3A_1489 = arith.constant 14 : i32
    %dma_start3A_1490 = arith.constant 1 : i32
    %dma_start3A_1491 = arith.constant 14 : i32
    %dma_start3A_1492 = arith.constant 1 : i32
    %dma_start3A_1493 = arith.constant 0 : i32
    %dma_start3A_1494 = tpu.memref_slice %arg9[%dma_start3A_1491, %dma_start3A_1492, %dma_start3A_1493] : memref<26x4x128xf32, #tpu.memory_space<vmem>> -> memref<1x1x128xf32, #tpu.memory_space<vmem>>
    %dma_start3A_1495 = tpu.memref_squeeze %dma_start3A_1494 : memref<1x1x128xf32, #tpu.memory_space<vmem>> -> memref<128xf32, #tpu.memory_space<vmem>>
    %dma_start3A_1496 = arith.constant 0 : i32
    %dma_start3A_1497 = tpu.memref_slice %arg8[%dma_start3A_1489, %dma_start3A_1490, %dma_start3A_1496] : memref<26x4x128xi32, #tpu.memory_space<vmem>> -> memref<1x1x128xi32, #tpu.memory_space<vmem>>
    %dma_start3A_1498 = tpu.memref_squeeze %dma_start3A_1497 : memref<1x1x128xi32, #tpu.memory_space<vmem>> -> memref<128xi32, #tpu.memory_space<vmem>>
    %dma_start3A_1499 = arith.constant 0 : i32
    %dma_start3A_1500 = tpu.memref_slice %arg4[%dma_start3A_1499] : memref<26000000xf32, #tpu.memory_space<hbm>> -> memref<26000000xf32, #tpu.memory_space<hbm>>
    tpu.enqueue_indirect_dma source(%dma_start3A_1500 : memref<26000000xf32, #tpu.memory_space<hbm>>) target(%dma_start3A_1495 : memref<128xf32, #tpu.memory_space<vmem>>) offsets(%dma_start3A_1498 : memref<128xi32, #tpu.memory_space<vmem>>) semaphore(%arg16 : memref<!tpu.dma_semaphore, #tpu.memory_space<semaphore_mem>>)
    %dma_start3A_1501 = arith.constant 14 : i32
    %dma_start3A_1502 = arith.constant 2 : i32
    %dma_start3A_1503 = arith.constant 14 : i32
    %dma_start3A_1504 = arith.constant 2 : i32
    %dma_start3A_1505 = arith.constant 0 : i32
    %dma_start3A_1506 = tpu.memref_slice %arg9[%dma_start3A_1503, %dma_start3A_1504, %dma_start3A_1505] : memref<26x4x128xf32, #tpu.memory_space<vmem>> -> memref<1x1x128xf32, #tpu.memory_space<vmem>>
    %dma_start3A_1507 = tpu.memref_squeeze %dma_start3A_1506 : memref<1x1x128xf32, #tpu.memory_space<vmem>> -> memref<128xf32, #tpu.memory_space<vmem>>
    %dma_start3A_1508 = arith.constant 0 : i32
    %dma_start3A_1509 = tpu.memref_slice %arg8[%dma_start3A_1501, %dma_start3A_1502, %dma_start3A_1508] : memref<26x4x128xi32, #tpu.memory_space<vmem>> -> memref<1x1x128xi32, #tpu.memory_space<vmem>>
    %dma_start3A_1510 = tpu.memref_squeeze %dma_start3A_1509 : memref<1x1x128xi32, #tpu.memory_space<vmem>> -> memref<128xi32, #tpu.memory_space<vmem>>
    %dma_start3A_1511 = arith.constant 0 : i32
    %dma_start3A_1512 = tpu.memref_slice %arg4[%dma_start3A_1511] : memref<26000000xf32, #tpu.memory_space<hbm>> -> memref<26000000xf32, #tpu.memory_space<hbm>>
    tpu.enqueue_indirect_dma source(%dma_start3A_1512 : memref<26000000xf32, #tpu.memory_space<hbm>>) target(%dma_start3A_1507 : memref<128xf32, #tpu.memory_space<vmem>>) offsets(%dma_start3A_1510 : memref<128xi32, #tpu.memory_space<vmem>>) semaphore(%arg16 : memref<!tpu.dma_semaphore, #tpu.memory_space<semaphore_mem>>)
    %dma_start3A_1513 = arith.constant 14 : i32
    %dma_start3A_1514 = arith.constant 3 : i32
    %dma_start3A_1515 = arith.constant 14 : i32
    %dma_start3A_1516 = arith.constant 3 : i32
    %dma_start3A_1517 = arith.constant 0 : i32
    %dma_start3A_1518 = tpu.memref_slice %arg9[%dma_start3A_1515, %dma_start3A_1516, %dma_start3A_1517] : memref<26x4x128xf32, #tpu.memory_space<vmem>> -> memref<1x1x128xf32, #tpu.memory_space<vmem>>
    %dma_start3A_1519 = tpu.memref_squeeze %dma_start3A_1518 : memref<1x1x128xf32, #tpu.memory_space<vmem>> -> memref<128xf32, #tpu.memory_space<vmem>>
    %dma_start3A_1520 = arith.constant 0 : i32
    %dma_start3A_1521 = tpu.memref_slice %arg8[%dma_start3A_1513, %dma_start3A_1514, %dma_start3A_1520] : memref<26x4x128xi32, #tpu.memory_space<vmem>> -> memref<1x1x128xi32, #tpu.memory_space<vmem>>
    %dma_start3A_1522 = tpu.memref_squeeze %dma_start3A_1521 : memref<1x1x128xi32, #tpu.memory_space<vmem>> -> memref<128xi32, #tpu.memory_space<vmem>>
    %dma_start3A_1523 = arith.constant 0 : i32
    %dma_start3A_1524 = tpu.memref_slice %arg4[%dma_start3A_1523] : memref<26000000xf32, #tpu.memory_space<hbm>> -> memref<26000000xf32, #tpu.memory_space<hbm>>
    tpu.enqueue_indirect_dma source(%dma_start3A_1524 : memref<26000000xf32, #tpu.memory_space<hbm>>) target(%dma_start3A_1519 : memref<128xf32, #tpu.memory_space<vmem>>) offsets(%dma_start3A_1522 : memref<128xi32, #tpu.memory_space<vmem>>) semaphore(%arg16 : memref<!tpu.dma_semaphore, #tpu.memory_space<semaphore_mem>>)
    %dma_start3A_1525 = arith.constant 15 : i32
    %dma_start3A_1526 = arith.constant 0 : i32
    %dma_start3A_1527 = arith.constant 15 : i32
    %dma_start3A_1528 = arith.constant 0 : i32
    %dma_start3A_1529 = arith.constant 0 : i32
    %dma_start3A_1530 = tpu.memref_slice %arg9[%dma_start3A_1527, %dma_start3A_1528, %dma_start3A_1529] : memref<26x4x128xf32, #tpu.memory_space<vmem>> -> memref<1x1x128xf32, #tpu.memory_space<vmem>>
    %dma_start3A_1531 = tpu.memref_squeeze %dma_start3A_1530 : memref<1x1x128xf32, #tpu.memory_space<vmem>> -> memref<128xf32, #tpu.memory_space<vmem>>
    %dma_start3A_1532 = arith.constant 0 : i32
    %dma_start3A_1533 = tpu.memref_slice %arg8[%dma_start3A_1525, %dma_start3A_1526, %dma_start3A_1532] : memref<26x4x128xi32, #tpu.memory_space<vmem>> -> memref<1x1x128xi32, #tpu.memory_space<vmem>>
    %dma_start3A_1534 = tpu.memref_squeeze %dma_start3A_1533 : memref<1x1x128xi32, #tpu.memory_space<vmem>> -> memref<128xi32, #tpu.memory_space<vmem>>
    %dma_start3A_1535 = arith.constant 0 : i32
    %dma_start3A_1536 = tpu.memref_slice %arg4[%dma_start3A_1535] : memref<26000000xf32, #tpu.memory_space<hbm>> -> memref<26000000xf32, #tpu.memory_space<hbm>>
    tpu.enqueue_indirect_dma source(%dma_start3A_1536 : memref<26000000xf32, #tpu.memory_space<hbm>>) target(%dma_start3A_1531 : memref<128xf32, #tpu.memory_space<vmem>>) offsets(%dma_start3A_1534 : memref<128xi32, #tpu.memory_space<vmem>>) semaphore(%arg16 : memref<!tpu.dma_semaphore, #tpu.memory_space<semaphore_mem>>)
    %dma_start3A_1537 = arith.constant 15 : i32
    %dma_start3A_1538 = arith.constant 1 : i32
    %dma_start3A_1539 = arith.constant 15 : i32
    %dma_start3A_1540 = arith.constant 1 : i32
    %dma_start3A_1541 = arith.constant 0 : i32
    %dma_start3A_1542 = tpu.memref_slice %arg9[%dma_start3A_1539, %dma_start3A_1540, %dma_start3A_1541] : memref<26x4x128xf32, #tpu.memory_space<vmem>> -> memref<1x1x128xf32, #tpu.memory_space<vmem>>
    %dma_start3A_1543 = tpu.memref_squeeze %dma_start3A_1542 : memref<1x1x128xf32, #tpu.memory_space<vmem>> -> memref<128xf32, #tpu.memory_space<vmem>>
    %dma_start3A_1544 = arith.constant 0 : i32
    %dma_start3A_1545 = tpu.memref_slice %arg8[%dma_start3A_1537, %dma_start3A_1538, %dma_start3A_1544] : memref<26x4x128xi32, #tpu.memory_space<vmem>> -> memref<1x1x128xi32, #tpu.memory_space<vmem>>
    %dma_start3A_1546 = tpu.memref_squeeze %dma_start3A_1545 : memref<1x1x128xi32, #tpu.memory_space<vmem>> -> memref<128xi32, #tpu.memory_space<vmem>>
    %dma_start3A_1547 = arith.constant 0 : i32
    %dma_start3A_1548 = tpu.memref_slice %arg4[%dma_start3A_1547] : memref<26000000xf32, #tpu.memory_space<hbm>> -> memref<26000000xf32, #tpu.memory_space<hbm>>
    tpu.enqueue_indirect_dma source(%dma_start3A_1548 : memref<26000000xf32, #tpu.memory_space<hbm>>) target(%dma_start3A_1543 : memref<128xf32, #tpu.memory_space<vmem>>) offsets(%dma_start3A_1546 : memref<128xi32, #tpu.memory_space<vmem>>) semaphore(%arg16 : memref<!tpu.dma_semaphore, #tpu.memory_space<semaphore_mem>>)
    %dma_start3A_1549 = arith.constant 15 : i32
    %dma_start3A_1550 = arith.constant 2 : i32
    %dma_start3A_1551 = arith.constant 15 : i32
    %dma_start3A_1552 = arith.constant 2 : i32
    %dma_start3A_1553 = arith.constant 0 : i32
    %dma_start3A_1554 = tpu.memref_slice %arg9[%dma_start3A_1551, %dma_start3A_1552, %dma_start3A_1553] : memref<26x4x128xf32, #tpu.memory_space<vmem>> -> memref<1x1x128xf32, #tpu.memory_space<vmem>>
    %dma_start3A_1555 = tpu.memref_squeeze %dma_start3A_1554 : memref<1x1x128xf32, #tpu.memory_space<vmem>> -> memref<128xf32, #tpu.memory_space<vmem>>
    %dma_start3A_1556 = arith.constant 0 : i32
    %dma_start3A_1557 = tpu.memref_slice %arg8[%dma_start3A_1549, %dma_start3A_1550, %dma_start3A_1556] : memref<26x4x128xi32, #tpu.memory_space<vmem>> -> memref<1x1x128xi32, #tpu.memory_space<vmem>>
    %dma_start3A_1558 = tpu.memref_squeeze %dma_start3A_1557 : memref<1x1x128xi32, #tpu.memory_space<vmem>> -> memref<128xi32, #tpu.memory_space<vmem>>
    %dma_start3A_1559 = arith.constant 0 : i32
    %dma_start3A_1560 = tpu.memref_slice %arg4[%dma_start3A_1559] : memref<26000000xf32, #tpu.memory_space<hbm>> -> memref<26000000xf32, #tpu.memory_space<hbm>>
    tpu.enqueue_indirect_dma source(%dma_start3A_1560 : memref<26000000xf32, #tpu.memory_space<hbm>>) target(%dma_start3A_1555 : memref<128xf32, #tpu.memory_space<vmem>>) offsets(%dma_start3A_1558 : memref<128xi32, #tpu.memory_space<vmem>>) semaphore(%arg16 : memref<!tpu.dma_semaphore, #tpu.memory_space<semaphore_mem>>)
    %dma_start3A_1561 = arith.constant 15 : i32
    %dma_start3A_1562 = arith.constant 3 : i32
    %dma_start3A_1563 = arith.constant 15 : i32
    %dma_start3A_1564 = arith.constant 3 : i32
    %dma_start3A_1565 = arith.constant 0 : i32
    %dma_start3A_1566 = tpu.memref_slice %arg9[%dma_start3A_1563, %dma_start3A_1564, %dma_start3A_1565] : memref<26x4x128xf32, #tpu.memory_space<vmem>> -> memref<1x1x128xf32, #tpu.memory_space<vmem>>
    %dma_start3A_1567 = tpu.memref_squeeze %dma_start3A_1566 : memref<1x1x128xf32, #tpu.memory_space<vmem>> -> memref<128xf32, #tpu.memory_space<vmem>>
    %dma_start3A_1568 = arith.constant 0 : i32
    %dma_start3A_1569 = tpu.memref_slice %arg8[%dma_start3A_1561, %dma_start3A_1562, %dma_start3A_1568] : memref<26x4x128xi32, #tpu.memory_space<vmem>> -> memref<1x1x128xi32, #tpu.memory_space<vmem>>
    %dma_start3A_1570 = tpu.memref_squeeze %dma_start3A_1569 : memref<1x1x128xi32, #tpu.memory_space<vmem>> -> memref<128xi32, #tpu.memory_space<vmem>>
    %dma_start3A_1571 = arith.constant 0 : i32
    %dma_start3A_1572 = tpu.memref_slice %arg4[%dma_start3A_1571] : memref<26000000xf32, #tpu.memory_space<hbm>> -> memref<26000000xf32, #tpu.memory_space<hbm>>
    tpu.enqueue_indirect_dma source(%dma_start3A_1572 : memref<26000000xf32, #tpu.memory_space<hbm>>) target(%dma_start3A_1567 : memref<128xf32, #tpu.memory_space<vmem>>) offsets(%dma_start3A_1570 : memref<128xi32, #tpu.memory_space<vmem>>) semaphore(%arg16 : memref<!tpu.dma_semaphore, #tpu.memory_space<semaphore_mem>>)
    %dma_start3A_1573 = arith.constant 16 : i32
    %dma_start3A_1574 = arith.constant 0 : i32
    %dma_start3A_1575 = arith.constant 16 : i32
    %dma_start3A_1576 = arith.constant 0 : i32
    %dma_start3A_1577 = arith.constant 0 : i32
    %dma_start3A_1578 = tpu.memref_slice %arg9[%dma_start3A_1575, %dma_start3A_1576, %dma_start3A_1577] : memref<26x4x128xf32, #tpu.memory_space<vmem>> -> memref<1x1x128xf32, #tpu.memory_space<vmem>>
    %dma_start3A_1579 = tpu.memref_squeeze %dma_start3A_1578 : memref<1x1x128xf32, #tpu.memory_space<vmem>> -> memref<128xf32, #tpu.memory_space<vmem>>
    %dma_start3A_1580 = arith.constant 0 : i32
    %dma_start3A_1581 = tpu.memref_slice %arg8[%dma_start3A_1573, %dma_start3A_1574, %dma_start3A_1580] : memref<26x4x128xi32, #tpu.memory_space<vmem>> -> memref<1x1x128xi32, #tpu.memory_space<vmem>>
    %dma_start3A_1582 = tpu.memref_squeeze %dma_start3A_1581 : memref<1x1x128xi32, #tpu.memory_space<vmem>> -> memref<128xi32, #tpu.memory_space<vmem>>
    %dma_start3A_1583 = arith.constant 0 : i32
    %dma_start3A_1584 = tpu.memref_slice %arg4[%dma_start3A_1583] : memref<26000000xf32, #tpu.memory_space<hbm>> -> memref<26000000xf32, #tpu.memory_space<hbm>>
    tpu.enqueue_indirect_dma source(%dma_start3A_1584 : memref<26000000xf32, #tpu.memory_space<hbm>>) target(%dma_start3A_1579 : memref<128xf32, #tpu.memory_space<vmem>>) offsets(%dma_start3A_1582 : memref<128xi32, #tpu.memory_space<vmem>>) semaphore(%arg16 : memref<!tpu.dma_semaphore, #tpu.memory_space<semaphore_mem>>)
    %dma_start3A_1585 = arith.constant 16 : i32
    %dma_start3A_1586 = arith.constant 1 : i32
    %dma_start3A_1587 = arith.constant 16 : i32
    %dma_start3A_1588 = arith.constant 1 : i32
    %dma_start3A_1589 = arith.constant 0 : i32
    %dma_start3A_1590 = tpu.memref_slice %arg9[%dma_start3A_1587, %dma_start3A_1588, %dma_start3A_1589] : memref<26x4x128xf32, #tpu.memory_space<vmem>> -> memref<1x1x128xf32, #tpu.memory_space<vmem>>
    %dma_start3A_1591 = tpu.memref_squeeze %dma_start3A_1590 : memref<1x1x128xf32, #tpu.memory_space<vmem>> -> memref<128xf32, #tpu.memory_space<vmem>>
    %dma_start3A_1592 = arith.constant 0 : i32
    %dma_start3A_1593 = tpu.memref_slice %arg8[%dma_start3A_1585, %dma_start3A_1586, %dma_start3A_1592] : memref<26x4x128xi32, #tpu.memory_space<vmem>> -> memref<1x1x128xi32, #tpu.memory_space<vmem>>
    %dma_start3A_1594 = tpu.memref_squeeze %dma_start3A_1593 : memref<1x1x128xi32, #tpu.memory_space<vmem>> -> memref<128xi32, #tpu.memory_space<vmem>>
    %dma_start3A_1595 = arith.constant 0 : i32
    %dma_start3A_1596 = tpu.memref_slice %arg4[%dma_start3A_1595] : memref<26000000xf32, #tpu.memory_space<hbm>> -> memref<26000000xf32, #tpu.memory_space<hbm>>
    tpu.enqueue_indirect_dma source(%dma_start3A_1596 : memref<26000000xf32, #tpu.memory_space<hbm>>) target(%dma_start3A_1591 : memref<128xf32, #tpu.memory_space<vmem>>) offsets(%dma_start3A_1594 : memref<128xi32, #tpu.memory_space<vmem>>) semaphore(%arg16 : memref<!tpu.dma_semaphore, #tpu.memory_space<semaphore_mem>>)
    %dma_start3A_1597 = arith.constant 16 : i32
    %dma_start3A_1598 = arith.constant 2 : i32
    %dma_start3A_1599 = arith.constant 16 : i32
    %dma_start3A_1600 = arith.constant 2 : i32
    %dma_start3A_1601 = arith.constant 0 : i32
    %dma_start3A_1602 = tpu.memref_slice %arg9[%dma_start3A_1599, %dma_start3A_1600, %dma_start3A_1601] : memref<26x4x128xf32, #tpu.memory_space<vmem>> -> memref<1x1x128xf32, #tpu.memory_space<vmem>>
    %dma_start3A_1603 = tpu.memref_squeeze %dma_start3A_1602 : memref<1x1x128xf32, #tpu.memory_space<vmem>> -> memref<128xf32, #tpu.memory_space<vmem>>
    %dma_start3A_1604 = arith.constant 0 : i32
    %dma_start3A_1605 = tpu.memref_slice %arg8[%dma_start3A_1597, %dma_start3A_1598, %dma_start3A_1604] : memref<26x4x128xi32, #tpu.memory_space<vmem>> -> memref<1x1x128xi32, #tpu.memory_space<vmem>>
    %dma_start3A_1606 = tpu.memref_squeeze %dma_start3A_1605 : memref<1x1x128xi32, #tpu.memory_space<vmem>> -> memref<128xi32, #tpu.memory_space<vmem>>
    %dma_start3A_1607 = arith.constant 0 : i32
    %dma_start3A_1608 = tpu.memref_slice %arg4[%dma_start3A_1607] : memref<26000000xf32, #tpu.memory_space<hbm>> -> memref<26000000xf32, #tpu.memory_space<hbm>>
    tpu.enqueue_indirect_dma source(%dma_start3A_1608 : memref<26000000xf32, #tpu.memory_space<hbm>>) target(%dma_start3A_1603 : memref<128xf32, #tpu.memory_space<vmem>>) offsets(%dma_start3A_1606 : memref<128xi32, #tpu.memory_space<vmem>>) semaphore(%arg16 : memref<!tpu.dma_semaphore, #tpu.memory_space<semaphore_mem>>)
    %dma_start3A_1609 = arith.constant 16 : i32
    %dma_start3A_1610 = arith.constant 3 : i32
    %dma_start3A_1611 = arith.constant 16 : i32
    %dma_start3A_1612 = arith.constant 3 : i32
    %dma_start3A_1613 = arith.constant 0 : i32
    %dma_start3A_1614 = tpu.memref_slice %arg9[%dma_start3A_1611, %dma_start3A_1612, %dma_start3A_1613] : memref<26x4x128xf32, #tpu.memory_space<vmem>> -> memref<1x1x128xf32, #tpu.memory_space<vmem>>
    %dma_start3A_1615 = tpu.memref_squeeze %dma_start3A_1614 : memref<1x1x128xf32, #tpu.memory_space<vmem>> -> memref<128xf32, #tpu.memory_space<vmem>>
    %dma_start3A_1616 = arith.constant 0 : i32
    %dma_start3A_1617 = tpu.memref_slice %arg8[%dma_start3A_1609, %dma_start3A_1610, %dma_start3A_1616] : memref<26x4x128xi32, #tpu.memory_space<vmem>> -> memref<1x1x128xi32, #tpu.memory_space<vmem>>
    %dma_start3A_1618 = tpu.memref_squeeze %dma_start3A_1617 : memref<1x1x128xi32, #tpu.memory_space<vmem>> -> memref<128xi32, #tpu.memory_space<vmem>>
    %dma_start3A_1619 = arith.constant 0 : i32
    %dma_start3A_1620 = tpu.memref_slice %arg4[%dma_start3A_1619] : memref<26000000xf32, #tpu.memory_space<hbm>> -> memref<26000000xf32, #tpu.memory_space<hbm>>
    tpu.enqueue_indirect_dma source(%dma_start3A_1620 : memref<26000000xf32, #tpu.memory_space<hbm>>) target(%dma_start3A_1615 : memref<128xf32, #tpu.memory_space<vmem>>) offsets(%dma_start3A_1618 : memref<128xi32, #tpu.memory_space<vmem>>) semaphore(%arg16 : memref<!tpu.dma_semaphore, #tpu.memory_space<semaphore_mem>>)
    %dma_start3A_1621 = arith.constant 17 : i32
    %dma_start3A_1622 = arith.constant 0 : i32
    %dma_start3A_1623 = arith.constant 17 : i32
    %dma_start3A_1624 = arith.constant 0 : i32
    %dma_start3A_1625 = arith.constant 0 : i32
    %dma_start3A_1626 = tpu.memref_slice %arg9[%dma_start3A_1623, %dma_start3A_1624, %dma_start3A_1625] : memref<26x4x128xf32, #tpu.memory_space<vmem>> -> memref<1x1x128xf32, #tpu.memory_space<vmem>>
    %dma_start3A_1627 = tpu.memref_squeeze %dma_start3A_1626 : memref<1x1x128xf32, #tpu.memory_space<vmem>> -> memref<128xf32, #tpu.memory_space<vmem>>
    %dma_start3A_1628 = arith.constant 0 : i32
    %dma_start3A_1629 = tpu.memref_slice %arg8[%dma_start3A_1621, %dma_start3A_1622, %dma_start3A_1628] : memref<26x4x128xi32, #tpu.memory_space<vmem>> -> memref<1x1x128xi32, #tpu.memory_space<vmem>>
    %dma_start3A_1630 = tpu.memref_squeeze %dma_start3A_1629 : memref<1x1x128xi32, #tpu.memory_space<vmem>> -> memref<128xi32, #tpu.memory_space<vmem>>
    %dma_start3A_1631 = arith.constant 0 : i32
    %dma_start3A_1632 = tpu.memref_slice %arg4[%dma_start3A_1631] : memref<26000000xf32, #tpu.memory_space<hbm>> -> memref<26000000xf32, #tpu.memory_space<hbm>>
    tpu.enqueue_indirect_dma source(%dma_start3A_1632 : memref<26000000xf32, #tpu.memory_space<hbm>>) target(%dma_start3A_1627 : memref<128xf32, #tpu.memory_space<vmem>>) offsets(%dma_start3A_1630 : memref<128xi32, #tpu.memory_space<vmem>>) semaphore(%arg16 : memref<!tpu.dma_semaphore, #tpu.memory_space<semaphore_mem>>)
    %dma_start3A_1633 = arith.constant 17 : i32
    %dma_start3A_1634 = arith.constant 1 : i32
    %dma_start3A_1635 = arith.constant 17 : i32
    %dma_start3A_1636 = arith.constant 1 : i32
    %dma_start3A_1637 = arith.constant 0 : i32
    %dma_start3A_1638 = tpu.memref_slice %arg9[%dma_start3A_1635, %dma_start3A_1636, %dma_start3A_1637] : memref<26x4x128xf32, #tpu.memory_space<vmem>> -> memref<1x1x128xf32, #tpu.memory_space<vmem>>
    %dma_start3A_1639 = tpu.memref_squeeze %dma_start3A_1638 : memref<1x1x128xf32, #tpu.memory_space<vmem>> -> memref<128xf32, #tpu.memory_space<vmem>>
    %dma_start3A_1640 = arith.constant 0 : i32
    %dma_start3A_1641 = tpu.memref_slice %arg8[%dma_start3A_1633, %dma_start3A_1634, %dma_start3A_1640] : memref<26x4x128xi32, #tpu.memory_space<vmem>> -> memref<1x1x128xi32, #tpu.memory_space<vmem>>
    %dma_start3A_1642 = tpu.memref_squeeze %dma_start3A_1641 : memref<1x1x128xi32, #tpu.memory_space<vmem>> -> memref<128xi32, #tpu.memory_space<vmem>>
    %dma_start3A_1643 = arith.constant 0 : i32
    %dma_start3A_1644 = tpu.memref_slice %arg4[%dma_start3A_1643] : memref<26000000xf32, #tpu.memory_space<hbm>> -> memref<26000000xf32, #tpu.memory_space<hbm>>
    tpu.enqueue_indirect_dma source(%dma_start3A_1644 : memref<26000000xf32, #tpu.memory_space<hbm>>) target(%dma_start3A_1639 : memref<128xf32, #tpu.memory_space<vmem>>) offsets(%dma_start3A_1642 : memref<128xi32, #tpu.memory_space<vmem>>) semaphore(%arg16 : memref<!tpu.dma_semaphore, #tpu.memory_space<semaphore_mem>>)
    %dma_start3A_1645 = arith.constant 17 : i32
    %dma_start3A_1646 = arith.constant 2 : i32
    %dma_start3A_1647 = arith.constant 17 : i32
    %dma_start3A_1648 = arith.constant 2 : i32
    %dma_start3A_1649 = arith.constant 0 : i32
    %dma_start3A_1650 = tpu.memref_slice %arg9[%dma_start3A_1647, %dma_start3A_1648, %dma_start3A_1649] : memref<26x4x128xf32, #tpu.memory_space<vmem>> -> memref<1x1x128xf32, #tpu.memory_space<vmem>>
    %dma_start3A_1651 = tpu.memref_squeeze %dma_start3A_1650 : memref<1x1x128xf32, #tpu.memory_space<vmem>> -> memref<128xf32, #tpu.memory_space<vmem>>
    %dma_start3A_1652 = arith.constant 0 : i32
    %dma_start3A_1653 = tpu.memref_slice %arg8[%dma_start3A_1645, %dma_start3A_1646, %dma_start3A_1652] : memref<26x4x128xi32, #tpu.memory_space<vmem>> -> memref<1x1x128xi32, #tpu.memory_space<vmem>>
    %dma_start3A_1654 = tpu.memref_squeeze %dma_start3A_1653 : memref<1x1x128xi32, #tpu.memory_space<vmem>> -> memref<128xi32, #tpu.memory_space<vmem>>
    %dma_start3A_1655 = arith.constant 0 : i32
    %dma_start3A_1656 = tpu.memref_slice %arg4[%dma_start3A_1655] : memref<26000000xf32, #tpu.memory_space<hbm>> -> memref<26000000xf32, #tpu.memory_space<hbm>>
    tpu.enqueue_indirect_dma source(%dma_start3A_1656 : memref<26000000xf32, #tpu.memory_space<hbm>>) target(%dma_start3A_1651 : memref<128xf32, #tpu.memory_space<vmem>>) offsets(%dma_start3A_1654 : memref<128xi32, #tpu.memory_space<vmem>>) semaphore(%arg16 : memref<!tpu.dma_semaphore, #tpu.memory_space<semaphore_mem>>)
    %dma_start3A_1657 = arith.constant 17 : i32
    %dma_start3A_1658 = arith.constant 3 : i32
    %dma_start3A_1659 = arith.constant 17 : i32
    %dma_start3A_1660 = arith.constant 3 : i32
    %dma_start3A_1661 = arith.constant 0 : i32
    %dma_start3A_1662 = tpu.memref_slice %arg9[%dma_start3A_1659, %dma_start3A_1660, %dma_start3A_1661] : memref<26x4x128xf32, #tpu.memory_space<vmem>> -> memref<1x1x128xf32, #tpu.memory_space<vmem>>
    %dma_start3A_1663 = tpu.memref_squeeze %dma_start3A_1662 : memref<1x1x128xf32, #tpu.memory_space<vmem>> -> memref<128xf32, #tpu.memory_space<vmem>>
    %dma_start3A_1664 = arith.constant 0 : i32
    %dma_start3A_1665 = tpu.memref_slice %arg8[%dma_start3A_1657, %dma_start3A_1658, %dma_start3A_1664] : memref<26x4x128xi32, #tpu.memory_space<vmem>> -> memref<1x1x128xi32, #tpu.memory_space<vmem>>
    %dma_start3A_1666 = tpu.memref_squeeze %dma_start3A_1665 : memref<1x1x128xi32, #tpu.memory_space<vmem>> -> memref<128xi32, #tpu.memory_space<vmem>>
    %dma_start3A_1667 = arith.constant 0 : i32
    %dma_start3A_1668 = tpu.memref_slice %arg4[%dma_start3A_1667] : memref<26000000xf32, #tpu.memory_space<hbm>> -> memref<26000000xf32, #tpu.memory_space<hbm>>
    tpu.enqueue_indirect_dma source(%dma_start3A_1668 : memref<26000000xf32, #tpu.memory_space<hbm>>) target(%dma_start3A_1663 : memref<128xf32, #tpu.memory_space<vmem>>) offsets(%dma_start3A_1666 : memref<128xi32, #tpu.memory_space<vmem>>) semaphore(%arg16 : memref<!tpu.dma_semaphore, #tpu.memory_space<semaphore_mem>>)
    %dma_start3A_1669 = arith.constant 18 : i32
    %dma_start3A_1670 = arith.constant 0 : i32
    %dma_start3A_1671 = arith.constant 18 : i32
    %dma_start3A_1672 = arith.constant 0 : i32
    %dma_start3A_1673 = arith.constant 0 : i32
    %dma_start3A_1674 = tpu.memref_slice %arg9[%dma_start3A_1671, %dma_start3A_1672, %dma_start3A_1673] : memref<26x4x128xf32, #tpu.memory_space<vmem>> -> memref<1x1x128xf32, #tpu.memory_space<vmem>>
    %dma_start3A_1675 = tpu.memref_squeeze %dma_start3A_1674 : memref<1x1x128xf32, #tpu.memory_space<vmem>> -> memref<128xf32, #tpu.memory_space<vmem>>
    %dma_start3A_1676 = arith.constant 0 : i32
    %dma_start3A_1677 = tpu.memref_slice %arg8[%dma_start3A_1669, %dma_start3A_1670, %dma_start3A_1676] : memref<26x4x128xi32, #tpu.memory_space<vmem>> -> memref<1x1x128xi32, #tpu.memory_space<vmem>>
    %dma_start3A_1678 = tpu.memref_squeeze %dma_start3A_1677 : memref<1x1x128xi32, #tpu.memory_space<vmem>> -> memref<128xi32, #tpu.memory_space<vmem>>
    %dma_start3A_1679 = arith.constant 0 : i32
    %dma_start3A_1680 = tpu.memref_slice %arg4[%dma_start3A_1679] : memref<26000000xf32, #tpu.memory_space<hbm>> -> memref<26000000xf32, #tpu.memory_space<hbm>>
    tpu.enqueue_indirect_dma source(%dma_start3A_1680 : memref<26000000xf32, #tpu.memory_space<hbm>>) target(%dma_start3A_1675 : memref<128xf32, #tpu.memory_space<vmem>>) offsets(%dma_start3A_1678 : memref<128xi32, #tpu.memory_space<vmem>>) semaphore(%arg16 : memref<!tpu.dma_semaphore, #tpu.memory_space<semaphore_mem>>)
    %dma_start3A_1681 = arith.constant 18 : i32
    %dma_start3A_1682 = arith.constant 1 : i32
    %dma_start3A_1683 = arith.constant 18 : i32
    %dma_start3A_1684 = arith.constant 1 : i32
    %dma_start3A_1685 = arith.constant 0 : i32
    %dma_start3A_1686 = tpu.memref_slice %arg9[%dma_start3A_1683, %dma_start3A_1684, %dma_start3A_1685] : memref<26x4x128xf32, #tpu.memory_space<vmem>> -> memref<1x1x128xf32, #tpu.memory_space<vmem>>
    %dma_start3A_1687 = tpu.memref_squeeze %dma_start3A_1686 : memref<1x1x128xf32, #tpu.memory_space<vmem>> -> memref<128xf32, #tpu.memory_space<vmem>>
    %dma_start3A_1688 = arith.constant 0 : i32
    %dma_start3A_1689 = tpu.memref_slice %arg8[%dma_start3A_1681, %dma_start3A_1682, %dma_start3A_1688] : memref<26x4x128xi32, #tpu.memory_space<vmem>> -> memref<1x1x128xi32, #tpu.memory_space<vmem>>
    %dma_start3A_1690 = tpu.memref_squeeze %dma_start3A_1689 : memref<1x1x128xi32, #tpu.memory_space<vmem>> -> memref<128xi32, #tpu.memory_space<vmem>>
    %dma_start3A_1691 = arith.constant 0 : i32
    %dma_start3A_1692 = tpu.memref_slice %arg4[%dma_start3A_1691] : memref<26000000xf32, #tpu.memory_space<hbm>> -> memref<26000000xf32, #tpu.memory_space<hbm>>
    tpu.enqueue_indirect_dma source(%dma_start3A_1692 : memref<26000000xf32, #tpu.memory_space<hbm>>) target(%dma_start3A_1687 : memref<128xf32, #tpu.memory_space<vmem>>) offsets(%dma_start3A_1690 : memref<128xi32, #tpu.memory_space<vmem>>) semaphore(%arg16 : memref<!tpu.dma_semaphore, #tpu.memory_space<semaphore_mem>>)
    %dma_start3A_1693 = arith.constant 18 : i32
    %dma_start3A_1694 = arith.constant 2 : i32
    %dma_start3A_1695 = arith.constant 18 : i32
    %dma_start3A_1696 = arith.constant 2 : i32
    %dma_start3A_1697 = arith.constant 0 : i32
    %dma_start3A_1698 = tpu.memref_slice %arg9[%dma_start3A_1695, %dma_start3A_1696, %dma_start3A_1697] : memref<26x4x128xf32, #tpu.memory_space<vmem>> -> memref<1x1x128xf32, #tpu.memory_space<vmem>>
    %dma_start3A_1699 = tpu.memref_squeeze %dma_start3A_1698 : memref<1x1x128xf32, #tpu.memory_space<vmem>> -> memref<128xf32, #tpu.memory_space<vmem>>
    %dma_start3A_1700 = arith.constant 0 : i32
    %dma_start3A_1701 = tpu.memref_slice %arg8[%dma_start3A_1693, %dma_start3A_1694, %dma_start3A_1700] : memref<26x4x128xi32, #tpu.memory_space<vmem>> -> memref<1x1x128xi32, #tpu.memory_space<vmem>>
    %dma_start3A_1702 = tpu.memref_squeeze %dma_start3A_1701 : memref<1x1x128xi32, #tpu.memory_space<vmem>> -> memref<128xi32, #tpu.memory_space<vmem>>
    %dma_start3A_1703 = arith.constant 0 : i32
    %dma_start3A_1704 = tpu.memref_slice %arg4[%dma_start3A_1703] : memref<26000000xf32, #tpu.memory_space<hbm>> -> memref<26000000xf32, #tpu.memory_space<hbm>>
    tpu.enqueue_indirect_dma source(%dma_start3A_1704 : memref<26000000xf32, #tpu.memory_space<hbm>>) target(%dma_start3A_1699 : memref<128xf32, #tpu.memory_space<vmem>>) offsets(%dma_start3A_1702 : memref<128xi32, #tpu.memory_space<vmem>>) semaphore(%arg16 : memref<!tpu.dma_semaphore, #tpu.memory_space<semaphore_mem>>)
    %dma_start3A_1705 = arith.constant 18 : i32
    %dma_start3A_1706 = arith.constant 3 : i32
    %dma_start3A_1707 = arith.constant 18 : i32
    %dma_start3A_1708 = arith.constant 3 : i32
    %dma_start3A_1709 = arith.constant 0 : i32
    %dma_start3A_1710 = tpu.memref_slice %arg9[%dma_start3A_1707, %dma_start3A_1708, %dma_start3A_1709] : memref<26x4x128xf32, #tpu.memory_space<vmem>> -> memref<1x1x128xf32, #tpu.memory_space<vmem>>
    %dma_start3A_1711 = tpu.memref_squeeze %dma_start3A_1710 : memref<1x1x128xf32, #tpu.memory_space<vmem>> -> memref<128xf32, #tpu.memory_space<vmem>>
    %dma_start3A_1712 = arith.constant 0 : i32
    %dma_start3A_1713 = tpu.memref_slice %arg8[%dma_start3A_1705, %dma_start3A_1706, %dma_start3A_1712] : memref<26x4x128xi32, #tpu.memory_space<vmem>> -> memref<1x1x128xi32, #tpu.memory_space<vmem>>
    %dma_start3A_1714 = tpu.memref_squeeze %dma_start3A_1713 : memref<1x1x128xi32, #tpu.memory_space<vmem>> -> memref<128xi32, #tpu.memory_space<vmem>>
    %dma_start3A_1715 = arith.constant 0 : i32
    %dma_start3A_1716 = tpu.memref_slice %arg4[%dma_start3A_1715] : memref<26000000xf32, #tpu.memory_space<hbm>> -> memref<26000000xf32, #tpu.memory_space<hbm>>
    tpu.enqueue_indirect_dma source(%dma_start3A_1716 : memref<26000000xf32, #tpu.memory_space<hbm>>) target(%dma_start3A_1711 : memref<128xf32, #tpu.memory_space<vmem>>) offsets(%dma_start3A_1714 : memref<128xi32, #tpu.memory_space<vmem>>) semaphore(%arg16 : memref<!tpu.dma_semaphore, #tpu.memory_space<semaphore_mem>>)
    %dma_start3A_1717 = arith.constant 19 : i32
    %dma_start3A_1718 = arith.constant 0 : i32
    %dma_start3A_1719 = arith.constant 19 : i32
    %dma_start3A_1720 = arith.constant 0 : i32
    %dma_start3A_1721 = arith.constant 0 : i32
    %dma_start3A_1722 = tpu.memref_slice %arg9[%dma_start3A_1719, %dma_start3A_1720, %dma_start3A_1721] : memref<26x4x128xf32, #tpu.memory_space<vmem>> -> memref<1x1x128xf32, #tpu.memory_space<vmem>>
    %dma_start3A_1723 = tpu.memref_squeeze %dma_start3A_1722 : memref<1x1x128xf32, #tpu.memory_space<vmem>> -> memref<128xf32, #tpu.memory_space<vmem>>
    %dma_start3A_1724 = arith.constant 0 : i32
    %dma_start3A_1725 = tpu.memref_slice %arg8[%dma_start3A_1717, %dma_start3A_1718, %dma_start3A_1724] : memref<26x4x128xi32, #tpu.memory_space<vmem>> -> memref<1x1x128xi32, #tpu.memory_space<vmem>>
    %dma_start3A_1726 = tpu.memref_squeeze %dma_start3A_1725 : memref<1x1x128xi32, #tpu.memory_space<vmem>> -> memref<128xi32, #tpu.memory_space<vmem>>
    %dma_start3A_1727 = arith.constant 0 : i32
    %dma_start3A_1728 = tpu.memref_slice %arg4[%dma_start3A_1727] : memref<26000000xf32, #tpu.memory_space<hbm>> -> memref<26000000xf32, #tpu.memory_space<hbm>>
    tpu.enqueue_indirect_dma source(%dma_start3A_1728 : memref<26000000xf32, #tpu.memory_space<hbm>>) target(%dma_start3A_1723 : memref<128xf32, #tpu.memory_space<vmem>>) offsets(%dma_start3A_1726 : memref<128xi32, #tpu.memory_space<vmem>>) semaphore(%arg16 : memref<!tpu.dma_semaphore, #tpu.memory_space<semaphore_mem>>)
    %dma_start3A_1729 = arith.constant 19 : i32
    %dma_start3A_1730 = arith.constant 1 : i32
    %dma_start3A_1731 = arith.constant 19 : i32
    %dma_start3A_1732 = arith.constant 1 : i32
    %dma_start3A_1733 = arith.constant 0 : i32
    %dma_start3A_1734 = tpu.memref_slice %arg9[%dma_start3A_1731, %dma_start3A_1732, %dma_start3A_1733] : memref<26x4x128xf32, #tpu.memory_space<vmem>> -> memref<1x1x128xf32, #tpu.memory_space<vmem>>
    %dma_start3A_1735 = tpu.memref_squeeze %dma_start3A_1734 : memref<1x1x128xf32, #tpu.memory_space<vmem>> -> memref<128xf32, #tpu.memory_space<vmem>>
    %dma_start3A_1736 = arith.constant 0 : i32
    %dma_start3A_1737 = tpu.memref_slice %arg8[%dma_start3A_1729, %dma_start3A_1730, %dma_start3A_1736] : memref<26x4x128xi32, #tpu.memory_space<vmem>> -> memref<1x1x128xi32, #tpu.memory_space<vmem>>
    %dma_start3A_1738 = tpu.memref_squeeze %dma_start3A_1737 : memref<1x1x128xi32, #tpu.memory_space<vmem>> -> memref<128xi32, #tpu.memory_space<vmem>>
    %dma_start3A_1739 = arith.constant 0 : i32
    %dma_start3A_1740 = tpu.memref_slice %arg4[%dma_start3A_1739] : memref<26000000xf32, #tpu.memory_space<hbm>> -> memref<26000000xf32, #tpu.memory_space<hbm>>
    tpu.enqueue_indirect_dma source(%dma_start3A_1740 : memref<26000000xf32, #tpu.memory_space<hbm>>) target(%dma_start3A_1735 : memref<128xf32, #tpu.memory_space<vmem>>) offsets(%dma_start3A_1738 : memref<128xi32, #tpu.memory_space<vmem>>) semaphore(%arg16 : memref<!tpu.dma_semaphore, #tpu.memory_space<semaphore_mem>>)
    %dma_start3A_1741 = arith.constant 19 : i32
    %dma_start3A_1742 = arith.constant 2 : i32
    %dma_start3A_1743 = arith.constant 19 : i32
    %dma_start3A_1744 = arith.constant 2 : i32
    %dma_start3A_1745 = arith.constant 0 : i32
    %dma_start3A_1746 = tpu.memref_slice %arg9[%dma_start3A_1743, %dma_start3A_1744, %dma_start3A_1745] : memref<26x4x128xf32, #tpu.memory_space<vmem>> -> memref<1x1x128xf32, #tpu.memory_space<vmem>>
    %dma_start3A_1747 = tpu.memref_squeeze %dma_start3A_1746 : memref<1x1x128xf32, #tpu.memory_space<vmem>> -> memref<128xf32, #tpu.memory_space<vmem>>
    %dma_start3A_1748 = arith.constant 0 : i32
    %dma_start3A_1749 = tpu.memref_slice %arg8[%dma_start3A_1741, %dma_start3A_1742, %dma_start3A_1748] : memref<26x4x128xi32, #tpu.memory_space<vmem>> -> memref<1x1x128xi32, #tpu.memory_space<vmem>>
    %dma_start3A_1750 = tpu.memref_squeeze %dma_start3A_1749 : memref<1x1x128xi32, #tpu.memory_space<vmem>> -> memref<128xi32, #tpu.memory_space<vmem>>
    %dma_start3A_1751 = arith.constant 0 : i32
    %dma_start3A_1752 = tpu.memref_slice %arg4[%dma_start3A_1751] : memref<26000000xf32, #tpu.memory_space<hbm>> -> memref<26000000xf32, #tpu.memory_space<hbm>>
    tpu.enqueue_indirect_dma source(%dma_start3A_1752 : memref<26000000xf32, #tpu.memory_space<hbm>>) target(%dma_start3A_1747 : memref<128xf32, #tpu.memory_space<vmem>>) offsets(%dma_start3A_1750 : memref<128xi32, #tpu.memory_space<vmem>>) semaphore(%arg16 : memref<!tpu.dma_semaphore, #tpu.memory_space<semaphore_mem>>)
    %dma_start3A_1753 = arith.constant 19 : i32
    %dma_start3A_1754 = arith.constant 3 : i32
    %dma_start3A_1755 = arith.constant 19 : i32
    %dma_start3A_1756 = arith.constant 3 : i32
    %dma_start3A_1757 = arith.constant 0 : i32
    %dma_start3A_1758 = tpu.memref_slice %arg9[%dma_start3A_1755, %dma_start3A_1756, %dma_start3A_1757] : memref<26x4x128xf32, #tpu.memory_space<vmem>> -> memref<1x1x128xf32, #tpu.memory_space<vmem>>
    %dma_start3A_1759 = tpu.memref_squeeze %dma_start3A_1758 : memref<1x1x128xf32, #tpu.memory_space<vmem>> -> memref<128xf32, #tpu.memory_space<vmem>>
    %dma_start3A_1760 = arith.constant 0 : i32
    %dma_start3A_1761 = tpu.memref_slice %arg8[%dma_start3A_1753, %dma_start3A_1754, %dma_start3A_1760] : memref<26x4x128xi32, #tpu.memory_space<vmem>> -> memref<1x1x128xi32, #tpu.memory_space<vmem>>
    %dma_start3A_1762 = tpu.memref_squeeze %dma_start3A_1761 : memref<1x1x128xi32, #tpu.memory_space<vmem>> -> memref<128xi32, #tpu.memory_space<vmem>>
    %dma_start3A_1763 = arith.constant 0 : i32
    %dma_start3A_1764 = tpu.memref_slice %arg4[%dma_start3A_1763] : memref<26000000xf32, #tpu.memory_space<hbm>> -> memref<26000000xf32, #tpu.memory_space<hbm>>
    tpu.enqueue_indirect_dma source(%dma_start3A_1764 : memref<26000000xf32, #tpu.memory_space<hbm>>) target(%dma_start3A_1759 : memref<128xf32, #tpu.memory_space<vmem>>) offsets(%dma_start3A_1762 : memref<128xi32, #tpu.memory_space<vmem>>) semaphore(%arg16 : memref<!tpu.dma_semaphore, #tpu.memory_space<semaphore_mem>>)
    %dma_start3A_1765 = arith.constant 20 : i32
    %dma_start3A_1766 = arith.constant 0 : i32
    %dma_start3A_1767 = arith.constant 20 : i32
    %dma_start3A_1768 = arith.constant 0 : i32
    %dma_start3A_1769 = arith.constant 0 : i32
    %dma_start3A_1770 = tpu.memref_slice %arg9[%dma_start3A_1767, %dma_start3A_1768, %dma_start3A_1769] : memref<26x4x128xf32, #tpu.memory_space<vmem>> -> memref<1x1x128xf32, #tpu.memory_space<vmem>>
    %dma_start3A_1771 = tpu.memref_squeeze %dma_start3A_1770 : memref<1x1x128xf32, #tpu.memory_space<vmem>> -> memref<128xf32, #tpu.memory_space<vmem>>
    %dma_start3A_1772 = arith.constant 0 : i32
    %dma_start3A_1773 = tpu.memref_slice %arg8[%dma_start3A_1765, %dma_start3A_1766, %dma_start3A_1772] : memref<26x4x128xi32, #tpu.memory_space<vmem>> -> memref<1x1x128xi32, #tpu.memory_space<vmem>>
    %dma_start3A_1774 = tpu.memref_squeeze %dma_start3A_1773 : memref<1x1x128xi32, #tpu.memory_space<vmem>> -> memref<128xi32, #tpu.memory_space<vmem>>
    %dma_start3A_1775 = arith.constant 0 : i32
    %dma_start3A_1776 = tpu.memref_slice %arg4[%dma_start3A_1775] : memref<26000000xf32, #tpu.memory_space<hbm>> -> memref<26000000xf32, #tpu.memory_space<hbm>>
    tpu.enqueue_indirect_dma source(%dma_start3A_1776 : memref<26000000xf32, #tpu.memory_space<hbm>>) target(%dma_start3A_1771 : memref<128xf32, #tpu.memory_space<vmem>>) offsets(%dma_start3A_1774 : memref<128xi32, #tpu.memory_space<vmem>>) semaphore(%arg16 : memref<!tpu.dma_semaphore, #tpu.memory_space<semaphore_mem>>)
    %dma_start3A_1777 = arith.constant 20 : i32
    %dma_start3A_1778 = arith.constant 1 : i32
    %dma_start3A_1779 = arith.constant 20 : i32
    %dma_start3A_1780 = arith.constant 1 : i32
    %dma_start3A_1781 = arith.constant 0 : i32
    %dma_start3A_1782 = tpu.memref_slice %arg9[%dma_start3A_1779, %dma_start3A_1780, %dma_start3A_1781] : memref<26x4x128xf32, #tpu.memory_space<vmem>> -> memref<1x1x128xf32, #tpu.memory_space<vmem>>
    %dma_start3A_1783 = tpu.memref_squeeze %dma_start3A_1782 : memref<1x1x128xf32, #tpu.memory_space<vmem>> -> memref<128xf32, #tpu.memory_space<vmem>>
    %dma_start3A_1784 = arith.constant 0 : i32
    %dma_start3A_1785 = tpu.memref_slice %arg8[%dma_start3A_1777, %dma_start3A_1778, %dma_start3A_1784] : memref<26x4x128xi32, #tpu.memory_space<vmem>> -> memref<1x1x128xi32, #tpu.memory_space<vmem>>
    %dma_start3A_1786 = tpu.memref_squeeze %dma_start3A_1785 : memref<1x1x128xi32, #tpu.memory_space<vmem>> -> memref<128xi32, #tpu.memory_space<vmem>>
    %dma_start3A_1787 = arith.constant 0 : i32
    %dma_start3A_1788 = tpu.memref_slice %arg4[%dma_start3A_1787] : memref<26000000xf32, #tpu.memory_space<hbm>> -> memref<26000000xf32, #tpu.memory_space<hbm>>
    tpu.enqueue_indirect_dma source(%dma_start3A_1788 : memref<26000000xf32, #tpu.memory_space<hbm>>) target(%dma_start3A_1783 : memref<128xf32, #tpu.memory_space<vmem>>) offsets(%dma_start3A_1786 : memref<128xi32, #tpu.memory_space<vmem>>) semaphore(%arg16 : memref<!tpu.dma_semaphore, #tpu.memory_space<semaphore_mem>>)
    %dma_start3A_1789 = arith.constant 20 : i32
    %dma_start3A_1790 = arith.constant 2 : i32
    %dma_start3A_1791 = arith.constant 20 : i32
    %dma_start3A_1792 = arith.constant 2 : i32
    %dma_start3A_1793 = arith.constant 0 : i32
    %dma_start3A_1794 = tpu.memref_slice %arg9[%dma_start3A_1791, %dma_start3A_1792, %dma_start3A_1793] : memref<26x4x128xf32, #tpu.memory_space<vmem>> -> memref<1x1x128xf32, #tpu.memory_space<vmem>>
    %dma_start3A_1795 = tpu.memref_squeeze %dma_start3A_1794 : memref<1x1x128xf32, #tpu.memory_space<vmem>> -> memref<128xf32, #tpu.memory_space<vmem>>
    %dma_start3A_1796 = arith.constant 0 : i32
    %dma_start3A_1797 = tpu.memref_slice %arg8[%dma_start3A_1789, %dma_start3A_1790, %dma_start3A_1796] : memref<26x4x128xi32, #tpu.memory_space<vmem>> -> memref<1x1x128xi32, #tpu.memory_space<vmem>>
    %dma_start3A_1798 = tpu.memref_squeeze %dma_start3A_1797 : memref<1x1x128xi32, #tpu.memory_space<vmem>> -> memref<128xi32, #tpu.memory_space<vmem>>
    %dma_start3A_1799 = arith.constant 0 : i32
    %dma_start3A_1800 = tpu.memref_slice %arg4[%dma_start3A_1799] : memref<26000000xf32, #tpu.memory_space<hbm>> -> memref<26000000xf32, #tpu.memory_space<hbm>>
    tpu.enqueue_indirect_dma source(%dma_start3A_1800 : memref<26000000xf32, #tpu.memory_space<hbm>>) target(%dma_start3A_1795 : memref<128xf32, #tpu.memory_space<vmem>>) offsets(%dma_start3A_1798 : memref<128xi32, #tpu.memory_space<vmem>>) semaphore(%arg16 : memref<!tpu.dma_semaphore, #tpu.memory_space<semaphore_mem>>)
    %dma_start3A_1801 = arith.constant 20 : i32
    %dma_start3A_1802 = arith.constant 3 : i32
    %dma_start3A_1803 = arith.constant 20 : i32
    %dma_start3A_1804 = arith.constant 3 : i32
    %dma_start3A_1805 = arith.constant 0 : i32
    %dma_start3A_1806 = tpu.memref_slice %arg9[%dma_start3A_1803, %dma_start3A_1804, %dma_start3A_1805] : memref<26x4x128xf32, #tpu.memory_space<vmem>> -> memref<1x1x128xf32, #tpu.memory_space<vmem>>
    %dma_start3A_1807 = tpu.memref_squeeze %dma_start3A_1806 : memref<1x1x128xf32, #tpu.memory_space<vmem>> -> memref<128xf32, #tpu.memory_space<vmem>>
    %dma_start3A_1808 = arith.constant 0 : i32
    %dma_start3A_1809 = tpu.memref_slice %arg8[%dma_start3A_1801, %dma_start3A_1802, %dma_start3A_1808] : memref<26x4x128xi32, #tpu.memory_space<vmem>> -> memref<1x1x128xi32, #tpu.memory_space<vmem>>
    %dma_start3A_1810 = tpu.memref_squeeze %dma_start3A_1809 : memref<1x1x128xi32, #tpu.memory_space<vmem>> -> memref<128xi32, #tpu.memory_space<vmem>>
    %dma_start3A_1811 = arith.constant 0 : i32
    %dma_start3A_1812 = tpu.memref_slice %arg4[%dma_start3A_1811] : memref<26000000xf32, #tpu.memory_space<hbm>> -> memref<26000000xf32, #tpu.memory_space<hbm>>
    tpu.enqueue_indirect_dma source(%dma_start3A_1812 : memref<26000000xf32, #tpu.memory_space<hbm>>) target(%dma_start3A_1807 : memref<128xf32, #tpu.memory_space<vmem>>) offsets(%dma_start3A_1810 : memref<128xi32, #tpu.memory_space<vmem>>) semaphore(%arg16 : memref<!tpu.dma_semaphore, #tpu.memory_space<semaphore_mem>>)
    %dma_start3A_1813 = arith.constant 21 : i32
    %dma_start3A_1814 = arith.constant 0 : i32
    %dma_start3A_1815 = arith.constant 21 : i32
    %dma_start3A_1816 = arith.constant 0 : i32
    %dma_start3A_1817 = arith.constant 0 : i32
    %dma_start3A_1818 = tpu.memref_slice %arg9[%dma_start3A_1815, %dma_start3A_1816, %dma_start3A_1817] : memref<26x4x128xf32, #tpu.memory_space<vmem>> -> memref<1x1x128xf32, #tpu.memory_space<vmem>>
    %dma_start3A_1819 = tpu.memref_squeeze %dma_start3A_1818 : memref<1x1x128xf32, #tpu.memory_space<vmem>> -> memref<128xf32, #tpu.memory_space<vmem>>
    %dma_start3A_1820 = arith.constant 0 : i32
    %dma_start3A_1821 = tpu.memref_slice %arg8[%dma_start3A_1813, %dma_start3A_1814, %dma_start3A_1820] : memref<26x4x128xi32, #tpu.memory_space<vmem>> -> memref<1x1x128xi32, #tpu.memory_space<vmem>>
    %dma_start3A_1822 = tpu.memref_squeeze %dma_start3A_1821 : memref<1x1x128xi32, #tpu.memory_space<vmem>> -> memref<128xi32, #tpu.memory_space<vmem>>
    %dma_start3A_1823 = arith.constant 0 : i32
    %dma_start3A_1824 = tpu.memref_slice %arg4[%dma_start3A_1823] : memref<26000000xf32, #tpu.memory_space<hbm>> -> memref<26000000xf32, #tpu.memory_space<hbm>>
    tpu.enqueue_indirect_dma source(%dma_start3A_1824 : memref<26000000xf32, #tpu.memory_space<hbm>>) target(%dma_start3A_1819 : memref<128xf32, #tpu.memory_space<vmem>>) offsets(%dma_start3A_1822 : memref<128xi32, #tpu.memory_space<vmem>>) semaphore(%arg16 : memref<!tpu.dma_semaphore, #tpu.memory_space<semaphore_mem>>)
    %dma_start3A_1825 = arith.constant 21 : i32
    %dma_start3A_1826 = arith.constant 1 : i32
    %dma_start3A_1827 = arith.constant 21 : i32
    %dma_start3A_1828 = arith.constant 1 : i32
    %dma_start3A_1829 = arith.constant 0 : i32
    %dma_start3A_1830 = tpu.memref_slice %arg9[%dma_start3A_1827, %dma_start3A_1828, %dma_start3A_1829] : memref<26x4x128xf32, #tpu.memory_space<vmem>> -> memref<1x1x128xf32, #tpu.memory_space<vmem>>
    %dma_start3A_1831 = tpu.memref_squeeze %dma_start3A_1830 : memref<1x1x128xf32, #tpu.memory_space<vmem>> -> memref<128xf32, #tpu.memory_space<vmem>>
    %dma_start3A_1832 = arith.constant 0 : i32
    %dma_start3A_1833 = tpu.memref_slice %arg8[%dma_start3A_1825, %dma_start3A_1826, %dma_start3A_1832] : memref<26x4x128xi32, #tpu.memory_space<vmem>> -> memref<1x1x128xi32, #tpu.memory_space<vmem>>
    %dma_start3A_1834 = tpu.memref_squeeze %dma_start3A_1833 : memref<1x1x128xi32, #tpu.memory_space<vmem>> -> memref<128xi32, #tpu.memory_space<vmem>>
    %dma_start3A_1835 = arith.constant 0 : i32
    %dma_start3A_1836 = tpu.memref_slice %arg4[%dma_start3A_1835] : memref<26000000xf32, #tpu.memory_space<hbm>> -> memref<26000000xf32, #tpu.memory_space<hbm>>
    tpu.enqueue_indirect_dma source(%dma_start3A_1836 : memref<26000000xf32, #tpu.memory_space<hbm>>) target(%dma_start3A_1831 : memref<128xf32, #tpu.memory_space<vmem>>) offsets(%dma_start3A_1834 : memref<128xi32, #tpu.memory_space<vmem>>) semaphore(%arg16 : memref<!tpu.dma_semaphore, #tpu.memory_space<semaphore_mem>>)
    %dma_start3A_1837 = arith.constant 21 : i32
    %dma_start3A_1838 = arith.constant 2 : i32
    %dma_start3A_1839 = arith.constant 21 : i32
    %dma_start3A_1840 = arith.constant 2 : i32
    %dma_start3A_1841 = arith.constant 0 : i32
    %dma_start3A_1842 = tpu.memref_slice %arg9[%dma_start3A_1839, %dma_start3A_1840, %dma_start3A_1841] : memref<26x4x128xf32, #tpu.memory_space<vmem>> -> memref<1x1x128xf32, #tpu.memory_space<vmem>>
    %dma_start3A_1843 = tpu.memref_squeeze %dma_start3A_1842 : memref<1x1x128xf32, #tpu.memory_space<vmem>> -> memref<128xf32, #tpu.memory_space<vmem>>
    %dma_start3A_1844 = arith.constant 0 : i32
    %dma_start3A_1845 = tpu.memref_slice %arg8[%dma_start3A_1837, %dma_start3A_1838, %dma_start3A_1844] : memref<26x4x128xi32, #tpu.memory_space<vmem>> -> memref<1x1x128xi32, #tpu.memory_space<vmem>>
    %dma_start3A_1846 = tpu.memref_squeeze %dma_start3A_1845 : memref<1x1x128xi32, #tpu.memory_space<vmem>> -> memref<128xi32, #tpu.memory_space<vmem>>
    %dma_start3A_1847 = arith.constant 0 : i32
    %dma_start3A_1848 = tpu.memref_slice %arg4[%dma_start3A_1847] : memref<26000000xf32, #tpu.memory_space<hbm>> -> memref<26000000xf32, #tpu.memory_space<hbm>>
    tpu.enqueue_indirect_dma source(%dma_start3A_1848 : memref<26000000xf32, #tpu.memory_space<hbm>>) target(%dma_start3A_1843 : memref<128xf32, #tpu.memory_space<vmem>>) offsets(%dma_start3A_1846 : memref<128xi32, #tpu.memory_space<vmem>>) semaphore(%arg16 : memref<!tpu.dma_semaphore, #tpu.memory_space<semaphore_mem>>)
    %dma_start3A_1849 = arith.constant 21 : i32
    %dma_start3A_1850 = arith.constant 3 : i32
    %dma_start3A_1851 = arith.constant 21 : i32
    %dma_start3A_1852 = arith.constant 3 : i32
    %dma_start3A_1853 = arith.constant 0 : i32
    %dma_start3A_1854 = tpu.memref_slice %arg9[%dma_start3A_1851, %dma_start3A_1852, %dma_start3A_1853] : memref<26x4x128xf32, #tpu.memory_space<vmem>> -> memref<1x1x128xf32, #tpu.memory_space<vmem>>
    %dma_start3A_1855 = tpu.memref_squeeze %dma_start3A_1854 : memref<1x1x128xf32, #tpu.memory_space<vmem>> -> memref<128xf32, #tpu.memory_space<vmem>>
    %dma_start3A_1856 = arith.constant 0 : i32
    %dma_start3A_1857 = tpu.memref_slice %arg8[%dma_start3A_1849, %dma_start3A_1850, %dma_start3A_1856] : memref<26x4x128xi32, #tpu.memory_space<vmem>> -> memref<1x1x128xi32, #tpu.memory_space<vmem>>
    %dma_start3A_1858 = tpu.memref_squeeze %dma_start3A_1857 : memref<1x1x128xi32, #tpu.memory_space<vmem>> -> memref<128xi32, #tpu.memory_space<vmem>>
    %dma_start3A_1859 = arith.constant 0 : i32
    %dma_start3A_1860 = tpu.memref_slice %arg4[%dma_start3A_1859] : memref<26000000xf32, #tpu.memory_space<hbm>> -> memref<26000000xf32, #tpu.memory_space<hbm>>
    tpu.enqueue_indirect_dma source(%dma_start3A_1860 : memref<26000000xf32, #tpu.memory_space<hbm>>) target(%dma_start3A_1855 : memref<128xf32, #tpu.memory_space<vmem>>) offsets(%dma_start3A_1858 : memref<128xi32, #tpu.memory_space<vmem>>) semaphore(%arg16 : memref<!tpu.dma_semaphore, #tpu.memory_space<semaphore_mem>>)
    %dma_start3A_1861 = arith.constant 22 : i32
    %dma_start3A_1862 = arith.constant 0 : i32
    %dma_start3A_1863 = arith.constant 22 : i32
    %dma_start3A_1864 = arith.constant 0 : i32
    %dma_start3A_1865 = arith.constant 0 : i32
    %dma_start3A_1866 = tpu.memref_slice %arg9[%dma_start3A_1863, %dma_start3A_1864, %dma_start3A_1865] : memref<26x4x128xf32, #tpu.memory_space<vmem>> -> memref<1x1x128xf32, #tpu.memory_space<vmem>>
    %dma_start3A_1867 = tpu.memref_squeeze %dma_start3A_1866 : memref<1x1x128xf32, #tpu.memory_space<vmem>> -> memref<128xf32, #tpu.memory_space<vmem>>
    %dma_start3A_1868 = arith.constant 0 : i32
    %dma_start3A_1869 = tpu.memref_slice %arg8[%dma_start3A_1861, %dma_start3A_1862, %dma_start3A_1868] : memref<26x4x128xi32, #tpu.memory_space<vmem>> -> memref<1x1x128xi32, #tpu.memory_space<vmem>>
    %dma_start3A_1870 = tpu.memref_squeeze %dma_start3A_1869 : memref<1x1x128xi32, #tpu.memory_space<vmem>> -> memref<128xi32, #tpu.memory_space<vmem>>
    %dma_start3A_1871 = arith.constant 0 : i32
    %dma_start3A_1872 = tpu.memref_slice %arg4[%dma_start3A_1871] : memref<26000000xf32, #tpu.memory_space<hbm>> -> memref<26000000xf32, #tpu.memory_space<hbm>>
    tpu.enqueue_indirect_dma source(%dma_start3A_1872 : memref<26000000xf32, #tpu.memory_space<hbm>>) target(%dma_start3A_1867 : memref<128xf32, #tpu.memory_space<vmem>>) offsets(%dma_start3A_1870 : memref<128xi32, #tpu.memory_space<vmem>>) semaphore(%arg16 : memref<!tpu.dma_semaphore, #tpu.memory_space<semaphore_mem>>)
    %dma_start3A_1873 = arith.constant 22 : i32
    %dma_start3A_1874 = arith.constant 1 : i32
    %dma_start3A_1875 = arith.constant 22 : i32
    %dma_start3A_1876 = arith.constant 1 : i32
    %dma_start3A_1877 = arith.constant 0 : i32
    %dma_start3A_1878 = tpu.memref_slice %arg9[%dma_start3A_1875, %dma_start3A_1876, %dma_start3A_1877] : memref<26x4x128xf32, #tpu.memory_space<vmem>> -> memref<1x1x128xf32, #tpu.memory_space<vmem>>
    %dma_start3A_1879 = tpu.memref_squeeze %dma_start3A_1878 : memref<1x1x128xf32, #tpu.memory_space<vmem>> -> memref<128xf32, #tpu.memory_space<vmem>>
    %dma_start3A_1880 = arith.constant 0 : i32
    %dma_start3A_1881 = tpu.memref_slice %arg8[%dma_start3A_1873, %dma_start3A_1874, %dma_start3A_1880] : memref<26x4x128xi32, #tpu.memory_space<vmem>> -> memref<1x1x128xi32, #tpu.memory_space<vmem>>
    %dma_start3A_1882 = tpu.memref_squeeze %dma_start3A_1881 : memref<1x1x128xi32, #tpu.memory_space<vmem>> -> memref<128xi32, #tpu.memory_space<vmem>>
    %dma_start3A_1883 = arith.constant 0 : i32
    %dma_start3A_1884 = tpu.memref_slice %arg4[%dma_start3A_1883] : memref<26000000xf32, #tpu.memory_space<hbm>> -> memref<26000000xf32, #tpu.memory_space<hbm>>
    tpu.enqueue_indirect_dma source(%dma_start3A_1884 : memref<26000000xf32, #tpu.memory_space<hbm>>) target(%dma_start3A_1879 : memref<128xf32, #tpu.memory_space<vmem>>) offsets(%dma_start3A_1882 : memref<128xi32, #tpu.memory_space<vmem>>) semaphore(%arg16 : memref<!tpu.dma_semaphore, #tpu.memory_space<semaphore_mem>>)
    %dma_start3A_1885 = arith.constant 22 : i32
    %dma_start3A_1886 = arith.constant 2 : i32
    %dma_start3A_1887 = arith.constant 22 : i32
    %dma_start3A_1888 = arith.constant 2 : i32
    %dma_start3A_1889 = arith.constant 0 : i32
    %dma_start3A_1890 = tpu.memref_slice %arg9[%dma_start3A_1887, %dma_start3A_1888, %dma_start3A_1889] : memref<26x4x128xf32, #tpu.memory_space<vmem>> -> memref<1x1x128xf32, #tpu.memory_space<vmem>>
    %dma_start3A_1891 = tpu.memref_squeeze %dma_start3A_1890 : memref<1x1x128xf32, #tpu.memory_space<vmem>> -> memref<128xf32, #tpu.memory_space<vmem>>
    %dma_start3A_1892 = arith.constant 0 : i32
    %dma_start3A_1893 = tpu.memref_slice %arg8[%dma_start3A_1885, %dma_start3A_1886, %dma_start3A_1892] : memref<26x4x128xi32, #tpu.memory_space<vmem>> -> memref<1x1x128xi32, #tpu.memory_space<vmem>>
    %dma_start3A_1894 = tpu.memref_squeeze %dma_start3A_1893 : memref<1x1x128xi32, #tpu.memory_space<vmem>> -> memref<128xi32, #tpu.memory_space<vmem>>
    %dma_start3A_1895 = arith.constant 0 : i32
    %dma_start3A_1896 = tpu.memref_slice %arg4[%dma_start3A_1895] : memref<26000000xf32, #tpu.memory_space<hbm>> -> memref<26000000xf32, #tpu.memory_space<hbm>>
    tpu.enqueue_indirect_dma source(%dma_start3A_1896 : memref<26000000xf32, #tpu.memory_space<hbm>>) target(%dma_start3A_1891 : memref<128xf32, #tpu.memory_space<vmem>>) offsets(%dma_start3A_1894 : memref<128xi32, #tpu.memory_space<vmem>>) semaphore(%arg16 : memref<!tpu.dma_semaphore, #tpu.memory_space<semaphore_mem>>)
    %dma_start3A_1897 = arith.constant 22 : i32
    %dma_start3A_1898 = arith.constant 3 : i32
    %dma_start3A_1899 = arith.constant 22 : i32
    %dma_start3A_1900 = arith.constant 3 : i32
    %dma_start3A_1901 = arith.constant 0 : i32
    %dma_start3A_1902 = tpu.memref_slice %arg9[%dma_start3A_1899, %dma_start3A_1900, %dma_start3A_1901] : memref<26x4x128xf32, #tpu.memory_space<vmem>> -> memref<1x1x128xf32, #tpu.memory_space<vmem>>
    %dma_start3A_1903 = tpu.memref_squeeze %dma_start3A_1902 : memref<1x1x128xf32, #tpu.memory_space<vmem>> -> memref<128xf32, #tpu.memory_space<vmem>>
    %dma_start3A_1904 = arith.constant 0 : i32
    %dma_start3A_1905 = tpu.memref_slice %arg8[%dma_start3A_1897, %dma_start3A_1898, %dma_start3A_1904] : memref<26x4x128xi32, #tpu.memory_space<vmem>> -> memref<1x1x128xi32, #tpu.memory_space<vmem>>
    %dma_start3A_1906 = tpu.memref_squeeze %dma_start3A_1905 : memref<1x1x128xi32, #tpu.memory_space<vmem>> -> memref<128xi32, #tpu.memory_space<vmem>>
    %dma_start3A_1907 = arith.constant 0 : i32
    %dma_start3A_1908 = tpu.memref_slice %arg4[%dma_start3A_1907] : memref<26000000xf32, #tpu.memory_space<hbm>> -> memref<26000000xf32, #tpu.memory_space<hbm>>
    tpu.enqueue_indirect_dma source(%dma_start3A_1908 : memref<26000000xf32, #tpu.memory_space<hbm>>) target(%dma_start3A_1903 : memref<128xf32, #tpu.memory_space<vmem>>) offsets(%dma_start3A_1906 : memref<128xi32, #tpu.memory_space<vmem>>) semaphore(%arg16 : memref<!tpu.dma_semaphore, #tpu.memory_space<semaphore_mem>>)
    %dma_start3A_1909 = arith.constant 23 : i32
    %dma_start3A_1910 = arith.constant 0 : i32
    %dma_start3A_1911 = arith.constant 23 : i32
    %dma_start3A_1912 = arith.constant 0 : i32
    %dma_start3A_1913 = arith.constant 0 : i32
    %dma_start3A_1914 = tpu.memref_slice %arg9[%dma_start3A_1911, %dma_start3A_1912, %dma_start3A_1913] : memref<26x4x128xf32, #tpu.memory_space<vmem>> -> memref<1x1x128xf32, #tpu.memory_space<vmem>>
    %dma_start3A_1915 = tpu.memref_squeeze %dma_start3A_1914 : memref<1x1x128xf32, #tpu.memory_space<vmem>> -> memref<128xf32, #tpu.memory_space<vmem>>
    %dma_start3A_1916 = arith.constant 0 : i32
    %dma_start3A_1917 = tpu.memref_slice %arg8[%dma_start3A_1909, %dma_start3A_1910, %dma_start3A_1916] : memref<26x4x128xi32, #tpu.memory_space<vmem>> -> memref<1x1x128xi32, #tpu.memory_space<vmem>>
    %dma_start3A_1918 = tpu.memref_squeeze %dma_start3A_1917 : memref<1x1x128xi32, #tpu.memory_space<vmem>> -> memref<128xi32, #tpu.memory_space<vmem>>
    %dma_start3A_1919 = arith.constant 0 : i32
    %dma_start3A_1920 = tpu.memref_slice %arg4[%dma_start3A_1919] : memref<26000000xf32, #tpu.memory_space<hbm>> -> memref<26000000xf32, #tpu.memory_space<hbm>>
    tpu.enqueue_indirect_dma source(%dma_start3A_1920 : memref<26000000xf32, #tpu.memory_space<hbm>>) target(%dma_start3A_1915 : memref<128xf32, #tpu.memory_space<vmem>>) offsets(%dma_start3A_1918 : memref<128xi32, #tpu.memory_space<vmem>>) semaphore(%arg16 : memref<!tpu.dma_semaphore, #tpu.memory_space<semaphore_mem>>)
    %dma_start3A_1921 = arith.constant 23 : i32
    %dma_start3A_1922 = arith.constant 1 : i32
    %dma_start3A_1923 = arith.constant 23 : i32
    %dma_start3A_1924 = arith.constant 1 : i32
    %dma_start3A_1925 = arith.constant 0 : i32
    %dma_start3A_1926 = tpu.memref_slice %arg9[%dma_start3A_1923, %dma_start3A_1924, %dma_start3A_1925] : memref<26x4x128xf32, #tpu.memory_space<vmem>> -> memref<1x1x128xf32, #tpu.memory_space<vmem>>
    %dma_start3A_1927 = tpu.memref_squeeze %dma_start3A_1926 : memref<1x1x128xf32, #tpu.memory_space<vmem>> -> memref<128xf32, #tpu.memory_space<vmem>>
    %dma_start3A_1928 = arith.constant 0 : i32
    %dma_start3A_1929 = tpu.memref_slice %arg8[%dma_start3A_1921, %dma_start3A_1922, %dma_start3A_1928] : memref<26x4x128xi32, #tpu.memory_space<vmem>> -> memref<1x1x128xi32, #tpu.memory_space<vmem>>
    %dma_start3A_1930 = tpu.memref_squeeze %dma_start3A_1929 : memref<1x1x128xi32, #tpu.memory_space<vmem>> -> memref<128xi32, #tpu.memory_space<vmem>>
    %dma_start3A_1931 = arith.constant 0 : i32
    %dma_start3A_1932 = tpu.memref_slice %arg4[%dma_start3A_1931] : memref<26000000xf32, #tpu.memory_space<hbm>> -> memref<26000000xf32, #tpu.memory_space<hbm>>
    tpu.enqueue_indirect_dma source(%dma_start3A_1932 : memref<26000000xf32, #tpu.memory_space<hbm>>) target(%dma_start3A_1927 : memref<128xf32, #tpu.memory_space<vmem>>) offsets(%dma_start3A_1930 : memref<128xi32, #tpu.memory_space<vmem>>) semaphore(%arg16 : memref<!tpu.dma_semaphore, #tpu.memory_space<semaphore_mem>>)
    %dma_start3A_1933 = arith.constant 23 : i32
    %dma_start3A_1934 = arith.constant 2 : i32
    %dma_start3A_1935 = arith.constant 23 : i32
    %dma_start3A_1936 = arith.constant 2 : i32
    %dma_start3A_1937 = arith.constant 0 : i32
    %dma_start3A_1938 = tpu.memref_slice %arg9[%dma_start3A_1935, %dma_start3A_1936, %dma_start3A_1937] : memref<26x4x128xf32, #tpu.memory_space<vmem>> -> memref<1x1x128xf32, #tpu.memory_space<vmem>>
    %dma_start3A_1939 = tpu.memref_squeeze %dma_start3A_1938 : memref<1x1x128xf32, #tpu.memory_space<vmem>> -> memref<128xf32, #tpu.memory_space<vmem>>
    %dma_start3A_1940 = arith.constant 0 : i32
    %dma_start3A_1941 = tpu.memref_slice %arg8[%dma_start3A_1933, %dma_start3A_1934, %dma_start3A_1940] : memref<26x4x128xi32, #tpu.memory_space<vmem>> -> memref<1x1x128xi32, #tpu.memory_space<vmem>>
    %dma_start3A_1942 = tpu.memref_squeeze %dma_start3A_1941 : memref<1x1x128xi32, #tpu.memory_space<vmem>> -> memref<128xi32, #tpu.memory_space<vmem>>
    %dma_start3A_1943 = arith.constant 0 : i32
    %dma_start3A_1944 = tpu.memref_slice %arg4[%dma_start3A_1943] : memref<26000000xf32, #tpu.memory_space<hbm>> -> memref<26000000xf32, #tpu.memory_space<hbm>>
    tpu.enqueue_indirect_dma source(%dma_start3A_1944 : memref<26000000xf32, #tpu.memory_space<hbm>>) target(%dma_start3A_1939 : memref<128xf32, #tpu.memory_space<vmem>>) offsets(%dma_start3A_1942 : memref<128xi32, #tpu.memory_space<vmem>>) semaphore(%arg16 : memref<!tpu.dma_semaphore, #tpu.memory_space<semaphore_mem>>)
    %dma_start3A_1945 = arith.constant 23 : i32
    %dma_start3A_1946 = arith.constant 3 : i32
    %dma_start3A_1947 = arith.constant 23 : i32
    %dma_start3A_1948 = arith.constant 3 : i32
    %dma_start3A_1949 = arith.constant 0 : i32
    %dma_start3A_1950 = tpu.memref_slice %arg9[%dma_start3A_1947, %dma_start3A_1948, %dma_start3A_1949] : memref<26x4x128xf32, #tpu.memory_space<vmem>> -> memref<1x1x128xf32, #tpu.memory_space<vmem>>
    %dma_start3A_1951 = tpu.memref_squeeze %dma_start3A_1950 : memref<1x1x128xf32, #tpu.memory_space<vmem>> -> memref<128xf32, #tpu.memory_space<vmem>>
    %dma_start3A_1952 = arith.constant 0 : i32
    %dma_start3A_1953 = tpu.memref_slice %arg8[%dma_start3A_1945, %dma_start3A_1946, %dma_start3A_1952] : memref<26x4x128xi32, #tpu.memory_space<vmem>> -> memref<1x1x128xi32, #tpu.memory_space<vmem>>
    %dma_start3A_1954 = tpu.memref_squeeze %dma_start3A_1953 : memref<1x1x128xi32, #tpu.memory_space<vmem>> -> memref<128xi32, #tpu.memory_space<vmem>>
    %dma_start3A_1955 = arith.constant 0 : i32
    %dma_start3A_1956 = tpu.memref_slice %arg4[%dma_start3A_1955] : memref<26000000xf32, #tpu.memory_space<hbm>> -> memref<26000000xf32, #tpu.memory_space<hbm>>
    tpu.enqueue_indirect_dma source(%dma_start3A_1956 : memref<26000000xf32, #tpu.memory_space<hbm>>) target(%dma_start3A_1951 : memref<128xf32, #tpu.memory_space<vmem>>) offsets(%dma_start3A_1954 : memref<128xi32, #tpu.memory_space<vmem>>) semaphore(%arg16 : memref<!tpu.dma_semaphore, #tpu.memory_space<semaphore_mem>>)
    %dma_start3A_1957 = arith.constant 24 : i32
    %dma_start3A_1958 = arith.constant 0 : i32
    %dma_start3A_1959 = arith.constant 24 : i32
    %dma_start3A_1960 = arith.constant 0 : i32
    %dma_start3A_1961 = arith.constant 0 : i32
    %dma_start3A_1962 = tpu.memref_slice %arg9[%dma_start3A_1959, %dma_start3A_1960, %dma_start3A_1961] : memref<26x4x128xf32, #tpu.memory_space<vmem>> -> memref<1x1x128xf32, #tpu.memory_space<vmem>>
    %dma_start3A_1963 = tpu.memref_squeeze %dma_start3A_1962 : memref<1x1x128xf32, #tpu.memory_space<vmem>> -> memref<128xf32, #tpu.memory_space<vmem>>
    %dma_start3A_1964 = arith.constant 0 : i32
    %dma_start3A_1965 = tpu.memref_slice %arg8[%dma_start3A_1957, %dma_start3A_1958, %dma_start3A_1964] : memref<26x4x128xi32, #tpu.memory_space<vmem>> -> memref<1x1x128xi32, #tpu.memory_space<vmem>>
    %dma_start3A_1966 = tpu.memref_squeeze %dma_start3A_1965 : memref<1x1x128xi32, #tpu.memory_space<vmem>> -> memref<128xi32, #tpu.memory_space<vmem>>
    %dma_start3A_1967 = arith.constant 0 : i32
    %dma_start3A_1968 = tpu.memref_slice %arg4[%dma_start3A_1967] : memref<26000000xf32, #tpu.memory_space<hbm>> -> memref<26000000xf32, #tpu.memory_space<hbm>>
    tpu.enqueue_indirect_dma source(%dma_start3A_1968 : memref<26000000xf32, #tpu.memory_space<hbm>>) target(%dma_start3A_1963 : memref<128xf32, #tpu.memory_space<vmem>>) offsets(%dma_start3A_1966 : memref<128xi32, #tpu.memory_space<vmem>>) semaphore(%arg16 : memref<!tpu.dma_semaphore, #tpu.memory_space<semaphore_mem>>)
    %dma_start3A_1969 = arith.constant 24 : i32
    %dma_start3A_1970 = arith.constant 1 : i32
    %dma_start3A_1971 = arith.constant 24 : i32
    %dma_start3A_1972 = arith.constant 1 : i32
    %dma_start3A_1973 = arith.constant 0 : i32
    %dma_start3A_1974 = tpu.memref_slice %arg9[%dma_start3A_1971, %dma_start3A_1972, %dma_start3A_1973] : memref<26x4x128xf32, #tpu.memory_space<vmem>> -> memref<1x1x128xf32, #tpu.memory_space<vmem>>
    %dma_start3A_1975 = tpu.memref_squeeze %dma_start3A_1974 : memref<1x1x128xf32, #tpu.memory_space<vmem>> -> memref<128xf32, #tpu.memory_space<vmem>>
    %dma_start3A_1976 = arith.constant 0 : i32
    %dma_start3A_1977 = tpu.memref_slice %arg8[%dma_start3A_1969, %dma_start3A_1970, %dma_start3A_1976] : memref<26x4x128xi32, #tpu.memory_space<vmem>> -> memref<1x1x128xi32, #tpu.memory_space<vmem>>
    %dma_start3A_1978 = tpu.memref_squeeze %dma_start3A_1977 : memref<1x1x128xi32, #tpu.memory_space<vmem>> -> memref<128xi32, #tpu.memory_space<vmem>>
    %dma_start3A_1979 = arith.constant 0 : i32
    %dma_start3A_1980 = tpu.memref_slice %arg4[%dma_start3A_1979] : memref<26000000xf32, #tpu.memory_space<hbm>> -> memref<26000000xf32, #tpu.memory_space<hbm>>
    tpu.enqueue_indirect_dma source(%dma_start3A_1980 : memref<26000000xf32, #tpu.memory_space<hbm>>) target(%dma_start3A_1975 : memref<128xf32, #tpu.memory_space<vmem>>) offsets(%dma_start3A_1978 : memref<128xi32, #tpu.memory_space<vmem>>) semaphore(%arg16 : memref<!tpu.dma_semaphore, #tpu.memory_space<semaphore_mem>>)
    %dma_start3A_1981 = arith.constant 24 : i32
    %dma_start3A_1982 = arith.constant 2 : i32
    %dma_start3A_1983 = arith.constant 24 : i32
    %dma_start3A_1984 = arith.constant 2 : i32
    %dma_start3A_1985 = arith.constant 0 : i32
    %dma_start3A_1986 = tpu.memref_slice %arg9[%dma_start3A_1983, %dma_start3A_1984, %dma_start3A_1985] : memref<26x4x128xf32, #tpu.memory_space<vmem>> -> memref<1x1x128xf32, #tpu.memory_space<vmem>>
    %dma_start3A_1987 = tpu.memref_squeeze %dma_start3A_1986 : memref<1x1x128xf32, #tpu.memory_space<vmem>> -> memref<128xf32, #tpu.memory_space<vmem>>
    %dma_start3A_1988 = arith.constant 0 : i32
    %dma_start3A_1989 = tpu.memref_slice %arg8[%dma_start3A_1981, %dma_start3A_1982, %dma_start3A_1988] : memref<26x4x128xi32, #tpu.memory_space<vmem>> -> memref<1x1x128xi32, #tpu.memory_space<vmem>>
    %dma_start3A_1990 = tpu.memref_squeeze %dma_start3A_1989 : memref<1x1x128xi32, #tpu.memory_space<vmem>> -> memref<128xi32, #tpu.memory_space<vmem>>
    %dma_start3A_1991 = arith.constant 0 : i32
    %dma_start3A_1992 = tpu.memref_slice %arg4[%dma_start3A_1991] : memref<26000000xf32, #tpu.memory_space<hbm>> -> memref<26000000xf32, #tpu.memory_space<hbm>>
    tpu.enqueue_indirect_dma source(%dma_start3A_1992 : memref<26000000xf32, #tpu.memory_space<hbm>>) target(%dma_start3A_1987 : memref<128xf32, #tpu.memory_space<vmem>>) offsets(%dma_start3A_1990 : memref<128xi32, #tpu.memory_space<vmem>>) semaphore(%arg16 : memref<!tpu.dma_semaphore, #tpu.memory_space<semaphore_mem>>)
    %dma_start3A_1993 = arith.constant 24 : i32
    %dma_start3A_1994 = arith.constant 3 : i32
    %dma_start3A_1995 = arith.constant 24 : i32
    %dma_start3A_1996 = arith.constant 3 : i32
    %dma_start3A_1997 = arith.constant 0 : i32
    %dma_start3A_1998 = tpu.memref_slice %arg9[%dma_start3A_1995, %dma_start3A_1996, %dma_start3A_1997] : memref<26x4x128xf32, #tpu.memory_space<vmem>> -> memref<1x1x128xf32, #tpu.memory_space<vmem>>
    %dma_start3A_1999 = tpu.memref_squeeze %dma_start3A_1998 : memref<1x1x128xf32, #tpu.memory_space<vmem>> -> memref<128xf32, #tpu.memory_space<vmem>>
    %dma_start3A_2000 = arith.constant 0 : i32
    %dma_start3A_2001 = tpu.memref_slice %arg8[%dma_start3A_1993, %dma_start3A_1994, %dma_start3A_2000] : memref<26x4x128xi32, #tpu.memory_space<vmem>> -> memref<1x1x128xi32, #tpu.memory_space<vmem>>
    %dma_start3A_2002 = tpu.memref_squeeze %dma_start3A_2001 : memref<1x1x128xi32, #tpu.memory_space<vmem>> -> memref<128xi32, #tpu.memory_space<vmem>>
    %dma_start3A_2003 = arith.constant 0 : i32
    %dma_start3A_2004 = tpu.memref_slice %arg4[%dma_start3A_2003] : memref<26000000xf32, #tpu.memory_space<hbm>> -> memref<26000000xf32, #tpu.memory_space<hbm>>
    tpu.enqueue_indirect_dma source(%dma_start3A_2004 : memref<26000000xf32, #tpu.memory_space<hbm>>) target(%dma_start3A_1999 : memref<128xf32, #tpu.memory_space<vmem>>) offsets(%dma_start3A_2002 : memref<128xi32, #tpu.memory_space<vmem>>) semaphore(%arg16 : memref<!tpu.dma_semaphore, #tpu.memory_space<semaphore_mem>>)
    %dma_start3A_2005 = arith.constant 25 : i32
    %dma_start3A_2006 = arith.constant 0 : i32
    %dma_start3A_2007 = arith.constant 25 : i32
    %dma_start3A_2008 = arith.constant 0 : i32
    %dma_start3A_2009 = arith.constant 0 : i32
    %dma_start3A_2010 = tpu.memref_slice %arg9[%dma_start3A_2007, %dma_start3A_2008, %dma_start3A_2009] : memref<26x4x128xf32, #tpu.memory_space<vmem>> -> memref<1x1x128xf32, #tpu.memory_space<vmem>>
    %dma_start3A_2011 = tpu.memref_squeeze %dma_start3A_2010 : memref<1x1x128xf32, #tpu.memory_space<vmem>> -> memref<128xf32, #tpu.memory_space<vmem>>
    %dma_start3A_2012 = arith.constant 0 : i32
    %dma_start3A_2013 = tpu.memref_slice %arg8[%dma_start3A_2005, %dma_start3A_2006, %dma_start3A_2012] : memref<26x4x128xi32, #tpu.memory_space<vmem>> -> memref<1x1x128xi32, #tpu.memory_space<vmem>>
    %dma_start3A_2014 = tpu.memref_squeeze %dma_start3A_2013 : memref<1x1x128xi32, #tpu.memory_space<vmem>> -> memref<128xi32, #tpu.memory_space<vmem>>
    %dma_start3A_2015 = arith.constant 0 : i32
    %dma_start3A_2016 = tpu.memref_slice %arg4[%dma_start3A_2015] : memref<26000000xf32, #tpu.memory_space<hbm>> -> memref<26000000xf32, #tpu.memory_space<hbm>>
    tpu.enqueue_indirect_dma source(%dma_start3A_2016 : memref<26000000xf32, #tpu.memory_space<hbm>>) target(%dma_start3A_2011 : memref<128xf32, #tpu.memory_space<vmem>>) offsets(%dma_start3A_2014 : memref<128xi32, #tpu.memory_space<vmem>>) semaphore(%arg16 : memref<!tpu.dma_semaphore, #tpu.memory_space<semaphore_mem>>)
    %dma_start3A_2017 = arith.constant 25 : i32
    %dma_start3A_2018 = arith.constant 1 : i32
    %dma_start3A_2019 = arith.constant 25 : i32
    %dma_start3A_2020 = arith.constant 1 : i32
    %dma_start3A_2021 = arith.constant 0 : i32
    %dma_start3A_2022 = tpu.memref_slice %arg9[%dma_start3A_2019, %dma_start3A_2020, %dma_start3A_2021] : memref<26x4x128xf32, #tpu.memory_space<vmem>> -> memref<1x1x128xf32, #tpu.memory_space<vmem>>
    %dma_start3A_2023 = tpu.memref_squeeze %dma_start3A_2022 : memref<1x1x128xf32, #tpu.memory_space<vmem>> -> memref<128xf32, #tpu.memory_space<vmem>>
    %dma_start3A_2024 = arith.constant 0 : i32
    %dma_start3A_2025 = tpu.memref_slice %arg8[%dma_start3A_2017, %dma_start3A_2018, %dma_start3A_2024] : memref<26x4x128xi32, #tpu.memory_space<vmem>> -> memref<1x1x128xi32, #tpu.memory_space<vmem>>
    %dma_start3A_2026 = tpu.memref_squeeze %dma_start3A_2025 : memref<1x1x128xi32, #tpu.memory_space<vmem>> -> memref<128xi32, #tpu.memory_space<vmem>>
    %dma_start3A_2027 = arith.constant 0 : i32
    %dma_start3A_2028 = tpu.memref_slice %arg4[%dma_start3A_2027] : memref<26000000xf32, #tpu.memory_space<hbm>> -> memref<26000000xf32, #tpu.memory_space<hbm>>
    tpu.enqueue_indirect_dma source(%dma_start3A_2028 : memref<26000000xf32, #tpu.memory_space<hbm>>) target(%dma_start3A_2023 : memref<128xf32, #tpu.memory_space<vmem>>) offsets(%dma_start3A_2026 : memref<128xi32, #tpu.memory_space<vmem>>) semaphore(%arg16 : memref<!tpu.dma_semaphore, #tpu.memory_space<semaphore_mem>>)
    %dma_start3A_2029 = arith.constant 25 : i32
    %dma_start3A_2030 = arith.constant 2 : i32
    %dma_start3A_2031 = arith.constant 25 : i32
    %dma_start3A_2032 = arith.constant 2 : i32
    %dma_start3A_2033 = arith.constant 0 : i32
    %dma_start3A_2034 = tpu.memref_slice %arg9[%dma_start3A_2031, %dma_start3A_2032, %dma_start3A_2033] : memref<26x4x128xf32, #tpu.memory_space<vmem>> -> memref<1x1x128xf32, #tpu.memory_space<vmem>>
    %dma_start3A_2035 = tpu.memref_squeeze %dma_start3A_2034 : memref<1x1x128xf32, #tpu.memory_space<vmem>> -> memref<128xf32, #tpu.memory_space<vmem>>
    %dma_start3A_2036 = arith.constant 0 : i32
    %dma_start3A_2037 = tpu.memref_slice %arg8[%dma_start3A_2029, %dma_start3A_2030, %dma_start3A_2036] : memref<26x4x128xi32, #tpu.memory_space<vmem>> -> memref<1x1x128xi32, #tpu.memory_space<vmem>>
    %dma_start3A_2038 = tpu.memref_squeeze %dma_start3A_2037 : memref<1x1x128xi32, #tpu.memory_space<vmem>> -> memref<128xi32, #tpu.memory_space<vmem>>
    %dma_start3A_2039 = arith.constant 0 : i32
    %dma_start3A_2040 = tpu.memref_slice %arg4[%dma_start3A_2039] : memref<26000000xf32, #tpu.memory_space<hbm>> -> memref<26000000xf32, #tpu.memory_space<hbm>>
    tpu.enqueue_indirect_dma source(%dma_start3A_2040 : memref<26000000xf32, #tpu.memory_space<hbm>>) target(%dma_start3A_2035 : memref<128xf32, #tpu.memory_space<vmem>>) offsets(%dma_start3A_2038 : memref<128xi32, #tpu.memory_space<vmem>>) semaphore(%arg16 : memref<!tpu.dma_semaphore, #tpu.memory_space<semaphore_mem>>)
    %dma_start3A_2041 = arith.constant 25 : i32
    %dma_start3A_2042 = arith.constant 3 : i32
    %dma_start3A_2043 = arith.constant 25 : i32
    %dma_start3A_2044 = arith.constant 3 : i32
    %dma_start3A_2045 = arith.constant 0 : i32
    %dma_start3A_2046 = tpu.memref_slice %arg9[%dma_start3A_2043, %dma_start3A_2044, %dma_start3A_2045] : memref<26x4x128xf32, #tpu.memory_space<vmem>> -> memref<1x1x128xf32, #tpu.memory_space<vmem>>
    %dma_start3A_2047 = tpu.memref_squeeze %dma_start3A_2046 : memref<1x1x128xf32, #tpu.memory_space<vmem>> -> memref<128xf32, #tpu.memory_space<vmem>>
    %dma_start3A_2048 = arith.constant 0 : i32
    %dma_start3A_2049 = tpu.memref_slice %arg8[%dma_start3A_2041, %dma_start3A_2042, %dma_start3A_2048] : memref<26x4x128xi32, #tpu.memory_space<vmem>> -> memref<1x1x128xi32, #tpu.memory_space<vmem>>
    %dma_start3A_2050 = tpu.memref_squeeze %dma_start3A_2049 : memref<1x1x128xi32, #tpu.memory_space<vmem>> -> memref<128xi32, #tpu.memory_space<vmem>>
    %dma_start3A_2051 = arith.constant 0 : i32
    %dma_start3A_2052 = tpu.memref_slice %arg4[%dma_start3A_2051] : memref<26000000xf32, #tpu.memory_space<hbm>> -> memref<26000000xf32, #tpu.memory_space<hbm>>
    tpu.enqueue_indirect_dma source(%dma_start3A_2052 : memref<26000000xf32, #tpu.memory_space<hbm>>) target(%dma_start3A_2047 : memref<128xf32, #tpu.memory_space<vmem>>) offsets(%dma_start3A_2050 : memref<128xi32, #tpu.memory_space<vmem>>) semaphore(%arg16 : memref<!tpu.dma_semaphore, #tpu.memory_space<semaphore_mem>>)
    %dma_wait3A = arith.constant 0 : i32
    %dma_wait3A_2053 = arith.constant 0 : i32
    %dma_wait3A_2054 = arith.constant 0 : i32
    %dma_wait3A_2055 = arith.constant 0 : i32
    %dma_wait3A_2056 = arith.constant 0 : i32
    %dma_wait3A_2057 = tpu.memref_slice %arg9[%dma_wait3A_2054, %dma_wait3A_2055, %dma_wait3A_2056] : memref<26x4x128xf32, #tpu.memory_space<vmem>> -> memref<1x1x128xf32, #tpu.memory_space<vmem>>
    %dma_wait3A_2058 = tpu.memref_squeeze %dma_wait3A_2057 : memref<1x1x128xf32, #tpu.memory_space<vmem>> -> memref<128xf32, #tpu.memory_space<vmem>>
    %dma_wait3A_2059 = arith.constant 0 : i32
    %dma_wait3A_2060 = tpu.memref_slice %arg8[%dma_wait3A, %dma_wait3A_2053, %dma_wait3A_2059] : memref<26x4x128xi32, #tpu.memory_space<vmem>> -> memref<1x1x128xi32, #tpu.memory_space<vmem>>
    %dma_wait3A_2061 = tpu.memref_squeeze %dma_wait3A_2060 : memref<1x1x128xi32, #tpu.memory_space<vmem>> -> memref<128xi32, #tpu.memory_space<vmem>>
    %dma_wait3A_2062 = arith.constant 0 : i32
    %dma_wait3A_2063 = tpu.memref_slice %arg4[%dma_wait3A_2062] : memref<26000000xf32, #tpu.memory_space<hbm>> -> memref<26000000xf32, #tpu.memory_space<hbm>>
    tpu.wait_indirect_dma semaphore(%arg16 : memref<!tpu.dma_semaphore, #tpu.memory_space<semaphore_mem>>) src(%dma_wait3A_2063 : memref<26000000xf32, #tpu.memory_space<hbm>>) dst(%dma_wait3A_2058 : memref<128xf32, #tpu.memory_space<vmem>>)
    %dma_wait3A_2064 = arith.constant 0 : i32
    %dma_wait3A_2065 = arith.constant 1 : i32
    %dma_wait3A_2066 = arith.constant 0 : i32
    %dma_wait3A_2067 = arith.constant 1 : i32
    %dma_wait3A_2068 = arith.constant 0 : i32
    %dma_wait3A_2069 = tpu.memref_slice %arg9[%dma_wait3A_2066, %dma_wait3A_2067, %dma_wait3A_2068] : memref<26x4x128xf32, #tpu.memory_space<vmem>> -> memref<1x1x128xf32, #tpu.memory_space<vmem>>
    %dma_wait3A_2070 = tpu.memref_squeeze %dma_wait3A_2069 : memref<1x1x128xf32, #tpu.memory_space<vmem>> -> memref<128xf32, #tpu.memory_space<vmem>>
    %dma_wait3A_2071 = arith.constant 0 : i32
    %dma_wait3A_2072 = tpu.memref_slice %arg8[%dma_wait3A_2064, %dma_wait3A_2065, %dma_wait3A_2071] : memref<26x4x128xi32, #tpu.memory_space<vmem>> -> memref<1x1x128xi32, #tpu.memory_space<vmem>>
    %dma_wait3A_2073 = tpu.memref_squeeze %dma_wait3A_2072 : memref<1x1x128xi32, #tpu.memory_space<vmem>> -> memref<128xi32, #tpu.memory_space<vmem>>
    %dma_wait3A_2074 = arith.constant 0 : i32
    %dma_wait3A_2075 = tpu.memref_slice %arg4[%dma_wait3A_2074] : memref<26000000xf32, #tpu.memory_space<hbm>> -> memref<26000000xf32, #tpu.memory_space<hbm>>
    tpu.wait_indirect_dma semaphore(%arg16 : memref<!tpu.dma_semaphore, #tpu.memory_space<semaphore_mem>>) src(%dma_wait3A_2075 : memref<26000000xf32, #tpu.memory_space<hbm>>) dst(%dma_wait3A_2070 : memref<128xf32, #tpu.memory_space<vmem>>)
    %dma_wait3A_2076 = arith.constant 0 : i32
    %dma_wait3A_2077 = arith.constant 2 : i32
    %dma_wait3A_2078 = arith.constant 0 : i32
    %dma_wait3A_2079 = arith.constant 2 : i32
    %dma_wait3A_2080 = arith.constant 0 : i32
    %dma_wait3A_2081 = tpu.memref_slice %arg9[%dma_wait3A_2078, %dma_wait3A_2079, %dma_wait3A_2080] : memref<26x4x128xf32, #tpu.memory_space<vmem>> -> memref<1x1x128xf32, #tpu.memory_space<vmem>>
    %dma_wait3A_2082 = tpu.memref_squeeze %dma_wait3A_2081 : memref<1x1x128xf32, #tpu.memory_space<vmem>> -> memref<128xf32, #tpu.memory_space<vmem>>
    %dma_wait3A_2083 = arith.constant 0 : i32
    %dma_wait3A_2084 = tpu.memref_slice %arg8[%dma_wait3A_2076, %dma_wait3A_2077, %dma_wait3A_2083] : memref<26x4x128xi32, #tpu.memory_space<vmem>> -> memref<1x1x128xi32, #tpu.memory_space<vmem>>
    %dma_wait3A_2085 = tpu.memref_squeeze %dma_wait3A_2084 : memref<1x1x128xi32, #tpu.memory_space<vmem>> -> memref<128xi32, #tpu.memory_space<vmem>>
    %dma_wait3A_2086 = arith.constant 0 : i32
    %dma_wait3A_2087 = tpu.memref_slice %arg4[%dma_wait3A_2086] : memref<26000000xf32, #tpu.memory_space<hbm>> -> memref<26000000xf32, #tpu.memory_space<hbm>>
    tpu.wait_indirect_dma semaphore(%arg16 : memref<!tpu.dma_semaphore, #tpu.memory_space<semaphore_mem>>) src(%dma_wait3A_2087 : memref<26000000xf32, #tpu.memory_space<hbm>>) dst(%dma_wait3A_2082 : memref<128xf32, #tpu.memory_space<vmem>>)
    %dma_wait3A_2088 = arith.constant 0 : i32
    %dma_wait3A_2089 = arith.constant 3 : i32
    %dma_wait3A_2090 = arith.constant 0 : i32
    %dma_wait3A_2091 = arith.constant 3 : i32
    %dma_wait3A_2092 = arith.constant 0 : i32
    %dma_wait3A_2093 = tpu.memref_slice %arg9[%dma_wait3A_2090, %dma_wait3A_2091, %dma_wait3A_2092] : memref<26x4x128xf32, #tpu.memory_space<vmem>> -> memref<1x1x128xf32, #tpu.memory_space<vmem>>
    %dma_wait3A_2094 = tpu.memref_squeeze %dma_wait3A_2093 : memref<1x1x128xf32, #tpu.memory_space<vmem>> -> memref<128xf32, #tpu.memory_space<vmem>>
    %dma_wait3A_2095 = arith.constant 0 : i32
    %dma_wait3A_2096 = tpu.memref_slice %arg8[%dma_wait3A_2088, %dma_wait3A_2089, %dma_wait3A_2095] : memref<26x4x128xi32, #tpu.memory_space<vmem>> -> memref<1x1x128xi32, #tpu.memory_space<vmem>>
    %dma_wait3A_2097 = tpu.memref_squeeze %dma_wait3A_2096 : memref<1x1x128xi32, #tpu.memory_space<vmem>> -> memref<128xi32, #tpu.memory_space<vmem>>
    %dma_wait3A_2098 = arith.constant 0 : i32
    %dma_wait3A_2099 = tpu.memref_slice %arg4[%dma_wait3A_2098] : memref<26000000xf32, #tpu.memory_space<hbm>> -> memref<26000000xf32, #tpu.memory_space<hbm>>
    tpu.wait_indirect_dma semaphore(%arg16 : memref<!tpu.dma_semaphore, #tpu.memory_space<semaphore_mem>>) src(%dma_wait3A_2099 : memref<26000000xf32, #tpu.memory_space<hbm>>) dst(%dma_wait3A_2094 : memref<128xf32, #tpu.memory_space<vmem>>)
    %dma_wait3A_2100 = arith.constant 1 : i32
    %dma_wait3A_2101 = arith.constant 0 : i32
    %dma_wait3A_2102 = arith.constant 1 : i32
    %dma_wait3A_2103 = arith.constant 0 : i32
    %dma_wait3A_2104 = arith.constant 0 : i32
    %dma_wait3A_2105 = tpu.memref_slice %arg9[%dma_wait3A_2102, %dma_wait3A_2103, %dma_wait3A_2104] : memref<26x4x128xf32, #tpu.memory_space<vmem>> -> memref<1x1x128xf32, #tpu.memory_space<vmem>>
    %dma_wait3A_2106 = tpu.memref_squeeze %dma_wait3A_2105 : memref<1x1x128xf32, #tpu.memory_space<vmem>> -> memref<128xf32, #tpu.memory_space<vmem>>
    %dma_wait3A_2107 = arith.constant 0 : i32
    %dma_wait3A_2108 = tpu.memref_slice %arg8[%dma_wait3A_2100, %dma_wait3A_2101, %dma_wait3A_2107] : memref<26x4x128xi32, #tpu.memory_space<vmem>> -> memref<1x1x128xi32, #tpu.memory_space<vmem>>
    %dma_wait3A_2109 = tpu.memref_squeeze %dma_wait3A_2108 : memref<1x1x128xi32, #tpu.memory_space<vmem>> -> memref<128xi32, #tpu.memory_space<vmem>>
    %dma_wait3A_2110 = arith.constant 0 : i32
    %dma_wait3A_2111 = tpu.memref_slice %arg4[%dma_wait3A_2110] : memref<26000000xf32, #tpu.memory_space<hbm>> -> memref<26000000xf32, #tpu.memory_space<hbm>>
    tpu.wait_indirect_dma semaphore(%arg16 : memref<!tpu.dma_semaphore, #tpu.memory_space<semaphore_mem>>) src(%dma_wait3A_2111 : memref<26000000xf32, #tpu.memory_space<hbm>>) dst(%dma_wait3A_2106 : memref<128xf32, #tpu.memory_space<vmem>>)
    %dma_wait3A_2112 = arith.constant 1 : i32
    %dma_wait3A_2113 = arith.constant 1 : i32
    %dma_wait3A_2114 = arith.constant 1 : i32
    %dma_wait3A_2115 = arith.constant 1 : i32
    %dma_wait3A_2116 = arith.constant 0 : i32
    %dma_wait3A_2117 = tpu.memref_slice %arg9[%dma_wait3A_2114, %dma_wait3A_2115, %dma_wait3A_2116] : memref<26x4x128xf32, #tpu.memory_space<vmem>> -> memref<1x1x128xf32, #tpu.memory_space<vmem>>
    %dma_wait3A_2118 = tpu.memref_squeeze %dma_wait3A_2117 : memref<1x1x128xf32, #tpu.memory_space<vmem>> -> memref<128xf32, #tpu.memory_space<vmem>>
    %dma_wait3A_2119 = arith.constant 0 : i32
    %dma_wait3A_2120 = tpu.memref_slice %arg8[%dma_wait3A_2112, %dma_wait3A_2113, %dma_wait3A_2119] : memref<26x4x128xi32, #tpu.memory_space<vmem>> -> memref<1x1x128xi32, #tpu.memory_space<vmem>>
    %dma_wait3A_2121 = tpu.memref_squeeze %dma_wait3A_2120 : memref<1x1x128xi32, #tpu.memory_space<vmem>> -> memref<128xi32, #tpu.memory_space<vmem>>
    %dma_wait3A_2122 = arith.constant 0 : i32
    %dma_wait3A_2123 = tpu.memref_slice %arg4[%dma_wait3A_2122] : memref<26000000xf32, #tpu.memory_space<hbm>> -> memref<26000000xf32, #tpu.memory_space<hbm>>
    tpu.wait_indirect_dma semaphore(%arg16 : memref<!tpu.dma_semaphore, #tpu.memory_space<semaphore_mem>>) src(%dma_wait3A_2123 : memref<26000000xf32, #tpu.memory_space<hbm>>) dst(%dma_wait3A_2118 : memref<128xf32, #tpu.memory_space<vmem>>)
    %dma_wait3A_2124 = arith.constant 1 : i32
    %dma_wait3A_2125 = arith.constant 2 : i32
    %dma_wait3A_2126 = arith.constant 1 : i32
    %dma_wait3A_2127 = arith.constant 2 : i32
    %dma_wait3A_2128 = arith.constant 0 : i32
    %dma_wait3A_2129 = tpu.memref_slice %arg9[%dma_wait3A_2126, %dma_wait3A_2127, %dma_wait3A_2128] : memref<26x4x128xf32, #tpu.memory_space<vmem>> -> memref<1x1x128xf32, #tpu.memory_space<vmem>>
    %dma_wait3A_2130 = tpu.memref_squeeze %dma_wait3A_2129 : memref<1x1x128xf32, #tpu.memory_space<vmem>> -> memref<128xf32, #tpu.memory_space<vmem>>
    %dma_wait3A_2131 = arith.constant 0 : i32
    %dma_wait3A_2132 = tpu.memref_slice %arg8[%dma_wait3A_2124, %dma_wait3A_2125, %dma_wait3A_2131] : memref<26x4x128xi32, #tpu.memory_space<vmem>> -> memref<1x1x128xi32, #tpu.memory_space<vmem>>
    %dma_wait3A_2133 = tpu.memref_squeeze %dma_wait3A_2132 : memref<1x1x128xi32, #tpu.memory_space<vmem>> -> memref<128xi32, #tpu.memory_space<vmem>>
    %dma_wait3A_2134 = arith.constant 0 : i32
    %dma_wait3A_2135 = tpu.memref_slice %arg4[%dma_wait3A_2134] : memref<26000000xf32, #tpu.memory_space<hbm>> -> memref<26000000xf32, #tpu.memory_space<hbm>>
    tpu.wait_indirect_dma semaphore(%arg16 : memref<!tpu.dma_semaphore, #tpu.memory_space<semaphore_mem>>) src(%dma_wait3A_2135 : memref<26000000xf32, #tpu.memory_space<hbm>>) dst(%dma_wait3A_2130 : memref<128xf32, #tpu.memory_space<vmem>>)
    %dma_wait3A_2136 = arith.constant 1 : i32
    %dma_wait3A_2137 = arith.constant 3 : i32
    %dma_wait3A_2138 = arith.constant 1 : i32
    %dma_wait3A_2139 = arith.constant 3 : i32
    %dma_wait3A_2140 = arith.constant 0 : i32
    %dma_wait3A_2141 = tpu.memref_slice %arg9[%dma_wait3A_2138, %dma_wait3A_2139, %dma_wait3A_2140] : memref<26x4x128xf32, #tpu.memory_space<vmem>> -> memref<1x1x128xf32, #tpu.memory_space<vmem>>
    %dma_wait3A_2142 = tpu.memref_squeeze %dma_wait3A_2141 : memref<1x1x128xf32, #tpu.memory_space<vmem>> -> memref<128xf32, #tpu.memory_space<vmem>>
    %dma_wait3A_2143 = arith.constant 0 : i32
    %dma_wait3A_2144 = tpu.memref_slice %arg8[%dma_wait3A_2136, %dma_wait3A_2137, %dma_wait3A_2143] : memref<26x4x128xi32, #tpu.memory_space<vmem>> -> memref<1x1x128xi32, #tpu.memory_space<vmem>>
    %dma_wait3A_2145 = tpu.memref_squeeze %dma_wait3A_2144 : memref<1x1x128xi32, #tpu.memory_space<vmem>> -> memref<128xi32, #tpu.memory_space<vmem>>
    %dma_wait3A_2146 = arith.constant 0 : i32
    %dma_wait3A_2147 = tpu.memref_slice %arg4[%dma_wait3A_2146] : memref<26000000xf32, #tpu.memory_space<hbm>> -> memref<26000000xf32, #tpu.memory_space<hbm>>
    tpu.wait_indirect_dma semaphore(%arg16 : memref<!tpu.dma_semaphore, #tpu.memory_space<semaphore_mem>>) src(%dma_wait3A_2147 : memref<26000000xf32, #tpu.memory_space<hbm>>) dst(%dma_wait3A_2142 : memref<128xf32, #tpu.memory_space<vmem>>)
    %dma_wait3A_2148 = arith.constant 2 : i32
    %dma_wait3A_2149 = arith.constant 0 : i32
    %dma_wait3A_2150 = arith.constant 2 : i32
    %dma_wait3A_2151 = arith.constant 0 : i32
    %dma_wait3A_2152 = arith.constant 0 : i32
    %dma_wait3A_2153 = tpu.memref_slice %arg9[%dma_wait3A_2150, %dma_wait3A_2151, %dma_wait3A_2152] : memref<26x4x128xf32, #tpu.memory_space<vmem>> -> memref<1x1x128xf32, #tpu.memory_space<vmem>>
    %dma_wait3A_2154 = tpu.memref_squeeze %dma_wait3A_2153 : memref<1x1x128xf32, #tpu.memory_space<vmem>> -> memref<128xf32, #tpu.memory_space<vmem>>
    %dma_wait3A_2155 = arith.constant 0 : i32
    %dma_wait3A_2156 = tpu.memref_slice %arg8[%dma_wait3A_2148, %dma_wait3A_2149, %dma_wait3A_2155] : memref<26x4x128xi32, #tpu.memory_space<vmem>> -> memref<1x1x128xi32, #tpu.memory_space<vmem>>
    %dma_wait3A_2157 = tpu.memref_squeeze %dma_wait3A_2156 : memref<1x1x128xi32, #tpu.memory_space<vmem>> -> memref<128xi32, #tpu.memory_space<vmem>>
    %dma_wait3A_2158 = arith.constant 0 : i32
    %dma_wait3A_2159 = tpu.memref_slice %arg4[%dma_wait3A_2158] : memref<26000000xf32, #tpu.memory_space<hbm>> -> memref<26000000xf32, #tpu.memory_space<hbm>>
    tpu.wait_indirect_dma semaphore(%arg16 : memref<!tpu.dma_semaphore, #tpu.memory_space<semaphore_mem>>) src(%dma_wait3A_2159 : memref<26000000xf32, #tpu.memory_space<hbm>>) dst(%dma_wait3A_2154 : memref<128xf32, #tpu.memory_space<vmem>>)
    %dma_wait3A_2160 = arith.constant 2 : i32
    %dma_wait3A_2161 = arith.constant 1 : i32
    %dma_wait3A_2162 = arith.constant 2 : i32
    %dma_wait3A_2163 = arith.constant 1 : i32
    %dma_wait3A_2164 = arith.constant 0 : i32
    %dma_wait3A_2165 = tpu.memref_slice %arg9[%dma_wait3A_2162, %dma_wait3A_2163, %dma_wait3A_2164] : memref<26x4x128xf32, #tpu.memory_space<vmem>> -> memref<1x1x128xf32, #tpu.memory_space<vmem>>
    %dma_wait3A_2166 = tpu.memref_squeeze %dma_wait3A_2165 : memref<1x1x128xf32, #tpu.memory_space<vmem>> -> memref<128xf32, #tpu.memory_space<vmem>>
    %dma_wait3A_2167 = arith.constant 0 : i32
    %dma_wait3A_2168 = tpu.memref_slice %arg8[%dma_wait3A_2160, %dma_wait3A_2161, %dma_wait3A_2167] : memref<26x4x128xi32, #tpu.memory_space<vmem>> -> memref<1x1x128xi32, #tpu.memory_space<vmem>>
    %dma_wait3A_2169 = tpu.memref_squeeze %dma_wait3A_2168 : memref<1x1x128xi32, #tpu.memory_space<vmem>> -> memref<128xi32, #tpu.memory_space<vmem>>
    %dma_wait3A_2170 = arith.constant 0 : i32
    %dma_wait3A_2171 = tpu.memref_slice %arg4[%dma_wait3A_2170] : memref<26000000xf32, #tpu.memory_space<hbm>> -> memref<26000000xf32, #tpu.memory_space<hbm>>
    tpu.wait_indirect_dma semaphore(%arg16 : memref<!tpu.dma_semaphore, #tpu.memory_space<semaphore_mem>>) src(%dma_wait3A_2171 : memref<26000000xf32, #tpu.memory_space<hbm>>) dst(%dma_wait3A_2166 : memref<128xf32, #tpu.memory_space<vmem>>)
    %dma_wait3A_2172 = arith.constant 2 : i32
    %dma_wait3A_2173 = arith.constant 2 : i32
    %dma_wait3A_2174 = arith.constant 2 : i32
    %dma_wait3A_2175 = arith.constant 2 : i32
    %dma_wait3A_2176 = arith.constant 0 : i32
    %dma_wait3A_2177 = tpu.memref_slice %arg9[%dma_wait3A_2174, %dma_wait3A_2175, %dma_wait3A_2176] : memref<26x4x128xf32, #tpu.memory_space<vmem>> -> memref<1x1x128xf32, #tpu.memory_space<vmem>>
    %dma_wait3A_2178 = tpu.memref_squeeze %dma_wait3A_2177 : memref<1x1x128xf32, #tpu.memory_space<vmem>> -> memref<128xf32, #tpu.memory_space<vmem>>
    %dma_wait3A_2179 = arith.constant 0 : i32
    %dma_wait3A_2180 = tpu.memref_slice %arg8[%dma_wait3A_2172, %dma_wait3A_2173, %dma_wait3A_2179] : memref<26x4x128xi32, #tpu.memory_space<vmem>> -> memref<1x1x128xi32, #tpu.memory_space<vmem>>
    %dma_wait3A_2181 = tpu.memref_squeeze %dma_wait3A_2180 : memref<1x1x128xi32, #tpu.memory_space<vmem>> -> memref<128xi32, #tpu.memory_space<vmem>>
    %dma_wait3A_2182 = arith.constant 0 : i32
    %dma_wait3A_2183 = tpu.memref_slice %arg4[%dma_wait3A_2182] : memref<26000000xf32, #tpu.memory_space<hbm>> -> memref<26000000xf32, #tpu.memory_space<hbm>>
    tpu.wait_indirect_dma semaphore(%arg16 : memref<!tpu.dma_semaphore, #tpu.memory_space<semaphore_mem>>) src(%dma_wait3A_2183 : memref<26000000xf32, #tpu.memory_space<hbm>>) dst(%dma_wait3A_2178 : memref<128xf32, #tpu.memory_space<vmem>>)
    %dma_wait3A_2184 = arith.constant 2 : i32
    %dma_wait3A_2185 = arith.constant 3 : i32
    %dma_wait3A_2186 = arith.constant 2 : i32
    %dma_wait3A_2187 = arith.constant 3 : i32
    %dma_wait3A_2188 = arith.constant 0 : i32
    %dma_wait3A_2189 = tpu.memref_slice %arg9[%dma_wait3A_2186, %dma_wait3A_2187, %dma_wait3A_2188] : memref<26x4x128xf32, #tpu.memory_space<vmem>> -> memref<1x1x128xf32, #tpu.memory_space<vmem>>
    %dma_wait3A_2190 = tpu.memref_squeeze %dma_wait3A_2189 : memref<1x1x128xf32, #tpu.memory_space<vmem>> -> memref<128xf32, #tpu.memory_space<vmem>>
    %dma_wait3A_2191 = arith.constant 0 : i32
    %dma_wait3A_2192 = tpu.memref_slice %arg8[%dma_wait3A_2184, %dma_wait3A_2185, %dma_wait3A_2191] : memref<26x4x128xi32, #tpu.memory_space<vmem>> -> memref<1x1x128xi32, #tpu.memory_space<vmem>>
    %dma_wait3A_2193 = tpu.memref_squeeze %dma_wait3A_2192 : memref<1x1x128xi32, #tpu.memory_space<vmem>> -> memref<128xi32, #tpu.memory_space<vmem>>
    %dma_wait3A_2194 = arith.constant 0 : i32
    %dma_wait3A_2195 = tpu.memref_slice %arg4[%dma_wait3A_2194] : memref<26000000xf32, #tpu.memory_space<hbm>> -> memref<26000000xf32, #tpu.memory_space<hbm>>
    tpu.wait_indirect_dma semaphore(%arg16 : memref<!tpu.dma_semaphore, #tpu.memory_space<semaphore_mem>>) src(%dma_wait3A_2195 : memref<26000000xf32, #tpu.memory_space<hbm>>) dst(%dma_wait3A_2190 : memref<128xf32, #tpu.memory_space<vmem>>)
    %dma_wait3A_2196 = arith.constant 3 : i32
    %dma_wait3A_2197 = arith.constant 0 : i32
    %dma_wait3A_2198 = arith.constant 3 : i32
    %dma_wait3A_2199 = arith.constant 0 : i32
    %dma_wait3A_2200 = arith.constant 0 : i32
    %dma_wait3A_2201 = tpu.memref_slice %arg9[%dma_wait3A_2198, %dma_wait3A_2199, %dma_wait3A_2200] : memref<26x4x128xf32, #tpu.memory_space<vmem>> -> memref<1x1x128xf32, #tpu.memory_space<vmem>>
    %dma_wait3A_2202 = tpu.memref_squeeze %dma_wait3A_2201 : memref<1x1x128xf32, #tpu.memory_space<vmem>> -> memref<128xf32, #tpu.memory_space<vmem>>
    %dma_wait3A_2203 = arith.constant 0 : i32
    %dma_wait3A_2204 = tpu.memref_slice %arg8[%dma_wait3A_2196, %dma_wait3A_2197, %dma_wait3A_2203] : memref<26x4x128xi32, #tpu.memory_space<vmem>> -> memref<1x1x128xi32, #tpu.memory_space<vmem>>
    %dma_wait3A_2205 = tpu.memref_squeeze %dma_wait3A_2204 : memref<1x1x128xi32, #tpu.memory_space<vmem>> -> memref<128xi32, #tpu.memory_space<vmem>>
    %dma_wait3A_2206 = arith.constant 0 : i32
    %dma_wait3A_2207 = tpu.memref_slice %arg4[%dma_wait3A_2206] : memref<26000000xf32, #tpu.memory_space<hbm>> -> memref<26000000xf32, #tpu.memory_space<hbm>>
    tpu.wait_indirect_dma semaphore(%arg16 : memref<!tpu.dma_semaphore, #tpu.memory_space<semaphore_mem>>) src(%dma_wait3A_2207 : memref<26000000xf32, #tpu.memory_space<hbm>>) dst(%dma_wait3A_2202 : memref<128xf32, #tpu.memory_space<vmem>>)
    %dma_wait3A_2208 = arith.constant 3 : i32
    %dma_wait3A_2209 = arith.constant 1 : i32
    %dma_wait3A_2210 = arith.constant 3 : i32
    %dma_wait3A_2211 = arith.constant 1 : i32
    %dma_wait3A_2212 = arith.constant 0 : i32
    %dma_wait3A_2213 = tpu.memref_slice %arg9[%dma_wait3A_2210, %dma_wait3A_2211, %dma_wait3A_2212] : memref<26x4x128xf32, #tpu.memory_space<vmem>> -> memref<1x1x128xf32, #tpu.memory_space<vmem>>
    %dma_wait3A_2214 = tpu.memref_squeeze %dma_wait3A_2213 : memref<1x1x128xf32, #tpu.memory_space<vmem>> -> memref<128xf32, #tpu.memory_space<vmem>>
    %dma_wait3A_2215 = arith.constant 0 : i32
    %dma_wait3A_2216 = tpu.memref_slice %arg8[%dma_wait3A_2208, %dma_wait3A_2209, %dma_wait3A_2215] : memref<26x4x128xi32, #tpu.memory_space<vmem>> -> memref<1x1x128xi32, #tpu.memory_space<vmem>>
    %dma_wait3A_2217 = tpu.memref_squeeze %dma_wait3A_2216 : memref<1x1x128xi32, #tpu.memory_space<vmem>> -> memref<128xi32, #tpu.memory_space<vmem>>
    %dma_wait3A_2218 = arith.constant 0 : i32
    %dma_wait3A_2219 = tpu.memref_slice %arg4[%dma_wait3A_2218] : memref<26000000xf32, #tpu.memory_space<hbm>> -> memref<26000000xf32, #tpu.memory_space<hbm>>
    tpu.wait_indirect_dma semaphore(%arg16 : memref<!tpu.dma_semaphore, #tpu.memory_space<semaphore_mem>>) src(%dma_wait3A_2219 : memref<26000000xf32, #tpu.memory_space<hbm>>) dst(%dma_wait3A_2214 : memref<128xf32, #tpu.memory_space<vmem>>)
    %dma_wait3A_2220 = arith.constant 3 : i32
    %dma_wait3A_2221 = arith.constant 2 : i32
    %dma_wait3A_2222 = arith.constant 3 : i32
    %dma_wait3A_2223 = arith.constant 2 : i32
    %dma_wait3A_2224 = arith.constant 0 : i32
    %dma_wait3A_2225 = tpu.memref_slice %arg9[%dma_wait3A_2222, %dma_wait3A_2223, %dma_wait3A_2224] : memref<26x4x128xf32, #tpu.memory_space<vmem>> -> memref<1x1x128xf32, #tpu.memory_space<vmem>>
    %dma_wait3A_2226 = tpu.memref_squeeze %dma_wait3A_2225 : memref<1x1x128xf32, #tpu.memory_space<vmem>> -> memref<128xf32, #tpu.memory_space<vmem>>
    %dma_wait3A_2227 = arith.constant 0 : i32
    %dma_wait3A_2228 = tpu.memref_slice %arg8[%dma_wait3A_2220, %dma_wait3A_2221, %dma_wait3A_2227] : memref<26x4x128xi32, #tpu.memory_space<vmem>> -> memref<1x1x128xi32, #tpu.memory_space<vmem>>
    %dma_wait3A_2229 = tpu.memref_squeeze %dma_wait3A_2228 : memref<1x1x128xi32, #tpu.memory_space<vmem>> -> memref<128xi32, #tpu.memory_space<vmem>>
    %dma_wait3A_2230 = arith.constant 0 : i32
    %dma_wait3A_2231 = tpu.memref_slice %arg4[%dma_wait3A_2230] : memref<26000000xf32, #tpu.memory_space<hbm>> -> memref<26000000xf32, #tpu.memory_space<hbm>>
    tpu.wait_indirect_dma semaphore(%arg16 : memref<!tpu.dma_semaphore, #tpu.memory_space<semaphore_mem>>) src(%dma_wait3A_2231 : memref<26000000xf32, #tpu.memory_space<hbm>>) dst(%dma_wait3A_2226 : memref<128xf32, #tpu.memory_space<vmem>>)
    %dma_wait3A_2232 = arith.constant 3 : i32
    %dma_wait3A_2233 = arith.constant 3 : i32
    %dma_wait3A_2234 = arith.constant 3 : i32
    %dma_wait3A_2235 = arith.constant 3 : i32
    %dma_wait3A_2236 = arith.constant 0 : i32
    %dma_wait3A_2237 = tpu.memref_slice %arg9[%dma_wait3A_2234, %dma_wait3A_2235, %dma_wait3A_2236] : memref<26x4x128xf32, #tpu.memory_space<vmem>> -> memref<1x1x128xf32, #tpu.memory_space<vmem>>
    %dma_wait3A_2238 = tpu.memref_squeeze %dma_wait3A_2237 : memref<1x1x128xf32, #tpu.memory_space<vmem>> -> memref<128xf32, #tpu.memory_space<vmem>>
    %dma_wait3A_2239 = arith.constant 0 : i32
    %dma_wait3A_2240 = tpu.memref_slice %arg8[%dma_wait3A_2232, %dma_wait3A_2233, %dma_wait3A_2239] : memref<26x4x128xi32, #tpu.memory_space<vmem>> -> memref<1x1x128xi32, #tpu.memory_space<vmem>>
    %dma_wait3A_2241 = tpu.memref_squeeze %dma_wait3A_2240 : memref<1x1x128xi32, #tpu.memory_space<vmem>> -> memref<128xi32, #tpu.memory_space<vmem>>
    %dma_wait3A_2242 = arith.constant 0 : i32
    %dma_wait3A_2243 = tpu.memref_slice %arg4[%dma_wait3A_2242] : memref<26000000xf32, #tpu.memory_space<hbm>> -> memref<26000000xf32, #tpu.memory_space<hbm>>
    tpu.wait_indirect_dma semaphore(%arg16 : memref<!tpu.dma_semaphore, #tpu.memory_space<semaphore_mem>>) src(%dma_wait3A_2243 : memref<26000000xf32, #tpu.memory_space<hbm>>) dst(%dma_wait3A_2238 : memref<128xf32, #tpu.memory_space<vmem>>)
    %dma_wait3A_2244 = arith.constant 4 : i32
    %dma_wait3A_2245 = arith.constant 0 : i32
    %dma_wait3A_2246 = arith.constant 4 : i32
    %dma_wait3A_2247 = arith.constant 0 : i32
    %dma_wait3A_2248 = arith.constant 0 : i32
    %dma_wait3A_2249 = tpu.memref_slice %arg9[%dma_wait3A_2246, %dma_wait3A_2247, %dma_wait3A_2248] : memref<26x4x128xf32, #tpu.memory_space<vmem>> -> memref<1x1x128xf32, #tpu.memory_space<vmem>>
    %dma_wait3A_2250 = tpu.memref_squeeze %dma_wait3A_2249 : memref<1x1x128xf32, #tpu.memory_space<vmem>> -> memref<128xf32, #tpu.memory_space<vmem>>
    %dma_wait3A_2251 = arith.constant 0 : i32
    %dma_wait3A_2252 = tpu.memref_slice %arg8[%dma_wait3A_2244, %dma_wait3A_2245, %dma_wait3A_2251] : memref<26x4x128xi32, #tpu.memory_space<vmem>> -> memref<1x1x128xi32, #tpu.memory_space<vmem>>
    %dma_wait3A_2253 = tpu.memref_squeeze %dma_wait3A_2252 : memref<1x1x128xi32, #tpu.memory_space<vmem>> -> memref<128xi32, #tpu.memory_space<vmem>>
    %dma_wait3A_2254 = arith.constant 0 : i32
    %dma_wait3A_2255 = tpu.memref_slice %arg4[%dma_wait3A_2254] : memref<26000000xf32, #tpu.memory_space<hbm>> -> memref<26000000xf32, #tpu.memory_space<hbm>>
    tpu.wait_indirect_dma semaphore(%arg16 : memref<!tpu.dma_semaphore, #tpu.memory_space<semaphore_mem>>) src(%dma_wait3A_2255 : memref<26000000xf32, #tpu.memory_space<hbm>>) dst(%dma_wait3A_2250 : memref<128xf32, #tpu.memory_space<vmem>>)
    %dma_wait3A_2256 = arith.constant 4 : i32
    %dma_wait3A_2257 = arith.constant 1 : i32
    %dma_wait3A_2258 = arith.constant 4 : i32
    %dma_wait3A_2259 = arith.constant 1 : i32
    %dma_wait3A_2260 = arith.constant 0 : i32
    %dma_wait3A_2261 = tpu.memref_slice %arg9[%dma_wait3A_2258, %dma_wait3A_2259, %dma_wait3A_2260] : memref<26x4x128xf32, #tpu.memory_space<vmem>> -> memref<1x1x128xf32, #tpu.memory_space<vmem>>
    %dma_wait3A_2262 = tpu.memref_squeeze %dma_wait3A_2261 : memref<1x1x128xf32, #tpu.memory_space<vmem>> -> memref<128xf32, #tpu.memory_space<vmem>>
    %dma_wait3A_2263 = arith.constant 0 : i32
    %dma_wait3A_2264 = tpu.memref_slice %arg8[%dma_wait3A_2256, %dma_wait3A_2257, %dma_wait3A_2263] : memref<26x4x128xi32, #tpu.memory_space<vmem>> -> memref<1x1x128xi32, #tpu.memory_space<vmem>>
    %dma_wait3A_2265 = tpu.memref_squeeze %dma_wait3A_2264 : memref<1x1x128xi32, #tpu.memory_space<vmem>> -> memref<128xi32, #tpu.memory_space<vmem>>
    %dma_wait3A_2266 = arith.constant 0 : i32
    %dma_wait3A_2267 = tpu.memref_slice %arg4[%dma_wait3A_2266] : memref<26000000xf32, #tpu.memory_space<hbm>> -> memref<26000000xf32, #tpu.memory_space<hbm>>
    tpu.wait_indirect_dma semaphore(%arg16 : memref<!tpu.dma_semaphore, #tpu.memory_space<semaphore_mem>>) src(%dma_wait3A_2267 : memref<26000000xf32, #tpu.memory_space<hbm>>) dst(%dma_wait3A_2262 : memref<128xf32, #tpu.memory_space<vmem>>)
    %dma_wait3A_2268 = arith.constant 4 : i32
    %dma_wait3A_2269 = arith.constant 2 : i32
    %dma_wait3A_2270 = arith.constant 4 : i32
    %dma_wait3A_2271 = arith.constant 2 : i32
    %dma_wait3A_2272 = arith.constant 0 : i32
    %dma_wait3A_2273 = tpu.memref_slice %arg9[%dma_wait3A_2270, %dma_wait3A_2271, %dma_wait3A_2272] : memref<26x4x128xf32, #tpu.memory_space<vmem>> -> memref<1x1x128xf32, #tpu.memory_space<vmem>>
    %dma_wait3A_2274 = tpu.memref_squeeze %dma_wait3A_2273 : memref<1x1x128xf32, #tpu.memory_space<vmem>> -> memref<128xf32, #tpu.memory_space<vmem>>
    %dma_wait3A_2275 = arith.constant 0 : i32
    %dma_wait3A_2276 = tpu.memref_slice %arg8[%dma_wait3A_2268, %dma_wait3A_2269, %dma_wait3A_2275] : memref<26x4x128xi32, #tpu.memory_space<vmem>> -> memref<1x1x128xi32, #tpu.memory_space<vmem>>
    %dma_wait3A_2277 = tpu.memref_squeeze %dma_wait3A_2276 : memref<1x1x128xi32, #tpu.memory_space<vmem>> -> memref<128xi32, #tpu.memory_space<vmem>>
    %dma_wait3A_2278 = arith.constant 0 : i32
    %dma_wait3A_2279 = tpu.memref_slice %arg4[%dma_wait3A_2278] : memref<26000000xf32, #tpu.memory_space<hbm>> -> memref<26000000xf32, #tpu.memory_space<hbm>>
    tpu.wait_indirect_dma semaphore(%arg16 : memref<!tpu.dma_semaphore, #tpu.memory_space<semaphore_mem>>) src(%dma_wait3A_2279 : memref<26000000xf32, #tpu.memory_space<hbm>>) dst(%dma_wait3A_2274 : memref<128xf32, #tpu.memory_space<vmem>>)
    %dma_wait3A_2280 = arith.constant 4 : i32
    %dma_wait3A_2281 = arith.constant 3 : i32
    %dma_wait3A_2282 = arith.constant 4 : i32
    %dma_wait3A_2283 = arith.constant 3 : i32
    %dma_wait3A_2284 = arith.constant 0 : i32
    %dma_wait3A_2285 = tpu.memref_slice %arg9[%dma_wait3A_2282, %dma_wait3A_2283, %dma_wait3A_2284] : memref<26x4x128xf32, #tpu.memory_space<vmem>> -> memref<1x1x128xf32, #tpu.memory_space<vmem>>
    %dma_wait3A_2286 = tpu.memref_squeeze %dma_wait3A_2285 : memref<1x1x128xf32, #tpu.memory_space<vmem>> -> memref<128xf32, #tpu.memory_space<vmem>>
    %dma_wait3A_2287 = arith.constant 0 : i32
    %dma_wait3A_2288 = tpu.memref_slice %arg8[%dma_wait3A_2280, %dma_wait3A_2281, %dma_wait3A_2287] : memref<26x4x128xi32, #tpu.memory_space<vmem>> -> memref<1x1x128xi32, #tpu.memory_space<vmem>>
    %dma_wait3A_2289 = tpu.memref_squeeze %dma_wait3A_2288 : memref<1x1x128xi32, #tpu.memory_space<vmem>> -> memref<128xi32, #tpu.memory_space<vmem>>
    %dma_wait3A_2290 = arith.constant 0 : i32
    %dma_wait3A_2291 = tpu.memref_slice %arg4[%dma_wait3A_2290] : memref<26000000xf32, #tpu.memory_space<hbm>> -> memref<26000000xf32, #tpu.memory_space<hbm>>
    tpu.wait_indirect_dma semaphore(%arg16 : memref<!tpu.dma_semaphore, #tpu.memory_space<semaphore_mem>>) src(%dma_wait3A_2291 : memref<26000000xf32, #tpu.memory_space<hbm>>) dst(%dma_wait3A_2286 : memref<128xf32, #tpu.memory_space<vmem>>)
    %dma_wait3A_2292 = arith.constant 5 : i32
    %dma_wait3A_2293 = arith.constant 0 : i32
    %dma_wait3A_2294 = arith.constant 5 : i32
    %dma_wait3A_2295 = arith.constant 0 : i32
    %dma_wait3A_2296 = arith.constant 0 : i32
    %dma_wait3A_2297 = tpu.memref_slice %arg9[%dma_wait3A_2294, %dma_wait3A_2295, %dma_wait3A_2296] : memref<26x4x128xf32, #tpu.memory_space<vmem>> -> memref<1x1x128xf32, #tpu.memory_space<vmem>>
    %dma_wait3A_2298 = tpu.memref_squeeze %dma_wait3A_2297 : memref<1x1x128xf32, #tpu.memory_space<vmem>> -> memref<128xf32, #tpu.memory_space<vmem>>
    %dma_wait3A_2299 = arith.constant 0 : i32
    %dma_wait3A_2300 = tpu.memref_slice %arg8[%dma_wait3A_2292, %dma_wait3A_2293, %dma_wait3A_2299] : memref<26x4x128xi32, #tpu.memory_space<vmem>> -> memref<1x1x128xi32, #tpu.memory_space<vmem>>
    %dma_wait3A_2301 = tpu.memref_squeeze %dma_wait3A_2300 : memref<1x1x128xi32, #tpu.memory_space<vmem>> -> memref<128xi32, #tpu.memory_space<vmem>>
    %dma_wait3A_2302 = arith.constant 0 : i32
    %dma_wait3A_2303 = tpu.memref_slice %arg4[%dma_wait3A_2302] : memref<26000000xf32, #tpu.memory_space<hbm>> -> memref<26000000xf32, #tpu.memory_space<hbm>>
    tpu.wait_indirect_dma semaphore(%arg16 : memref<!tpu.dma_semaphore, #tpu.memory_space<semaphore_mem>>) src(%dma_wait3A_2303 : memref<26000000xf32, #tpu.memory_space<hbm>>) dst(%dma_wait3A_2298 : memref<128xf32, #tpu.memory_space<vmem>>)
    %dma_wait3A_2304 = arith.constant 5 : i32
    %dma_wait3A_2305 = arith.constant 1 : i32
    %dma_wait3A_2306 = arith.constant 5 : i32
    %dma_wait3A_2307 = arith.constant 1 : i32
    %dma_wait3A_2308 = arith.constant 0 : i32
    %dma_wait3A_2309 = tpu.memref_slice %arg9[%dma_wait3A_2306, %dma_wait3A_2307, %dma_wait3A_2308] : memref<26x4x128xf32, #tpu.memory_space<vmem>> -> memref<1x1x128xf32, #tpu.memory_space<vmem>>
    %dma_wait3A_2310 = tpu.memref_squeeze %dma_wait3A_2309 : memref<1x1x128xf32, #tpu.memory_space<vmem>> -> memref<128xf32, #tpu.memory_space<vmem>>
    %dma_wait3A_2311 = arith.constant 0 : i32
    %dma_wait3A_2312 = tpu.memref_slice %arg8[%dma_wait3A_2304, %dma_wait3A_2305, %dma_wait3A_2311] : memref<26x4x128xi32, #tpu.memory_space<vmem>> -> memref<1x1x128xi32, #tpu.memory_space<vmem>>
    %dma_wait3A_2313 = tpu.memref_squeeze %dma_wait3A_2312 : memref<1x1x128xi32, #tpu.memory_space<vmem>> -> memref<128xi32, #tpu.memory_space<vmem>>
    %dma_wait3A_2314 = arith.constant 0 : i32
    %dma_wait3A_2315 = tpu.memref_slice %arg4[%dma_wait3A_2314] : memref<26000000xf32, #tpu.memory_space<hbm>> -> memref<26000000xf32, #tpu.memory_space<hbm>>
    tpu.wait_indirect_dma semaphore(%arg16 : memref<!tpu.dma_semaphore, #tpu.memory_space<semaphore_mem>>) src(%dma_wait3A_2315 : memref<26000000xf32, #tpu.memory_space<hbm>>) dst(%dma_wait3A_2310 : memref<128xf32, #tpu.memory_space<vmem>>)
    %dma_wait3A_2316 = arith.constant 5 : i32
    %dma_wait3A_2317 = arith.constant 2 : i32
    %dma_wait3A_2318 = arith.constant 5 : i32
    %dma_wait3A_2319 = arith.constant 2 : i32
    %dma_wait3A_2320 = arith.constant 0 : i32
    %dma_wait3A_2321 = tpu.memref_slice %arg9[%dma_wait3A_2318, %dma_wait3A_2319, %dma_wait3A_2320] : memref<26x4x128xf32, #tpu.memory_space<vmem>> -> memref<1x1x128xf32, #tpu.memory_space<vmem>>
    %dma_wait3A_2322 = tpu.memref_squeeze %dma_wait3A_2321 : memref<1x1x128xf32, #tpu.memory_space<vmem>> -> memref<128xf32, #tpu.memory_space<vmem>>
    %dma_wait3A_2323 = arith.constant 0 : i32
    %dma_wait3A_2324 = tpu.memref_slice %arg8[%dma_wait3A_2316, %dma_wait3A_2317, %dma_wait3A_2323] : memref<26x4x128xi32, #tpu.memory_space<vmem>> -> memref<1x1x128xi32, #tpu.memory_space<vmem>>
    %dma_wait3A_2325 = tpu.memref_squeeze %dma_wait3A_2324 : memref<1x1x128xi32, #tpu.memory_space<vmem>> -> memref<128xi32, #tpu.memory_space<vmem>>
    %dma_wait3A_2326 = arith.constant 0 : i32
    %dma_wait3A_2327 = tpu.memref_slice %arg4[%dma_wait3A_2326] : memref<26000000xf32, #tpu.memory_space<hbm>> -> memref<26000000xf32, #tpu.memory_space<hbm>>
    tpu.wait_indirect_dma semaphore(%arg16 : memref<!tpu.dma_semaphore, #tpu.memory_space<semaphore_mem>>) src(%dma_wait3A_2327 : memref<26000000xf32, #tpu.memory_space<hbm>>) dst(%dma_wait3A_2322 : memref<128xf32, #tpu.memory_space<vmem>>)
    %dma_wait3A_2328 = arith.constant 5 : i32
    %dma_wait3A_2329 = arith.constant 3 : i32
    %dma_wait3A_2330 = arith.constant 5 : i32
    %dma_wait3A_2331 = arith.constant 3 : i32
    %dma_wait3A_2332 = arith.constant 0 : i32
    %dma_wait3A_2333 = tpu.memref_slice %arg9[%dma_wait3A_2330, %dma_wait3A_2331, %dma_wait3A_2332] : memref<26x4x128xf32, #tpu.memory_space<vmem>> -> memref<1x1x128xf32, #tpu.memory_space<vmem>>
    %dma_wait3A_2334 = tpu.memref_squeeze %dma_wait3A_2333 : memref<1x1x128xf32, #tpu.memory_space<vmem>> -> memref<128xf32, #tpu.memory_space<vmem>>
    %dma_wait3A_2335 = arith.constant 0 : i32
    %dma_wait3A_2336 = tpu.memref_slice %arg8[%dma_wait3A_2328, %dma_wait3A_2329, %dma_wait3A_2335] : memref<26x4x128xi32, #tpu.memory_space<vmem>> -> memref<1x1x128xi32, #tpu.memory_space<vmem>>
    %dma_wait3A_2337 = tpu.memref_squeeze %dma_wait3A_2336 : memref<1x1x128xi32, #tpu.memory_space<vmem>> -> memref<128xi32, #tpu.memory_space<vmem>>
    %dma_wait3A_2338 = arith.constant 0 : i32
    %dma_wait3A_2339 = tpu.memref_slice %arg4[%dma_wait3A_2338] : memref<26000000xf32, #tpu.memory_space<hbm>> -> memref<26000000xf32, #tpu.memory_space<hbm>>
    tpu.wait_indirect_dma semaphore(%arg16 : memref<!tpu.dma_semaphore, #tpu.memory_space<semaphore_mem>>) src(%dma_wait3A_2339 : memref<26000000xf32, #tpu.memory_space<hbm>>) dst(%dma_wait3A_2334 : memref<128xf32, #tpu.memory_space<vmem>>)
    %dma_wait3A_2340 = arith.constant 6 : i32
    %dma_wait3A_2341 = arith.constant 0 : i32
    %dma_wait3A_2342 = arith.constant 6 : i32
    %dma_wait3A_2343 = arith.constant 0 : i32
    %dma_wait3A_2344 = arith.constant 0 : i32
    %dma_wait3A_2345 = tpu.memref_slice %arg9[%dma_wait3A_2342, %dma_wait3A_2343, %dma_wait3A_2344] : memref<26x4x128xf32, #tpu.memory_space<vmem>> -> memref<1x1x128xf32, #tpu.memory_space<vmem>>
    %dma_wait3A_2346 = tpu.memref_squeeze %dma_wait3A_2345 : memref<1x1x128xf32, #tpu.memory_space<vmem>> -> memref<128xf32, #tpu.memory_space<vmem>>
    %dma_wait3A_2347 = arith.constant 0 : i32
    %dma_wait3A_2348 = tpu.memref_slice %arg8[%dma_wait3A_2340, %dma_wait3A_2341, %dma_wait3A_2347] : memref<26x4x128xi32, #tpu.memory_space<vmem>> -> memref<1x1x128xi32, #tpu.memory_space<vmem>>
    %dma_wait3A_2349 = tpu.memref_squeeze %dma_wait3A_2348 : memref<1x1x128xi32, #tpu.memory_space<vmem>> -> memref<128xi32, #tpu.memory_space<vmem>>
    %dma_wait3A_2350 = arith.constant 0 : i32
    %dma_wait3A_2351 = tpu.memref_slice %arg4[%dma_wait3A_2350] : memref<26000000xf32, #tpu.memory_space<hbm>> -> memref<26000000xf32, #tpu.memory_space<hbm>>
    tpu.wait_indirect_dma semaphore(%arg16 : memref<!tpu.dma_semaphore, #tpu.memory_space<semaphore_mem>>) src(%dma_wait3A_2351 : memref<26000000xf32, #tpu.memory_space<hbm>>) dst(%dma_wait3A_2346 : memref<128xf32, #tpu.memory_space<vmem>>)
    %dma_wait3A_2352 = arith.constant 6 : i32
    %dma_wait3A_2353 = arith.constant 1 : i32
    %dma_wait3A_2354 = arith.constant 6 : i32
    %dma_wait3A_2355 = arith.constant 1 : i32
    %dma_wait3A_2356 = arith.constant 0 : i32
    %dma_wait3A_2357 = tpu.memref_slice %arg9[%dma_wait3A_2354, %dma_wait3A_2355, %dma_wait3A_2356] : memref<26x4x128xf32, #tpu.memory_space<vmem>> -> memref<1x1x128xf32, #tpu.memory_space<vmem>>
    %dma_wait3A_2358 = tpu.memref_squeeze %dma_wait3A_2357 : memref<1x1x128xf32, #tpu.memory_space<vmem>> -> memref<128xf32, #tpu.memory_space<vmem>>
    %dma_wait3A_2359 = arith.constant 0 : i32
    %dma_wait3A_2360 = tpu.memref_slice %arg8[%dma_wait3A_2352, %dma_wait3A_2353, %dma_wait3A_2359] : memref<26x4x128xi32, #tpu.memory_space<vmem>> -> memref<1x1x128xi32, #tpu.memory_space<vmem>>
    %dma_wait3A_2361 = tpu.memref_squeeze %dma_wait3A_2360 : memref<1x1x128xi32, #tpu.memory_space<vmem>> -> memref<128xi32, #tpu.memory_space<vmem>>
    %dma_wait3A_2362 = arith.constant 0 : i32
    %dma_wait3A_2363 = tpu.memref_slice %arg4[%dma_wait3A_2362] : memref<26000000xf32, #tpu.memory_space<hbm>> -> memref<26000000xf32, #tpu.memory_space<hbm>>
    tpu.wait_indirect_dma semaphore(%arg16 : memref<!tpu.dma_semaphore, #tpu.memory_space<semaphore_mem>>) src(%dma_wait3A_2363 : memref<26000000xf32, #tpu.memory_space<hbm>>) dst(%dma_wait3A_2358 : memref<128xf32, #tpu.memory_space<vmem>>)
    %dma_wait3A_2364 = arith.constant 6 : i32
    %dma_wait3A_2365 = arith.constant 2 : i32
    %dma_wait3A_2366 = arith.constant 6 : i32
    %dma_wait3A_2367 = arith.constant 2 : i32
    %dma_wait3A_2368 = arith.constant 0 : i32
    %dma_wait3A_2369 = tpu.memref_slice %arg9[%dma_wait3A_2366, %dma_wait3A_2367, %dma_wait3A_2368] : memref<26x4x128xf32, #tpu.memory_space<vmem>> -> memref<1x1x128xf32, #tpu.memory_space<vmem>>
    %dma_wait3A_2370 = tpu.memref_squeeze %dma_wait3A_2369 : memref<1x1x128xf32, #tpu.memory_space<vmem>> -> memref<128xf32, #tpu.memory_space<vmem>>
    %dma_wait3A_2371 = arith.constant 0 : i32
    %dma_wait3A_2372 = tpu.memref_slice %arg8[%dma_wait3A_2364, %dma_wait3A_2365, %dma_wait3A_2371] : memref<26x4x128xi32, #tpu.memory_space<vmem>> -> memref<1x1x128xi32, #tpu.memory_space<vmem>>
    %dma_wait3A_2373 = tpu.memref_squeeze %dma_wait3A_2372 : memref<1x1x128xi32, #tpu.memory_space<vmem>> -> memref<128xi32, #tpu.memory_space<vmem>>
    %dma_wait3A_2374 = arith.constant 0 : i32
    %dma_wait3A_2375 = tpu.memref_slice %arg4[%dma_wait3A_2374] : memref<26000000xf32, #tpu.memory_space<hbm>> -> memref<26000000xf32, #tpu.memory_space<hbm>>
    tpu.wait_indirect_dma semaphore(%arg16 : memref<!tpu.dma_semaphore, #tpu.memory_space<semaphore_mem>>) src(%dma_wait3A_2375 : memref<26000000xf32, #tpu.memory_space<hbm>>) dst(%dma_wait3A_2370 : memref<128xf32, #tpu.memory_space<vmem>>)
    %dma_wait3A_2376 = arith.constant 6 : i32
    %dma_wait3A_2377 = arith.constant 3 : i32
    %dma_wait3A_2378 = arith.constant 6 : i32
    %dma_wait3A_2379 = arith.constant 3 : i32
    %dma_wait3A_2380 = arith.constant 0 : i32
    %dma_wait3A_2381 = tpu.memref_slice %arg9[%dma_wait3A_2378, %dma_wait3A_2379, %dma_wait3A_2380] : memref<26x4x128xf32, #tpu.memory_space<vmem>> -> memref<1x1x128xf32, #tpu.memory_space<vmem>>
    %dma_wait3A_2382 = tpu.memref_squeeze %dma_wait3A_2381 : memref<1x1x128xf32, #tpu.memory_space<vmem>> -> memref<128xf32, #tpu.memory_space<vmem>>
    %dma_wait3A_2383 = arith.constant 0 : i32
    %dma_wait3A_2384 = tpu.memref_slice %arg8[%dma_wait3A_2376, %dma_wait3A_2377, %dma_wait3A_2383] : memref<26x4x128xi32, #tpu.memory_space<vmem>> -> memref<1x1x128xi32, #tpu.memory_space<vmem>>
    %dma_wait3A_2385 = tpu.memref_squeeze %dma_wait3A_2384 : memref<1x1x128xi32, #tpu.memory_space<vmem>> -> memref<128xi32, #tpu.memory_space<vmem>>
    %dma_wait3A_2386 = arith.constant 0 : i32
    %dma_wait3A_2387 = tpu.memref_slice %arg4[%dma_wait3A_2386] : memref<26000000xf32, #tpu.memory_space<hbm>> -> memref<26000000xf32, #tpu.memory_space<hbm>>
    tpu.wait_indirect_dma semaphore(%arg16 : memref<!tpu.dma_semaphore, #tpu.memory_space<semaphore_mem>>) src(%dma_wait3A_2387 : memref<26000000xf32, #tpu.memory_space<hbm>>) dst(%dma_wait3A_2382 : memref<128xf32, #tpu.memory_space<vmem>>)
    %dma_wait3A_2388 = arith.constant 7 : i32
    %dma_wait3A_2389 = arith.constant 0 : i32
    %dma_wait3A_2390 = arith.constant 7 : i32
    %dma_wait3A_2391 = arith.constant 0 : i32
    %dma_wait3A_2392 = arith.constant 0 : i32
    %dma_wait3A_2393 = tpu.memref_slice %arg9[%dma_wait3A_2390, %dma_wait3A_2391, %dma_wait3A_2392] : memref<26x4x128xf32, #tpu.memory_space<vmem>> -> memref<1x1x128xf32, #tpu.memory_space<vmem>>
    %dma_wait3A_2394 = tpu.memref_squeeze %dma_wait3A_2393 : memref<1x1x128xf32, #tpu.memory_space<vmem>> -> memref<128xf32, #tpu.memory_space<vmem>>
    %dma_wait3A_2395 = arith.constant 0 : i32
    %dma_wait3A_2396 = tpu.memref_slice %arg8[%dma_wait3A_2388, %dma_wait3A_2389, %dma_wait3A_2395] : memref<26x4x128xi32, #tpu.memory_space<vmem>> -> memref<1x1x128xi32, #tpu.memory_space<vmem>>
    %dma_wait3A_2397 = tpu.memref_squeeze %dma_wait3A_2396 : memref<1x1x128xi32, #tpu.memory_space<vmem>> -> memref<128xi32, #tpu.memory_space<vmem>>
    %dma_wait3A_2398 = arith.constant 0 : i32
    %dma_wait3A_2399 = tpu.memref_slice %arg4[%dma_wait3A_2398] : memref<26000000xf32, #tpu.memory_space<hbm>> -> memref<26000000xf32, #tpu.memory_space<hbm>>
    tpu.wait_indirect_dma semaphore(%arg16 : memref<!tpu.dma_semaphore, #tpu.memory_space<semaphore_mem>>) src(%dma_wait3A_2399 : memref<26000000xf32, #tpu.memory_space<hbm>>) dst(%dma_wait3A_2394 : memref<128xf32, #tpu.memory_space<vmem>>)
    %dma_wait3A_2400 = arith.constant 7 : i32
    %dma_wait3A_2401 = arith.constant 1 : i32
    %dma_wait3A_2402 = arith.constant 7 : i32
    %dma_wait3A_2403 = arith.constant 1 : i32
    %dma_wait3A_2404 = arith.constant 0 : i32
    %dma_wait3A_2405 = tpu.memref_slice %arg9[%dma_wait3A_2402, %dma_wait3A_2403, %dma_wait3A_2404] : memref<26x4x128xf32, #tpu.memory_space<vmem>> -> memref<1x1x128xf32, #tpu.memory_space<vmem>>
    %dma_wait3A_2406 = tpu.memref_squeeze %dma_wait3A_2405 : memref<1x1x128xf32, #tpu.memory_space<vmem>> -> memref<128xf32, #tpu.memory_space<vmem>>
    %dma_wait3A_2407 = arith.constant 0 : i32
    %dma_wait3A_2408 = tpu.memref_slice %arg8[%dma_wait3A_2400, %dma_wait3A_2401, %dma_wait3A_2407] : memref<26x4x128xi32, #tpu.memory_space<vmem>> -> memref<1x1x128xi32, #tpu.memory_space<vmem>>
    %dma_wait3A_2409 = tpu.memref_squeeze %dma_wait3A_2408 : memref<1x1x128xi32, #tpu.memory_space<vmem>> -> memref<128xi32, #tpu.memory_space<vmem>>
    %dma_wait3A_2410 = arith.constant 0 : i32
    %dma_wait3A_2411 = tpu.memref_slice %arg4[%dma_wait3A_2410] : memref<26000000xf32, #tpu.memory_space<hbm>> -> memref<26000000xf32, #tpu.memory_space<hbm>>
    tpu.wait_indirect_dma semaphore(%arg16 : memref<!tpu.dma_semaphore, #tpu.memory_space<semaphore_mem>>) src(%dma_wait3A_2411 : memref<26000000xf32, #tpu.memory_space<hbm>>) dst(%dma_wait3A_2406 : memref<128xf32, #tpu.memory_space<vmem>>)
    %dma_wait3A_2412 = arith.constant 7 : i32
    %dma_wait3A_2413 = arith.constant 2 : i32
    %dma_wait3A_2414 = arith.constant 7 : i32
    %dma_wait3A_2415 = arith.constant 2 : i32
    %dma_wait3A_2416 = arith.constant 0 : i32
    %dma_wait3A_2417 = tpu.memref_slice %arg9[%dma_wait3A_2414, %dma_wait3A_2415, %dma_wait3A_2416] : memref<26x4x128xf32, #tpu.memory_space<vmem>> -> memref<1x1x128xf32, #tpu.memory_space<vmem>>
    %dma_wait3A_2418 = tpu.memref_squeeze %dma_wait3A_2417 : memref<1x1x128xf32, #tpu.memory_space<vmem>> -> memref<128xf32, #tpu.memory_space<vmem>>
    %dma_wait3A_2419 = arith.constant 0 : i32
    %dma_wait3A_2420 = tpu.memref_slice %arg8[%dma_wait3A_2412, %dma_wait3A_2413, %dma_wait3A_2419] : memref<26x4x128xi32, #tpu.memory_space<vmem>> -> memref<1x1x128xi32, #tpu.memory_space<vmem>>
    %dma_wait3A_2421 = tpu.memref_squeeze %dma_wait3A_2420 : memref<1x1x128xi32, #tpu.memory_space<vmem>> -> memref<128xi32, #tpu.memory_space<vmem>>
    %dma_wait3A_2422 = arith.constant 0 : i32
    %dma_wait3A_2423 = tpu.memref_slice %arg4[%dma_wait3A_2422] : memref<26000000xf32, #tpu.memory_space<hbm>> -> memref<26000000xf32, #tpu.memory_space<hbm>>
    tpu.wait_indirect_dma semaphore(%arg16 : memref<!tpu.dma_semaphore, #tpu.memory_space<semaphore_mem>>) src(%dma_wait3A_2423 : memref<26000000xf32, #tpu.memory_space<hbm>>) dst(%dma_wait3A_2418 : memref<128xf32, #tpu.memory_space<vmem>>)
    %dma_wait3A_2424 = arith.constant 7 : i32
    %dma_wait3A_2425 = arith.constant 3 : i32
    %dma_wait3A_2426 = arith.constant 7 : i32
    %dma_wait3A_2427 = arith.constant 3 : i32
    %dma_wait3A_2428 = arith.constant 0 : i32
    %dma_wait3A_2429 = tpu.memref_slice %arg9[%dma_wait3A_2426, %dma_wait3A_2427, %dma_wait3A_2428] : memref<26x4x128xf32, #tpu.memory_space<vmem>> -> memref<1x1x128xf32, #tpu.memory_space<vmem>>
    %dma_wait3A_2430 = tpu.memref_squeeze %dma_wait3A_2429 : memref<1x1x128xf32, #tpu.memory_space<vmem>> -> memref<128xf32, #tpu.memory_space<vmem>>
    %dma_wait3A_2431 = arith.constant 0 : i32
    %dma_wait3A_2432 = tpu.memref_slice %arg8[%dma_wait3A_2424, %dma_wait3A_2425, %dma_wait3A_2431] : memref<26x4x128xi32, #tpu.memory_space<vmem>> -> memref<1x1x128xi32, #tpu.memory_space<vmem>>
    %dma_wait3A_2433 = tpu.memref_squeeze %dma_wait3A_2432 : memref<1x1x128xi32, #tpu.memory_space<vmem>> -> memref<128xi32, #tpu.memory_space<vmem>>
    %dma_wait3A_2434 = arith.constant 0 : i32
    %dma_wait3A_2435 = tpu.memref_slice %arg4[%dma_wait3A_2434] : memref<26000000xf32, #tpu.memory_space<hbm>> -> memref<26000000xf32, #tpu.memory_space<hbm>>
    tpu.wait_indirect_dma semaphore(%arg16 : memref<!tpu.dma_semaphore, #tpu.memory_space<semaphore_mem>>) src(%dma_wait3A_2435 : memref<26000000xf32, #tpu.memory_space<hbm>>) dst(%dma_wait3A_2430 : memref<128xf32, #tpu.memory_space<vmem>>)
    %dma_wait3A_2436 = arith.constant 8 : i32
    %dma_wait3A_2437 = arith.constant 0 : i32
    %dma_wait3A_2438 = arith.constant 8 : i32
    %dma_wait3A_2439 = arith.constant 0 : i32
    %dma_wait3A_2440 = arith.constant 0 : i32
    %dma_wait3A_2441 = tpu.memref_slice %arg9[%dma_wait3A_2438, %dma_wait3A_2439, %dma_wait3A_2440] : memref<26x4x128xf32, #tpu.memory_space<vmem>> -> memref<1x1x128xf32, #tpu.memory_space<vmem>>
    %dma_wait3A_2442 = tpu.memref_squeeze %dma_wait3A_2441 : memref<1x1x128xf32, #tpu.memory_space<vmem>> -> memref<128xf32, #tpu.memory_space<vmem>>
    %dma_wait3A_2443 = arith.constant 0 : i32
    %dma_wait3A_2444 = tpu.memref_slice %arg8[%dma_wait3A_2436, %dma_wait3A_2437, %dma_wait3A_2443] : memref<26x4x128xi32, #tpu.memory_space<vmem>> -> memref<1x1x128xi32, #tpu.memory_space<vmem>>
    %dma_wait3A_2445 = tpu.memref_squeeze %dma_wait3A_2444 : memref<1x1x128xi32, #tpu.memory_space<vmem>> -> memref<128xi32, #tpu.memory_space<vmem>>
    %dma_wait3A_2446 = arith.constant 0 : i32
    %dma_wait3A_2447 = tpu.memref_slice %arg4[%dma_wait3A_2446] : memref<26000000xf32, #tpu.memory_space<hbm>> -> memref<26000000xf32, #tpu.memory_space<hbm>>
    tpu.wait_indirect_dma semaphore(%arg16 : memref<!tpu.dma_semaphore, #tpu.memory_space<semaphore_mem>>) src(%dma_wait3A_2447 : memref<26000000xf32, #tpu.memory_space<hbm>>) dst(%dma_wait3A_2442 : memref<128xf32, #tpu.memory_space<vmem>>)
    %dma_wait3A_2448 = arith.constant 8 : i32
    %dma_wait3A_2449 = arith.constant 1 : i32
    %dma_wait3A_2450 = arith.constant 8 : i32
    %dma_wait3A_2451 = arith.constant 1 : i32
    %dma_wait3A_2452 = arith.constant 0 : i32
    %dma_wait3A_2453 = tpu.memref_slice %arg9[%dma_wait3A_2450, %dma_wait3A_2451, %dma_wait3A_2452] : memref<26x4x128xf32, #tpu.memory_space<vmem>> -> memref<1x1x128xf32, #tpu.memory_space<vmem>>
    %dma_wait3A_2454 = tpu.memref_squeeze %dma_wait3A_2453 : memref<1x1x128xf32, #tpu.memory_space<vmem>> -> memref<128xf32, #tpu.memory_space<vmem>>
    %dma_wait3A_2455 = arith.constant 0 : i32
    %dma_wait3A_2456 = tpu.memref_slice %arg8[%dma_wait3A_2448, %dma_wait3A_2449, %dma_wait3A_2455] : memref<26x4x128xi32, #tpu.memory_space<vmem>> -> memref<1x1x128xi32, #tpu.memory_space<vmem>>
    %dma_wait3A_2457 = tpu.memref_squeeze %dma_wait3A_2456 : memref<1x1x128xi32, #tpu.memory_space<vmem>> -> memref<128xi32, #tpu.memory_space<vmem>>
    %dma_wait3A_2458 = arith.constant 0 : i32
    %dma_wait3A_2459 = tpu.memref_slice %arg4[%dma_wait3A_2458] : memref<26000000xf32, #tpu.memory_space<hbm>> -> memref<26000000xf32, #tpu.memory_space<hbm>>
    tpu.wait_indirect_dma semaphore(%arg16 : memref<!tpu.dma_semaphore, #tpu.memory_space<semaphore_mem>>) src(%dma_wait3A_2459 : memref<26000000xf32, #tpu.memory_space<hbm>>) dst(%dma_wait3A_2454 : memref<128xf32, #tpu.memory_space<vmem>>)
    %dma_wait3A_2460 = arith.constant 8 : i32
    %dma_wait3A_2461 = arith.constant 2 : i32
    %dma_wait3A_2462 = arith.constant 8 : i32
    %dma_wait3A_2463 = arith.constant 2 : i32
    %dma_wait3A_2464 = arith.constant 0 : i32
    %dma_wait3A_2465 = tpu.memref_slice %arg9[%dma_wait3A_2462, %dma_wait3A_2463, %dma_wait3A_2464] : memref<26x4x128xf32, #tpu.memory_space<vmem>> -> memref<1x1x128xf32, #tpu.memory_space<vmem>>
    %dma_wait3A_2466 = tpu.memref_squeeze %dma_wait3A_2465 : memref<1x1x128xf32, #tpu.memory_space<vmem>> -> memref<128xf32, #tpu.memory_space<vmem>>
    %dma_wait3A_2467 = arith.constant 0 : i32
    %dma_wait3A_2468 = tpu.memref_slice %arg8[%dma_wait3A_2460, %dma_wait3A_2461, %dma_wait3A_2467] : memref<26x4x128xi32, #tpu.memory_space<vmem>> -> memref<1x1x128xi32, #tpu.memory_space<vmem>>
    %dma_wait3A_2469 = tpu.memref_squeeze %dma_wait3A_2468 : memref<1x1x128xi32, #tpu.memory_space<vmem>> -> memref<128xi32, #tpu.memory_space<vmem>>
    %dma_wait3A_2470 = arith.constant 0 : i32
    %dma_wait3A_2471 = tpu.memref_slice %arg4[%dma_wait3A_2470] : memref<26000000xf32, #tpu.memory_space<hbm>> -> memref<26000000xf32, #tpu.memory_space<hbm>>
    tpu.wait_indirect_dma semaphore(%arg16 : memref<!tpu.dma_semaphore, #tpu.memory_space<semaphore_mem>>) src(%dma_wait3A_2471 : memref<26000000xf32, #tpu.memory_space<hbm>>) dst(%dma_wait3A_2466 : memref<128xf32, #tpu.memory_space<vmem>>)
    %dma_wait3A_2472 = arith.constant 8 : i32
    %dma_wait3A_2473 = arith.constant 3 : i32
    %dma_wait3A_2474 = arith.constant 8 : i32
    %dma_wait3A_2475 = arith.constant 3 : i32
    %dma_wait3A_2476 = arith.constant 0 : i32
    %dma_wait3A_2477 = tpu.memref_slice %arg9[%dma_wait3A_2474, %dma_wait3A_2475, %dma_wait3A_2476] : memref<26x4x128xf32, #tpu.memory_space<vmem>> -> memref<1x1x128xf32, #tpu.memory_space<vmem>>
    %dma_wait3A_2478 = tpu.memref_squeeze %dma_wait3A_2477 : memref<1x1x128xf32, #tpu.memory_space<vmem>> -> memref<128xf32, #tpu.memory_space<vmem>>
    %dma_wait3A_2479 = arith.constant 0 : i32
    %dma_wait3A_2480 = tpu.memref_slice %arg8[%dma_wait3A_2472, %dma_wait3A_2473, %dma_wait3A_2479] : memref<26x4x128xi32, #tpu.memory_space<vmem>> -> memref<1x1x128xi32, #tpu.memory_space<vmem>>
    %dma_wait3A_2481 = tpu.memref_squeeze %dma_wait3A_2480 : memref<1x1x128xi32, #tpu.memory_space<vmem>> -> memref<128xi32, #tpu.memory_space<vmem>>
    %dma_wait3A_2482 = arith.constant 0 : i32
    %dma_wait3A_2483 = tpu.memref_slice %arg4[%dma_wait3A_2482] : memref<26000000xf32, #tpu.memory_space<hbm>> -> memref<26000000xf32, #tpu.memory_space<hbm>>
    tpu.wait_indirect_dma semaphore(%arg16 : memref<!tpu.dma_semaphore, #tpu.memory_space<semaphore_mem>>) src(%dma_wait3A_2483 : memref<26000000xf32, #tpu.memory_space<hbm>>) dst(%dma_wait3A_2478 : memref<128xf32, #tpu.memory_space<vmem>>)
    %dma_wait3A_2484 = arith.constant 9 : i32
    %dma_wait3A_2485 = arith.constant 0 : i32
    %dma_wait3A_2486 = arith.constant 9 : i32
    %dma_wait3A_2487 = arith.constant 0 : i32
    %dma_wait3A_2488 = arith.constant 0 : i32
    %dma_wait3A_2489 = tpu.memref_slice %arg9[%dma_wait3A_2486, %dma_wait3A_2487, %dma_wait3A_2488] : memref<26x4x128xf32, #tpu.memory_space<vmem>> -> memref<1x1x128xf32, #tpu.memory_space<vmem>>
    %dma_wait3A_2490 = tpu.memref_squeeze %dma_wait3A_2489 : memref<1x1x128xf32, #tpu.memory_space<vmem>> -> memref<128xf32, #tpu.memory_space<vmem>>
    %dma_wait3A_2491 = arith.constant 0 : i32
    %dma_wait3A_2492 = tpu.memref_slice %arg8[%dma_wait3A_2484, %dma_wait3A_2485, %dma_wait3A_2491] : memref<26x4x128xi32, #tpu.memory_space<vmem>> -> memref<1x1x128xi32, #tpu.memory_space<vmem>>
    %dma_wait3A_2493 = tpu.memref_squeeze %dma_wait3A_2492 : memref<1x1x128xi32, #tpu.memory_space<vmem>> -> memref<128xi32, #tpu.memory_space<vmem>>
    %dma_wait3A_2494 = arith.constant 0 : i32
    %dma_wait3A_2495 = tpu.memref_slice %arg4[%dma_wait3A_2494] : memref<26000000xf32, #tpu.memory_space<hbm>> -> memref<26000000xf32, #tpu.memory_space<hbm>>
    tpu.wait_indirect_dma semaphore(%arg16 : memref<!tpu.dma_semaphore, #tpu.memory_space<semaphore_mem>>) src(%dma_wait3A_2495 : memref<26000000xf32, #tpu.memory_space<hbm>>) dst(%dma_wait3A_2490 : memref<128xf32, #tpu.memory_space<vmem>>)
    %dma_wait3A_2496 = arith.constant 9 : i32
    %dma_wait3A_2497 = arith.constant 1 : i32
    %dma_wait3A_2498 = arith.constant 9 : i32
    %dma_wait3A_2499 = arith.constant 1 : i32
    %dma_wait3A_2500 = arith.constant 0 : i32
    %dma_wait3A_2501 = tpu.memref_slice %arg9[%dma_wait3A_2498, %dma_wait3A_2499, %dma_wait3A_2500] : memref<26x4x128xf32, #tpu.memory_space<vmem>> -> memref<1x1x128xf32, #tpu.memory_space<vmem>>
    %dma_wait3A_2502 = tpu.memref_squeeze %dma_wait3A_2501 : memref<1x1x128xf32, #tpu.memory_space<vmem>> -> memref<128xf32, #tpu.memory_space<vmem>>
    %dma_wait3A_2503 = arith.constant 0 : i32
    %dma_wait3A_2504 = tpu.memref_slice %arg8[%dma_wait3A_2496, %dma_wait3A_2497, %dma_wait3A_2503] : memref<26x4x128xi32, #tpu.memory_space<vmem>> -> memref<1x1x128xi32, #tpu.memory_space<vmem>>
    %dma_wait3A_2505 = tpu.memref_squeeze %dma_wait3A_2504 : memref<1x1x128xi32, #tpu.memory_space<vmem>> -> memref<128xi32, #tpu.memory_space<vmem>>
    %dma_wait3A_2506 = arith.constant 0 : i32
    %dma_wait3A_2507 = tpu.memref_slice %arg4[%dma_wait3A_2506] : memref<26000000xf32, #tpu.memory_space<hbm>> -> memref<26000000xf32, #tpu.memory_space<hbm>>
    tpu.wait_indirect_dma semaphore(%arg16 : memref<!tpu.dma_semaphore, #tpu.memory_space<semaphore_mem>>) src(%dma_wait3A_2507 : memref<26000000xf32, #tpu.memory_space<hbm>>) dst(%dma_wait3A_2502 : memref<128xf32, #tpu.memory_space<vmem>>)
    %dma_wait3A_2508 = arith.constant 9 : i32
    %dma_wait3A_2509 = arith.constant 2 : i32
    %dma_wait3A_2510 = arith.constant 9 : i32
    %dma_wait3A_2511 = arith.constant 2 : i32
    %dma_wait3A_2512 = arith.constant 0 : i32
    %dma_wait3A_2513 = tpu.memref_slice %arg9[%dma_wait3A_2510, %dma_wait3A_2511, %dma_wait3A_2512] : memref<26x4x128xf32, #tpu.memory_space<vmem>> -> memref<1x1x128xf32, #tpu.memory_space<vmem>>
    %dma_wait3A_2514 = tpu.memref_squeeze %dma_wait3A_2513 : memref<1x1x128xf32, #tpu.memory_space<vmem>> -> memref<128xf32, #tpu.memory_space<vmem>>
    %dma_wait3A_2515 = arith.constant 0 : i32
    %dma_wait3A_2516 = tpu.memref_slice %arg8[%dma_wait3A_2508, %dma_wait3A_2509, %dma_wait3A_2515] : memref<26x4x128xi32, #tpu.memory_space<vmem>> -> memref<1x1x128xi32, #tpu.memory_space<vmem>>
    %dma_wait3A_2517 = tpu.memref_squeeze %dma_wait3A_2516 : memref<1x1x128xi32, #tpu.memory_space<vmem>> -> memref<128xi32, #tpu.memory_space<vmem>>
    %dma_wait3A_2518 = arith.constant 0 : i32
    %dma_wait3A_2519 = tpu.memref_slice %arg4[%dma_wait3A_2518] : memref<26000000xf32, #tpu.memory_space<hbm>> -> memref<26000000xf32, #tpu.memory_space<hbm>>
    tpu.wait_indirect_dma semaphore(%arg16 : memref<!tpu.dma_semaphore, #tpu.memory_space<semaphore_mem>>) src(%dma_wait3A_2519 : memref<26000000xf32, #tpu.memory_space<hbm>>) dst(%dma_wait3A_2514 : memref<128xf32, #tpu.memory_space<vmem>>)
    %dma_wait3A_2520 = arith.constant 9 : i32
    %dma_wait3A_2521 = arith.constant 3 : i32
    %dma_wait3A_2522 = arith.constant 9 : i32
    %dma_wait3A_2523 = arith.constant 3 : i32
    %dma_wait3A_2524 = arith.constant 0 : i32
    %dma_wait3A_2525 = tpu.memref_slice %arg9[%dma_wait3A_2522, %dma_wait3A_2523, %dma_wait3A_2524] : memref<26x4x128xf32, #tpu.memory_space<vmem>> -> memref<1x1x128xf32, #tpu.memory_space<vmem>>
    %dma_wait3A_2526 = tpu.memref_squeeze %dma_wait3A_2525 : memref<1x1x128xf32, #tpu.memory_space<vmem>> -> memref<128xf32, #tpu.memory_space<vmem>>
    %dma_wait3A_2527 = arith.constant 0 : i32
    %dma_wait3A_2528 = tpu.memref_slice %arg8[%dma_wait3A_2520, %dma_wait3A_2521, %dma_wait3A_2527] : memref<26x4x128xi32, #tpu.memory_space<vmem>> -> memref<1x1x128xi32, #tpu.memory_space<vmem>>
    %dma_wait3A_2529 = tpu.memref_squeeze %dma_wait3A_2528 : memref<1x1x128xi32, #tpu.memory_space<vmem>> -> memref<128xi32, #tpu.memory_space<vmem>>
    %dma_wait3A_2530 = arith.constant 0 : i32
    %dma_wait3A_2531 = tpu.memref_slice %arg4[%dma_wait3A_2530] : memref<26000000xf32, #tpu.memory_space<hbm>> -> memref<26000000xf32, #tpu.memory_space<hbm>>
    tpu.wait_indirect_dma semaphore(%arg16 : memref<!tpu.dma_semaphore, #tpu.memory_space<semaphore_mem>>) src(%dma_wait3A_2531 : memref<26000000xf32, #tpu.memory_space<hbm>>) dst(%dma_wait3A_2526 : memref<128xf32, #tpu.memory_space<vmem>>)
    %dma_wait3A_2532 = arith.constant 10 : i32
    %dma_wait3A_2533 = arith.constant 0 : i32
    %dma_wait3A_2534 = arith.constant 10 : i32
    %dma_wait3A_2535 = arith.constant 0 : i32
    %dma_wait3A_2536 = arith.constant 0 : i32
    %dma_wait3A_2537 = tpu.memref_slice %arg9[%dma_wait3A_2534, %dma_wait3A_2535, %dma_wait3A_2536] : memref<26x4x128xf32, #tpu.memory_space<vmem>> -> memref<1x1x128xf32, #tpu.memory_space<vmem>>
    %dma_wait3A_2538 = tpu.memref_squeeze %dma_wait3A_2537 : memref<1x1x128xf32, #tpu.memory_space<vmem>> -> memref<128xf32, #tpu.memory_space<vmem>>
    %dma_wait3A_2539 = arith.constant 0 : i32
    %dma_wait3A_2540 = tpu.memref_slice %arg8[%dma_wait3A_2532, %dma_wait3A_2533, %dma_wait3A_2539] : memref<26x4x128xi32, #tpu.memory_space<vmem>> -> memref<1x1x128xi32, #tpu.memory_space<vmem>>
    %dma_wait3A_2541 = tpu.memref_squeeze %dma_wait3A_2540 : memref<1x1x128xi32, #tpu.memory_space<vmem>> -> memref<128xi32, #tpu.memory_space<vmem>>
    %dma_wait3A_2542 = arith.constant 0 : i32
    %dma_wait3A_2543 = tpu.memref_slice %arg4[%dma_wait3A_2542] : memref<26000000xf32, #tpu.memory_space<hbm>> -> memref<26000000xf32, #tpu.memory_space<hbm>>
    tpu.wait_indirect_dma semaphore(%arg16 : memref<!tpu.dma_semaphore, #tpu.memory_space<semaphore_mem>>) src(%dma_wait3A_2543 : memref<26000000xf32, #tpu.memory_space<hbm>>) dst(%dma_wait3A_2538 : memref<128xf32, #tpu.memory_space<vmem>>)
    %dma_wait3A_2544 = arith.constant 10 : i32
    %dma_wait3A_2545 = arith.constant 1 : i32
    %dma_wait3A_2546 = arith.constant 10 : i32
    %dma_wait3A_2547 = arith.constant 1 : i32
    %dma_wait3A_2548 = arith.constant 0 : i32
    %dma_wait3A_2549 = tpu.memref_slice %arg9[%dma_wait3A_2546, %dma_wait3A_2547, %dma_wait3A_2548] : memref<26x4x128xf32, #tpu.memory_space<vmem>> -> memref<1x1x128xf32, #tpu.memory_space<vmem>>
    %dma_wait3A_2550 = tpu.memref_squeeze %dma_wait3A_2549 : memref<1x1x128xf32, #tpu.memory_space<vmem>> -> memref<128xf32, #tpu.memory_space<vmem>>
    %dma_wait3A_2551 = arith.constant 0 : i32
    %dma_wait3A_2552 = tpu.memref_slice %arg8[%dma_wait3A_2544, %dma_wait3A_2545, %dma_wait3A_2551] : memref<26x4x128xi32, #tpu.memory_space<vmem>> -> memref<1x1x128xi32, #tpu.memory_space<vmem>>
    %dma_wait3A_2553 = tpu.memref_squeeze %dma_wait3A_2552 : memref<1x1x128xi32, #tpu.memory_space<vmem>> -> memref<128xi32, #tpu.memory_space<vmem>>
    %dma_wait3A_2554 = arith.constant 0 : i32
    %dma_wait3A_2555 = tpu.memref_slice %arg4[%dma_wait3A_2554] : memref<26000000xf32, #tpu.memory_space<hbm>> -> memref<26000000xf32, #tpu.memory_space<hbm>>
    tpu.wait_indirect_dma semaphore(%arg16 : memref<!tpu.dma_semaphore, #tpu.memory_space<semaphore_mem>>) src(%dma_wait3A_2555 : memref<26000000xf32, #tpu.memory_space<hbm>>) dst(%dma_wait3A_2550 : memref<128xf32, #tpu.memory_space<vmem>>)
    %dma_wait3A_2556 = arith.constant 10 : i32
    %dma_wait3A_2557 = arith.constant 2 : i32
    %dma_wait3A_2558 = arith.constant 10 : i32
    %dma_wait3A_2559 = arith.constant 2 : i32
    %dma_wait3A_2560 = arith.constant 0 : i32
    %dma_wait3A_2561 = tpu.memref_slice %arg9[%dma_wait3A_2558, %dma_wait3A_2559, %dma_wait3A_2560] : memref<26x4x128xf32, #tpu.memory_space<vmem>> -> memref<1x1x128xf32, #tpu.memory_space<vmem>>
    %dma_wait3A_2562 = tpu.memref_squeeze %dma_wait3A_2561 : memref<1x1x128xf32, #tpu.memory_space<vmem>> -> memref<128xf32, #tpu.memory_space<vmem>>
    %dma_wait3A_2563 = arith.constant 0 : i32
    %dma_wait3A_2564 = tpu.memref_slice %arg8[%dma_wait3A_2556, %dma_wait3A_2557, %dma_wait3A_2563] : memref<26x4x128xi32, #tpu.memory_space<vmem>> -> memref<1x1x128xi32, #tpu.memory_space<vmem>>
    %dma_wait3A_2565 = tpu.memref_squeeze %dma_wait3A_2564 : memref<1x1x128xi32, #tpu.memory_space<vmem>> -> memref<128xi32, #tpu.memory_space<vmem>>
    %dma_wait3A_2566 = arith.constant 0 : i32
    %dma_wait3A_2567 = tpu.memref_slice %arg4[%dma_wait3A_2566] : memref<26000000xf32, #tpu.memory_space<hbm>> -> memref<26000000xf32, #tpu.memory_space<hbm>>
    tpu.wait_indirect_dma semaphore(%arg16 : memref<!tpu.dma_semaphore, #tpu.memory_space<semaphore_mem>>) src(%dma_wait3A_2567 : memref<26000000xf32, #tpu.memory_space<hbm>>) dst(%dma_wait3A_2562 : memref<128xf32, #tpu.memory_space<vmem>>)
    %dma_wait3A_2568 = arith.constant 10 : i32
    %dma_wait3A_2569 = arith.constant 3 : i32
    %dma_wait3A_2570 = arith.constant 10 : i32
    %dma_wait3A_2571 = arith.constant 3 : i32
    %dma_wait3A_2572 = arith.constant 0 : i32
    %dma_wait3A_2573 = tpu.memref_slice %arg9[%dma_wait3A_2570, %dma_wait3A_2571, %dma_wait3A_2572] : memref<26x4x128xf32, #tpu.memory_space<vmem>> -> memref<1x1x128xf32, #tpu.memory_space<vmem>>
    %dma_wait3A_2574 = tpu.memref_squeeze %dma_wait3A_2573 : memref<1x1x128xf32, #tpu.memory_space<vmem>> -> memref<128xf32, #tpu.memory_space<vmem>>
    %dma_wait3A_2575 = arith.constant 0 : i32
    %dma_wait3A_2576 = tpu.memref_slice %arg8[%dma_wait3A_2568, %dma_wait3A_2569, %dma_wait3A_2575] : memref<26x4x128xi32, #tpu.memory_space<vmem>> -> memref<1x1x128xi32, #tpu.memory_space<vmem>>
    %dma_wait3A_2577 = tpu.memref_squeeze %dma_wait3A_2576 : memref<1x1x128xi32, #tpu.memory_space<vmem>> -> memref<128xi32, #tpu.memory_space<vmem>>
    %dma_wait3A_2578 = arith.constant 0 : i32
    %dma_wait3A_2579 = tpu.memref_slice %arg4[%dma_wait3A_2578] : memref<26000000xf32, #tpu.memory_space<hbm>> -> memref<26000000xf32, #tpu.memory_space<hbm>>
    tpu.wait_indirect_dma semaphore(%arg16 : memref<!tpu.dma_semaphore, #tpu.memory_space<semaphore_mem>>) src(%dma_wait3A_2579 : memref<26000000xf32, #tpu.memory_space<hbm>>) dst(%dma_wait3A_2574 : memref<128xf32, #tpu.memory_space<vmem>>)
    %dma_wait3A_2580 = arith.constant 11 : i32
    %dma_wait3A_2581 = arith.constant 0 : i32
    %dma_wait3A_2582 = arith.constant 11 : i32
    %dma_wait3A_2583 = arith.constant 0 : i32
    %dma_wait3A_2584 = arith.constant 0 : i32
    %dma_wait3A_2585 = tpu.memref_slice %arg9[%dma_wait3A_2582, %dma_wait3A_2583, %dma_wait3A_2584] : memref<26x4x128xf32, #tpu.memory_space<vmem>> -> memref<1x1x128xf32, #tpu.memory_space<vmem>>
    %dma_wait3A_2586 = tpu.memref_squeeze %dma_wait3A_2585 : memref<1x1x128xf32, #tpu.memory_space<vmem>> -> memref<128xf32, #tpu.memory_space<vmem>>
    %dma_wait3A_2587 = arith.constant 0 : i32
    %dma_wait3A_2588 = tpu.memref_slice %arg8[%dma_wait3A_2580, %dma_wait3A_2581, %dma_wait3A_2587] : memref<26x4x128xi32, #tpu.memory_space<vmem>> -> memref<1x1x128xi32, #tpu.memory_space<vmem>>
    %dma_wait3A_2589 = tpu.memref_squeeze %dma_wait3A_2588 : memref<1x1x128xi32, #tpu.memory_space<vmem>> -> memref<128xi32, #tpu.memory_space<vmem>>
    %dma_wait3A_2590 = arith.constant 0 : i32
    %dma_wait3A_2591 = tpu.memref_slice %arg4[%dma_wait3A_2590] : memref<26000000xf32, #tpu.memory_space<hbm>> -> memref<26000000xf32, #tpu.memory_space<hbm>>
    tpu.wait_indirect_dma semaphore(%arg16 : memref<!tpu.dma_semaphore, #tpu.memory_space<semaphore_mem>>) src(%dma_wait3A_2591 : memref<26000000xf32, #tpu.memory_space<hbm>>) dst(%dma_wait3A_2586 : memref<128xf32, #tpu.memory_space<vmem>>)
    %dma_wait3A_2592 = arith.constant 11 : i32
    %dma_wait3A_2593 = arith.constant 1 : i32
    %dma_wait3A_2594 = arith.constant 11 : i32
    %dma_wait3A_2595 = arith.constant 1 : i32
    %dma_wait3A_2596 = arith.constant 0 : i32
    %dma_wait3A_2597 = tpu.memref_slice %arg9[%dma_wait3A_2594, %dma_wait3A_2595, %dma_wait3A_2596] : memref<26x4x128xf32, #tpu.memory_space<vmem>> -> memref<1x1x128xf32, #tpu.memory_space<vmem>>
    %dma_wait3A_2598 = tpu.memref_squeeze %dma_wait3A_2597 : memref<1x1x128xf32, #tpu.memory_space<vmem>> -> memref<128xf32, #tpu.memory_space<vmem>>
    %dma_wait3A_2599 = arith.constant 0 : i32
    %dma_wait3A_2600 = tpu.memref_slice %arg8[%dma_wait3A_2592, %dma_wait3A_2593, %dma_wait3A_2599] : memref<26x4x128xi32, #tpu.memory_space<vmem>> -> memref<1x1x128xi32, #tpu.memory_space<vmem>>
    %dma_wait3A_2601 = tpu.memref_squeeze %dma_wait3A_2600 : memref<1x1x128xi32, #tpu.memory_space<vmem>> -> memref<128xi32, #tpu.memory_space<vmem>>
    %dma_wait3A_2602 = arith.constant 0 : i32
    %dma_wait3A_2603 = tpu.memref_slice %arg4[%dma_wait3A_2602] : memref<26000000xf32, #tpu.memory_space<hbm>> -> memref<26000000xf32, #tpu.memory_space<hbm>>
    tpu.wait_indirect_dma semaphore(%arg16 : memref<!tpu.dma_semaphore, #tpu.memory_space<semaphore_mem>>) src(%dma_wait3A_2603 : memref<26000000xf32, #tpu.memory_space<hbm>>) dst(%dma_wait3A_2598 : memref<128xf32, #tpu.memory_space<vmem>>)
    %dma_wait3A_2604 = arith.constant 11 : i32
    %dma_wait3A_2605 = arith.constant 2 : i32
    %dma_wait3A_2606 = arith.constant 11 : i32
    %dma_wait3A_2607 = arith.constant 2 : i32
    %dma_wait3A_2608 = arith.constant 0 : i32
    %dma_wait3A_2609 = tpu.memref_slice %arg9[%dma_wait3A_2606, %dma_wait3A_2607, %dma_wait3A_2608] : memref<26x4x128xf32, #tpu.memory_space<vmem>> -> memref<1x1x128xf32, #tpu.memory_space<vmem>>
    %dma_wait3A_2610 = tpu.memref_squeeze %dma_wait3A_2609 : memref<1x1x128xf32, #tpu.memory_space<vmem>> -> memref<128xf32, #tpu.memory_space<vmem>>
    %dma_wait3A_2611 = arith.constant 0 : i32
    %dma_wait3A_2612 = tpu.memref_slice %arg8[%dma_wait3A_2604, %dma_wait3A_2605, %dma_wait3A_2611] : memref<26x4x128xi32, #tpu.memory_space<vmem>> -> memref<1x1x128xi32, #tpu.memory_space<vmem>>
    %dma_wait3A_2613 = tpu.memref_squeeze %dma_wait3A_2612 : memref<1x1x128xi32, #tpu.memory_space<vmem>> -> memref<128xi32, #tpu.memory_space<vmem>>
    %dma_wait3A_2614 = arith.constant 0 : i32
    %dma_wait3A_2615 = tpu.memref_slice %arg4[%dma_wait3A_2614] : memref<26000000xf32, #tpu.memory_space<hbm>> -> memref<26000000xf32, #tpu.memory_space<hbm>>
    tpu.wait_indirect_dma semaphore(%arg16 : memref<!tpu.dma_semaphore, #tpu.memory_space<semaphore_mem>>) src(%dma_wait3A_2615 : memref<26000000xf32, #tpu.memory_space<hbm>>) dst(%dma_wait3A_2610 : memref<128xf32, #tpu.memory_space<vmem>>)
    %dma_wait3A_2616 = arith.constant 11 : i32
    %dma_wait3A_2617 = arith.constant 3 : i32
    %dma_wait3A_2618 = arith.constant 11 : i32
    %dma_wait3A_2619 = arith.constant 3 : i32
    %dma_wait3A_2620 = arith.constant 0 : i32
    %dma_wait3A_2621 = tpu.memref_slice %arg9[%dma_wait3A_2618, %dma_wait3A_2619, %dma_wait3A_2620] : memref<26x4x128xf32, #tpu.memory_space<vmem>> -> memref<1x1x128xf32, #tpu.memory_space<vmem>>
    %dma_wait3A_2622 = tpu.memref_squeeze %dma_wait3A_2621 : memref<1x1x128xf32, #tpu.memory_space<vmem>> -> memref<128xf32, #tpu.memory_space<vmem>>
    %dma_wait3A_2623 = arith.constant 0 : i32
    %dma_wait3A_2624 = tpu.memref_slice %arg8[%dma_wait3A_2616, %dma_wait3A_2617, %dma_wait3A_2623] : memref<26x4x128xi32, #tpu.memory_space<vmem>> -> memref<1x1x128xi32, #tpu.memory_space<vmem>>
    %dma_wait3A_2625 = tpu.memref_squeeze %dma_wait3A_2624 : memref<1x1x128xi32, #tpu.memory_space<vmem>> -> memref<128xi32, #tpu.memory_space<vmem>>
    %dma_wait3A_2626 = arith.constant 0 : i32
    %dma_wait3A_2627 = tpu.memref_slice %arg4[%dma_wait3A_2626] : memref<26000000xf32, #tpu.memory_space<hbm>> -> memref<26000000xf32, #tpu.memory_space<hbm>>
    tpu.wait_indirect_dma semaphore(%arg16 : memref<!tpu.dma_semaphore, #tpu.memory_space<semaphore_mem>>) src(%dma_wait3A_2627 : memref<26000000xf32, #tpu.memory_space<hbm>>) dst(%dma_wait3A_2622 : memref<128xf32, #tpu.memory_space<vmem>>)
    %dma_wait3A_2628 = arith.constant 12 : i32
    %dma_wait3A_2629 = arith.constant 0 : i32
    %dma_wait3A_2630 = arith.constant 12 : i32
    %dma_wait3A_2631 = arith.constant 0 : i32
    %dma_wait3A_2632 = arith.constant 0 : i32
    %dma_wait3A_2633 = tpu.memref_slice %arg9[%dma_wait3A_2630, %dma_wait3A_2631, %dma_wait3A_2632] : memref<26x4x128xf32, #tpu.memory_space<vmem>> -> memref<1x1x128xf32, #tpu.memory_space<vmem>>
    %dma_wait3A_2634 = tpu.memref_squeeze %dma_wait3A_2633 : memref<1x1x128xf32, #tpu.memory_space<vmem>> -> memref<128xf32, #tpu.memory_space<vmem>>
    %dma_wait3A_2635 = arith.constant 0 : i32
    %dma_wait3A_2636 = tpu.memref_slice %arg8[%dma_wait3A_2628, %dma_wait3A_2629, %dma_wait3A_2635] : memref<26x4x128xi32, #tpu.memory_space<vmem>> -> memref<1x1x128xi32, #tpu.memory_space<vmem>>
    %dma_wait3A_2637 = tpu.memref_squeeze %dma_wait3A_2636 : memref<1x1x128xi32, #tpu.memory_space<vmem>> -> memref<128xi32, #tpu.memory_space<vmem>>
    %dma_wait3A_2638 = arith.constant 0 : i32
    %dma_wait3A_2639 = tpu.memref_slice %arg4[%dma_wait3A_2638] : memref<26000000xf32, #tpu.memory_space<hbm>> -> memref<26000000xf32, #tpu.memory_space<hbm>>
    tpu.wait_indirect_dma semaphore(%arg16 : memref<!tpu.dma_semaphore, #tpu.memory_space<semaphore_mem>>) src(%dma_wait3A_2639 : memref<26000000xf32, #tpu.memory_space<hbm>>) dst(%dma_wait3A_2634 : memref<128xf32, #tpu.memory_space<vmem>>)
    %dma_wait3A_2640 = arith.constant 12 : i32
    %dma_wait3A_2641 = arith.constant 1 : i32
    %dma_wait3A_2642 = arith.constant 12 : i32
    %dma_wait3A_2643 = arith.constant 1 : i32
    %dma_wait3A_2644 = arith.constant 0 : i32
    %dma_wait3A_2645 = tpu.memref_slice %arg9[%dma_wait3A_2642, %dma_wait3A_2643, %dma_wait3A_2644] : memref<26x4x128xf32, #tpu.memory_space<vmem>> -> memref<1x1x128xf32, #tpu.memory_space<vmem>>
    %dma_wait3A_2646 = tpu.memref_squeeze %dma_wait3A_2645 : memref<1x1x128xf32, #tpu.memory_space<vmem>> -> memref<128xf32, #tpu.memory_space<vmem>>
    %dma_wait3A_2647 = arith.constant 0 : i32
    %dma_wait3A_2648 = tpu.memref_slice %arg8[%dma_wait3A_2640, %dma_wait3A_2641, %dma_wait3A_2647] : memref<26x4x128xi32, #tpu.memory_space<vmem>> -> memref<1x1x128xi32, #tpu.memory_space<vmem>>
    %dma_wait3A_2649 = tpu.memref_squeeze %dma_wait3A_2648 : memref<1x1x128xi32, #tpu.memory_space<vmem>> -> memref<128xi32, #tpu.memory_space<vmem>>
    %dma_wait3A_2650 = arith.constant 0 : i32
    %dma_wait3A_2651 = tpu.memref_slice %arg4[%dma_wait3A_2650] : memref<26000000xf32, #tpu.memory_space<hbm>> -> memref<26000000xf32, #tpu.memory_space<hbm>>
    tpu.wait_indirect_dma semaphore(%arg16 : memref<!tpu.dma_semaphore, #tpu.memory_space<semaphore_mem>>) src(%dma_wait3A_2651 : memref<26000000xf32, #tpu.memory_space<hbm>>) dst(%dma_wait3A_2646 : memref<128xf32, #tpu.memory_space<vmem>>)
    %dma_wait3A_2652 = arith.constant 12 : i32
    %dma_wait3A_2653 = arith.constant 2 : i32
    %dma_wait3A_2654 = arith.constant 12 : i32
    %dma_wait3A_2655 = arith.constant 2 : i32
    %dma_wait3A_2656 = arith.constant 0 : i32
    %dma_wait3A_2657 = tpu.memref_slice %arg9[%dma_wait3A_2654, %dma_wait3A_2655, %dma_wait3A_2656] : memref<26x4x128xf32, #tpu.memory_space<vmem>> -> memref<1x1x128xf32, #tpu.memory_space<vmem>>
    %dma_wait3A_2658 = tpu.memref_squeeze %dma_wait3A_2657 : memref<1x1x128xf32, #tpu.memory_space<vmem>> -> memref<128xf32, #tpu.memory_space<vmem>>
    %dma_wait3A_2659 = arith.constant 0 : i32
    %dma_wait3A_2660 = tpu.memref_slice %arg8[%dma_wait3A_2652, %dma_wait3A_2653, %dma_wait3A_2659] : memref<26x4x128xi32, #tpu.memory_space<vmem>> -> memref<1x1x128xi32, #tpu.memory_space<vmem>>
    %dma_wait3A_2661 = tpu.memref_squeeze %dma_wait3A_2660 : memref<1x1x128xi32, #tpu.memory_space<vmem>> -> memref<128xi32, #tpu.memory_space<vmem>>
    %dma_wait3A_2662 = arith.constant 0 : i32
    %dma_wait3A_2663 = tpu.memref_slice %arg4[%dma_wait3A_2662] : memref<26000000xf32, #tpu.memory_space<hbm>> -> memref<26000000xf32, #tpu.memory_space<hbm>>
    tpu.wait_indirect_dma semaphore(%arg16 : memref<!tpu.dma_semaphore, #tpu.memory_space<semaphore_mem>>) src(%dma_wait3A_2663 : memref<26000000xf32, #tpu.memory_space<hbm>>) dst(%dma_wait3A_2658 : memref<128xf32, #tpu.memory_space<vmem>>)
    %dma_wait3A_2664 = arith.constant 12 : i32
    %dma_wait3A_2665 = arith.constant 3 : i32
    %dma_wait3A_2666 = arith.constant 12 : i32
    %dma_wait3A_2667 = arith.constant 3 : i32
    %dma_wait3A_2668 = arith.constant 0 : i32
    %dma_wait3A_2669 = tpu.memref_slice %arg9[%dma_wait3A_2666, %dma_wait3A_2667, %dma_wait3A_2668] : memref<26x4x128xf32, #tpu.memory_space<vmem>> -> memref<1x1x128xf32, #tpu.memory_space<vmem>>
    %dma_wait3A_2670 = tpu.memref_squeeze %dma_wait3A_2669 : memref<1x1x128xf32, #tpu.memory_space<vmem>> -> memref<128xf32, #tpu.memory_space<vmem>>
    %dma_wait3A_2671 = arith.constant 0 : i32
    %dma_wait3A_2672 = tpu.memref_slice %arg8[%dma_wait3A_2664, %dma_wait3A_2665, %dma_wait3A_2671] : memref<26x4x128xi32, #tpu.memory_space<vmem>> -> memref<1x1x128xi32, #tpu.memory_space<vmem>>
    %dma_wait3A_2673 = tpu.memref_squeeze %dma_wait3A_2672 : memref<1x1x128xi32, #tpu.memory_space<vmem>> -> memref<128xi32, #tpu.memory_space<vmem>>
    %dma_wait3A_2674 = arith.constant 0 : i32
    %dma_wait3A_2675 = tpu.memref_slice %arg4[%dma_wait3A_2674] : memref<26000000xf32, #tpu.memory_space<hbm>> -> memref<26000000xf32, #tpu.memory_space<hbm>>
    tpu.wait_indirect_dma semaphore(%arg16 : memref<!tpu.dma_semaphore, #tpu.memory_space<semaphore_mem>>) src(%dma_wait3A_2675 : memref<26000000xf32, #tpu.memory_space<hbm>>) dst(%dma_wait3A_2670 : memref<128xf32, #tpu.memory_space<vmem>>)
    %dma_wait3A_2676 = arith.constant 13 : i32
    %dma_wait3A_2677 = arith.constant 0 : i32
    %dma_wait3A_2678 = arith.constant 13 : i32
    %dma_wait3A_2679 = arith.constant 0 : i32
    %dma_wait3A_2680 = arith.constant 0 : i32
    %dma_wait3A_2681 = tpu.memref_slice %arg9[%dma_wait3A_2678, %dma_wait3A_2679, %dma_wait3A_2680] : memref<26x4x128xf32, #tpu.memory_space<vmem>> -> memref<1x1x128xf32, #tpu.memory_space<vmem>>
    %dma_wait3A_2682 = tpu.memref_squeeze %dma_wait3A_2681 : memref<1x1x128xf32, #tpu.memory_space<vmem>> -> memref<128xf32, #tpu.memory_space<vmem>>
    %dma_wait3A_2683 = arith.constant 0 : i32
    %dma_wait3A_2684 = tpu.memref_slice %arg8[%dma_wait3A_2676, %dma_wait3A_2677, %dma_wait3A_2683] : memref<26x4x128xi32, #tpu.memory_space<vmem>> -> memref<1x1x128xi32, #tpu.memory_space<vmem>>
    %dma_wait3A_2685 = tpu.memref_squeeze %dma_wait3A_2684 : memref<1x1x128xi32, #tpu.memory_space<vmem>> -> memref<128xi32, #tpu.memory_space<vmem>>
    %dma_wait3A_2686 = arith.constant 0 : i32
    %dma_wait3A_2687 = tpu.memref_slice %arg4[%dma_wait3A_2686] : memref<26000000xf32, #tpu.memory_space<hbm>> -> memref<26000000xf32, #tpu.memory_space<hbm>>
    tpu.wait_indirect_dma semaphore(%arg16 : memref<!tpu.dma_semaphore, #tpu.memory_space<semaphore_mem>>) src(%dma_wait3A_2687 : memref<26000000xf32, #tpu.memory_space<hbm>>) dst(%dma_wait3A_2682 : memref<128xf32, #tpu.memory_space<vmem>>)
    %dma_wait3A_2688 = arith.constant 13 : i32
    %dma_wait3A_2689 = arith.constant 1 : i32
    %dma_wait3A_2690 = arith.constant 13 : i32
    %dma_wait3A_2691 = arith.constant 1 : i32
    %dma_wait3A_2692 = arith.constant 0 : i32
    %dma_wait3A_2693 = tpu.memref_slice %arg9[%dma_wait3A_2690, %dma_wait3A_2691, %dma_wait3A_2692] : memref<26x4x128xf32, #tpu.memory_space<vmem>> -> memref<1x1x128xf32, #tpu.memory_space<vmem>>
    %dma_wait3A_2694 = tpu.memref_squeeze %dma_wait3A_2693 : memref<1x1x128xf32, #tpu.memory_space<vmem>> -> memref<128xf32, #tpu.memory_space<vmem>>
    %dma_wait3A_2695 = arith.constant 0 : i32
    %dma_wait3A_2696 = tpu.memref_slice %arg8[%dma_wait3A_2688, %dma_wait3A_2689, %dma_wait3A_2695] : memref<26x4x128xi32, #tpu.memory_space<vmem>> -> memref<1x1x128xi32, #tpu.memory_space<vmem>>
    %dma_wait3A_2697 = tpu.memref_squeeze %dma_wait3A_2696 : memref<1x1x128xi32, #tpu.memory_space<vmem>> -> memref<128xi32, #tpu.memory_space<vmem>>
    %dma_wait3A_2698 = arith.constant 0 : i32
    %dma_wait3A_2699 = tpu.memref_slice %arg4[%dma_wait3A_2698] : memref<26000000xf32, #tpu.memory_space<hbm>> -> memref<26000000xf32, #tpu.memory_space<hbm>>
    tpu.wait_indirect_dma semaphore(%arg16 : memref<!tpu.dma_semaphore, #tpu.memory_space<semaphore_mem>>) src(%dma_wait3A_2699 : memref<26000000xf32, #tpu.memory_space<hbm>>) dst(%dma_wait3A_2694 : memref<128xf32, #tpu.memory_space<vmem>>)
    %dma_wait3A_2700 = arith.constant 13 : i32
    %dma_wait3A_2701 = arith.constant 2 : i32
    %dma_wait3A_2702 = arith.constant 13 : i32
    %dma_wait3A_2703 = arith.constant 2 : i32
    %dma_wait3A_2704 = arith.constant 0 : i32
    %dma_wait3A_2705 = tpu.memref_slice %arg9[%dma_wait3A_2702, %dma_wait3A_2703, %dma_wait3A_2704] : memref<26x4x128xf32, #tpu.memory_space<vmem>> -> memref<1x1x128xf32, #tpu.memory_space<vmem>>
    %dma_wait3A_2706 = tpu.memref_squeeze %dma_wait3A_2705 : memref<1x1x128xf32, #tpu.memory_space<vmem>> -> memref<128xf32, #tpu.memory_space<vmem>>
    %dma_wait3A_2707 = arith.constant 0 : i32
    %dma_wait3A_2708 = tpu.memref_slice %arg8[%dma_wait3A_2700, %dma_wait3A_2701, %dma_wait3A_2707] : memref<26x4x128xi32, #tpu.memory_space<vmem>> -> memref<1x1x128xi32, #tpu.memory_space<vmem>>
    %dma_wait3A_2709 = tpu.memref_squeeze %dma_wait3A_2708 : memref<1x1x128xi32, #tpu.memory_space<vmem>> -> memref<128xi32, #tpu.memory_space<vmem>>
    %dma_wait3A_2710 = arith.constant 0 : i32
    %dma_wait3A_2711 = tpu.memref_slice %arg4[%dma_wait3A_2710] : memref<26000000xf32, #tpu.memory_space<hbm>> -> memref<26000000xf32, #tpu.memory_space<hbm>>
    tpu.wait_indirect_dma semaphore(%arg16 : memref<!tpu.dma_semaphore, #tpu.memory_space<semaphore_mem>>) src(%dma_wait3A_2711 : memref<26000000xf32, #tpu.memory_space<hbm>>) dst(%dma_wait3A_2706 : memref<128xf32, #tpu.memory_space<vmem>>)
    %dma_wait3A_2712 = arith.constant 13 : i32
    %dma_wait3A_2713 = arith.constant 3 : i32
    %dma_wait3A_2714 = arith.constant 13 : i32
    %dma_wait3A_2715 = arith.constant 3 : i32
    %dma_wait3A_2716 = arith.constant 0 : i32
    %dma_wait3A_2717 = tpu.memref_slice %arg9[%dma_wait3A_2714, %dma_wait3A_2715, %dma_wait3A_2716] : memref<26x4x128xf32, #tpu.memory_space<vmem>> -> memref<1x1x128xf32, #tpu.memory_space<vmem>>
    %dma_wait3A_2718 = tpu.memref_squeeze %dma_wait3A_2717 : memref<1x1x128xf32, #tpu.memory_space<vmem>> -> memref<128xf32, #tpu.memory_space<vmem>>
    %dma_wait3A_2719 = arith.constant 0 : i32
    %dma_wait3A_2720 = tpu.memref_slice %arg8[%dma_wait3A_2712, %dma_wait3A_2713, %dma_wait3A_2719] : memref<26x4x128xi32, #tpu.memory_space<vmem>> -> memref<1x1x128xi32, #tpu.memory_space<vmem>>
    %dma_wait3A_2721 = tpu.memref_squeeze %dma_wait3A_2720 : memref<1x1x128xi32, #tpu.memory_space<vmem>> -> memref<128xi32, #tpu.memory_space<vmem>>
    %dma_wait3A_2722 = arith.constant 0 : i32
    %dma_wait3A_2723 = tpu.memref_slice %arg4[%dma_wait3A_2722] : memref<26000000xf32, #tpu.memory_space<hbm>> -> memref<26000000xf32, #tpu.memory_space<hbm>>
    tpu.wait_indirect_dma semaphore(%arg16 : memref<!tpu.dma_semaphore, #tpu.memory_space<semaphore_mem>>) src(%dma_wait3A_2723 : memref<26000000xf32, #tpu.memory_space<hbm>>) dst(%dma_wait3A_2718 : memref<128xf32, #tpu.memory_space<vmem>>)
    %dma_wait3A_2724 = arith.constant 14 : i32
    %dma_wait3A_2725 = arith.constant 0 : i32
    %dma_wait3A_2726 = arith.constant 14 : i32
    %dma_wait3A_2727 = arith.constant 0 : i32
    %dma_wait3A_2728 = arith.constant 0 : i32
    %dma_wait3A_2729 = tpu.memref_slice %arg9[%dma_wait3A_2726, %dma_wait3A_2727, %dma_wait3A_2728] : memref<26x4x128xf32, #tpu.memory_space<vmem>> -> memref<1x1x128xf32, #tpu.memory_space<vmem>>
    %dma_wait3A_2730 = tpu.memref_squeeze %dma_wait3A_2729 : memref<1x1x128xf32, #tpu.memory_space<vmem>> -> memref<128xf32, #tpu.memory_space<vmem>>
    %dma_wait3A_2731 = arith.constant 0 : i32
    %dma_wait3A_2732 = tpu.memref_slice %arg8[%dma_wait3A_2724, %dma_wait3A_2725, %dma_wait3A_2731] : memref<26x4x128xi32, #tpu.memory_space<vmem>> -> memref<1x1x128xi32, #tpu.memory_space<vmem>>
    %dma_wait3A_2733 = tpu.memref_squeeze %dma_wait3A_2732 : memref<1x1x128xi32, #tpu.memory_space<vmem>> -> memref<128xi32, #tpu.memory_space<vmem>>
    %dma_wait3A_2734 = arith.constant 0 : i32
    %dma_wait3A_2735 = tpu.memref_slice %arg4[%dma_wait3A_2734] : memref<26000000xf32, #tpu.memory_space<hbm>> -> memref<26000000xf32, #tpu.memory_space<hbm>>
    tpu.wait_indirect_dma semaphore(%arg16 : memref<!tpu.dma_semaphore, #tpu.memory_space<semaphore_mem>>) src(%dma_wait3A_2735 : memref<26000000xf32, #tpu.memory_space<hbm>>) dst(%dma_wait3A_2730 : memref<128xf32, #tpu.memory_space<vmem>>)
    %dma_wait3A_2736 = arith.constant 14 : i32
    %dma_wait3A_2737 = arith.constant 1 : i32
    %dma_wait3A_2738 = arith.constant 14 : i32
    %dma_wait3A_2739 = arith.constant 1 : i32
    %dma_wait3A_2740 = arith.constant 0 : i32
    %dma_wait3A_2741 = tpu.memref_slice %arg9[%dma_wait3A_2738, %dma_wait3A_2739, %dma_wait3A_2740] : memref<26x4x128xf32, #tpu.memory_space<vmem>> -> memref<1x1x128xf32, #tpu.memory_space<vmem>>
    %dma_wait3A_2742 = tpu.memref_squeeze %dma_wait3A_2741 : memref<1x1x128xf32, #tpu.memory_space<vmem>> -> memref<128xf32, #tpu.memory_space<vmem>>
    %dma_wait3A_2743 = arith.constant 0 : i32
    %dma_wait3A_2744 = tpu.memref_slice %arg8[%dma_wait3A_2736, %dma_wait3A_2737, %dma_wait3A_2743] : memref<26x4x128xi32, #tpu.memory_space<vmem>> -> memref<1x1x128xi32, #tpu.memory_space<vmem>>
    %dma_wait3A_2745 = tpu.memref_squeeze %dma_wait3A_2744 : memref<1x1x128xi32, #tpu.memory_space<vmem>> -> memref<128xi32, #tpu.memory_space<vmem>>
    %dma_wait3A_2746 = arith.constant 0 : i32
    %dma_wait3A_2747 = tpu.memref_slice %arg4[%dma_wait3A_2746] : memref<26000000xf32, #tpu.memory_space<hbm>> -> memref<26000000xf32, #tpu.memory_space<hbm>>
    tpu.wait_indirect_dma semaphore(%arg16 : memref<!tpu.dma_semaphore, #tpu.memory_space<semaphore_mem>>) src(%dma_wait3A_2747 : memref<26000000xf32, #tpu.memory_space<hbm>>) dst(%dma_wait3A_2742 : memref<128xf32, #tpu.memory_space<vmem>>)
    %dma_wait3A_2748 = arith.constant 14 : i32
    %dma_wait3A_2749 = arith.constant 2 : i32
    %dma_wait3A_2750 = arith.constant 14 : i32
    %dma_wait3A_2751 = arith.constant 2 : i32
    %dma_wait3A_2752 = arith.constant 0 : i32
    %dma_wait3A_2753 = tpu.memref_slice %arg9[%dma_wait3A_2750, %dma_wait3A_2751, %dma_wait3A_2752] : memref<26x4x128xf32, #tpu.memory_space<vmem>> -> memref<1x1x128xf32, #tpu.memory_space<vmem>>
    %dma_wait3A_2754 = tpu.memref_squeeze %dma_wait3A_2753 : memref<1x1x128xf32, #tpu.memory_space<vmem>> -> memref<128xf32, #tpu.memory_space<vmem>>
    %dma_wait3A_2755 = arith.constant 0 : i32
    %dma_wait3A_2756 = tpu.memref_slice %arg8[%dma_wait3A_2748, %dma_wait3A_2749, %dma_wait3A_2755] : memref<26x4x128xi32, #tpu.memory_space<vmem>> -> memref<1x1x128xi32, #tpu.memory_space<vmem>>
    %dma_wait3A_2757 = tpu.memref_squeeze %dma_wait3A_2756 : memref<1x1x128xi32, #tpu.memory_space<vmem>> -> memref<128xi32, #tpu.memory_space<vmem>>
    %dma_wait3A_2758 = arith.constant 0 : i32
    %dma_wait3A_2759 = tpu.memref_slice %arg4[%dma_wait3A_2758] : memref<26000000xf32, #tpu.memory_space<hbm>> -> memref<26000000xf32, #tpu.memory_space<hbm>>
    tpu.wait_indirect_dma semaphore(%arg16 : memref<!tpu.dma_semaphore, #tpu.memory_space<semaphore_mem>>) src(%dma_wait3A_2759 : memref<26000000xf32, #tpu.memory_space<hbm>>) dst(%dma_wait3A_2754 : memref<128xf32, #tpu.memory_space<vmem>>)
    %dma_wait3A_2760 = arith.constant 14 : i32
    %dma_wait3A_2761 = arith.constant 3 : i32
    %dma_wait3A_2762 = arith.constant 14 : i32
    %dma_wait3A_2763 = arith.constant 3 : i32
    %dma_wait3A_2764 = arith.constant 0 : i32
    %dma_wait3A_2765 = tpu.memref_slice %arg9[%dma_wait3A_2762, %dma_wait3A_2763, %dma_wait3A_2764] : memref<26x4x128xf32, #tpu.memory_space<vmem>> -> memref<1x1x128xf32, #tpu.memory_space<vmem>>
    %dma_wait3A_2766 = tpu.memref_squeeze %dma_wait3A_2765 : memref<1x1x128xf32, #tpu.memory_space<vmem>> -> memref<128xf32, #tpu.memory_space<vmem>>
    %dma_wait3A_2767 = arith.constant 0 : i32
    %dma_wait3A_2768 = tpu.memref_slice %arg8[%dma_wait3A_2760, %dma_wait3A_2761, %dma_wait3A_2767] : memref<26x4x128xi32, #tpu.memory_space<vmem>> -> memref<1x1x128xi32, #tpu.memory_space<vmem>>
    %dma_wait3A_2769 = tpu.memref_squeeze %dma_wait3A_2768 : memref<1x1x128xi32, #tpu.memory_space<vmem>> -> memref<128xi32, #tpu.memory_space<vmem>>
    %dma_wait3A_2770 = arith.constant 0 : i32
    %dma_wait3A_2771 = tpu.memref_slice %arg4[%dma_wait3A_2770] : memref<26000000xf32, #tpu.memory_space<hbm>> -> memref<26000000xf32, #tpu.memory_space<hbm>>
    tpu.wait_indirect_dma semaphore(%arg16 : memref<!tpu.dma_semaphore, #tpu.memory_space<semaphore_mem>>) src(%dma_wait3A_2771 : memref<26000000xf32, #tpu.memory_space<hbm>>) dst(%dma_wait3A_2766 : memref<128xf32, #tpu.memory_space<vmem>>)
    %dma_wait3A_2772 = arith.constant 15 : i32
    %dma_wait3A_2773 = arith.constant 0 : i32
    %dma_wait3A_2774 = arith.constant 15 : i32
    %dma_wait3A_2775 = arith.constant 0 : i32
    %dma_wait3A_2776 = arith.constant 0 : i32
    %dma_wait3A_2777 = tpu.memref_slice %arg9[%dma_wait3A_2774, %dma_wait3A_2775, %dma_wait3A_2776] : memref<26x4x128xf32, #tpu.memory_space<vmem>> -> memref<1x1x128xf32, #tpu.memory_space<vmem>>
    %dma_wait3A_2778 = tpu.memref_squeeze %dma_wait3A_2777 : memref<1x1x128xf32, #tpu.memory_space<vmem>> -> memref<128xf32, #tpu.memory_space<vmem>>
    %dma_wait3A_2779 = arith.constant 0 : i32
    %dma_wait3A_2780 = tpu.memref_slice %arg8[%dma_wait3A_2772, %dma_wait3A_2773, %dma_wait3A_2779] : memref<26x4x128xi32, #tpu.memory_space<vmem>> -> memref<1x1x128xi32, #tpu.memory_space<vmem>>
    %dma_wait3A_2781 = tpu.memref_squeeze %dma_wait3A_2780 : memref<1x1x128xi32, #tpu.memory_space<vmem>> -> memref<128xi32, #tpu.memory_space<vmem>>
    %dma_wait3A_2782 = arith.constant 0 : i32
    %dma_wait3A_2783 = tpu.memref_slice %arg4[%dma_wait3A_2782] : memref<26000000xf32, #tpu.memory_space<hbm>> -> memref<26000000xf32, #tpu.memory_space<hbm>>
    tpu.wait_indirect_dma semaphore(%arg16 : memref<!tpu.dma_semaphore, #tpu.memory_space<semaphore_mem>>) src(%dma_wait3A_2783 : memref<26000000xf32, #tpu.memory_space<hbm>>) dst(%dma_wait3A_2778 : memref<128xf32, #tpu.memory_space<vmem>>)
    %dma_wait3A_2784 = arith.constant 15 : i32
    %dma_wait3A_2785 = arith.constant 1 : i32
    %dma_wait3A_2786 = arith.constant 15 : i32
    %dma_wait3A_2787 = arith.constant 1 : i32
    %dma_wait3A_2788 = arith.constant 0 : i32
    %dma_wait3A_2789 = tpu.memref_slice %arg9[%dma_wait3A_2786, %dma_wait3A_2787, %dma_wait3A_2788] : memref<26x4x128xf32, #tpu.memory_space<vmem>> -> memref<1x1x128xf32, #tpu.memory_space<vmem>>
    %dma_wait3A_2790 = tpu.memref_squeeze %dma_wait3A_2789 : memref<1x1x128xf32, #tpu.memory_space<vmem>> -> memref<128xf32, #tpu.memory_space<vmem>>
    %dma_wait3A_2791 = arith.constant 0 : i32
    %dma_wait3A_2792 = tpu.memref_slice %arg8[%dma_wait3A_2784, %dma_wait3A_2785, %dma_wait3A_2791] : memref<26x4x128xi32, #tpu.memory_space<vmem>> -> memref<1x1x128xi32, #tpu.memory_space<vmem>>
    %dma_wait3A_2793 = tpu.memref_squeeze %dma_wait3A_2792 : memref<1x1x128xi32, #tpu.memory_space<vmem>> -> memref<128xi32, #tpu.memory_space<vmem>>
    %dma_wait3A_2794 = arith.constant 0 : i32
    %dma_wait3A_2795 = tpu.memref_slice %arg4[%dma_wait3A_2794] : memref<26000000xf32, #tpu.memory_space<hbm>> -> memref<26000000xf32, #tpu.memory_space<hbm>>
    tpu.wait_indirect_dma semaphore(%arg16 : memref<!tpu.dma_semaphore, #tpu.memory_space<semaphore_mem>>) src(%dma_wait3A_2795 : memref<26000000xf32, #tpu.memory_space<hbm>>) dst(%dma_wait3A_2790 : memref<128xf32, #tpu.memory_space<vmem>>)
    %dma_wait3A_2796 = arith.constant 15 : i32
    %dma_wait3A_2797 = arith.constant 2 : i32
    %dma_wait3A_2798 = arith.constant 15 : i32
    %dma_wait3A_2799 = arith.constant 2 : i32
    %dma_wait3A_2800 = arith.constant 0 : i32
    %dma_wait3A_2801 = tpu.memref_slice %arg9[%dma_wait3A_2798, %dma_wait3A_2799, %dma_wait3A_2800] : memref<26x4x128xf32, #tpu.memory_space<vmem>> -> memref<1x1x128xf32, #tpu.memory_space<vmem>>
    %dma_wait3A_2802 = tpu.memref_squeeze %dma_wait3A_2801 : memref<1x1x128xf32, #tpu.memory_space<vmem>> -> memref<128xf32, #tpu.memory_space<vmem>>
    %dma_wait3A_2803 = arith.constant 0 : i32
    %dma_wait3A_2804 = tpu.memref_slice %arg8[%dma_wait3A_2796, %dma_wait3A_2797, %dma_wait3A_2803] : memref<26x4x128xi32, #tpu.memory_space<vmem>> -> memref<1x1x128xi32, #tpu.memory_space<vmem>>
    %dma_wait3A_2805 = tpu.memref_squeeze %dma_wait3A_2804 : memref<1x1x128xi32, #tpu.memory_space<vmem>> -> memref<128xi32, #tpu.memory_space<vmem>>
    %dma_wait3A_2806 = arith.constant 0 : i32
    %dma_wait3A_2807 = tpu.memref_slice %arg4[%dma_wait3A_2806] : memref<26000000xf32, #tpu.memory_space<hbm>> -> memref<26000000xf32, #tpu.memory_space<hbm>>
    tpu.wait_indirect_dma semaphore(%arg16 : memref<!tpu.dma_semaphore, #tpu.memory_space<semaphore_mem>>) src(%dma_wait3A_2807 : memref<26000000xf32, #tpu.memory_space<hbm>>) dst(%dma_wait3A_2802 : memref<128xf32, #tpu.memory_space<vmem>>)
    %dma_wait3A_2808 = arith.constant 15 : i32
    %dma_wait3A_2809 = arith.constant 3 : i32
    %dma_wait3A_2810 = arith.constant 15 : i32
    %dma_wait3A_2811 = arith.constant 3 : i32
    %dma_wait3A_2812 = arith.constant 0 : i32
    %dma_wait3A_2813 = tpu.memref_slice %arg9[%dma_wait3A_2810, %dma_wait3A_2811, %dma_wait3A_2812] : memref<26x4x128xf32, #tpu.memory_space<vmem>> -> memref<1x1x128xf32, #tpu.memory_space<vmem>>
    %dma_wait3A_2814 = tpu.memref_squeeze %dma_wait3A_2813 : memref<1x1x128xf32, #tpu.memory_space<vmem>> -> memref<128xf32, #tpu.memory_space<vmem>>
    %dma_wait3A_2815 = arith.constant 0 : i32
    %dma_wait3A_2816 = tpu.memref_slice %arg8[%dma_wait3A_2808, %dma_wait3A_2809, %dma_wait3A_2815] : memref<26x4x128xi32, #tpu.memory_space<vmem>> -> memref<1x1x128xi32, #tpu.memory_space<vmem>>
    %dma_wait3A_2817 = tpu.memref_squeeze %dma_wait3A_2816 : memref<1x1x128xi32, #tpu.memory_space<vmem>> -> memref<128xi32, #tpu.memory_space<vmem>>
    %dma_wait3A_2818 = arith.constant 0 : i32
    %dma_wait3A_2819 = tpu.memref_slice %arg4[%dma_wait3A_2818] : memref<26000000xf32, #tpu.memory_space<hbm>> -> memref<26000000xf32, #tpu.memory_space<hbm>>
    tpu.wait_indirect_dma semaphore(%arg16 : memref<!tpu.dma_semaphore, #tpu.memory_space<semaphore_mem>>) src(%dma_wait3A_2819 : memref<26000000xf32, #tpu.memory_space<hbm>>) dst(%dma_wait3A_2814 : memref<128xf32, #tpu.memory_space<vmem>>)
    %dma_wait3A_2820 = arith.constant 16 : i32
    %dma_wait3A_2821 = arith.constant 0 : i32
    %dma_wait3A_2822 = arith.constant 16 : i32
    %dma_wait3A_2823 = arith.constant 0 : i32
    %dma_wait3A_2824 = arith.constant 0 : i32
    %dma_wait3A_2825 = tpu.memref_slice %arg9[%dma_wait3A_2822, %dma_wait3A_2823, %dma_wait3A_2824] : memref<26x4x128xf32, #tpu.memory_space<vmem>> -> memref<1x1x128xf32, #tpu.memory_space<vmem>>
    %dma_wait3A_2826 = tpu.memref_squeeze %dma_wait3A_2825 : memref<1x1x128xf32, #tpu.memory_space<vmem>> -> memref<128xf32, #tpu.memory_space<vmem>>
    %dma_wait3A_2827 = arith.constant 0 : i32
    %dma_wait3A_2828 = tpu.memref_slice %arg8[%dma_wait3A_2820, %dma_wait3A_2821, %dma_wait3A_2827] : memref<26x4x128xi32, #tpu.memory_space<vmem>> -> memref<1x1x128xi32, #tpu.memory_space<vmem>>
    %dma_wait3A_2829 = tpu.memref_squeeze %dma_wait3A_2828 : memref<1x1x128xi32, #tpu.memory_space<vmem>> -> memref<128xi32, #tpu.memory_space<vmem>>
    %dma_wait3A_2830 = arith.constant 0 : i32
    %dma_wait3A_2831 = tpu.memref_slice %arg4[%dma_wait3A_2830] : memref<26000000xf32, #tpu.memory_space<hbm>> -> memref<26000000xf32, #tpu.memory_space<hbm>>
    tpu.wait_indirect_dma semaphore(%arg16 : memref<!tpu.dma_semaphore, #tpu.memory_space<semaphore_mem>>) src(%dma_wait3A_2831 : memref<26000000xf32, #tpu.memory_space<hbm>>) dst(%dma_wait3A_2826 : memref<128xf32, #tpu.memory_space<vmem>>)
    %dma_wait3A_2832 = arith.constant 16 : i32
    %dma_wait3A_2833 = arith.constant 1 : i32
    %dma_wait3A_2834 = arith.constant 16 : i32
    %dma_wait3A_2835 = arith.constant 1 : i32
    %dma_wait3A_2836 = arith.constant 0 : i32
    %dma_wait3A_2837 = tpu.memref_slice %arg9[%dma_wait3A_2834, %dma_wait3A_2835, %dma_wait3A_2836] : memref<26x4x128xf32, #tpu.memory_space<vmem>> -> memref<1x1x128xf32, #tpu.memory_space<vmem>>
    %dma_wait3A_2838 = tpu.memref_squeeze %dma_wait3A_2837 : memref<1x1x128xf32, #tpu.memory_space<vmem>> -> memref<128xf32, #tpu.memory_space<vmem>>
    %dma_wait3A_2839 = arith.constant 0 : i32
    %dma_wait3A_2840 = tpu.memref_slice %arg8[%dma_wait3A_2832, %dma_wait3A_2833, %dma_wait3A_2839] : memref<26x4x128xi32, #tpu.memory_space<vmem>> -> memref<1x1x128xi32, #tpu.memory_space<vmem>>
    %dma_wait3A_2841 = tpu.memref_squeeze %dma_wait3A_2840 : memref<1x1x128xi32, #tpu.memory_space<vmem>> -> memref<128xi32, #tpu.memory_space<vmem>>
    %dma_wait3A_2842 = arith.constant 0 : i32
    %dma_wait3A_2843 = tpu.memref_slice %arg4[%dma_wait3A_2842] : memref<26000000xf32, #tpu.memory_space<hbm>> -> memref<26000000xf32, #tpu.memory_space<hbm>>
    tpu.wait_indirect_dma semaphore(%arg16 : memref<!tpu.dma_semaphore, #tpu.memory_space<semaphore_mem>>) src(%dma_wait3A_2843 : memref<26000000xf32, #tpu.memory_space<hbm>>) dst(%dma_wait3A_2838 : memref<128xf32, #tpu.memory_space<vmem>>)
    %dma_wait3A_2844 = arith.constant 16 : i32
    %dma_wait3A_2845 = arith.constant 2 : i32
    %dma_wait3A_2846 = arith.constant 16 : i32
    %dma_wait3A_2847 = arith.constant 2 : i32
    %dma_wait3A_2848 = arith.constant 0 : i32
    %dma_wait3A_2849 = tpu.memref_slice %arg9[%dma_wait3A_2846, %dma_wait3A_2847, %dma_wait3A_2848] : memref<26x4x128xf32, #tpu.memory_space<vmem>> -> memref<1x1x128xf32, #tpu.memory_space<vmem>>
    %dma_wait3A_2850 = tpu.memref_squeeze %dma_wait3A_2849 : memref<1x1x128xf32, #tpu.memory_space<vmem>> -> memref<128xf32, #tpu.memory_space<vmem>>
    %dma_wait3A_2851 = arith.constant 0 : i32
    %dma_wait3A_2852 = tpu.memref_slice %arg8[%dma_wait3A_2844, %dma_wait3A_2845, %dma_wait3A_2851] : memref<26x4x128xi32, #tpu.memory_space<vmem>> -> memref<1x1x128xi32, #tpu.memory_space<vmem>>
    %dma_wait3A_2853 = tpu.memref_squeeze %dma_wait3A_2852 : memref<1x1x128xi32, #tpu.memory_space<vmem>> -> memref<128xi32, #tpu.memory_space<vmem>>
    %dma_wait3A_2854 = arith.constant 0 : i32
    %dma_wait3A_2855 = tpu.memref_slice %arg4[%dma_wait3A_2854] : memref<26000000xf32, #tpu.memory_space<hbm>> -> memref<26000000xf32, #tpu.memory_space<hbm>>
    tpu.wait_indirect_dma semaphore(%arg16 : memref<!tpu.dma_semaphore, #tpu.memory_space<semaphore_mem>>) src(%dma_wait3A_2855 : memref<26000000xf32, #tpu.memory_space<hbm>>) dst(%dma_wait3A_2850 : memref<128xf32, #tpu.memory_space<vmem>>)
    %dma_wait3A_2856 = arith.constant 16 : i32
    %dma_wait3A_2857 = arith.constant 3 : i32
    %dma_wait3A_2858 = arith.constant 16 : i32
    %dma_wait3A_2859 = arith.constant 3 : i32
    %dma_wait3A_2860 = arith.constant 0 : i32
    %dma_wait3A_2861 = tpu.memref_slice %arg9[%dma_wait3A_2858, %dma_wait3A_2859, %dma_wait3A_2860] : memref<26x4x128xf32, #tpu.memory_space<vmem>> -> memref<1x1x128xf32, #tpu.memory_space<vmem>>
    %dma_wait3A_2862 = tpu.memref_squeeze %dma_wait3A_2861 : memref<1x1x128xf32, #tpu.memory_space<vmem>> -> memref<128xf32, #tpu.memory_space<vmem>>
    %dma_wait3A_2863 = arith.constant 0 : i32
    %dma_wait3A_2864 = tpu.memref_slice %arg8[%dma_wait3A_2856, %dma_wait3A_2857, %dma_wait3A_2863] : memref<26x4x128xi32, #tpu.memory_space<vmem>> -> memref<1x1x128xi32, #tpu.memory_space<vmem>>
    %dma_wait3A_2865 = tpu.memref_squeeze %dma_wait3A_2864 : memref<1x1x128xi32, #tpu.memory_space<vmem>> -> memref<128xi32, #tpu.memory_space<vmem>>
    %dma_wait3A_2866 = arith.constant 0 : i32
    %dma_wait3A_2867 = tpu.memref_slice %arg4[%dma_wait3A_2866] : memref<26000000xf32, #tpu.memory_space<hbm>> -> memref<26000000xf32, #tpu.memory_space<hbm>>
    tpu.wait_indirect_dma semaphore(%arg16 : memref<!tpu.dma_semaphore, #tpu.memory_space<semaphore_mem>>) src(%dma_wait3A_2867 : memref<26000000xf32, #tpu.memory_space<hbm>>) dst(%dma_wait3A_2862 : memref<128xf32, #tpu.memory_space<vmem>>)
    %dma_wait3A_2868 = arith.constant 17 : i32
    %dma_wait3A_2869 = arith.constant 0 : i32
    %dma_wait3A_2870 = arith.constant 17 : i32
    %dma_wait3A_2871 = arith.constant 0 : i32
    %dma_wait3A_2872 = arith.constant 0 : i32
    %dma_wait3A_2873 = tpu.memref_slice %arg9[%dma_wait3A_2870, %dma_wait3A_2871, %dma_wait3A_2872] : memref<26x4x128xf32, #tpu.memory_space<vmem>> -> memref<1x1x128xf32, #tpu.memory_space<vmem>>
    %dma_wait3A_2874 = tpu.memref_squeeze %dma_wait3A_2873 : memref<1x1x128xf32, #tpu.memory_space<vmem>> -> memref<128xf32, #tpu.memory_space<vmem>>
    %dma_wait3A_2875 = arith.constant 0 : i32
    %dma_wait3A_2876 = tpu.memref_slice %arg8[%dma_wait3A_2868, %dma_wait3A_2869, %dma_wait3A_2875] : memref<26x4x128xi32, #tpu.memory_space<vmem>> -> memref<1x1x128xi32, #tpu.memory_space<vmem>>
    %dma_wait3A_2877 = tpu.memref_squeeze %dma_wait3A_2876 : memref<1x1x128xi32, #tpu.memory_space<vmem>> -> memref<128xi32, #tpu.memory_space<vmem>>
    %dma_wait3A_2878 = arith.constant 0 : i32
    %dma_wait3A_2879 = tpu.memref_slice %arg4[%dma_wait3A_2878] : memref<26000000xf32, #tpu.memory_space<hbm>> -> memref<26000000xf32, #tpu.memory_space<hbm>>
    tpu.wait_indirect_dma semaphore(%arg16 : memref<!tpu.dma_semaphore, #tpu.memory_space<semaphore_mem>>) src(%dma_wait3A_2879 : memref<26000000xf32, #tpu.memory_space<hbm>>) dst(%dma_wait3A_2874 : memref<128xf32, #tpu.memory_space<vmem>>)
    %dma_wait3A_2880 = arith.constant 17 : i32
    %dma_wait3A_2881 = arith.constant 1 : i32
    %dma_wait3A_2882 = arith.constant 17 : i32
    %dma_wait3A_2883 = arith.constant 1 : i32
    %dma_wait3A_2884 = arith.constant 0 : i32
    %dma_wait3A_2885 = tpu.memref_slice %arg9[%dma_wait3A_2882, %dma_wait3A_2883, %dma_wait3A_2884] : memref<26x4x128xf32, #tpu.memory_space<vmem>> -> memref<1x1x128xf32, #tpu.memory_space<vmem>>
    %dma_wait3A_2886 = tpu.memref_squeeze %dma_wait3A_2885 : memref<1x1x128xf32, #tpu.memory_space<vmem>> -> memref<128xf32, #tpu.memory_space<vmem>>
    %dma_wait3A_2887 = arith.constant 0 : i32
    %dma_wait3A_2888 = tpu.memref_slice %arg8[%dma_wait3A_2880, %dma_wait3A_2881, %dma_wait3A_2887] : memref<26x4x128xi32, #tpu.memory_space<vmem>> -> memref<1x1x128xi32, #tpu.memory_space<vmem>>
    %dma_wait3A_2889 = tpu.memref_squeeze %dma_wait3A_2888 : memref<1x1x128xi32, #tpu.memory_space<vmem>> -> memref<128xi32, #tpu.memory_space<vmem>>
    %dma_wait3A_2890 = arith.constant 0 : i32
    %dma_wait3A_2891 = tpu.memref_slice %arg4[%dma_wait3A_2890] : memref<26000000xf32, #tpu.memory_space<hbm>> -> memref<26000000xf32, #tpu.memory_space<hbm>>
    tpu.wait_indirect_dma semaphore(%arg16 : memref<!tpu.dma_semaphore, #tpu.memory_space<semaphore_mem>>) src(%dma_wait3A_2891 : memref<26000000xf32, #tpu.memory_space<hbm>>) dst(%dma_wait3A_2886 : memref<128xf32, #tpu.memory_space<vmem>>)
    %dma_wait3A_2892 = arith.constant 17 : i32
    %dma_wait3A_2893 = arith.constant 2 : i32
    %dma_wait3A_2894 = arith.constant 17 : i32
    %dma_wait3A_2895 = arith.constant 2 : i32
    %dma_wait3A_2896 = arith.constant 0 : i32
    %dma_wait3A_2897 = tpu.memref_slice %arg9[%dma_wait3A_2894, %dma_wait3A_2895, %dma_wait3A_2896] : memref<26x4x128xf32, #tpu.memory_space<vmem>> -> memref<1x1x128xf32, #tpu.memory_space<vmem>>
    %dma_wait3A_2898 = tpu.memref_squeeze %dma_wait3A_2897 : memref<1x1x128xf32, #tpu.memory_space<vmem>> -> memref<128xf32, #tpu.memory_space<vmem>>
    %dma_wait3A_2899 = arith.constant 0 : i32
    %dma_wait3A_2900 = tpu.memref_slice %arg8[%dma_wait3A_2892, %dma_wait3A_2893, %dma_wait3A_2899] : memref<26x4x128xi32, #tpu.memory_space<vmem>> -> memref<1x1x128xi32, #tpu.memory_space<vmem>>
    %dma_wait3A_2901 = tpu.memref_squeeze %dma_wait3A_2900 : memref<1x1x128xi32, #tpu.memory_space<vmem>> -> memref<128xi32, #tpu.memory_space<vmem>>
    %dma_wait3A_2902 = arith.constant 0 : i32
    %dma_wait3A_2903 = tpu.memref_slice %arg4[%dma_wait3A_2902] : memref<26000000xf32, #tpu.memory_space<hbm>> -> memref<26000000xf32, #tpu.memory_space<hbm>>
    tpu.wait_indirect_dma semaphore(%arg16 : memref<!tpu.dma_semaphore, #tpu.memory_space<semaphore_mem>>) src(%dma_wait3A_2903 : memref<26000000xf32, #tpu.memory_space<hbm>>) dst(%dma_wait3A_2898 : memref<128xf32, #tpu.memory_space<vmem>>)
    %dma_wait3A_2904 = arith.constant 17 : i32
    %dma_wait3A_2905 = arith.constant 3 : i32
    %dma_wait3A_2906 = arith.constant 17 : i32
    %dma_wait3A_2907 = arith.constant 3 : i32
    %dma_wait3A_2908 = arith.constant 0 : i32
    %dma_wait3A_2909 = tpu.memref_slice %arg9[%dma_wait3A_2906, %dma_wait3A_2907, %dma_wait3A_2908] : memref<26x4x128xf32, #tpu.memory_space<vmem>> -> memref<1x1x128xf32, #tpu.memory_space<vmem>>
    %dma_wait3A_2910 = tpu.memref_squeeze %dma_wait3A_2909 : memref<1x1x128xf32, #tpu.memory_space<vmem>> -> memref<128xf32, #tpu.memory_space<vmem>>
    %dma_wait3A_2911 = arith.constant 0 : i32
    %dma_wait3A_2912 = tpu.memref_slice %arg8[%dma_wait3A_2904, %dma_wait3A_2905, %dma_wait3A_2911] : memref<26x4x128xi32, #tpu.memory_space<vmem>> -> memref<1x1x128xi32, #tpu.memory_space<vmem>>
    %dma_wait3A_2913 = tpu.memref_squeeze %dma_wait3A_2912 : memref<1x1x128xi32, #tpu.memory_space<vmem>> -> memref<128xi32, #tpu.memory_space<vmem>>
    %dma_wait3A_2914 = arith.constant 0 : i32
    %dma_wait3A_2915 = tpu.memref_slice %arg4[%dma_wait3A_2914] : memref<26000000xf32, #tpu.memory_space<hbm>> -> memref<26000000xf32, #tpu.memory_space<hbm>>
    tpu.wait_indirect_dma semaphore(%arg16 : memref<!tpu.dma_semaphore, #tpu.memory_space<semaphore_mem>>) src(%dma_wait3A_2915 : memref<26000000xf32, #tpu.memory_space<hbm>>) dst(%dma_wait3A_2910 : memref<128xf32, #tpu.memory_space<vmem>>)
    %dma_wait3A_2916 = arith.constant 18 : i32
    %dma_wait3A_2917 = arith.constant 0 : i32
    %dma_wait3A_2918 = arith.constant 18 : i32
    %dma_wait3A_2919 = arith.constant 0 : i32
    %dma_wait3A_2920 = arith.constant 0 : i32
    %dma_wait3A_2921 = tpu.memref_slice %arg9[%dma_wait3A_2918, %dma_wait3A_2919, %dma_wait3A_2920] : memref<26x4x128xf32, #tpu.memory_space<vmem>> -> memref<1x1x128xf32, #tpu.memory_space<vmem>>
    %dma_wait3A_2922 = tpu.memref_squeeze %dma_wait3A_2921 : memref<1x1x128xf32, #tpu.memory_space<vmem>> -> memref<128xf32, #tpu.memory_space<vmem>>
    %dma_wait3A_2923 = arith.constant 0 : i32
    %dma_wait3A_2924 = tpu.memref_slice %arg8[%dma_wait3A_2916, %dma_wait3A_2917, %dma_wait3A_2923] : memref<26x4x128xi32, #tpu.memory_space<vmem>> -> memref<1x1x128xi32, #tpu.memory_space<vmem>>
    %dma_wait3A_2925 = tpu.memref_squeeze %dma_wait3A_2924 : memref<1x1x128xi32, #tpu.memory_space<vmem>> -> memref<128xi32, #tpu.memory_space<vmem>>
    %dma_wait3A_2926 = arith.constant 0 : i32
    %dma_wait3A_2927 = tpu.memref_slice %arg4[%dma_wait3A_2926] : memref<26000000xf32, #tpu.memory_space<hbm>> -> memref<26000000xf32, #tpu.memory_space<hbm>>
    tpu.wait_indirect_dma semaphore(%arg16 : memref<!tpu.dma_semaphore, #tpu.memory_space<semaphore_mem>>) src(%dma_wait3A_2927 : memref<26000000xf32, #tpu.memory_space<hbm>>) dst(%dma_wait3A_2922 : memref<128xf32, #tpu.memory_space<vmem>>)
    %dma_wait3A_2928 = arith.constant 18 : i32
    %dma_wait3A_2929 = arith.constant 1 : i32
    %dma_wait3A_2930 = arith.constant 18 : i32
    %dma_wait3A_2931 = arith.constant 1 : i32
    %dma_wait3A_2932 = arith.constant 0 : i32
    %dma_wait3A_2933 = tpu.memref_slice %arg9[%dma_wait3A_2930, %dma_wait3A_2931, %dma_wait3A_2932] : memref<26x4x128xf32, #tpu.memory_space<vmem>> -> memref<1x1x128xf32, #tpu.memory_space<vmem>>
    %dma_wait3A_2934 = tpu.memref_squeeze %dma_wait3A_2933 : memref<1x1x128xf32, #tpu.memory_space<vmem>> -> memref<128xf32, #tpu.memory_space<vmem>>
    %dma_wait3A_2935 = arith.constant 0 : i32
    %dma_wait3A_2936 = tpu.memref_slice %arg8[%dma_wait3A_2928, %dma_wait3A_2929, %dma_wait3A_2935] : memref<26x4x128xi32, #tpu.memory_space<vmem>> -> memref<1x1x128xi32, #tpu.memory_space<vmem>>
    %dma_wait3A_2937 = tpu.memref_squeeze %dma_wait3A_2936 : memref<1x1x128xi32, #tpu.memory_space<vmem>> -> memref<128xi32, #tpu.memory_space<vmem>>
    %dma_wait3A_2938 = arith.constant 0 : i32
    %dma_wait3A_2939 = tpu.memref_slice %arg4[%dma_wait3A_2938] : memref<26000000xf32, #tpu.memory_space<hbm>> -> memref<26000000xf32, #tpu.memory_space<hbm>>
    tpu.wait_indirect_dma semaphore(%arg16 : memref<!tpu.dma_semaphore, #tpu.memory_space<semaphore_mem>>) src(%dma_wait3A_2939 : memref<26000000xf32, #tpu.memory_space<hbm>>) dst(%dma_wait3A_2934 : memref<128xf32, #tpu.memory_space<vmem>>)
    %dma_wait3A_2940 = arith.constant 18 : i32
    %dma_wait3A_2941 = arith.constant 2 : i32
    %dma_wait3A_2942 = arith.constant 18 : i32
    %dma_wait3A_2943 = arith.constant 2 : i32
    %dma_wait3A_2944 = arith.constant 0 : i32
    %dma_wait3A_2945 = tpu.memref_slice %arg9[%dma_wait3A_2942, %dma_wait3A_2943, %dma_wait3A_2944] : memref<26x4x128xf32, #tpu.memory_space<vmem>> -> memref<1x1x128xf32, #tpu.memory_space<vmem>>
    %dma_wait3A_2946 = tpu.memref_squeeze %dma_wait3A_2945 : memref<1x1x128xf32, #tpu.memory_space<vmem>> -> memref<128xf32, #tpu.memory_space<vmem>>
    %dma_wait3A_2947 = arith.constant 0 : i32
    %dma_wait3A_2948 = tpu.memref_slice %arg8[%dma_wait3A_2940, %dma_wait3A_2941, %dma_wait3A_2947] : memref<26x4x128xi32, #tpu.memory_space<vmem>> -> memref<1x1x128xi32, #tpu.memory_space<vmem>>
    %dma_wait3A_2949 = tpu.memref_squeeze %dma_wait3A_2948 : memref<1x1x128xi32, #tpu.memory_space<vmem>> -> memref<128xi32, #tpu.memory_space<vmem>>
    %dma_wait3A_2950 = arith.constant 0 : i32
    %dma_wait3A_2951 = tpu.memref_slice %arg4[%dma_wait3A_2950] : memref<26000000xf32, #tpu.memory_space<hbm>> -> memref<26000000xf32, #tpu.memory_space<hbm>>
    tpu.wait_indirect_dma semaphore(%arg16 : memref<!tpu.dma_semaphore, #tpu.memory_space<semaphore_mem>>) src(%dma_wait3A_2951 : memref<26000000xf32, #tpu.memory_space<hbm>>) dst(%dma_wait3A_2946 : memref<128xf32, #tpu.memory_space<vmem>>)
    %dma_wait3A_2952 = arith.constant 18 : i32
    %dma_wait3A_2953 = arith.constant 3 : i32
    %dma_wait3A_2954 = arith.constant 18 : i32
    %dma_wait3A_2955 = arith.constant 3 : i32
    %dma_wait3A_2956 = arith.constant 0 : i32
    %dma_wait3A_2957 = tpu.memref_slice %arg9[%dma_wait3A_2954, %dma_wait3A_2955, %dma_wait3A_2956] : memref<26x4x128xf32, #tpu.memory_space<vmem>> -> memref<1x1x128xf32, #tpu.memory_space<vmem>>
    %dma_wait3A_2958 = tpu.memref_squeeze %dma_wait3A_2957 : memref<1x1x128xf32, #tpu.memory_space<vmem>> -> memref<128xf32, #tpu.memory_space<vmem>>
    %dma_wait3A_2959 = arith.constant 0 : i32
    %dma_wait3A_2960 = tpu.memref_slice %arg8[%dma_wait3A_2952, %dma_wait3A_2953, %dma_wait3A_2959] : memref<26x4x128xi32, #tpu.memory_space<vmem>> -> memref<1x1x128xi32, #tpu.memory_space<vmem>>
    %dma_wait3A_2961 = tpu.memref_squeeze %dma_wait3A_2960 : memref<1x1x128xi32, #tpu.memory_space<vmem>> -> memref<128xi32, #tpu.memory_space<vmem>>
    %dma_wait3A_2962 = arith.constant 0 : i32
    %dma_wait3A_2963 = tpu.memref_slice %arg4[%dma_wait3A_2962] : memref<26000000xf32, #tpu.memory_space<hbm>> -> memref<26000000xf32, #tpu.memory_space<hbm>>
    tpu.wait_indirect_dma semaphore(%arg16 : memref<!tpu.dma_semaphore, #tpu.memory_space<semaphore_mem>>) src(%dma_wait3A_2963 : memref<26000000xf32, #tpu.memory_space<hbm>>) dst(%dma_wait3A_2958 : memref<128xf32, #tpu.memory_space<vmem>>)
    %dma_wait3A_2964 = arith.constant 19 : i32
    %dma_wait3A_2965 = arith.constant 0 : i32
    %dma_wait3A_2966 = arith.constant 19 : i32
    %dma_wait3A_2967 = arith.constant 0 : i32
    %dma_wait3A_2968 = arith.constant 0 : i32
    %dma_wait3A_2969 = tpu.memref_slice %arg9[%dma_wait3A_2966, %dma_wait3A_2967, %dma_wait3A_2968] : memref<26x4x128xf32, #tpu.memory_space<vmem>> -> memref<1x1x128xf32, #tpu.memory_space<vmem>>
    %dma_wait3A_2970 = tpu.memref_squeeze %dma_wait3A_2969 : memref<1x1x128xf32, #tpu.memory_space<vmem>> -> memref<128xf32, #tpu.memory_space<vmem>>
    %dma_wait3A_2971 = arith.constant 0 : i32
    %dma_wait3A_2972 = tpu.memref_slice %arg8[%dma_wait3A_2964, %dma_wait3A_2965, %dma_wait3A_2971] : memref<26x4x128xi32, #tpu.memory_space<vmem>> -> memref<1x1x128xi32, #tpu.memory_space<vmem>>
    %dma_wait3A_2973 = tpu.memref_squeeze %dma_wait3A_2972 : memref<1x1x128xi32, #tpu.memory_space<vmem>> -> memref<128xi32, #tpu.memory_space<vmem>>
    %dma_wait3A_2974 = arith.constant 0 : i32
    %dma_wait3A_2975 = tpu.memref_slice %arg4[%dma_wait3A_2974] : memref<26000000xf32, #tpu.memory_space<hbm>> -> memref<26000000xf32, #tpu.memory_space<hbm>>
    tpu.wait_indirect_dma semaphore(%arg16 : memref<!tpu.dma_semaphore, #tpu.memory_space<semaphore_mem>>) src(%dma_wait3A_2975 : memref<26000000xf32, #tpu.memory_space<hbm>>) dst(%dma_wait3A_2970 : memref<128xf32, #tpu.memory_space<vmem>>)
    %dma_wait3A_2976 = arith.constant 19 : i32
    %dma_wait3A_2977 = arith.constant 1 : i32
    %dma_wait3A_2978 = arith.constant 19 : i32
    %dma_wait3A_2979 = arith.constant 1 : i32
    %dma_wait3A_2980 = arith.constant 0 : i32
    %dma_wait3A_2981 = tpu.memref_slice %arg9[%dma_wait3A_2978, %dma_wait3A_2979, %dma_wait3A_2980] : memref<26x4x128xf32, #tpu.memory_space<vmem>> -> memref<1x1x128xf32, #tpu.memory_space<vmem>>
    %dma_wait3A_2982 = tpu.memref_squeeze %dma_wait3A_2981 : memref<1x1x128xf32, #tpu.memory_space<vmem>> -> memref<128xf32, #tpu.memory_space<vmem>>
    %dma_wait3A_2983 = arith.constant 0 : i32
    %dma_wait3A_2984 = tpu.memref_slice %arg8[%dma_wait3A_2976, %dma_wait3A_2977, %dma_wait3A_2983] : memref<26x4x128xi32, #tpu.memory_space<vmem>> -> memref<1x1x128xi32, #tpu.memory_space<vmem>>
    %dma_wait3A_2985 = tpu.memref_squeeze %dma_wait3A_2984 : memref<1x1x128xi32, #tpu.memory_space<vmem>> -> memref<128xi32, #tpu.memory_space<vmem>>
    %dma_wait3A_2986 = arith.constant 0 : i32
    %dma_wait3A_2987 = tpu.memref_slice %arg4[%dma_wait3A_2986] : memref<26000000xf32, #tpu.memory_space<hbm>> -> memref<26000000xf32, #tpu.memory_space<hbm>>
    tpu.wait_indirect_dma semaphore(%arg16 : memref<!tpu.dma_semaphore, #tpu.memory_space<semaphore_mem>>) src(%dma_wait3A_2987 : memref<26000000xf32, #tpu.memory_space<hbm>>) dst(%dma_wait3A_2982 : memref<128xf32, #tpu.memory_space<vmem>>)
    %dma_wait3A_2988 = arith.constant 19 : i32
    %dma_wait3A_2989 = arith.constant 2 : i32
    %dma_wait3A_2990 = arith.constant 19 : i32
    %dma_wait3A_2991 = arith.constant 2 : i32
    %dma_wait3A_2992 = arith.constant 0 : i32
    %dma_wait3A_2993 = tpu.memref_slice %arg9[%dma_wait3A_2990, %dma_wait3A_2991, %dma_wait3A_2992] : memref<26x4x128xf32, #tpu.memory_space<vmem>> -> memref<1x1x128xf32, #tpu.memory_space<vmem>>
    %dma_wait3A_2994 = tpu.memref_squeeze %dma_wait3A_2993 : memref<1x1x128xf32, #tpu.memory_space<vmem>> -> memref<128xf32, #tpu.memory_space<vmem>>
    %dma_wait3A_2995 = arith.constant 0 : i32
    %dma_wait3A_2996 = tpu.memref_slice %arg8[%dma_wait3A_2988, %dma_wait3A_2989, %dma_wait3A_2995] : memref<26x4x128xi32, #tpu.memory_space<vmem>> -> memref<1x1x128xi32, #tpu.memory_space<vmem>>
    %dma_wait3A_2997 = tpu.memref_squeeze %dma_wait3A_2996 : memref<1x1x128xi32, #tpu.memory_space<vmem>> -> memref<128xi32, #tpu.memory_space<vmem>>
    %dma_wait3A_2998 = arith.constant 0 : i32
    %dma_wait3A_2999 = tpu.memref_slice %arg4[%dma_wait3A_2998] : memref<26000000xf32, #tpu.memory_space<hbm>> -> memref<26000000xf32, #tpu.memory_space<hbm>>
    tpu.wait_indirect_dma semaphore(%arg16 : memref<!tpu.dma_semaphore, #tpu.memory_space<semaphore_mem>>) src(%dma_wait3A_2999 : memref<26000000xf32, #tpu.memory_space<hbm>>) dst(%dma_wait3A_2994 : memref<128xf32, #tpu.memory_space<vmem>>)
    %dma_wait3A_3000 = arith.constant 19 : i32
    %dma_wait3A_3001 = arith.constant 3 : i32
    %dma_wait3A_3002 = arith.constant 19 : i32
    %dma_wait3A_3003 = arith.constant 3 : i32
    %dma_wait3A_3004 = arith.constant 0 : i32
    %dma_wait3A_3005 = tpu.memref_slice %arg9[%dma_wait3A_3002, %dma_wait3A_3003, %dma_wait3A_3004] : memref<26x4x128xf32, #tpu.memory_space<vmem>> -> memref<1x1x128xf32, #tpu.memory_space<vmem>>
    %dma_wait3A_3006 = tpu.memref_squeeze %dma_wait3A_3005 : memref<1x1x128xf32, #tpu.memory_space<vmem>> -> memref<128xf32, #tpu.memory_space<vmem>>
    %dma_wait3A_3007 = arith.constant 0 : i32
    %dma_wait3A_3008 = tpu.memref_slice %arg8[%dma_wait3A_3000, %dma_wait3A_3001, %dma_wait3A_3007] : memref<26x4x128xi32, #tpu.memory_space<vmem>> -> memref<1x1x128xi32, #tpu.memory_space<vmem>>
    %dma_wait3A_3009 = tpu.memref_squeeze %dma_wait3A_3008 : memref<1x1x128xi32, #tpu.memory_space<vmem>> -> memref<128xi32, #tpu.memory_space<vmem>>
    %dma_wait3A_3010 = arith.constant 0 : i32
    %dma_wait3A_3011 = tpu.memref_slice %arg4[%dma_wait3A_3010] : memref<26000000xf32, #tpu.memory_space<hbm>> -> memref<26000000xf32, #tpu.memory_space<hbm>>
    tpu.wait_indirect_dma semaphore(%arg16 : memref<!tpu.dma_semaphore, #tpu.memory_space<semaphore_mem>>) src(%dma_wait3A_3011 : memref<26000000xf32, #tpu.memory_space<hbm>>) dst(%dma_wait3A_3006 : memref<128xf32, #tpu.memory_space<vmem>>)
    %dma_wait3A_3012 = arith.constant 20 : i32
    %dma_wait3A_3013 = arith.constant 0 : i32
    %dma_wait3A_3014 = arith.constant 20 : i32
    %dma_wait3A_3015 = arith.constant 0 : i32
    %dma_wait3A_3016 = arith.constant 0 : i32
    %dma_wait3A_3017 = tpu.memref_slice %arg9[%dma_wait3A_3014, %dma_wait3A_3015, %dma_wait3A_3016] : memref<26x4x128xf32, #tpu.memory_space<vmem>> -> memref<1x1x128xf32, #tpu.memory_space<vmem>>
    %dma_wait3A_3018 = tpu.memref_squeeze %dma_wait3A_3017 : memref<1x1x128xf32, #tpu.memory_space<vmem>> -> memref<128xf32, #tpu.memory_space<vmem>>
    %dma_wait3A_3019 = arith.constant 0 : i32
    %dma_wait3A_3020 = tpu.memref_slice %arg8[%dma_wait3A_3012, %dma_wait3A_3013, %dma_wait3A_3019] : memref<26x4x128xi32, #tpu.memory_space<vmem>> -> memref<1x1x128xi32, #tpu.memory_space<vmem>>
    %dma_wait3A_3021 = tpu.memref_squeeze %dma_wait3A_3020 : memref<1x1x128xi32, #tpu.memory_space<vmem>> -> memref<128xi32, #tpu.memory_space<vmem>>
    %dma_wait3A_3022 = arith.constant 0 : i32
    %dma_wait3A_3023 = tpu.memref_slice %arg4[%dma_wait3A_3022] : memref<26000000xf32, #tpu.memory_space<hbm>> -> memref<26000000xf32, #tpu.memory_space<hbm>>
    tpu.wait_indirect_dma semaphore(%arg16 : memref<!tpu.dma_semaphore, #tpu.memory_space<semaphore_mem>>) src(%dma_wait3A_3023 : memref<26000000xf32, #tpu.memory_space<hbm>>) dst(%dma_wait3A_3018 : memref<128xf32, #tpu.memory_space<vmem>>)
    %dma_wait3A_3024 = arith.constant 20 : i32
    %dma_wait3A_3025 = arith.constant 1 : i32
    %dma_wait3A_3026 = arith.constant 20 : i32
    %dma_wait3A_3027 = arith.constant 1 : i32
    %dma_wait3A_3028 = arith.constant 0 : i32
    %dma_wait3A_3029 = tpu.memref_slice %arg9[%dma_wait3A_3026, %dma_wait3A_3027, %dma_wait3A_3028] : memref<26x4x128xf32, #tpu.memory_space<vmem>> -> memref<1x1x128xf32, #tpu.memory_space<vmem>>
    %dma_wait3A_3030 = tpu.memref_squeeze %dma_wait3A_3029 : memref<1x1x128xf32, #tpu.memory_space<vmem>> -> memref<128xf32, #tpu.memory_space<vmem>>
    %dma_wait3A_3031 = arith.constant 0 : i32
    %dma_wait3A_3032 = tpu.memref_slice %arg8[%dma_wait3A_3024, %dma_wait3A_3025, %dma_wait3A_3031] : memref<26x4x128xi32, #tpu.memory_space<vmem>> -> memref<1x1x128xi32, #tpu.memory_space<vmem>>
    %dma_wait3A_3033 = tpu.memref_squeeze %dma_wait3A_3032 : memref<1x1x128xi32, #tpu.memory_space<vmem>> -> memref<128xi32, #tpu.memory_space<vmem>>
    %dma_wait3A_3034 = arith.constant 0 : i32
    %dma_wait3A_3035 = tpu.memref_slice %arg4[%dma_wait3A_3034] : memref<26000000xf32, #tpu.memory_space<hbm>> -> memref<26000000xf32, #tpu.memory_space<hbm>>
    tpu.wait_indirect_dma semaphore(%arg16 : memref<!tpu.dma_semaphore, #tpu.memory_space<semaphore_mem>>) src(%dma_wait3A_3035 : memref<26000000xf32, #tpu.memory_space<hbm>>) dst(%dma_wait3A_3030 : memref<128xf32, #tpu.memory_space<vmem>>)
    %dma_wait3A_3036 = arith.constant 20 : i32
    %dma_wait3A_3037 = arith.constant 2 : i32
    %dma_wait3A_3038 = arith.constant 20 : i32
    %dma_wait3A_3039 = arith.constant 2 : i32
    %dma_wait3A_3040 = arith.constant 0 : i32
    %dma_wait3A_3041 = tpu.memref_slice %arg9[%dma_wait3A_3038, %dma_wait3A_3039, %dma_wait3A_3040] : memref<26x4x128xf32, #tpu.memory_space<vmem>> -> memref<1x1x128xf32, #tpu.memory_space<vmem>>
    %dma_wait3A_3042 = tpu.memref_squeeze %dma_wait3A_3041 : memref<1x1x128xf32, #tpu.memory_space<vmem>> -> memref<128xf32, #tpu.memory_space<vmem>>
    %dma_wait3A_3043 = arith.constant 0 : i32
    %dma_wait3A_3044 = tpu.memref_slice %arg8[%dma_wait3A_3036, %dma_wait3A_3037, %dma_wait3A_3043] : memref<26x4x128xi32, #tpu.memory_space<vmem>> -> memref<1x1x128xi32, #tpu.memory_space<vmem>>
    %dma_wait3A_3045 = tpu.memref_squeeze %dma_wait3A_3044 : memref<1x1x128xi32, #tpu.memory_space<vmem>> -> memref<128xi32, #tpu.memory_space<vmem>>
    %dma_wait3A_3046 = arith.constant 0 : i32
    %dma_wait3A_3047 = tpu.memref_slice %arg4[%dma_wait3A_3046] : memref<26000000xf32, #tpu.memory_space<hbm>> -> memref<26000000xf32, #tpu.memory_space<hbm>>
    tpu.wait_indirect_dma semaphore(%arg16 : memref<!tpu.dma_semaphore, #tpu.memory_space<semaphore_mem>>) src(%dma_wait3A_3047 : memref<26000000xf32, #tpu.memory_space<hbm>>) dst(%dma_wait3A_3042 : memref<128xf32, #tpu.memory_space<vmem>>)
    %dma_wait3A_3048 = arith.constant 20 : i32
    %dma_wait3A_3049 = arith.constant 3 : i32
    %dma_wait3A_3050 = arith.constant 20 : i32
    %dma_wait3A_3051 = arith.constant 3 : i32
    %dma_wait3A_3052 = arith.constant 0 : i32
    %dma_wait3A_3053 = tpu.memref_slice %arg9[%dma_wait3A_3050, %dma_wait3A_3051, %dma_wait3A_3052] : memref<26x4x128xf32, #tpu.memory_space<vmem>> -> memref<1x1x128xf32, #tpu.memory_space<vmem>>
    %dma_wait3A_3054 = tpu.memref_squeeze %dma_wait3A_3053 : memref<1x1x128xf32, #tpu.memory_space<vmem>> -> memref<128xf32, #tpu.memory_space<vmem>>
    %dma_wait3A_3055 = arith.constant 0 : i32
    %dma_wait3A_3056 = tpu.memref_slice %arg8[%dma_wait3A_3048, %dma_wait3A_3049, %dma_wait3A_3055] : memref<26x4x128xi32, #tpu.memory_space<vmem>> -> memref<1x1x128xi32, #tpu.memory_space<vmem>>
    %dma_wait3A_3057 = tpu.memref_squeeze %dma_wait3A_3056 : memref<1x1x128xi32, #tpu.memory_space<vmem>> -> memref<128xi32, #tpu.memory_space<vmem>>
    %dma_wait3A_3058 = arith.constant 0 : i32
    %dma_wait3A_3059 = tpu.memref_slice %arg4[%dma_wait3A_3058] : memref<26000000xf32, #tpu.memory_space<hbm>> -> memref<26000000xf32, #tpu.memory_space<hbm>>
    tpu.wait_indirect_dma semaphore(%arg16 : memref<!tpu.dma_semaphore, #tpu.memory_space<semaphore_mem>>) src(%dma_wait3A_3059 : memref<26000000xf32, #tpu.memory_space<hbm>>) dst(%dma_wait3A_3054 : memref<128xf32, #tpu.memory_space<vmem>>)
    %dma_wait3A_3060 = arith.constant 21 : i32
    %dma_wait3A_3061 = arith.constant 0 : i32
    %dma_wait3A_3062 = arith.constant 21 : i32
    %dma_wait3A_3063 = arith.constant 0 : i32
    %dma_wait3A_3064 = arith.constant 0 : i32
    %dma_wait3A_3065 = tpu.memref_slice %arg9[%dma_wait3A_3062, %dma_wait3A_3063, %dma_wait3A_3064] : memref<26x4x128xf32, #tpu.memory_space<vmem>> -> memref<1x1x128xf32, #tpu.memory_space<vmem>>
    %dma_wait3A_3066 = tpu.memref_squeeze %dma_wait3A_3065 : memref<1x1x128xf32, #tpu.memory_space<vmem>> -> memref<128xf32, #tpu.memory_space<vmem>>
    %dma_wait3A_3067 = arith.constant 0 : i32
    %dma_wait3A_3068 = tpu.memref_slice %arg8[%dma_wait3A_3060, %dma_wait3A_3061, %dma_wait3A_3067] : memref<26x4x128xi32, #tpu.memory_space<vmem>> -> memref<1x1x128xi32, #tpu.memory_space<vmem>>
    %dma_wait3A_3069 = tpu.memref_squeeze %dma_wait3A_3068 : memref<1x1x128xi32, #tpu.memory_space<vmem>> -> memref<128xi32, #tpu.memory_space<vmem>>
    %dma_wait3A_3070 = arith.constant 0 : i32
    %dma_wait3A_3071 = tpu.memref_slice %arg4[%dma_wait3A_3070] : memref<26000000xf32, #tpu.memory_space<hbm>> -> memref<26000000xf32, #tpu.memory_space<hbm>>
    tpu.wait_indirect_dma semaphore(%arg16 : memref<!tpu.dma_semaphore, #tpu.memory_space<semaphore_mem>>) src(%dma_wait3A_3071 : memref<26000000xf32, #tpu.memory_space<hbm>>) dst(%dma_wait3A_3066 : memref<128xf32, #tpu.memory_space<vmem>>)
    %dma_wait3A_3072 = arith.constant 21 : i32
    %dma_wait3A_3073 = arith.constant 1 : i32
    %dma_wait3A_3074 = arith.constant 21 : i32
    %dma_wait3A_3075 = arith.constant 1 : i32
    %dma_wait3A_3076 = arith.constant 0 : i32
    %dma_wait3A_3077 = tpu.memref_slice %arg9[%dma_wait3A_3074, %dma_wait3A_3075, %dma_wait3A_3076] : memref<26x4x128xf32, #tpu.memory_space<vmem>> -> memref<1x1x128xf32, #tpu.memory_space<vmem>>
    %dma_wait3A_3078 = tpu.memref_squeeze %dma_wait3A_3077 : memref<1x1x128xf32, #tpu.memory_space<vmem>> -> memref<128xf32, #tpu.memory_space<vmem>>
    %dma_wait3A_3079 = arith.constant 0 : i32
    %dma_wait3A_3080 = tpu.memref_slice %arg8[%dma_wait3A_3072, %dma_wait3A_3073, %dma_wait3A_3079] : memref<26x4x128xi32, #tpu.memory_space<vmem>> -> memref<1x1x128xi32, #tpu.memory_space<vmem>>
    %dma_wait3A_3081 = tpu.memref_squeeze %dma_wait3A_3080 : memref<1x1x128xi32, #tpu.memory_space<vmem>> -> memref<128xi32, #tpu.memory_space<vmem>>
    %dma_wait3A_3082 = arith.constant 0 : i32
    %dma_wait3A_3083 = tpu.memref_slice %arg4[%dma_wait3A_3082] : memref<26000000xf32, #tpu.memory_space<hbm>> -> memref<26000000xf32, #tpu.memory_space<hbm>>
    tpu.wait_indirect_dma semaphore(%arg16 : memref<!tpu.dma_semaphore, #tpu.memory_space<semaphore_mem>>) src(%dma_wait3A_3083 : memref<26000000xf32, #tpu.memory_space<hbm>>) dst(%dma_wait3A_3078 : memref<128xf32, #tpu.memory_space<vmem>>)
    %dma_wait3A_3084 = arith.constant 21 : i32
    %dma_wait3A_3085 = arith.constant 2 : i32
    %dma_wait3A_3086 = arith.constant 21 : i32
    %dma_wait3A_3087 = arith.constant 2 : i32
    %dma_wait3A_3088 = arith.constant 0 : i32
    %dma_wait3A_3089 = tpu.memref_slice %arg9[%dma_wait3A_3086, %dma_wait3A_3087, %dma_wait3A_3088] : memref<26x4x128xf32, #tpu.memory_space<vmem>> -> memref<1x1x128xf32, #tpu.memory_space<vmem>>
    %dma_wait3A_3090 = tpu.memref_squeeze %dma_wait3A_3089 : memref<1x1x128xf32, #tpu.memory_space<vmem>> -> memref<128xf32, #tpu.memory_space<vmem>>
    %dma_wait3A_3091 = arith.constant 0 : i32
    %dma_wait3A_3092 = tpu.memref_slice %arg8[%dma_wait3A_3084, %dma_wait3A_3085, %dma_wait3A_3091] : memref<26x4x128xi32, #tpu.memory_space<vmem>> -> memref<1x1x128xi32, #tpu.memory_space<vmem>>
    %dma_wait3A_3093 = tpu.memref_squeeze %dma_wait3A_3092 : memref<1x1x128xi32, #tpu.memory_space<vmem>> -> memref<128xi32, #tpu.memory_space<vmem>>
    %dma_wait3A_3094 = arith.constant 0 : i32
    %dma_wait3A_3095 = tpu.memref_slice %arg4[%dma_wait3A_3094] : memref<26000000xf32, #tpu.memory_space<hbm>> -> memref<26000000xf32, #tpu.memory_space<hbm>>
    tpu.wait_indirect_dma semaphore(%arg16 : memref<!tpu.dma_semaphore, #tpu.memory_space<semaphore_mem>>) src(%dma_wait3A_3095 : memref<26000000xf32, #tpu.memory_space<hbm>>) dst(%dma_wait3A_3090 : memref<128xf32, #tpu.memory_space<vmem>>)
    %dma_wait3A_3096 = arith.constant 21 : i32
    %dma_wait3A_3097 = arith.constant 3 : i32
    %dma_wait3A_3098 = arith.constant 21 : i32
    %dma_wait3A_3099 = arith.constant 3 : i32
    %dma_wait3A_3100 = arith.constant 0 : i32
    %dma_wait3A_3101 = tpu.memref_slice %arg9[%dma_wait3A_3098, %dma_wait3A_3099, %dma_wait3A_3100] : memref<26x4x128xf32, #tpu.memory_space<vmem>> -> memref<1x1x128xf32, #tpu.memory_space<vmem>>
    %dma_wait3A_3102 = tpu.memref_squeeze %dma_wait3A_3101 : memref<1x1x128xf32, #tpu.memory_space<vmem>> -> memref<128xf32, #tpu.memory_space<vmem>>
    %dma_wait3A_3103 = arith.constant 0 : i32
    %dma_wait3A_3104 = tpu.memref_slice %arg8[%dma_wait3A_3096, %dma_wait3A_3097, %dma_wait3A_3103] : memref<26x4x128xi32, #tpu.memory_space<vmem>> -> memref<1x1x128xi32, #tpu.memory_space<vmem>>
    %dma_wait3A_3105 = tpu.memref_squeeze %dma_wait3A_3104 : memref<1x1x128xi32, #tpu.memory_space<vmem>> -> memref<128xi32, #tpu.memory_space<vmem>>
    %dma_wait3A_3106 = arith.constant 0 : i32
    %dma_wait3A_3107 = tpu.memref_slice %arg4[%dma_wait3A_3106] : memref<26000000xf32, #tpu.memory_space<hbm>> -> memref<26000000xf32, #tpu.memory_space<hbm>>
    tpu.wait_indirect_dma semaphore(%arg16 : memref<!tpu.dma_semaphore, #tpu.memory_space<semaphore_mem>>) src(%dma_wait3A_3107 : memref<26000000xf32, #tpu.memory_space<hbm>>) dst(%dma_wait3A_3102 : memref<128xf32, #tpu.memory_space<vmem>>)
    %dma_wait3A_3108 = arith.constant 22 : i32
    %dma_wait3A_3109 = arith.constant 0 : i32
    %dma_wait3A_3110 = arith.constant 22 : i32
    %dma_wait3A_3111 = arith.constant 0 : i32
    %dma_wait3A_3112 = arith.constant 0 : i32
    %dma_wait3A_3113 = tpu.memref_slice %arg9[%dma_wait3A_3110, %dma_wait3A_3111, %dma_wait3A_3112] : memref<26x4x128xf32, #tpu.memory_space<vmem>> -> memref<1x1x128xf32, #tpu.memory_space<vmem>>
    %dma_wait3A_3114 = tpu.memref_squeeze %dma_wait3A_3113 : memref<1x1x128xf32, #tpu.memory_space<vmem>> -> memref<128xf32, #tpu.memory_space<vmem>>
    %dma_wait3A_3115 = arith.constant 0 : i32
    %dma_wait3A_3116 = tpu.memref_slice %arg8[%dma_wait3A_3108, %dma_wait3A_3109, %dma_wait3A_3115] : memref<26x4x128xi32, #tpu.memory_space<vmem>> -> memref<1x1x128xi32, #tpu.memory_space<vmem>>
    %dma_wait3A_3117 = tpu.memref_squeeze %dma_wait3A_3116 : memref<1x1x128xi32, #tpu.memory_space<vmem>> -> memref<128xi32, #tpu.memory_space<vmem>>
    %dma_wait3A_3118 = arith.constant 0 : i32
    %dma_wait3A_3119 = tpu.memref_slice %arg4[%dma_wait3A_3118] : memref<26000000xf32, #tpu.memory_space<hbm>> -> memref<26000000xf32, #tpu.memory_space<hbm>>
    tpu.wait_indirect_dma semaphore(%arg16 : memref<!tpu.dma_semaphore, #tpu.memory_space<semaphore_mem>>) src(%dma_wait3A_3119 : memref<26000000xf32, #tpu.memory_space<hbm>>) dst(%dma_wait3A_3114 : memref<128xf32, #tpu.memory_space<vmem>>)
    %dma_wait3A_3120 = arith.constant 22 : i32
    %dma_wait3A_3121 = arith.constant 1 : i32
    %dma_wait3A_3122 = arith.constant 22 : i32
    %dma_wait3A_3123 = arith.constant 1 : i32
    %dma_wait3A_3124 = arith.constant 0 : i32
    %dma_wait3A_3125 = tpu.memref_slice %arg9[%dma_wait3A_3122, %dma_wait3A_3123, %dma_wait3A_3124] : memref<26x4x128xf32, #tpu.memory_space<vmem>> -> memref<1x1x128xf32, #tpu.memory_space<vmem>>
    %dma_wait3A_3126 = tpu.memref_squeeze %dma_wait3A_3125 : memref<1x1x128xf32, #tpu.memory_space<vmem>> -> memref<128xf32, #tpu.memory_space<vmem>>
    %dma_wait3A_3127 = arith.constant 0 : i32
    %dma_wait3A_3128 = tpu.memref_slice %arg8[%dma_wait3A_3120, %dma_wait3A_3121, %dma_wait3A_3127] : memref<26x4x128xi32, #tpu.memory_space<vmem>> -> memref<1x1x128xi32, #tpu.memory_space<vmem>>
    %dma_wait3A_3129 = tpu.memref_squeeze %dma_wait3A_3128 : memref<1x1x128xi32, #tpu.memory_space<vmem>> -> memref<128xi32, #tpu.memory_space<vmem>>
    %dma_wait3A_3130 = arith.constant 0 : i32
    %dma_wait3A_3131 = tpu.memref_slice %arg4[%dma_wait3A_3130] : memref<26000000xf32, #tpu.memory_space<hbm>> -> memref<26000000xf32, #tpu.memory_space<hbm>>
    tpu.wait_indirect_dma semaphore(%arg16 : memref<!tpu.dma_semaphore, #tpu.memory_space<semaphore_mem>>) src(%dma_wait3A_3131 : memref<26000000xf32, #tpu.memory_space<hbm>>) dst(%dma_wait3A_3126 : memref<128xf32, #tpu.memory_space<vmem>>)
    %dma_wait3A_3132 = arith.constant 22 : i32
    %dma_wait3A_3133 = arith.constant 2 : i32
    %dma_wait3A_3134 = arith.constant 22 : i32
    %dma_wait3A_3135 = arith.constant 2 : i32
    %dma_wait3A_3136 = arith.constant 0 : i32
    %dma_wait3A_3137 = tpu.memref_slice %arg9[%dma_wait3A_3134, %dma_wait3A_3135, %dma_wait3A_3136] : memref<26x4x128xf32, #tpu.memory_space<vmem>> -> memref<1x1x128xf32, #tpu.memory_space<vmem>>
    %dma_wait3A_3138 = tpu.memref_squeeze %dma_wait3A_3137 : memref<1x1x128xf32, #tpu.memory_space<vmem>> -> memref<128xf32, #tpu.memory_space<vmem>>
    %dma_wait3A_3139 = arith.constant 0 : i32
    %dma_wait3A_3140 = tpu.memref_slice %arg8[%dma_wait3A_3132, %dma_wait3A_3133, %dma_wait3A_3139] : memref<26x4x128xi32, #tpu.memory_space<vmem>> -> memref<1x1x128xi32, #tpu.memory_space<vmem>>
    %dma_wait3A_3141 = tpu.memref_squeeze %dma_wait3A_3140 : memref<1x1x128xi32, #tpu.memory_space<vmem>> -> memref<128xi32, #tpu.memory_space<vmem>>
    %dma_wait3A_3142 = arith.constant 0 : i32
    %dma_wait3A_3143 = tpu.memref_slice %arg4[%dma_wait3A_3142] : memref<26000000xf32, #tpu.memory_space<hbm>> -> memref<26000000xf32, #tpu.memory_space<hbm>>
    tpu.wait_indirect_dma semaphore(%arg16 : memref<!tpu.dma_semaphore, #tpu.memory_space<semaphore_mem>>) src(%dma_wait3A_3143 : memref<26000000xf32, #tpu.memory_space<hbm>>) dst(%dma_wait3A_3138 : memref<128xf32, #tpu.memory_space<vmem>>)
    %dma_wait3A_3144 = arith.constant 22 : i32
    %dma_wait3A_3145 = arith.constant 3 : i32
    %dma_wait3A_3146 = arith.constant 22 : i32
    %dma_wait3A_3147 = arith.constant 3 : i32
    %dma_wait3A_3148 = arith.constant 0 : i32
    %dma_wait3A_3149 = tpu.memref_slice %arg9[%dma_wait3A_3146, %dma_wait3A_3147, %dma_wait3A_3148] : memref<26x4x128xf32, #tpu.memory_space<vmem>> -> memref<1x1x128xf32, #tpu.memory_space<vmem>>
    %dma_wait3A_3150 = tpu.memref_squeeze %dma_wait3A_3149 : memref<1x1x128xf32, #tpu.memory_space<vmem>> -> memref<128xf32, #tpu.memory_space<vmem>>
    %dma_wait3A_3151 = arith.constant 0 : i32
    %dma_wait3A_3152 = tpu.memref_slice %arg8[%dma_wait3A_3144, %dma_wait3A_3145, %dma_wait3A_3151] : memref<26x4x128xi32, #tpu.memory_space<vmem>> -> memref<1x1x128xi32, #tpu.memory_space<vmem>>
    %dma_wait3A_3153 = tpu.memref_squeeze %dma_wait3A_3152 : memref<1x1x128xi32, #tpu.memory_space<vmem>> -> memref<128xi32, #tpu.memory_space<vmem>>
    %dma_wait3A_3154 = arith.constant 0 : i32
    %dma_wait3A_3155 = tpu.memref_slice %arg4[%dma_wait3A_3154] : memref<26000000xf32, #tpu.memory_space<hbm>> -> memref<26000000xf32, #tpu.memory_space<hbm>>
    tpu.wait_indirect_dma semaphore(%arg16 : memref<!tpu.dma_semaphore, #tpu.memory_space<semaphore_mem>>) src(%dma_wait3A_3155 : memref<26000000xf32, #tpu.memory_space<hbm>>) dst(%dma_wait3A_3150 : memref<128xf32, #tpu.memory_space<vmem>>)
    %dma_wait3A_3156 = arith.constant 23 : i32
    %dma_wait3A_3157 = arith.constant 0 : i32
    %dma_wait3A_3158 = arith.constant 23 : i32
    %dma_wait3A_3159 = arith.constant 0 : i32
    %dma_wait3A_3160 = arith.constant 0 : i32
    %dma_wait3A_3161 = tpu.memref_slice %arg9[%dma_wait3A_3158, %dma_wait3A_3159, %dma_wait3A_3160] : memref<26x4x128xf32, #tpu.memory_space<vmem>> -> memref<1x1x128xf32, #tpu.memory_space<vmem>>
    %dma_wait3A_3162 = tpu.memref_squeeze %dma_wait3A_3161 : memref<1x1x128xf32, #tpu.memory_space<vmem>> -> memref<128xf32, #tpu.memory_space<vmem>>
    %dma_wait3A_3163 = arith.constant 0 : i32
    %dma_wait3A_3164 = tpu.memref_slice %arg8[%dma_wait3A_3156, %dma_wait3A_3157, %dma_wait3A_3163] : memref<26x4x128xi32, #tpu.memory_space<vmem>> -> memref<1x1x128xi32, #tpu.memory_space<vmem>>
    %dma_wait3A_3165 = tpu.memref_squeeze %dma_wait3A_3164 : memref<1x1x128xi32, #tpu.memory_space<vmem>> -> memref<128xi32, #tpu.memory_space<vmem>>
    %dma_wait3A_3166 = arith.constant 0 : i32
    %dma_wait3A_3167 = tpu.memref_slice %arg4[%dma_wait3A_3166] : memref<26000000xf32, #tpu.memory_space<hbm>> -> memref<26000000xf32, #tpu.memory_space<hbm>>
    tpu.wait_indirect_dma semaphore(%arg16 : memref<!tpu.dma_semaphore, #tpu.memory_space<semaphore_mem>>) src(%dma_wait3A_3167 : memref<26000000xf32, #tpu.memory_space<hbm>>) dst(%dma_wait3A_3162 : memref<128xf32, #tpu.memory_space<vmem>>)
    %dma_wait3A_3168 = arith.constant 23 : i32
    %dma_wait3A_3169 = arith.constant 1 : i32
    %dma_wait3A_3170 = arith.constant 23 : i32
    %dma_wait3A_3171 = arith.constant 1 : i32
    %dma_wait3A_3172 = arith.constant 0 : i32
    %dma_wait3A_3173 = tpu.memref_slice %arg9[%dma_wait3A_3170, %dma_wait3A_3171, %dma_wait3A_3172] : memref<26x4x128xf32, #tpu.memory_space<vmem>> -> memref<1x1x128xf32, #tpu.memory_space<vmem>>
    %dma_wait3A_3174 = tpu.memref_squeeze %dma_wait3A_3173 : memref<1x1x128xf32, #tpu.memory_space<vmem>> -> memref<128xf32, #tpu.memory_space<vmem>>
    %dma_wait3A_3175 = arith.constant 0 : i32
    %dma_wait3A_3176 = tpu.memref_slice %arg8[%dma_wait3A_3168, %dma_wait3A_3169, %dma_wait3A_3175] : memref<26x4x128xi32, #tpu.memory_space<vmem>> -> memref<1x1x128xi32, #tpu.memory_space<vmem>>
    %dma_wait3A_3177 = tpu.memref_squeeze %dma_wait3A_3176 : memref<1x1x128xi32, #tpu.memory_space<vmem>> -> memref<128xi32, #tpu.memory_space<vmem>>
    %dma_wait3A_3178 = arith.constant 0 : i32
    %dma_wait3A_3179 = tpu.memref_slice %arg4[%dma_wait3A_3178] : memref<26000000xf32, #tpu.memory_space<hbm>> -> memref<26000000xf32, #tpu.memory_space<hbm>>
    tpu.wait_indirect_dma semaphore(%arg16 : memref<!tpu.dma_semaphore, #tpu.memory_space<semaphore_mem>>) src(%dma_wait3A_3179 : memref<26000000xf32, #tpu.memory_space<hbm>>) dst(%dma_wait3A_3174 : memref<128xf32, #tpu.memory_space<vmem>>)
    %dma_wait3A_3180 = arith.constant 23 : i32
    %dma_wait3A_3181 = arith.constant 2 : i32
    %dma_wait3A_3182 = arith.constant 23 : i32
    %dma_wait3A_3183 = arith.constant 2 : i32
    %dma_wait3A_3184 = arith.constant 0 : i32
    %dma_wait3A_3185 = tpu.memref_slice %arg9[%dma_wait3A_3182, %dma_wait3A_3183, %dma_wait3A_3184] : memref<26x4x128xf32, #tpu.memory_space<vmem>> -> memref<1x1x128xf32, #tpu.memory_space<vmem>>
    %dma_wait3A_3186 = tpu.memref_squeeze %dma_wait3A_3185 : memref<1x1x128xf32, #tpu.memory_space<vmem>> -> memref<128xf32, #tpu.memory_space<vmem>>
    %dma_wait3A_3187 = arith.constant 0 : i32
    %dma_wait3A_3188 = tpu.memref_slice %arg8[%dma_wait3A_3180, %dma_wait3A_3181, %dma_wait3A_3187] : memref<26x4x128xi32, #tpu.memory_space<vmem>> -> memref<1x1x128xi32, #tpu.memory_space<vmem>>
    %dma_wait3A_3189 = tpu.memref_squeeze %dma_wait3A_3188 : memref<1x1x128xi32, #tpu.memory_space<vmem>> -> memref<128xi32, #tpu.memory_space<vmem>>
    %dma_wait3A_3190 = arith.constant 0 : i32
    %dma_wait3A_3191 = tpu.memref_slice %arg4[%dma_wait3A_3190] : memref<26000000xf32, #tpu.memory_space<hbm>> -> memref<26000000xf32, #tpu.memory_space<hbm>>
    tpu.wait_indirect_dma semaphore(%arg16 : memref<!tpu.dma_semaphore, #tpu.memory_space<semaphore_mem>>) src(%dma_wait3A_3191 : memref<26000000xf32, #tpu.memory_space<hbm>>) dst(%dma_wait3A_3186 : memref<128xf32, #tpu.memory_space<vmem>>)
    %dma_wait3A_3192 = arith.constant 23 : i32
    %dma_wait3A_3193 = arith.constant 3 : i32
    %dma_wait3A_3194 = arith.constant 23 : i32
    %dma_wait3A_3195 = arith.constant 3 : i32
    %dma_wait3A_3196 = arith.constant 0 : i32
    %dma_wait3A_3197 = tpu.memref_slice %arg9[%dma_wait3A_3194, %dma_wait3A_3195, %dma_wait3A_3196] : memref<26x4x128xf32, #tpu.memory_space<vmem>> -> memref<1x1x128xf32, #tpu.memory_space<vmem>>
    %dma_wait3A_3198 = tpu.memref_squeeze %dma_wait3A_3197 : memref<1x1x128xf32, #tpu.memory_space<vmem>> -> memref<128xf32, #tpu.memory_space<vmem>>
    %dma_wait3A_3199 = arith.constant 0 : i32
    %dma_wait3A_3200 = tpu.memref_slice %arg8[%dma_wait3A_3192, %dma_wait3A_3193, %dma_wait3A_3199] : memref<26x4x128xi32, #tpu.memory_space<vmem>> -> memref<1x1x128xi32, #tpu.memory_space<vmem>>
    %dma_wait3A_3201 = tpu.memref_squeeze %dma_wait3A_3200 : memref<1x1x128xi32, #tpu.memory_space<vmem>> -> memref<128xi32, #tpu.memory_space<vmem>>
    %dma_wait3A_3202 = arith.constant 0 : i32
    %dma_wait3A_3203 = tpu.memref_slice %arg4[%dma_wait3A_3202] : memref<26000000xf32, #tpu.memory_space<hbm>> -> memref<26000000xf32, #tpu.memory_space<hbm>>
    tpu.wait_indirect_dma semaphore(%arg16 : memref<!tpu.dma_semaphore, #tpu.memory_space<semaphore_mem>>) src(%dma_wait3A_3203 : memref<26000000xf32, #tpu.memory_space<hbm>>) dst(%dma_wait3A_3198 : memref<128xf32, #tpu.memory_space<vmem>>)
    %dma_wait3A_3204 = arith.constant 24 : i32
    %dma_wait3A_3205 = arith.constant 0 : i32
    %dma_wait3A_3206 = arith.constant 24 : i32
    %dma_wait3A_3207 = arith.constant 0 : i32
    %dma_wait3A_3208 = arith.constant 0 : i32
    %dma_wait3A_3209 = tpu.memref_slice %arg9[%dma_wait3A_3206, %dma_wait3A_3207, %dma_wait3A_3208] : memref<26x4x128xf32, #tpu.memory_space<vmem>> -> memref<1x1x128xf32, #tpu.memory_space<vmem>>
    %dma_wait3A_3210 = tpu.memref_squeeze %dma_wait3A_3209 : memref<1x1x128xf32, #tpu.memory_space<vmem>> -> memref<128xf32, #tpu.memory_space<vmem>>
    %dma_wait3A_3211 = arith.constant 0 : i32
    %dma_wait3A_3212 = tpu.memref_slice %arg8[%dma_wait3A_3204, %dma_wait3A_3205, %dma_wait3A_3211] : memref<26x4x128xi32, #tpu.memory_space<vmem>> -> memref<1x1x128xi32, #tpu.memory_space<vmem>>
    %dma_wait3A_3213 = tpu.memref_squeeze %dma_wait3A_3212 : memref<1x1x128xi32, #tpu.memory_space<vmem>> -> memref<128xi32, #tpu.memory_space<vmem>>
    %dma_wait3A_3214 = arith.constant 0 : i32
    %dma_wait3A_3215 = tpu.memref_slice %arg4[%dma_wait3A_3214] : memref<26000000xf32, #tpu.memory_space<hbm>> -> memref<26000000xf32, #tpu.memory_space<hbm>>
    tpu.wait_indirect_dma semaphore(%arg16 : memref<!tpu.dma_semaphore, #tpu.memory_space<semaphore_mem>>) src(%dma_wait3A_3215 : memref<26000000xf32, #tpu.memory_space<hbm>>) dst(%dma_wait3A_3210 : memref<128xf32, #tpu.memory_space<vmem>>)
    %dma_wait3A_3216 = arith.constant 24 : i32
    %dma_wait3A_3217 = arith.constant 1 : i32
    %dma_wait3A_3218 = arith.constant 24 : i32
    %dma_wait3A_3219 = arith.constant 1 : i32
    %dma_wait3A_3220 = arith.constant 0 : i32
    %dma_wait3A_3221 = tpu.memref_slice %arg9[%dma_wait3A_3218, %dma_wait3A_3219, %dma_wait3A_3220] : memref<26x4x128xf32, #tpu.memory_space<vmem>> -> memref<1x1x128xf32, #tpu.memory_space<vmem>>
    %dma_wait3A_3222 = tpu.memref_squeeze %dma_wait3A_3221 : memref<1x1x128xf32, #tpu.memory_space<vmem>> -> memref<128xf32, #tpu.memory_space<vmem>>
    %dma_wait3A_3223 = arith.constant 0 : i32
    %dma_wait3A_3224 = tpu.memref_slice %arg8[%dma_wait3A_3216, %dma_wait3A_3217, %dma_wait3A_3223] : memref<26x4x128xi32, #tpu.memory_space<vmem>> -> memref<1x1x128xi32, #tpu.memory_space<vmem>>
    %dma_wait3A_3225 = tpu.memref_squeeze %dma_wait3A_3224 : memref<1x1x128xi32, #tpu.memory_space<vmem>> -> memref<128xi32, #tpu.memory_space<vmem>>
    %dma_wait3A_3226 = arith.constant 0 : i32
    %dma_wait3A_3227 = tpu.memref_slice %arg4[%dma_wait3A_3226] : memref<26000000xf32, #tpu.memory_space<hbm>> -> memref<26000000xf32, #tpu.memory_space<hbm>>
    tpu.wait_indirect_dma semaphore(%arg16 : memref<!tpu.dma_semaphore, #tpu.memory_space<semaphore_mem>>) src(%dma_wait3A_3227 : memref<26000000xf32, #tpu.memory_space<hbm>>) dst(%dma_wait3A_3222 : memref<128xf32, #tpu.memory_space<vmem>>)
    %dma_wait3A_3228 = arith.constant 24 : i32
    %dma_wait3A_3229 = arith.constant 2 : i32
    %dma_wait3A_3230 = arith.constant 24 : i32
    %dma_wait3A_3231 = arith.constant 2 : i32
    %dma_wait3A_3232 = arith.constant 0 : i32
    %dma_wait3A_3233 = tpu.memref_slice %arg9[%dma_wait3A_3230, %dma_wait3A_3231, %dma_wait3A_3232] : memref<26x4x128xf32, #tpu.memory_space<vmem>> -> memref<1x1x128xf32, #tpu.memory_space<vmem>>
    %dma_wait3A_3234 = tpu.memref_squeeze %dma_wait3A_3233 : memref<1x1x128xf32, #tpu.memory_space<vmem>> -> memref<128xf32, #tpu.memory_space<vmem>>
    %dma_wait3A_3235 = arith.constant 0 : i32
    %dma_wait3A_3236 = tpu.memref_slice %arg8[%dma_wait3A_3228, %dma_wait3A_3229, %dma_wait3A_3235] : memref<26x4x128xi32, #tpu.memory_space<vmem>> -> memref<1x1x128xi32, #tpu.memory_space<vmem>>
    %dma_wait3A_3237 = tpu.memref_squeeze %dma_wait3A_3236 : memref<1x1x128xi32, #tpu.memory_space<vmem>> -> memref<128xi32, #tpu.memory_space<vmem>>
    %dma_wait3A_3238 = arith.constant 0 : i32
    %dma_wait3A_3239 = tpu.memref_slice %arg4[%dma_wait3A_3238] : memref<26000000xf32, #tpu.memory_space<hbm>> -> memref<26000000xf32, #tpu.memory_space<hbm>>
    tpu.wait_indirect_dma semaphore(%arg16 : memref<!tpu.dma_semaphore, #tpu.memory_space<semaphore_mem>>) src(%dma_wait3A_3239 : memref<26000000xf32, #tpu.memory_space<hbm>>) dst(%dma_wait3A_3234 : memref<128xf32, #tpu.memory_space<vmem>>)
    %dma_wait3A_3240 = arith.constant 24 : i32
    %dma_wait3A_3241 = arith.constant 3 : i32
    %dma_wait3A_3242 = arith.constant 24 : i32
    %dma_wait3A_3243 = arith.constant 3 : i32
    %dma_wait3A_3244 = arith.constant 0 : i32
    %dma_wait3A_3245 = tpu.memref_slice %arg9[%dma_wait3A_3242, %dma_wait3A_3243, %dma_wait3A_3244] : memref<26x4x128xf32, #tpu.memory_space<vmem>> -> memref<1x1x128xf32, #tpu.memory_space<vmem>>
    %dma_wait3A_3246 = tpu.memref_squeeze %dma_wait3A_3245 : memref<1x1x128xf32, #tpu.memory_space<vmem>> -> memref<128xf32, #tpu.memory_space<vmem>>
    %dma_wait3A_3247 = arith.constant 0 : i32
    %dma_wait3A_3248 = tpu.memref_slice %arg8[%dma_wait3A_3240, %dma_wait3A_3241, %dma_wait3A_3247] : memref<26x4x128xi32, #tpu.memory_space<vmem>> -> memref<1x1x128xi32, #tpu.memory_space<vmem>>
    %dma_wait3A_3249 = tpu.memref_squeeze %dma_wait3A_3248 : memref<1x1x128xi32, #tpu.memory_space<vmem>> -> memref<128xi32, #tpu.memory_space<vmem>>
    %dma_wait3A_3250 = arith.constant 0 : i32
    %dma_wait3A_3251 = tpu.memref_slice %arg4[%dma_wait3A_3250] : memref<26000000xf32, #tpu.memory_space<hbm>> -> memref<26000000xf32, #tpu.memory_space<hbm>>
    tpu.wait_indirect_dma semaphore(%arg16 : memref<!tpu.dma_semaphore, #tpu.memory_space<semaphore_mem>>) src(%dma_wait3A_3251 : memref<26000000xf32, #tpu.memory_space<hbm>>) dst(%dma_wait3A_3246 : memref<128xf32, #tpu.memory_space<vmem>>)
    %dma_wait3A_3252 = arith.constant 25 : i32
    %dma_wait3A_3253 = arith.constant 0 : i32
    %dma_wait3A_3254 = arith.constant 25 : i32
    %dma_wait3A_3255 = arith.constant 0 : i32
    %dma_wait3A_3256 = arith.constant 0 : i32
    %dma_wait3A_3257 = tpu.memref_slice %arg9[%dma_wait3A_3254, %dma_wait3A_3255, %dma_wait3A_3256] : memref<26x4x128xf32, #tpu.memory_space<vmem>> -> memref<1x1x128xf32, #tpu.memory_space<vmem>>
    %dma_wait3A_3258 = tpu.memref_squeeze %dma_wait3A_3257 : memref<1x1x128xf32, #tpu.memory_space<vmem>> -> memref<128xf32, #tpu.memory_space<vmem>>
    %dma_wait3A_3259 = arith.constant 0 : i32
    %dma_wait3A_3260 = tpu.memref_slice %arg8[%dma_wait3A_3252, %dma_wait3A_3253, %dma_wait3A_3259] : memref<26x4x128xi32, #tpu.memory_space<vmem>> -> memref<1x1x128xi32, #tpu.memory_space<vmem>>
    %dma_wait3A_3261 = tpu.memref_squeeze %dma_wait3A_3260 : memref<1x1x128xi32, #tpu.memory_space<vmem>> -> memref<128xi32, #tpu.memory_space<vmem>>
    %dma_wait3A_3262 = arith.constant 0 : i32
    %dma_wait3A_3263 = tpu.memref_slice %arg4[%dma_wait3A_3262] : memref<26000000xf32, #tpu.memory_space<hbm>> -> memref<26000000xf32, #tpu.memory_space<hbm>>
    tpu.wait_indirect_dma semaphore(%arg16 : memref<!tpu.dma_semaphore, #tpu.memory_space<semaphore_mem>>) src(%dma_wait3A_3263 : memref<26000000xf32, #tpu.memory_space<hbm>>) dst(%dma_wait3A_3258 : memref<128xf32, #tpu.memory_space<vmem>>)
    %dma_wait3A_3264 = arith.constant 25 : i32
    %dma_wait3A_3265 = arith.constant 1 : i32
    %dma_wait3A_3266 = arith.constant 25 : i32
    %dma_wait3A_3267 = arith.constant 1 : i32
    %dma_wait3A_3268 = arith.constant 0 : i32
    %dma_wait3A_3269 = tpu.memref_slice %arg9[%dma_wait3A_3266, %dma_wait3A_3267, %dma_wait3A_3268] : memref<26x4x128xf32, #tpu.memory_space<vmem>> -> memref<1x1x128xf32, #tpu.memory_space<vmem>>
    %dma_wait3A_3270 = tpu.memref_squeeze %dma_wait3A_3269 : memref<1x1x128xf32, #tpu.memory_space<vmem>> -> memref<128xf32, #tpu.memory_space<vmem>>
    %dma_wait3A_3271 = arith.constant 0 : i32
    %dma_wait3A_3272 = tpu.memref_slice %arg8[%dma_wait3A_3264, %dma_wait3A_3265, %dma_wait3A_3271] : memref<26x4x128xi32, #tpu.memory_space<vmem>> -> memref<1x1x128xi32, #tpu.memory_space<vmem>>
    %dma_wait3A_3273 = tpu.memref_squeeze %dma_wait3A_3272 : memref<1x1x128xi32, #tpu.memory_space<vmem>> -> memref<128xi32, #tpu.memory_space<vmem>>
    %dma_wait3A_3274 = arith.constant 0 : i32
    %dma_wait3A_3275 = tpu.memref_slice %arg4[%dma_wait3A_3274] : memref<26000000xf32, #tpu.memory_space<hbm>> -> memref<26000000xf32, #tpu.memory_space<hbm>>
    tpu.wait_indirect_dma semaphore(%arg16 : memref<!tpu.dma_semaphore, #tpu.memory_space<semaphore_mem>>) src(%dma_wait3A_3275 : memref<26000000xf32, #tpu.memory_space<hbm>>) dst(%dma_wait3A_3270 : memref<128xf32, #tpu.memory_space<vmem>>)
    %dma_wait3A_3276 = arith.constant 25 : i32
    %dma_wait3A_3277 = arith.constant 2 : i32
    %dma_wait3A_3278 = arith.constant 25 : i32
    %dma_wait3A_3279 = arith.constant 2 : i32
    %dma_wait3A_3280 = arith.constant 0 : i32
    %dma_wait3A_3281 = tpu.memref_slice %arg9[%dma_wait3A_3278, %dma_wait3A_3279, %dma_wait3A_3280] : memref<26x4x128xf32, #tpu.memory_space<vmem>> -> memref<1x1x128xf32, #tpu.memory_space<vmem>>
    %dma_wait3A_3282 = tpu.memref_squeeze %dma_wait3A_3281 : memref<1x1x128xf32, #tpu.memory_space<vmem>> -> memref<128xf32, #tpu.memory_space<vmem>>
    %dma_wait3A_3283 = arith.constant 0 : i32
    %dma_wait3A_3284 = tpu.memref_slice %arg8[%dma_wait3A_3276, %dma_wait3A_3277, %dma_wait3A_3283] : memref<26x4x128xi32, #tpu.memory_space<vmem>> -> memref<1x1x128xi32, #tpu.memory_space<vmem>>
    %dma_wait3A_3285 = tpu.memref_squeeze %dma_wait3A_3284 : memref<1x1x128xi32, #tpu.memory_space<vmem>> -> memref<128xi32, #tpu.memory_space<vmem>>
    %dma_wait3A_3286 = arith.constant 0 : i32
    %dma_wait3A_3287 = tpu.memref_slice %arg4[%dma_wait3A_3286] : memref<26000000xf32, #tpu.memory_space<hbm>> -> memref<26000000xf32, #tpu.memory_space<hbm>>
    tpu.wait_indirect_dma semaphore(%arg16 : memref<!tpu.dma_semaphore, #tpu.memory_space<semaphore_mem>>) src(%dma_wait3A_3287 : memref<26000000xf32, #tpu.memory_space<hbm>>) dst(%dma_wait3A_3282 : memref<128xf32, #tpu.memory_space<vmem>>)
    %dma_wait3A_3288 = arith.constant 25 : i32
    %dma_wait3A_3289 = arith.constant 3 : i32
    %dma_wait3A_3290 = arith.constant 25 : i32
    %dma_wait3A_3291 = arith.constant 3 : i32
    %dma_wait3A_3292 = arith.constant 0 : i32
    %dma_wait3A_3293 = tpu.memref_slice %arg9[%dma_wait3A_3290, %dma_wait3A_3291, %dma_wait3A_3292] : memref<26x4x128xf32, #tpu.memory_space<vmem>> -> memref<1x1x128xf32, #tpu.memory_space<vmem>>
    %dma_wait3A_3294 = tpu.memref_squeeze %dma_wait3A_3293 : memref<1x1x128xf32, #tpu.memory_space<vmem>> -> memref<128xf32, #tpu.memory_space<vmem>>
    %dma_wait3A_3295 = arith.constant 0 : i32
    %dma_wait3A_3296 = tpu.memref_slice %arg8[%dma_wait3A_3288, %dma_wait3A_3289, %dma_wait3A_3295] : memref<26x4x128xi32, #tpu.memory_space<vmem>> -> memref<1x1x128xi32, #tpu.memory_space<vmem>>
    %dma_wait3A_3297 = tpu.memref_squeeze %dma_wait3A_3296 : memref<1x1x128xi32, #tpu.memory_space<vmem>> -> memref<128xi32, #tpu.memory_space<vmem>>
    %dma_wait3A_3298 = arith.constant 0 : i32
    %dma_wait3A_3299 = tpu.memref_slice %arg4[%dma_wait3A_3298] : memref<26000000xf32, #tpu.memory_space<hbm>> -> memref<26000000xf32, #tpu.memory_space<hbm>>
    tpu.wait_indirect_dma semaphore(%arg16 : memref<!tpu.dma_semaphore, #tpu.memory_space<semaphore_mem>>) src(%dma_wait3A_3299 : memref<26000000xf32, #tpu.memory_space<hbm>>) dst(%dma_wait3A_3294 : memref<128xf32, #tpu.memory_space<vmem>>)
    %scan3A_3300 = arith.constant 0 : i32
    %scan3A_3301 = arith.constant 0 : i32
    %scan3A_3302 = arith.constant 32 : i32
    %scan3A_3303 = arith.addi %scan3A_3301, %scan3A_3302 : i32
    %scan3A_3304 = arith.constant 1 : i32
    scf.for %scan3A_3306 = %scan3A_3301 to %scan3A_3303 step %scan3A_3304  : i32 {
      %jit3A = arith.constant 8 : i32
      %div3A_3307 = arith.divsi %scan3A_3306, %jit3A : i32
      %sign3A = arith.constant 0 : i32
      %sign3A_3308 = arith.cmpi sgt, %scan3A_3306, %sign3A : i32
      %sign3A_3309 = arith.extui %sign3A_3308 : i1 to i32
      %sign3A_3310 = arith.constant 0 : i32
      %sign3A_3311 = arith.cmpi slt, %scan3A_3306, %sign3A_3310 : i32
      %sign3A_3312 = arith.extui %sign3A_3311 : i1 to i32
      %sign3A_3313 = arith.subi %sign3A_3309, %sign3A_3312 : i32
      %sign3A_3314 = arith.constant 0 : i32
      %sign3A_3315 = arith.cmpi sgt, %jit3A, %sign3A_3314 : i32
      %sign3A_3316 = arith.extui %sign3A_3315 : i1 to i32
      %sign3A_3317 = arith.constant 0 : i32
      %sign3A_3318 = arith.cmpi slt, %jit3A, %sign3A_3317 : i32
      %sign3A_3319 = arith.extui %sign3A_3318 : i1 to i32
      %sign3A_3320 = arith.subi %sign3A_3316, %sign3A_3319 : i32
      %ne3A = arith.cmpi ne, %sign3A_3313, %sign3A_3320 : i32
      %rem3A = arith.remsi %scan3A_3306, %jit3A : i32
      %ne3A_3321 = arith.constant 0 : i32
      %ne3A_3322 = arith.cmpi ne, %rem3A, %ne3A_3321 : i32
      %and3A = arith.andi %ne3A, %ne3A_3322 : i1
      %sub3A_3323 = arith.constant 1 : i32
      %sub3A_3324 = arith.subi %div3A_3307, %sub3A_3323 : i32
      %select_n3A_3325 = arith.select %and3A, %sub3A_3324, %div3A_3307 : i32
      %jit3A_3326 = arith.constant 8 : i32
      %eq3A = arith.constant 0 : i32
      %eq3A_3327 = arith.cmpi eq, %jit3A_3326, %eq3A : i32
      %jit3A_3328 = arith.constant 1 : i32
      %select_n3A_3329 = arith.select %eq3A_3327, %jit3A_3328, %jit3A_3326 : i32
      %rem3A_3330 = arith.remsi %scan3A_3306, %select_n3A_3329 : i32
      %ne3A_3331 = arith.constant 0 : i32
      %ne3A_3332 = arith.cmpi ne, %rem3A_3330, %ne3A_3331 : i32
      %lt3A_3333 = arith.constant 0 : i32
      %lt3A_3334 = arith.cmpi slt, %rem3A_3330, %lt3A_3333 : i32
      %lt3A_3335 = arith.constant 0 : i32
      %lt3A_3336 = arith.cmpi slt, %select_n3A_3329, %lt3A_3335 : i32
      %ne3A_3337 = arith.xori %lt3A_3334, %lt3A_3336 : i1
      %and3A_3338 = arith.andi %ne3A_3337, %ne3A_3332 : i1
      %add3A_3339 = arith.addi %rem3A_3330, %select_n3A_3329 : i32
      %select_n3A_3340 = arith.select %and3A_3338, %add3A_3339, %rem3A_3330 : i32
      %mul3A_3341 = arith.constant 16 : i32
      %mul3A_3342 = arith.muli %select_n3A_3340, %mul3A_3341 : i32
      %broadcast_in_dim3A_3343 = arith.constant 0.000000e+00 : f32
      %broadcast_in_dim3A_3344 = vector.broadcast %broadcast_in_dim3A_3343 : f32 to vector<16xf32>
      %get3A_3345 = arith.constant 0 : index
      %get3A_3346 = tpu.vector_load %arg12[%get3A_3345] {strides = array<i32>} : memref<624xf32, #tpu.memory_space<vmem>>, vector<16xf32>,
      %get3A_3347 = vector.shape_cast %get3A_3346 : vector<16xf32> to vector<16xf32>
      %get3A_3348 = arith.constant 0 : i32
      %get3A_3349 = arith.index_cast %get3A_3348 : i32 to index
      %get3A_3350 = arith.index_cast %select_n3A_3325 : i32 to index
      %get3A_3351 = arith.index_cast %mul3A_3342 : i32 to index
      %get3A_3352 = tpu.vector_load %arg9[%get3A_3349, %get3A_3350, %get3A_3351] {strides = array<i32>} : memref<26x4x128xf32, #tpu.memory_space<vmem>>, vector<1x1x16xf32>,
      %get3A_3353 = vector.shape_cast %get3A_3352 : vector<1x1x16xf32> to vector<16xf32>
      %mul3A_3354 = arith.mulf %get3A_3347, %get3A_3353 : vector<16xf32>
      %add3A_3355 = arith.addf %broadcast_in_dim3A_3344, %mul3A_3354 : vector<16xf32>
      %get3A_3356 = arith.constant 16 : index
      %get3A_3357 = tpu.vector_load %arg12[%get3A_3356] {strides = array<i32>} : memref<624xf32, #tpu.memory_space<vmem>>, vector<16xf32>,
      %get3A_3358 = vector.shape_cast %get3A_3357 : vector<16xf32> to vector<16xf32>
      %get3A_3359 = arith.constant 1 : i32
      %get3A_3360 = arith.index_cast %get3A_3359 : i32 to index
      %get3A_3361 = arith.index_cast %select_n3A_3325 : i32 to index
      %get3A_3362 = arith.index_cast %mul3A_3342 : i32 to index
      %get3A_3363 = tpu.vector_load %arg9[%get3A_3360, %get3A_3361, %get3A_3362] {strides = array<i32>} : memref<26x4x128xf32, #tpu.memory_space<vmem>>, vector<1x1x16xf32>,
      %get3A_3364 = vector.shape_cast %get3A_3363 : vector<1x1x16xf32> to vector<16xf32>
      %mul3A_3365 = arith.mulf %get3A_3358, %get3A_3364 : vector<16xf32>
      %add3A_3366 = arith.addf %add3A_3355, %mul3A_3365 : vector<16xf32>
      %get3A_3367 = arith.constant 32 : index
      %get3A_3368 = tpu.vector_load %arg12[%get3A_3367] {strides = array<i32>} : memref<624xf32, #tpu.memory_space<vmem>>, vector<16xf32>,
      %get3A_3369 = vector.shape_cast %get3A_3368 : vector<16xf32> to vector<16xf32>
      %get3A_3370 = arith.constant 2 : i32
      %get3A_3371 = arith.index_cast %get3A_3370 : i32 to index
      %get3A_3372 = arith.index_cast %select_n3A_3325 : i32 to index
      %get3A_3373 = arith.index_cast %mul3A_3342 : i32 to index
      %get3A_3374 = tpu.vector_load %arg9[%get3A_3371, %get3A_3372, %get3A_3373] {strides = array<i32>} : memref<26x4x128xf32, #tpu.memory_space<vmem>>, vector<1x1x16xf32>,
      %get3A_3375 = vector.shape_cast %get3A_3374 : vector<1x1x16xf32> to vector<16xf32>
      %mul3A_3376 = arith.mulf %get3A_3369, %get3A_3375 : vector<16xf32>
      %add3A_3377 = arith.addf %add3A_3366, %mul3A_3376 : vector<16xf32>
      %get3A_3378 = arith.constant 48 : index
      %get3A_3379 = tpu.vector_load %arg12[%get3A_3378] {strides = array<i32>} : memref<624xf32, #tpu.memory_space<vmem>>, vector<16xf32>,
      %get3A_3380 = vector.shape_cast %get3A_3379 : vector<16xf32> to vector<16xf32>
      %get3A_3381 = arith.constant 3 : i32
      %get3A_3382 = arith.index_cast %get3A_3381 : i32 to index
      %get3A_3383 = arith.index_cast %select_n3A_3325 : i32 to index
      %get3A_3384 = arith.index_cast %mul3A_3342 : i32 to index
      %get3A_3385 = tpu.vector_load %arg9[%get3A_3382, %get3A_3383, %get3A_3384] {strides = array<i32>} : memref<26x4x128xf32, #tpu.memory_space<vmem>>, vector<1x1x16xf32>,
      %get3A_3386 = vector.shape_cast %get3A_3385 : vector<1x1x16xf32> to vector<16xf32>
      %mul3A_3387 = arith.mulf %get3A_3380, %get3A_3386 : vector<16xf32>
      %add3A_3388 = arith.addf %add3A_3377, %mul3A_3387 : vector<16xf32>
      %get3A_3389 = arith.constant 64 : index
      %get3A_3390 = tpu.vector_load %arg12[%get3A_3389] {strides = array<i32>} : memref<624xf32, #tpu.memory_space<vmem>>, vector<16xf32>,
      %get3A_3391 = vector.shape_cast %get3A_3390 : vector<16xf32> to vector<16xf32>
      %get3A_3392 = arith.constant 4 : i32
      %get3A_3393 = arith.index_cast %get3A_3392 : i32 to index
      %get3A_3394 = arith.index_cast %select_n3A_3325 : i32 to index
      %get3A_3395 = arith.index_cast %mul3A_3342 : i32 to index
      %get3A_3396 = tpu.vector_load %arg9[%get3A_3393, %get3A_3394, %get3A_3395] {strides = array<i32>} : memref<26x4x128xf32, #tpu.memory_space<vmem>>, vector<1x1x16xf32>,
      %get3A_3397 = vector.shape_cast %get3A_3396 : vector<1x1x16xf32> to vector<16xf32>
      %mul3A_3398 = arith.mulf %get3A_3391, %get3A_3397 : vector<16xf32>
      %add3A_3399 = arith.addf %add3A_3388, %mul3A_3398 : vector<16xf32>
      %get3A_3400 = arith.constant 80 : index
      %get3A_3401 = tpu.vector_load %arg12[%get3A_3400] {strides = array<i32>} : memref<624xf32, #tpu.memory_space<vmem>>, vector<16xf32>,
      %get3A_3402 = vector.shape_cast %get3A_3401 : vector<16xf32> to vector<16xf32>
      %get3A_3403 = arith.constant 5 : i32
      %get3A_3404 = arith.index_cast %get3A_3403 : i32 to index
      %get3A_3405 = arith.index_cast %select_n3A_3325 : i32 to index
      %get3A_3406 = arith.index_cast %mul3A_3342 : i32 to index
      %get3A_3407 = tpu.vector_load %arg9[%get3A_3404, %get3A_3405, %get3A_3406] {strides = array<i32>} : memref<26x4x128xf32, #tpu.memory_space<vmem>>, vector<1x1x16xf32>,
      %get3A_3408 = vector.shape_cast %get3A_3407 : vector<1x1x16xf32> to vector<16xf32>
      %mul3A_3409 = arith.mulf %get3A_3402, %get3A_3408 : vector<16xf32>
      %add3A_3410 = arith.addf %add3A_3399, %mul3A_3409 : vector<16xf32>
      %get3A_3411 = arith.constant 96 : index
      %get3A_3412 = tpu.vector_load %arg12[%get3A_3411] {strides = array<i32>} : memref<624xf32, #tpu.memory_space<vmem>>, vector<16xf32>,
      %get3A_3413 = vector.shape_cast %get3A_3412 : vector<16xf32> to vector<16xf32>
      %get3A_3414 = arith.constant 6 : i32
      %get3A_3415 = arith.index_cast %get3A_3414 : i32 to index
      %get3A_3416 = arith.index_cast %select_n3A_3325 : i32 to index
      %get3A_3417 = arith.index_cast %mul3A_3342 : i32 to index
      %get3A_3418 = tpu.vector_load %arg9[%get3A_3415, %get3A_3416, %get3A_3417] {strides = array<i32>} : memref<26x4x128xf32, #tpu.memory_space<vmem>>, vector<1x1x16xf32>,
      %get3A_3419 = vector.shape_cast %get3A_3418 : vector<1x1x16xf32> to vector<16xf32>
      %mul3A_3420 = arith.mulf %get3A_3413, %get3A_3419 : vector<16xf32>
      %add3A_3421 = arith.addf %add3A_3410, %mul3A_3420 : vector<16xf32>
      %get3A_3422 = arith.constant 112 : index
      %get3A_3423 = tpu.vector_load %arg12[%get3A_3422] {strides = array<i32>} : memref<624xf32, #tpu.memory_space<vmem>>, vector<16xf32>,
      %get3A_3424 = vector.shape_cast %get3A_3423 : vector<16xf32> to vector<16xf32>
      %get3A_3425 = arith.constant 7 : i32
      %get3A_3426 = arith.index_cast %get3A_3425 : i32 to index
      %get3A_3427 = arith.index_cast %select_n3A_3325 : i32 to index
      %get3A_3428 = arith.index_cast %mul3A_3342 : i32 to index
      %get3A_3429 = tpu.vector_load %arg9[%get3A_3426, %get3A_3427, %get3A_3428] {strides = array<i32>} : memref<26x4x128xf32, #tpu.memory_space<vmem>>, vector<1x1x16xf32>,
      %get3A_3430 = vector.shape_cast %get3A_3429 : vector<1x1x16xf32> to vector<16xf32>
      %mul3A_3431 = arith.mulf %get3A_3424, %get3A_3430 : vector<16xf32>
      %add3A_3432 = arith.addf %add3A_3421, %mul3A_3431 : vector<16xf32>
      %get3A_3433 = arith.constant 128 : index
      %get3A_3434 = tpu.vector_load %arg12[%get3A_3433] {strides = array<i32>} : memref<624xf32, #tpu.memory_space<vmem>>, vector<16xf32>,
      %get3A_3435 = vector.shape_cast %get3A_3434 : vector<16xf32> to vector<16xf32>
      %get3A_3436 = arith.constant 8 : i32
      %get3A_3437 = arith.index_cast %get3A_3436 : i32 to index
      %get3A_3438 = arith.index_cast %select_n3A_3325 : i32 to index
      %get3A_3439 = arith.index_cast %mul3A_3342 : i32 to index
      %get3A_3440 = tpu.vector_load %arg9[%get3A_3437, %get3A_3438, %get3A_3439] {strides = array<i32>} : memref<26x4x128xf32, #tpu.memory_space<vmem>>, vector<1x1x16xf32>,
      %get3A_3441 = vector.shape_cast %get3A_3440 : vector<1x1x16xf32> to vector<16xf32>
      %mul3A_3442 = arith.mulf %get3A_3435, %get3A_3441 : vector<16xf32>
      %add3A_3443 = arith.addf %add3A_3432, %mul3A_3442 : vector<16xf32>
      %get3A_3444 = arith.constant 144 : index
      %get3A_3445 = tpu.vector_load %arg12[%get3A_3444] {strides = array<i32>} : memref<624xf32, #tpu.memory_space<vmem>>, vector<16xf32>,
      %get3A_3446 = vector.shape_cast %get3A_3445 : vector<16xf32> to vector<16xf32>
      %get3A_3447 = arith.constant 9 : i32
      %get3A_3448 = arith.index_cast %get3A_3447 : i32 to index
      %get3A_3449 = arith.index_cast %select_n3A_3325 : i32 to index
      %get3A_3450 = arith.index_cast %mul3A_3342 : i32 to index
      %get3A_3451 = tpu.vector_load %arg9[%get3A_3448, %get3A_3449, %get3A_3450] {strides = array<i32>} : memref<26x4x128xf32, #tpu.memory_space<vmem>>, vector<1x1x16xf32>,
      %get3A_3452 = vector.shape_cast %get3A_3451 : vector<1x1x16xf32> to vector<16xf32>
      %mul3A_3453 = arith.mulf %get3A_3446, %get3A_3452 : vector<16xf32>
      %add3A_3454 = arith.addf %add3A_3443, %mul3A_3453 : vector<16xf32>
      %get3A_3455 = arith.constant 160 : index
      %get3A_3456 = tpu.vector_load %arg12[%get3A_3455] {strides = array<i32>} : memref<624xf32, #tpu.memory_space<vmem>>, vector<16xf32>,
      %get3A_3457 = vector.shape_cast %get3A_3456 : vector<16xf32> to vector<16xf32>
      %get3A_3458 = arith.constant 10 : i32
      %get3A_3459 = arith.index_cast %get3A_3458 : i32 to index
      %get3A_3460 = arith.index_cast %select_n3A_3325 : i32 to index
      %get3A_3461 = arith.index_cast %mul3A_3342 : i32 to index
      %get3A_3462 = tpu.vector_load %arg9[%get3A_3459, %get3A_3460, %get3A_3461] {strides = array<i32>} : memref<26x4x128xf32, #tpu.memory_space<vmem>>, vector<1x1x16xf32>,
      %get3A_3463 = vector.shape_cast %get3A_3462 : vector<1x1x16xf32> to vector<16xf32>
      %mul3A_3464 = arith.mulf %get3A_3457, %get3A_3463 : vector<16xf32>
      %add3A_3465 = arith.addf %add3A_3454, %mul3A_3464 : vector<16xf32>
      %get3A_3466 = arith.constant 176 : index
      %get3A_3467 = tpu.vector_load %arg12[%get3A_3466] {strides = array<i32>} : memref<624xf32, #tpu.memory_space<vmem>>, vector<16xf32>,
      %get3A_3468 = vector.shape_cast %get3A_3467 : vector<16xf32> to vector<16xf32>
      %get3A_3469 = arith.constant 11 : i32
      %get3A_3470 = arith.index_cast %get3A_3469 : i32 to index
      %get3A_3471 = arith.index_cast %select_n3A_3325 : i32 to index
      %get3A_3472 = arith.index_cast %mul3A_3342 : i32 to index
      %get3A_3473 = tpu.vector_load %arg9[%get3A_3470, %get3A_3471, %get3A_3472] {strides = array<i32>} : memref<26x4x128xf32, #tpu.memory_space<vmem>>, vector<1x1x16xf32>,
      %get3A_3474 = vector.shape_cast %get3A_3473 : vector<1x1x16xf32> to vector<16xf32>
      %mul3A_3475 = arith.mulf %get3A_3468, %get3A_3474 : vector<16xf32>
      %add3A_3476 = arith.addf %add3A_3465, %mul3A_3475 : vector<16xf32>
      %get3A_3477 = arith.constant 192 : index
      %get3A_3478 = tpu.vector_load %arg12[%get3A_3477] {strides = array<i32>} : memref<624xf32, #tpu.memory_space<vmem>>, vector<16xf32>,
      %get3A_3479 = vector.shape_cast %get3A_3478 : vector<16xf32> to vector<16xf32>
      %get3A_3480 = arith.constant 12 : i32
      %get3A_3481 = arith.index_cast %get3A_3480 : i32 to index
      %get3A_3482 = arith.index_cast %select_n3A_3325 : i32 to index
      %get3A_3483 = arith.index_cast %mul3A_3342 : i32 to index
      %get3A_3484 = tpu.vector_load %arg9[%get3A_3481, %get3A_3482, %get3A_3483] {strides = array<i32>} : memref<26x4x128xf32, #tpu.memory_space<vmem>>, vector<1x1x16xf32>,
      %get3A_3485 = vector.shape_cast %get3A_3484 : vector<1x1x16xf32> to vector<16xf32>
      %mul3A_3486 = arith.mulf %get3A_3479, %get3A_3485 : vector<16xf32>
      %add3A_3487 = arith.addf %add3A_3476, %mul3A_3486 : vector<16xf32>
      %get3A_3488 = arith.constant 208 : index
      %get3A_3489 = tpu.vector_load %arg12[%get3A_3488] {strides = array<i32>} : memref<624xf32, #tpu.memory_space<vmem>>, vector<16xf32>,
      %get3A_3490 = vector.shape_cast %get3A_3489 : vector<16xf32> to vector<16xf32>
      %get3A_3491 = arith.constant 13 : i32
      %get3A_3492 = arith.index_cast %get3A_3491 : i32 to index
      %get3A_3493 = arith.index_cast %select_n3A_3325 : i32 to index
      %get3A_3494 = arith.index_cast %mul3A_3342 : i32 to index
      %get3A_3495 = tpu.vector_load %arg9[%get3A_3492, %get3A_3493, %get3A_3494] {strides = array<i32>} : memref<26x4x128xf32, #tpu.memory_space<vmem>>, vector<1x1x16xf32>,
      %get3A_3496 = vector.shape_cast %get3A_3495 : vector<1x1x16xf32> to vector<16xf32>
      %mul3A_3497 = arith.mulf %get3A_3490, %get3A_3496 : vector<16xf32>
      %add3A_3498 = arith.addf %add3A_3487, %mul3A_3497 : vector<16xf32>
      %get3A_3499 = arith.constant 224 : index
      %get3A_3500 = tpu.vector_load %arg12[%get3A_3499] {strides = array<i32>} : memref<624xf32, #tpu.memory_space<vmem>>, vector<16xf32>,
      %get3A_3501 = vector.shape_cast %get3A_3500 : vector<16xf32> to vector<16xf32>
      %get3A_3502 = arith.constant 14 : i32
      %get3A_3503 = arith.index_cast %get3A_3502 : i32 to index
      %get3A_3504 = arith.index_cast %select_n3A_3325 : i32 to index
      %get3A_3505 = arith.index_cast %mul3A_3342 : i32 to index
      %get3A_3506 = tpu.vector_load %arg9[%get3A_3503, %get3A_3504, %get3A_3505] {strides = array<i32>} : memref<26x4x128xf32, #tpu.memory_space<vmem>>, vector<1x1x16xf32>,
      %get3A_3507 = vector.shape_cast %get3A_3506 : vector<1x1x16xf32> to vector<16xf32>
      %mul3A_3508 = arith.mulf %get3A_3501, %get3A_3507 : vector<16xf32>
      %add3A_3509 = arith.addf %add3A_3498, %mul3A_3508 : vector<16xf32>
      %get3A_3510 = arith.constant 240 : index
      %get3A_3511 = tpu.vector_load %arg12[%get3A_3510] {strides = array<i32>} : memref<624xf32, #tpu.memory_space<vmem>>, vector<16xf32>,
      %get3A_3512 = vector.shape_cast %get3A_3511 : vector<16xf32> to vector<16xf32>
      %get3A_3513 = arith.constant 15 : i32
      %get3A_3514 = arith.index_cast %get3A_3513 : i32 to index
      %get3A_3515 = arith.index_cast %select_n3A_3325 : i32 to index
      %get3A_3516 = arith.index_cast %mul3A_3342 : i32 to index
      %get3A_3517 = tpu.vector_load %arg9[%get3A_3514, %get3A_3515, %get3A_3516] {strides = array<i32>} : memref<26x4x128xf32, #tpu.memory_space<vmem>>, vector<1x1x16xf32>,
      %get3A_3518 = vector.shape_cast %get3A_3517 : vector<1x1x16xf32> to vector<16xf32>
      %mul3A_3519 = arith.mulf %get3A_3512, %get3A_3518 : vector<16xf32>
      %add3A_3520 = arith.addf %add3A_3509, %mul3A_3519 : vector<16xf32>
      %get3A_3521 = arith.constant 256 : index
      %get3A_3522 = tpu.vector_load %arg12[%get3A_3521] {strides = array<i32>} : memref<624xf32, #tpu.memory_space<vmem>>, vector<16xf32>,
      %get3A_3523 = vector.shape_cast %get3A_3522 : vector<16xf32> to vector<16xf32>
      %get3A_3524 = arith.constant 16 : i32
      %get3A_3525 = arith.index_cast %get3A_3524 : i32 to index
      %get3A_3526 = arith.index_cast %select_n3A_3325 : i32 to index
      %get3A_3527 = arith.index_cast %mul3A_3342 : i32 to index
      %get3A_3528 = tpu.vector_load %arg9[%get3A_3525, %get3A_3526, %get3A_3527] {strides = array<i32>} : memref<26x4x128xf32, #tpu.memory_space<vmem>>, vector<1x1x16xf32>,
      %get3A_3529 = vector.shape_cast %get3A_3528 : vector<1x1x16xf32> to vector<16xf32>
      %mul3A_3530 = arith.mulf %get3A_3523, %get3A_3529 : vector<16xf32>
      %add3A_3531 = arith.addf %add3A_3520, %mul3A_3530 : vector<16xf32>
      %get3A_3532 = arith.constant 272 : index
      %get3A_3533 = tpu.vector_load %arg12[%get3A_3532] {strides = array<i32>} : memref<624xf32, #tpu.memory_space<vmem>>, vector<16xf32>,
      %get3A_3534 = vector.shape_cast %get3A_3533 : vector<16xf32> to vector<16xf32>
      %get3A_3535 = arith.constant 17 : i32
      %get3A_3536 = arith.index_cast %get3A_3535 : i32 to index
      %get3A_3537 = arith.index_cast %select_n3A_3325 : i32 to index
      %get3A_3538 = arith.index_cast %mul3A_3342 : i32 to index
      %get3A_3539 = tpu.vector_load %arg9[%get3A_3536, %get3A_3537, %get3A_3538] {strides = array<i32>} : memref<26x4x128xf32, #tpu.memory_space<vmem>>, vector<1x1x16xf32>,
      %get3A_3540 = vector.shape_cast %get3A_3539 : vector<1x1x16xf32> to vector<16xf32>
      %mul3A_3541 = arith.mulf %get3A_3534, %get3A_3540 : vector<16xf32>
      %add3A_3542 = arith.addf %add3A_3531, %mul3A_3541 : vector<16xf32>
      %get3A_3543 = arith.constant 288 : index
      %get3A_3544 = tpu.vector_load %arg12[%get3A_3543] {strides = array<i32>} : memref<624xf32, #tpu.memory_space<vmem>>, vector<16xf32>,
      %get3A_3545 = vector.shape_cast %get3A_3544 : vector<16xf32> to vector<16xf32>
      %get3A_3546 = arith.constant 18 : i32
      %get3A_3547 = arith.index_cast %get3A_3546 : i32 to index
      %get3A_3548 = arith.index_cast %select_n3A_3325 : i32 to index
      %get3A_3549 = arith.index_cast %mul3A_3342 : i32 to index
      %get3A_3550 = tpu.vector_load %arg9[%get3A_3547, %get3A_3548, %get3A_3549] {strides = array<i32>} : memref<26x4x128xf32, #tpu.memory_space<vmem>>, vector<1x1x16xf32>,
      %get3A_3551 = vector.shape_cast %get3A_3550 : vector<1x1x16xf32> to vector<16xf32>
      %mul3A_3552 = arith.mulf %get3A_3545, %get3A_3551 : vector<16xf32>
      %add3A_3553 = arith.addf %add3A_3542, %mul3A_3552 : vector<16xf32>
      %get3A_3554 = arith.constant 304 : index
      %get3A_3555 = tpu.vector_load %arg12[%get3A_3554] {strides = array<i32>} : memref<624xf32, #tpu.memory_space<vmem>>, vector<16xf32>,
      %get3A_3556 = vector.shape_cast %get3A_3555 : vector<16xf32> to vector<16xf32>
      %get3A_3557 = arith.constant 19 : i32
      %get3A_3558 = arith.index_cast %get3A_3557 : i32 to index
      %get3A_3559 = arith.index_cast %select_n3A_3325 : i32 to index
      %get3A_3560 = arith.index_cast %mul3A_3342 : i32 to index
      %get3A_3561 = tpu.vector_load %arg9[%get3A_3558, %get3A_3559, %get3A_3560] {strides = array<i32>} : memref<26x4x128xf32, #tpu.memory_space<vmem>>, vector<1x1x16xf32>,
      %get3A_3562 = vector.shape_cast %get3A_3561 : vector<1x1x16xf32> to vector<16xf32>
      %mul3A_3563 = arith.mulf %get3A_3556, %get3A_3562 : vector<16xf32>
      %add3A_3564 = arith.addf %add3A_3553, %mul3A_3563 : vector<16xf32>
      %get3A_3565 = arith.constant 320 : index
      %get3A_3566 = tpu.vector_load %arg12[%get3A_3565] {strides = array<i32>} : memref<624xf32, #tpu.memory_space<vmem>>, vector<16xf32>,
      %get3A_3567 = vector.shape_cast %get3A_3566 : vector<16xf32> to vector<16xf32>
      %get3A_3568 = arith.constant 20 : i32
      %get3A_3569 = arith.index_cast %get3A_3568 : i32 to index
      %get3A_3570 = arith.index_cast %select_n3A_3325 : i32 to index
      %get3A_3571 = arith.index_cast %mul3A_3342 : i32 to index
      %get3A_3572 = tpu.vector_load %arg9[%get3A_3569, %get3A_3570, %get3A_3571] {strides = array<i32>} : memref<26x4x128xf32, #tpu.memory_space<vmem>>, vector<1x1x16xf32>,
      %get3A_3573 = vector.shape_cast %get3A_3572 : vector<1x1x16xf32> to vector<16xf32>
      %mul3A_3574 = arith.mulf %get3A_3567, %get3A_3573 : vector<16xf32>
      %add3A_3575 = arith.addf %add3A_3564, %mul3A_3574 : vector<16xf32>
      %get3A_3576 = arith.constant 336 : index
      %get3A_3577 = tpu.vector_load %arg12[%get3A_3576] {strides = array<i32>} : memref<624xf32, #tpu.memory_space<vmem>>, vector<16xf32>,
      %get3A_3578 = vector.shape_cast %get3A_3577 : vector<16xf32> to vector<16xf32>
      %get3A_3579 = arith.constant 21 : i32
      %get3A_3580 = arith.index_cast %get3A_3579 : i32 to index
      %get3A_3581 = arith.index_cast %select_n3A_3325 : i32 to index
      %get3A_3582 = arith.index_cast %mul3A_3342 : i32 to index
      %get3A_3583 = tpu.vector_load %arg9[%get3A_3580, %get3A_3581, %get3A_3582] {strides = array<i32>} : memref<26x4x128xf32, #tpu.memory_space<vmem>>, vector<1x1x16xf32>,
      %get3A_3584 = vector.shape_cast %get3A_3583 : vector<1x1x16xf32> to vector<16xf32>
      %mul3A_3585 = arith.mulf %get3A_3578, %get3A_3584 : vector<16xf32>
      %add3A_3586 = arith.addf %add3A_3575, %mul3A_3585 : vector<16xf32>
      %get3A_3587 = arith.constant 352 : index
      %get3A_3588 = tpu.vector_load %arg12[%get3A_3587] {strides = array<i32>} : memref<624xf32, #tpu.memory_space<vmem>>, vector<16xf32>,
      %get3A_3589 = vector.shape_cast %get3A_3588 : vector<16xf32> to vector<16xf32>
      %get3A_3590 = arith.constant 22 : i32
      %get3A_3591 = arith.index_cast %get3A_3590 : i32 to index
      %get3A_3592 = arith.index_cast %select_n3A_3325 : i32 to index
      %get3A_3593 = arith.index_cast %mul3A_3342 : i32 to index
      %get3A_3594 = tpu.vector_load %arg9[%get3A_3591, %get3A_3592, %get3A_3593] {strides = array<i32>} : memref<26x4x128xf32, #tpu.memory_space<vmem>>, vector<1x1x16xf32>,
      %get3A_3595 = vector.shape_cast %get3A_3594 : vector<1x1x16xf32> to vector<16xf32>
      %mul3A_3596 = arith.mulf %get3A_3589, %get3A_3595 : vector<16xf32>
      %add3A_3597 = arith.addf %add3A_3586, %mul3A_3596 : vector<16xf32>
      %get3A_3598 = arith.constant 368 : index
      %get3A_3599 = tpu.vector_load %arg12[%get3A_3598] {strides = array<i32>} : memref<624xf32, #tpu.memory_space<vmem>>, vector<16xf32>,
      %get3A_3600 = vector.shape_cast %get3A_3599 : vector<16xf32> to vector<16xf32>
      %get3A_3601 = arith.constant 23 : i32
      %get3A_3602 = arith.index_cast %get3A_3601 : i32 to index
      %get3A_3603 = arith.index_cast %select_n3A_3325 : i32 to index
      %get3A_3604 = arith.index_cast %mul3A_3342 : i32 to index
      %get3A_3605 = tpu.vector_load %arg9[%get3A_3602, %get3A_3603, %get3A_3604] {strides = array<i32>} : memref<26x4x128xf32, #tpu.memory_space<vmem>>, vector<1x1x16xf32>,
      %get3A_3606 = vector.shape_cast %get3A_3605 : vector<1x1x16xf32> to vector<16xf32>
      %mul3A_3607 = arith.mulf %get3A_3600, %get3A_3606 : vector<16xf32>
      %add3A_3608 = arith.addf %add3A_3597, %mul3A_3607 : vector<16xf32>
      %get3A_3609 = arith.constant 384 : index
      %get3A_3610 = tpu.vector_load %arg12[%get3A_3609] {strides = array<i32>} : memref<624xf32, #tpu.memory_space<vmem>>, vector<16xf32>,
      %get3A_3611 = vector.shape_cast %get3A_3610 : vector<16xf32> to vector<16xf32>
      %get3A_3612 = arith.constant 24 : i32
      %get3A_3613 = arith.index_cast %get3A_3612 : i32 to index
      %get3A_3614 = arith.index_cast %select_n3A_3325 : i32 to index
      %get3A_3615 = arith.index_cast %mul3A_3342 : i32 to index
      %get3A_3616 = tpu.vector_load %arg9[%get3A_3613, %get3A_3614, %get3A_3615] {strides = array<i32>} : memref<26x4x128xf32, #tpu.memory_space<vmem>>, vector<1x1x16xf32>,
      %get3A_3617 = vector.shape_cast %get3A_3616 : vector<1x1x16xf32> to vector<16xf32>
      %mul3A_3618 = arith.mulf %get3A_3611, %get3A_3617 : vector<16xf32>
      %add3A_3619 = arith.addf %add3A_3608, %mul3A_3618 : vector<16xf32>
      %get3A_3620 = arith.constant 400 : index
      %get3A_3621 = tpu.vector_load %arg12[%get3A_3620] {strides = array<i32>} : memref<624xf32, #tpu.memory_space<vmem>>, vector<16xf32>,
      %get3A_3622 = vector.shape_cast %get3A_3621 : vector<16xf32> to vector<16xf32>
      %get3A_3623 = arith.constant 25 : i32
      %get3A_3624 = arith.index_cast %get3A_3623 : i32 to index
      %get3A_3625 = arith.index_cast %select_n3A_3325 : i32 to index
      %get3A_3626 = arith.index_cast %mul3A_3342 : i32 to index
      %get3A_3627 = tpu.vector_load %arg9[%get3A_3624, %get3A_3625, %get3A_3626] {strides = array<i32>} : memref<26x4x128xf32, #tpu.memory_space<vmem>>, vector<1x1x16xf32>,
      %get3A_3628 = vector.shape_cast %get3A_3627 : vector<1x1x16xf32> to vector<16xf32>
      %mul3A_3629 = arith.mulf %get3A_3622, %get3A_3628 : vector<16xf32>
      %add3A_3630 = arith.addf %add3A_3619, %mul3A_3629 : vector<16xf32>
      %get3A_3631 = arith.constant 416 : index
      %get3A_3632 = tpu.vector_load %arg12[%get3A_3631] {strides = array<i32>} : memref<624xf32, #tpu.memory_space<vmem>>, vector<16xf32>,
      %get3A_3633 = vector.shape_cast %get3A_3632 : vector<16xf32> to vector<16xf32>
      %get3A_3634 = arith.constant 0 : i32
      %get3A_3635 = arith.index_cast %get3A_3634 : i32 to index
      %get3A_3636 = arith.index_cast %select_n3A_3325 : i32 to index
      %get3A_3637 = arith.index_cast %mul3A_3342 : i32 to index
      %get3A_3638 = tpu.vector_load %arg10[%get3A_3635, %get3A_3636, %get3A_3637] {strides = array<i32>} : memref<13x4x128xf32, #tpu.memory_space<vmem>>, vector<1x1x16xf32>,
      %get3A_3639 = vector.shape_cast %get3A_3638 : vector<1x1x16xf32> to vector<16xf32>
      %mul3A_3640 = arith.mulf %get3A_3633, %get3A_3639 : vector<16xf32>
      %add3A_3641 = arith.addf %add3A_3630, %mul3A_3640 : vector<16xf32>
      %get3A_3642 = arith.constant 432 : index
      %get3A_3643 = tpu.vector_load %arg12[%get3A_3642] {strides = array<i32>} : memref<624xf32, #tpu.memory_space<vmem>>, vector<16xf32>,
      %get3A_3644 = vector.shape_cast %get3A_3643 : vector<16xf32> to vector<16xf32>
      %get3A_3645 = arith.constant 1 : i32
      %get3A_3646 = arith.index_cast %get3A_3645 : i32 to index
      %get3A_3647 = arith.index_cast %select_n3A_3325 : i32 to index
      %get3A_3648 = arith.index_cast %mul3A_3342 : i32 to index
      %get3A_3649 = tpu.vector_load %arg10[%get3A_3646, %get3A_3647, %get3A_3648] {strides = array<i32>} : memref<13x4x128xf32, #tpu.memory_space<vmem>>, vector<1x1x16xf32>,
      %get3A_3650 = vector.shape_cast %get3A_3649 : vector<1x1x16xf32> to vector<16xf32>
      %mul3A_3651 = arith.mulf %get3A_3644, %get3A_3650 : vector<16xf32>
      %add3A_3652 = arith.addf %add3A_3641, %mul3A_3651 : vector<16xf32>
      %get3A_3653 = arith.constant 448 : index
      %get3A_3654 = tpu.vector_load %arg12[%get3A_3653] {strides = array<i32>} : memref<624xf32, #tpu.memory_space<vmem>>, vector<16xf32>,
      %get3A_3655 = vector.shape_cast %get3A_3654 : vector<16xf32> to vector<16xf32>
      %get3A_3656 = arith.constant 2 : i32
      %get3A_3657 = arith.index_cast %get3A_3656 : i32 to index
      %get3A_3658 = arith.index_cast %select_n3A_3325 : i32 to index
      %get3A_3659 = arith.index_cast %mul3A_3342 : i32 to index
      %get3A_3660 = tpu.vector_load %arg10[%get3A_3657, %get3A_3658, %get3A_3659] {strides = array<i32>} : memref<13x4x128xf32, #tpu.memory_space<vmem>>, vector<1x1x16xf32>,
      %get3A_3661 = vector.shape_cast %get3A_3660 : vector<1x1x16xf32> to vector<16xf32>
      %mul3A_3662 = arith.mulf %get3A_3655, %get3A_3661 : vector<16xf32>
      %add3A_3663 = arith.addf %add3A_3652, %mul3A_3662 : vector<16xf32>
      %get3A_3664 = arith.constant 464 : index
      %get3A_3665 = tpu.vector_load %arg12[%get3A_3664] {strides = array<i32>} : memref<624xf32, #tpu.memory_space<vmem>>, vector<16xf32>,
      %get3A_3666 = vector.shape_cast %get3A_3665 : vector<16xf32> to vector<16xf32>
      %get3A_3667 = arith.constant 3 : i32
      %get3A_3668 = arith.index_cast %get3A_3667 : i32 to index
      %get3A_3669 = arith.index_cast %select_n3A_3325 : i32 to index
      %get3A_3670 = arith.index_cast %mul3A_3342 : i32 to index
      %get3A_3671 = tpu.vector_load %arg10[%get3A_3668, %get3A_3669, %get3A_3670] {strides = array<i32>} : memref<13x4x128xf32, #tpu.memory_space<vmem>>, vector<1x1x16xf32>,
      %get3A_3672 = vector.shape_cast %get3A_3671 : vector<1x1x16xf32> to vector<16xf32>
      %mul3A_3673 = arith.mulf %get3A_3666, %get3A_3672 : vector<16xf32>
      %add3A_3674 = arith.addf %add3A_3663, %mul3A_3673 : vector<16xf32>
      %get3A_3675 = arith.constant 480 : index
      %get3A_3676 = tpu.vector_load %arg12[%get3A_3675] {strides = array<i32>} : memref<624xf32, #tpu.memory_space<vmem>>, vector<16xf32>,
      %get3A_3677 = vector.shape_cast %get3A_3676 : vector<16xf32> to vector<16xf32>
      %get3A_3678 = arith.constant 4 : i32
      %get3A_3679 = arith.index_cast %get3A_3678 : i32 to index
      %get3A_3680 = arith.index_cast %select_n3A_3325 : i32 to index
      %get3A_3681 = arith.index_cast %mul3A_3342 : i32 to index
      %get3A_3682 = tpu.vector_load %arg10[%get3A_3679, %get3A_3680, %get3A_3681] {strides = array<i32>} : memref<13x4x128xf32, #tpu.memory_space<vmem>>, vector<1x1x16xf32>,
      %get3A_3683 = vector.shape_cast %get3A_3682 : vector<1x1x16xf32> to vector<16xf32>
      %mul3A_3684 = arith.mulf %get3A_3677, %get3A_3683 : vector<16xf32>
      %add3A_3685 = arith.addf %add3A_3674, %mul3A_3684 : vector<16xf32>
      %get3A_3686 = arith.constant 496 : index
      %get3A_3687 = tpu.vector_load %arg12[%get3A_3686] {strides = array<i32>} : memref<624xf32, #tpu.memory_space<vmem>>, vector<16xf32>,
      %get3A_3688 = vector.shape_cast %get3A_3687 : vector<16xf32> to vector<16xf32>
      %get3A_3689 = arith.constant 5 : i32
      %get3A_3690 = arith.index_cast %get3A_3689 : i32 to index
      %get3A_3691 = arith.index_cast %select_n3A_3325 : i32 to index
      %get3A_3692 = arith.index_cast %mul3A_3342 : i32 to index
      %get3A_3693 = tpu.vector_load %arg10[%get3A_3690, %get3A_3691, %get3A_3692] {strides = array<i32>} : memref<13x4x128xf32, #tpu.memory_space<vmem>>, vector<1x1x16xf32>,
      %get3A_3694 = vector.shape_cast %get3A_3693 : vector<1x1x16xf32> to vector<16xf32>
      %mul3A_3695 = arith.mulf %get3A_3688, %get3A_3694 : vector<16xf32>
      %add3A_3696 = arith.addf %add3A_3685, %mul3A_3695 : vector<16xf32>
      %get3A_3697 = arith.constant 512 : index
      %get3A_3698 = tpu.vector_load %arg12[%get3A_3697] {strides = array<i32>} : memref<624xf32, #tpu.memory_space<vmem>>, vector<16xf32>,
      %get3A_3699 = vector.shape_cast %get3A_3698 : vector<16xf32> to vector<16xf32>
      %get3A_3700 = arith.constant 6 : i32
      %get3A_3701 = arith.index_cast %get3A_3700 : i32 to index
      %get3A_3702 = arith.index_cast %select_n3A_3325 : i32 to index
      %get3A_3703 = arith.index_cast %mul3A_3342 : i32 to index
      %get3A_3704 = tpu.vector_load %arg10[%get3A_3701, %get3A_3702, %get3A_3703] {strides = array<i32>} : memref<13x4x128xf32, #tpu.memory_space<vmem>>, vector<1x1x16xf32>,
      %get3A_3705 = vector.shape_cast %get3A_3704 : vector<1x1x16xf32> to vector<16xf32>
      %mul3A_3706 = arith.mulf %get3A_3699, %get3A_3705 : vector<16xf32>
      %add3A_3707 = arith.addf %add3A_3696, %mul3A_3706 : vector<16xf32>
      %get3A_3708 = arith.constant 528 : index
      %get3A_3709 = tpu.vector_load %arg12[%get3A_3708] {strides = array<i32>} : memref<624xf32, #tpu.memory_space<vmem>>, vector<16xf32>,
      %get3A_3710 = vector.shape_cast %get3A_3709 : vector<16xf32> to vector<16xf32>
      %get3A_3711 = arith.constant 7 : i32
      %get3A_3712 = arith.index_cast %get3A_3711 : i32 to index
      %get3A_3713 = arith.index_cast %select_n3A_3325 : i32 to index
      %get3A_3714 = arith.index_cast %mul3A_3342 : i32 to index
      %get3A_3715 = tpu.vector_load %arg10[%get3A_3712, %get3A_3713, %get3A_3714] {strides = array<i32>} : memref<13x4x128xf32, #tpu.memory_space<vmem>>, vector<1x1x16xf32>,
      %get3A_3716 = vector.shape_cast %get3A_3715 : vector<1x1x16xf32> to vector<16xf32>
      %mul3A_3717 = arith.mulf %get3A_3710, %get3A_3716 : vector<16xf32>
      %add3A_3718 = arith.addf %add3A_3707, %mul3A_3717 : vector<16xf32>
      %get3A_3719 = arith.constant 544 : index
      %get3A_3720 = tpu.vector_load %arg12[%get3A_3719] {strides = array<i32>} : memref<624xf32, #tpu.memory_space<vmem>>, vector<16xf32>,
      %get3A_3721 = vector.shape_cast %get3A_3720 : vector<16xf32> to vector<16xf32>
      %get3A_3722 = arith.constant 8 : i32
      %get3A_3723 = arith.index_cast %get3A_3722 : i32 to index
      %get3A_3724 = arith.index_cast %select_n3A_3325 : i32 to index
      %get3A_3725 = arith.index_cast %mul3A_3342 : i32 to index
      %get3A_3726 = tpu.vector_load %arg10[%get3A_3723, %get3A_3724, %get3A_3725] {strides = array<i32>} : memref<13x4x128xf32, #tpu.memory_space<vmem>>, vector<1x1x16xf32>,
      %get3A_3727 = vector.shape_cast %get3A_3726 : vector<1x1x16xf32> to vector<16xf32>
      %mul3A_3728 = arith.mulf %get3A_3721, %get3A_3727 : vector<16xf32>
      %add3A_3729 = arith.addf %add3A_3718, %mul3A_3728 : vector<16xf32>
      %get3A_3730 = arith.constant 560 : index
      %get3A_3731 = tpu.vector_load %arg12[%get3A_3730] {strides = array<i32>} : memref<624xf32, #tpu.memory_space<vmem>>, vector<16xf32>,
      %get3A_3732 = vector.shape_cast %get3A_3731 : vector<16xf32> to vector<16xf32>
      %get3A_3733 = arith.constant 9 : i32
      %get3A_3734 = arith.index_cast %get3A_3733 : i32 to index
      %get3A_3735 = arith.index_cast %select_n3A_3325 : i32 to index
      %get3A_3736 = arith.index_cast %mul3A_3342 : i32 to index
      %get3A_3737 = tpu.vector_load %arg10[%get3A_3734, %get3A_3735, %get3A_3736] {strides = array<i32>} : memref<13x4x128xf32, #tpu.memory_space<vmem>>, vector<1x1x16xf32>,
      %get3A_3738 = vector.shape_cast %get3A_3737 : vector<1x1x16xf32> to vector<16xf32>
      %mul3A_3739 = arith.mulf %get3A_3732, %get3A_3738 : vector<16xf32>
      %add3A_3740 = arith.addf %add3A_3729, %mul3A_3739 : vector<16xf32>
      %get3A_3741 = arith.constant 576 : index
      %get3A_3742 = tpu.vector_load %arg12[%get3A_3741] {strides = array<i32>} : memref<624xf32, #tpu.memory_space<vmem>>, vector<16xf32>,
      %get3A_3743 = vector.shape_cast %get3A_3742 : vector<16xf32> to vector<16xf32>
      %get3A_3744 = arith.constant 10 : i32
      %get3A_3745 = arith.index_cast %get3A_3744 : i32 to index
      %get3A_3746 = arith.index_cast %select_n3A_3325 : i32 to index
      %get3A_3747 = arith.index_cast %mul3A_3342 : i32 to index
      %get3A_3748 = tpu.vector_load %arg10[%get3A_3745, %get3A_3746, %get3A_3747] {strides = array<i32>} : memref<13x4x128xf32, #tpu.memory_space<vmem>>, vector<1x1x16xf32>,
      %get3A_3749 = vector.shape_cast %get3A_3748 : vector<1x1x16xf32> to vector<16xf32>
      %mul3A_3750 = arith.mulf %get3A_3743, %get3A_3749 : vector<16xf32>
      %add3A_3751 = arith.addf %add3A_3740, %mul3A_3750 : vector<16xf32>
      %get3A_3752 = arith.constant 592 : index
      %get3A_3753 = tpu.vector_load %arg12[%get3A_3752] {strides = array<i32>} : memref<624xf32, #tpu.memory_space<vmem>>, vector<16xf32>,
      %get3A_3754 = vector.shape_cast %get3A_3753 : vector<16xf32> to vector<16xf32>
      %get3A_3755 = arith.constant 11 : i32
      %get3A_3756 = arith.index_cast %get3A_3755 : i32 to index
      %get3A_3757 = arith.index_cast %select_n3A_3325 : i32 to index
      %get3A_3758 = arith.index_cast %mul3A_3342 : i32 to index
      %get3A_3759 = tpu.vector_load %arg10[%get3A_3756, %get3A_3757, %get3A_3758] {strides = array<i32>} : memref<13x4x128xf32, #tpu.memory_space<vmem>>, vector<1x1x16xf32>,
      %get3A_3760 = vector.shape_cast %get3A_3759 : vector<1x1x16xf32> to vector<16xf32>
      %mul3A_3761 = arith.mulf %get3A_3754, %get3A_3760 : vector<16xf32>
      %add3A_3762 = arith.addf %add3A_3751, %mul3A_3761 : vector<16xf32>
      %get3A_3763 = arith.constant 608 : index
      %get3A_3764 = tpu.vector_load %arg12[%get3A_3763] {strides = array<i32>} : memref<624xf32, #tpu.memory_space<vmem>>, vector<16xf32>,
      %get3A_3765 = vector.shape_cast %get3A_3764 : vector<16xf32> to vector<16xf32>
      %get3A_3766 = arith.constant 12 : i32
      %get3A_3767 = arith.index_cast %get3A_3766 : i32 to index
      %get3A_3768 = arith.index_cast %select_n3A_3325 : i32 to index
      %get3A_3769 = arith.index_cast %mul3A_3342 : i32 to index
      %get3A_3770 = tpu.vector_load %arg10[%get3A_3767, %get3A_3768, %get3A_3769] {strides = array<i32>} : memref<13x4x128xf32, #tpu.memory_space<vmem>>, vector<1x1x16xf32>,
      %get3A_3771 = vector.shape_cast %get3A_3770 : vector<1x1x16xf32> to vector<16xf32>
      %mul3A_3772 = arith.mulf %get3A_3765, %get3A_3771 : vector<16xf32>
      %add3A_3773 = arith.addf %add3A_3762, %mul3A_3772 : vector<16xf32>
      %swap3A_3774 = arith.index_cast %select_n3A_3325 : i32 to index
      %swap3A_3775 = arith.index_cast %mul3A_3342 : i32 to index
      %swap3A_3776 = tpu.vector_load %arg13[%swap3A_3774, %swap3A_3775] {strides = array<i32>} : memref<4x128xf32, #tpu.memory_space<vmem>>, vector<1x16xf32>,
      %swap3A_3777 = vector.shape_cast %swap3A_3776 : vector<1x16xf32> to vector<16xf32>
      %swap3A_3778 = vector.shape_cast %add3A_3773 : vector<16xf32> to vector<1x16xf32>
      tpu.vector_store %arg13[%swap3A_3774, %swap3A_3775], %swap3A_3778 {strides = array<i32>} : memref<4x128xf32, #tpu.memory_space<vmem>>, vector<1x16xf32>,
    }
    %scan3A_3305 = arith.constant 32 : i32
    "tpu.region"() ({
      %run_scoped3A = tpu.sem_alloc : memref<!tpu.dma_semaphore, #tpu.memory_space<semaphore_mem>>
      %dma_start3A_3306 = arith.constant 0 : i32
      %dma_start3A_3307 = tpu.memref_slice %arg7[%mul3A_2, %dma_start3A_3306] : memref<128x128xf32, #tpu.memory_space<hbm>> -> memref<4x128xf32, #tpu.memory_space<hbm>>
      %dma_start3A_3308 = arith.constant 0 : i32
      %dma_start3A_3309 = tpu.memref_slice %arg7[%mul3A_2, %dma_start3A_3308] : memref<128x128xf32, #tpu.memory_space<hbm>> -> memref<4x128xf32, #tpu.memory_space<hbm>>
      tpu.enqueue_dma source(%arg13 : memref<4x128xf32, #tpu.memory_space<vmem>>) target(%dma_start3A_3309 : memref<4x128xf32, #tpu.memory_space<hbm>>) target_semaphore(%run_scoped3A : memref<!tpu.dma_semaphore, #tpu.memory_space<semaphore_mem>>)
      %dma_wait3A_3310 = arith.constant 0 : i32
      %dma_wait3A_3311 = tpu.memref_slice %arg7[%mul3A_2, %dma_wait3A_3310] : memref<128x128xf32, #tpu.memory_space<hbm>> -> memref<4x128xf32, #tpu.memory_space<hbm>>
      %dma_wait3A_3312 = arith.constant 0 : i32
      %dma_wait3A_3313 = tpu.memref_slice %arg7[%mul3A_2, %dma_wait3A_3312] : memref<128x128xf32, #tpu.memory_space<hbm>> -> memref<4x128xf32, #tpu.memory_space<hbm>>
      tpu.wait_dma2 semaphore(%run_scoped3A : memref<!tpu.dma_semaphore, #tpu.memory_space<semaphore_mem>>) src(%arg13 : memref<4x128xf32, #tpu.memory_space<vmem>>) dst(%dma_wait3A_3313 : memref<4x128xf32, #tpu.memory_space<hbm>>)
      tpu.yield
    }) : () -> ()
    return
  }
}

</mosaic_0001>

<sc_bundles>
// kernel: _run.3.cloned.1.call-start
scs
__scs_entry_jumppad:
0x0: {  	(pc) =	sbr.rel $0x88, $3  }
0x1: {  	(tag) =	ssettag $0x0;
	lr =	simm.s32 $0x1  }
0x2: {  	[smem:$0x3F9C] =	sst lr;
	_ =	strace $0xD0000000  }
0x3: {  	_ = 	snop  }
0x4: {  	_ = 	snop  }
0x5: {  	_ = 	snop  }
0x6: {  	_ = 	snop  }
0x7: {  	_ = 	snop  }
__scs_overlays_trampoline_lowered:
0x8: {  	[smem:$0x3FAB] =	sst s0  }
0x9: {  	[smem:$0x3FAC] =	sst s1  }
0xa: {  	[smem:$0x3FAD] =	sst s2  }
0xb: {  	[smem:$0x3FAE] =	sst s3  }
0xc: {  	[smem:$0x3FAF] =	sst s4  }
0xd: {  	[smem:$0x3FB0] =	sst s5  }
0xe: {  	[smem:$0x3FB1] =	sst s6  }
0xf: {  	[smem:$0x3FB2] =	sst s7  }
0x10: {  	[smem:$0x3FB3] =	sst s8  }
0x11: {  	[smem:$0x3FB4] =	sst s9;
	s0 =	simm.s32 @!p0 $0x0  }
0x12: {  	s1 =	sld [smem:$0x3F9A];
	s0 =	simm.s32 @p0 $0x1  }
0x13: {  	[smem:$0x3FB5] =	sst s0;
	s0 =	simm.s32 @!p1 $0x0  }
0x14: {  	s2 =	sld [smem:$0x3F99];
	s0 =	simm.s32 @p1 $0x1  }
0x15: {  	[smem:$0x3FB6] =	sst s0;
	s0 =	simm.s32 @!p2 $0x0  }
0x16: {  	s3 =	sld [smem:$0x3FDB];
	s0 =	simm.s32 @p2 $0x1  }
0x17: {  	s4 =	simm.s32 $0x1BF5;
	[smem:$0x3FB8] =	sst s0  }
0x18: {  	s0 =	sld [smem:$0x3F9B];
	_ =	swait.ge [sflag:s4], $0x0  }
0x19: {  	s7 =	sld [smem:$0x3F9C]  }
0x1a: {  	s8 =	sadd.s32 $0xFFFFE003, lr  }
0x1b: {  	s9 =	sadd.s32 $0xFFFFFEF7, lr;
	s5 =	simm.s32 $0xFFFFFFFF;
	p2 =	slt.u32 s8, $0xFFFFF086  }
0x1c: {  	p1 =	slt.u32 s9, $0xF7A;
	s5 =	simm.s32 @!p2 $0x0  }
0x1d: {  	s5 =	simm.s32 @p1 $0x1;
	p0 =	seq.s32 s7, s2  }
0x1e: {  	s7 =	smul.u32 @!p0 $0xF7A, s2;
	p2 =	seq.s32 @!p0 s5, $0x0  }
0x1f: {  	s9 =	smul.u32 $0xF7A, s1;
	s8 =	simm.s32 @!p0 $0x1BF5;
	p2 =	por !p2, p0  }
0x20: {  	[sflag:s8] =	ssyncset.s32 @!p0 $0xFFFFF086;
	s6 =	sadd.s32 @!p0 s3, s7;
	s7 =	simm.s32 @!p0 $0x108  }
0x21: {  	s3 =	sadd.s32 s3, s9;
	s6 =	sadd.s32 @!p0 $0x88, s6;
	s7 =	simm.s32 @p2 $0x1082  }
0x22: {  	[simem:s7], [sflag:s8] =	dma.local @!p0 [hbm:s6], $0xF7A  }
0x23: {  	s9 =	sor.u32 $0xD0000000, s2;
	s6 =	simm.s32 $0x108;
	_ =	swait.ge @!p0 [sflag:s8], $0x0  }
0x24: {  	s3 =	sadd.s32 $0x88, s3;
	s6 =	simm.s32 @!p1 $0x1082;
	[sflag:s4] =	ssyncset.s32 $0xFFFFF086  }
0x25: {  	[simem:s6], [sflag:s4] =	dma.local [hbm:s3], $0xF7A  }
0x26: {  	[smem:$0x3F9C] =	sst s1;
	(tag) =	ssettag s2;
	_ =	strace s9  }
0x27: {  	s1 =	sld [smem:$0x3FAC]  }
0x28: {  	s2 =	sld [smem:$0x3FAD]  }
0x29: {  	s4 =	sld [smem:$0x3FAF]  }
0x2a: {  	p0 =	seq.s32 s5, $0x0;
	s5 =	sld [smem:$0x3FB0]  }
0x2b: {  	s6 =	sld [smem:$0x3FB1]  }
0x2c: {  	s7 =	sld [smem:$0x3FB2]  }
0x2d: {  	s3 =	simm.s32 $0x108;
	s8 =	sld [smem:$0x3FB3]  }
0x2e: {  	s3 =	simm.s32 @!p0 $0x1082;
	s9 =	sld [smem:$0x3FB4]  }
0x2f: {  	lr =	sadd.s32 s0, s3;
	s0 =	sld [smem:$0x3FAB]  }
0x30: {  	s3 =	sld [smem:$0x3FAE]  }
0x31: {  	[smem:$0x3FB7] =	sst s10  }
0x32: {  	s10 =	sld [smem:$0x3FB5];
	_ =	sdelay $0x3  }
0x33: {  	p0 =	seq.s32 s10, $0x1;
	s10 =	sld [smem:$0x3FB7];
	_ =	sdelay $0x3  }
0x34: {  	[smem:$0x3FB7] =	sst s10  }
0x35: {  	s10 =	sld [smem:$0x3FB6];
	_ =	sdelay $0x3  }
0x36: {  	p1 =	seq.s32 s10, $0x1;
	s10 =	sld [smem:$0x3FB7];
	_ =	sdelay $0x3  }
0x37: {  	[smem:$0x3FB7] =	sst s10  }
0x38: {  	s10 =	sld [smem:$0x3FB8]  }
0x39: {  	_ = 	snop;
	(pc) =	sbr.ind lr, $3  }
0x3a: {  	_ = 	snop  }
0x3b: {  	_ = 	snop  }
0x3c: {  	p2 =	seq.s32 s10, $0x1;
	s10 =	sld [smem:$0x3FB7]  }
0x3d: {  	_ =	shalt  }
0x3e: {  	_ =	shalt  }
0x3f: {  	_ =	shalt  }
0x40: {  	_ =	shalt  }
0x41: {  	_ =	shalt  }
0x42: {  	_ =	shalt  }
0x43: {  	_ =	shalt  }
0x44: {  	_ =	shalt  }
0x45: {  	_ =	shalt  }
0x46: {  	_ =	shalt  }
0x47: {  	_ =	shalt  }
0x48: {  	_ =	shalt  }
0x49: {  	_ =	shalt  }
0x4a: {  	_ =	shalt  }
0x4b: {  	_ =	shalt  }
0x4c: {  	_ =	shalt  }
0x4d: {  	_ =	shalt  }
0x4e: {  	_ =	shalt  }
0x4f: {  	_ =	shalt  }
0x50: {  	_ =	shalt  }
0x51: {  	_ =	shalt  }
0x52: {  	_ =	shalt  }
0x53: {  	_ =	shalt  }
0x54: {  	_ =	shalt  }
0x55: {  	_ =	shalt  }
0x56: {  	_ =	shalt  }
0x57: {  	_ =	shalt  }
0x58: {  	_ =	shalt  }
0x59: {  	_ =	shalt  }
0x5a: {  	_ =	shalt  }
0x5b: {  	_ =	shalt  }
0x5c: {  	_ =	shalt  }
0x5d: {  	_ =	shalt  }
0x5e: {  	_ =	shalt  }
0x5f: {  	_ =	shalt  }
0x60: {  	_ =	shalt  }
0x61: {  	_ =	shalt  }
0x62: {  	_ =	shalt  }
0x63: {  	_ =	shalt  }
0x64: {  	_ =	shalt  }
0x65: {  	_ =	shalt  }
0x66: {  	_ =	shalt  }
0x67: {  	_ =	shalt  }
0x68: {  	_ =	shalt  }
0x69: {  	_ =	shalt  }
0x6a: {  	_ =	shalt  }
0x6b: {  	_ =	shalt  }
0x6c: {  	_ =	shalt  }
0x6d: {  	_ =	shalt  }
0x6e: {  	_ =	shalt  }
0x6f: {  	_ =	shalt  }
0x70: {  	_ =	shalt  }
0x71: {  	_ =	shalt  }
0x72: {  	_ =	shalt  }
0x73: {  	_ =	shalt  }
0x74: {  	_ =	shalt  }
0x75: {  	_ =	shalt  }
0x76: {  	_ =	shalt  }
0x77: {  	_ =	shalt  }
0x78: {  	_ =	shalt  }
0x79: {  	_ =	shalt  }
0x7a: {  	_ =	shalt  }
0x7b: {  	_ =	shalt  }
0x7c: {  	_ =	shalt  }
0x7d: {  	_ =	shalt  }
0x7e: {  	_ =	shalt  }
0x7f: {  	_ =	shalt  }
0x80: {  	_ =	shalt  }
0x81: {  	_ =	shalt  }
0x82: {  	_ =	shalt  }
0x83: {  	_ =	shalt  }
0x84: {  	_ =	shalt  }
0x85: {  	_ =	shalt  }
0x86: {  	_ =	shalt  }
0x87: {  	_ =	shalt  }
.Lfunc_end0:
.L_simem_size_0:
called_computation_lowered:
.L_overlay_start_0:
0x88: {  	s2 =	sld [smem:$0x3FD9]  }
0x89: {  	s3 =	sld [smem:$0x3FFE];
	_ =	sdelay $0x1  }
0x8a: {  	s1 =	srdreg.scid  }
0x8b: {  	s0 =	sand.u32 $0x1, s1  }
0x8c: {  	s18 =	sshll.u32 s0, $0xA;
	s2 =	sadd.s32 s3, s2  }
0x8d: {  	s2 =	sadd.s32 s2, s18  }
0x8e: {  	[smem:$0x3FC3] =	sst s2  }
0x8f: {  	_ = 	snop  }
0x90: {  	s2 =	sld [smem:$0x3FC9]  }
0x91: {  	s19 =	sld [smem:$0x3FC8]  }
0x92: {  	s4 =	sld [smem:$0x3FC7]  }
0x93: {  	s5 =	sld [smem:$0x3FC6]  }
0x94: {  	s6 =	sld [smem:$0x3FC5]  }
0x95: {  	s7 =	sld [smem:$0x3FD0];
	(tm) =	ssettm $0x1  }
0x96: {  	s8 =	sld [smem:$0x3FFB];
	_ =	sdelay $0x3  }
0x97: {  	_ =	strace s8  }
0x98: {  	s8 =	sld [smem:$0x3FFC];
	_ =	sdelay $0x3  }
0x99: {  	_ =	strace s8  }
0x9a: {  	s8 =	sld [smem:$0x3FFD];
	_ =	sdelay $0x3  }
0x9b: {  	_ =	strace s8  }
0x9c: {  	_ =	strace $0x8FFFFFFF  }
0x9d: {  	s20 =	sld [smem:$0x3FDB];
	_ =	sdelay $0x1  }
0x9e: {  	s9 =	simm.s32 $_scs_section_size  }
0x9f: {  	s10 =	simm.s32 $_size__tile_overlayer_lowered;
	s11 =	simm.s32 $_tile_overlayer_lowered  }
0xa0: {  	s23 =	simm.s32 $0x1BFF;
	s22 =	sshll.u32 s11, $0x1;
	s8 =	sadd.s32 s9, s20  }
0xa1: {  	s12 =	simm.s32 $0x0;
	s21 =	sshll.u32 s10, $0x1;
	s10 =	sadd.s32 s22, s8  }
0xa2: {  	[timem:s12], [sflag:s23] =	dma.local [hbm:s10], s21  }
0xa3: {  	_ =	swait.ge [sflag:s23], s21  }
0xa4: {  	s9 =	ssub.s32 $0x0, s21;
	[sflag:s23] =	ssyncset.done $0x0  }
0xa5: {  	[sflag:s23] =	ssyncadd.s32 s9;
	_ =	sdelay $0x1  }
0xa6: {  	s24 =	simm.s32 $0x1B8B  }
0xa7: {  	_ =	swait.ge [sflag:s24], $0x1  }
0xa8: {  	[sflag:s24] =	ssyncset.done $0x0  }
0xa9: {  	s25 =	simm.s32 $0x1B8E;
	[sflag:s24] =	ssyncadd.s32 $0xFFFFFFFF  }
0xaa: {  	s26 =	simm.s32 $execute0_lowered;
	[smem:$0x3FD2] =	sst s25  }
0xab: {  	s9 =	sshll.u32 s26, $0x1;
	_ =	strace $0x80000046;
	[dreg:$0x1] =	wrdreg $0xFFFFFFFF  }
0xac: {  	s28 =	simm.s32 $_size_execute0_lowered;
	s8 =	sadd.s32 s8, s9;
	[dreg:$0x0] =	wrdreg $0x0  }
0xad: {  	s9 =	sshll.u32 s28, $0x1;
	[dreg:$0x2] =	wrdreg s8  }
0xae: {  	[dreg:$0x3] =	wrdreg s9  }
0xaf: {  	[dreg:$0x4] =	wrdreg $0xC0  }
0xb0: {  	_ =	task [dreg:s12], $0x5FFFF  }
0xb1: {  	[dreg:$0x1] =	wrdreg $0xFFFFFFFF  }
0xb2: {  	[dreg:$0x0] =	wrdreg $0x60  }
0xb3: {  	[dreg:$0x2] =	wrdreg s2  }
0xb4: {  	[dreg:$0x3] =	wrdreg s19  }
0xb5: {  	[dreg:$0x4] =	wrdreg s4  }
0xb6: {  	[dreg:$0x5] =	wrdreg s5  }
0xb7: {  	[dreg:$0x6] =	wrdreg s6  }
0xb8: {  	[dreg:$0x7] =	wrdreg s7  }
0xb9: {  	[dreg:$0x8] =	wrdreg $0x9  }
0xba: {  	_ =	task.clear_ibuf [dreg:s12], $0x9FFFF;
	_ =	strace $0x90000046  }
0xbb: {  	s29 =	simm.s32 $0x9;
	_ =	strace $0x80000048  }
0xbc: {  	_ =	swait.ge [sflag:s29], $0x1  }
0xbd: {  	[sflag:s29] =	ssyncadd.s32 $0xFFFFFFFF  }
0xbe: {  	_ =	strace $0x90000048  }
0xbf: {  	_ =	sfence  }
0xc0: {  	s30 =	sld [smem:$0x0];
	_ =	sdelay $0x2  }
0xc1: {  	s31 =	sshll.u32 s1, $0xD;
	s1 =	sshrl.u32 s1, $0x2  }
0xc2: {  	s3 =	sand.u32 $0x4000, s31;
	s1 =	sadd.s32 s1, s30  }
0xc3: {  	s0 =	sor.u32 s3, s0;
	s1 =	sshll.u32 s1, $0x11  }
0xc4: {  	s0 =	sor.u32 s1, s0  }
0xc5: {  	s0 =	sadd.s32 $0x8F2B, s0  }
0xc6: {  	[sflag:s0] =	ssyncadd.remote.s32 $0x1  }
0xc7: {  	_ =	sfence.sel $0xFFFF  }
0xc8: {  	[dreg:$0x0] =	wrdreg $0xFFFFFFFF;
	(pc) =	sbr.abs _section_cstart, $3  }
0xc9: {  	[dreg:$0x1] =	wrdreg $0xFFFFFFFF  }
0xca: {  	_ =	task.clear_ibuf [dreg:s12], $0x2FFFF;
	_ =	strace $0x9FFFFFFF  }
0xcb: {  	(tm) =	ssettm $0x7FFFFFFF  }
tec
execute0_lowered:
.L_overlay_start_1:
0x0: {  	(tag) =	ssettag $0x1  }
0x1: {  	s0 =	rddreg [dreg:$0x0]  }
0x2: {  	s2 =	rddreg [dreg:$0x1]  }
0x3: {  	s1 =	rddreg [dreg:$0x2]  }
0x4: {  	s3 =	rddreg [dreg:$0x5]  }
0x5: {  	s5 =	simm.s32 $0x0;
	s4 =	srdreg.scid;
	s7 =	stileid.u32  }
0x6: {  	s10 =	simm.s32 $0x200;
	s11 =	simm.s32 $0x4000;
	s12 =	simm.s32 $0x2  }
0x7: {  	s16 =	simm.s32 $0x80;
	s22 =	simm.s32 $0x3180;
	s23 =	simm.s32 $0x6580  }
0x8: {  	s24 =	simm.s32 $0x3200;
	s25 =	simm.s32 $0x6600;
	s26 =	simm.s32 $0x3280  }
0x9: {  	s28 =	simm.s32 $0x6680;
	s29 =	simm.s32 $0x3300;
	s30 =	simm.s32 $0x6700  }
0xa: {  	v0 =	vimm.s32 $0x0;
	s31 =	simm.s32 $0x3380;
	[smem:$0x7FF] =	sst s5;
	s4 =	sand.u32 $0x1, s4  }
0xb: {  	v1 =	vimm.s32 $0x1;
	v2 =	vimm.s32 $0x2;
	v3 =	vimm.s32 $0x3;
	s7 =	sshll.u32 s7, $0x7;
	s6 =	ssub.s32 $0x2, s4;
	s4 =	sshll.u32 s4, $0x6  }
0xc: {  	v4 =	vimm.s32 $0x4;
	v5 =	vimm.s32 $0x5;
	v6 =	vimm.s32 $0x6;
	_ =	strace $0x80000047;
	s8 =	sshrl.u32 s6, $0x1;
	s4 =	sor.u32 s4, s7  }
0xd: {  	v7 =	vimm.s32 $0x7;
	v8 =	vimm.s32 $0x8;
	v9 =	vimm.s32 $0x9;
	s9 =	ssub.s32 s6, s8;
	s6 =	sadd.s32 s0, s4;
	s7 =	sadd.s32 s2, s4  }
0xe: {  	v10 =	vimm.s32 $0xA;
	v11 =	vimm.s32 $0xB;
	v12 =	vimm.s32 $0xC;
	s8 =	sadd.s32 s3, s4;
	s0 =	simm.s32 $0x6780;
	s4 =	simm.s32 $0x1  }
0xf: {  	v13 =	vimm.s32 $0xD;
	v14 =	vimm.s32 $0xE;
	v15 =	vimm.s32 $0xF;
	s2 =	simm.s32 $0x8500;
	s3 =	simm.s32 $0x0;
	s9 =	smax.u32 s9, $0x1  }
.LBB2_1:
0x10: {  	[tilespmem:s5], [sflag:$0x2] =	stream.strided.gather [hbm4b:s6+s10], $0x3400, s11, s10, $0x38;
	[tilespmem:$0x8800] =	vst v63  }
0x11: {  	_ =	swait.ge [sflag:s12], $0x3400  }
0x12: {  	[sflag:s12] =	ssyncset.done $0x0  }
0x13: {  	s13 =	simm.s32 $0x6800;
	[sflag:s12] =	ssyncadd.s32 $0xFFFFCC00  }
0x14: {  	[tilespmem:s13], [sflag:$0x2] =	stream.strided.gather [hbm4b:s7+s10], $0x1A00, s11, s10, $0x38;
	[tilespmem:$0x8800] =	vst v63  }
0x15: {  	_ =	swait.ge [sflag:s12], $0x1A00  }
0x16: {  	[sflag:s12] =	ssyncset.done $0x0  }
0x17: {  	[sflag:s12] =	ssyncadd.s32 $0xFFFFE600  }
0x18: {  	s14 =	simm.s32 $0x8700;
	s17 =	rddreg [dreg:$0x3]  }
0x19: {  	[tilespmem:s14], [sflag:$0x2] =	stream.linear.gather [hbm4b:s17+s5], $0x80, $0x38;
	[tilespmem:$0x8800] =	vst v63  }
0x1a: {  	_ =	swait.ge [sflag:s12], $0x80  }
0x1b: {  	[sflag:s12] =	ssyncset.done $0x0  }
0x1c: {  	[sflag:s12] =	ssyncadd.s32 $0xFFFFFF80  }
0x1d: {  	s19 =	simm.s32 $0x8780;
	s18 =	rddreg [dreg:$0x4]  }
0x1e: {  	[tilespmem:s19], [sflag:$0x2] =	stream.linear.gather [hbm4b:s18+s5], $0x80, $0x38;
	[tilespmem:$0x8800] =	vst v63  }
0x1f: {  	_ =	swait.ge [sflag:s12], $0x80  }
0x20: {  	[sflag:s12] =	ssyncset.done $0x0  }
0x21: {  	[sflag:s12] =	ssyncadd.s32 $0xFFFFFF80  }
0x22: {  	v16 =	vld [tilespmem:$0x8700];
	_ =	sdelay $0x4  }
0x23: {  	v16 =	vadd.f32 v16, v16;
	_ =	sdelay $0x1  }
0x24: {  	v16 =	vmul.f32 $1.442695020e+00, v16;
	_ =	sdelay $0x1  }
0x25: {  	(erf) = vpow2.f32 v16;
	_ =	sdelay $0x3  }
0x26: {  	v16 =	vld [tilespmem:$0x8710];
	_ =	sdelay $0x4  }
0x27: {  	v16 =	vadd.f32 v16, v16;
	v17 =	vpop (erf)  }
0x28: {  	v18 =	vadd.f32 $1.000000000e+00, v17  }
0x29: {  	v16 =	vmul.f32 $1.442695020e+00, v16  }
0x2a: {  	(erf) = vrcp.f32 v18  }
0x2b: {  	(erf) = vpow2.f32 v16;
	_ =	sdelay $0x3  }
0x2c: {  	v16 =	vld [tilespmem:$0x8720];
	_ =	sdelay $0x3  }
0x2d: {  	v18 =	vpop (erf)  }
0x2e: {  	v16 =	vadd.f32 v16, v16;
	v19 =	vpop (erf)  }
0x2f: {  	v20 =	vadd.f32 $1.000000000e+00, v19  }
0x30: {  	v16 =	vmul.f32 $1.442695020e+00, v16  }
0x31: {  	(erf) = vrcp.f32 v20  }
0x32: {  	(erf) = vpow2.f32 v16;
	_ =	sdelay $0x7  }
0x33: {  	v16 =	vpop (erf)  }
0x34: {  	v39 =	vpop (erf)  }
0x35: {  	v21 =	vadd.f32 $1.000000000e+00, v39;
	_ =	sdelay $0x1  }
0x36: {  	(erf) = vrcp.f32 v21  }
0x37: {  	v40 =	vld [tilespmem:$0x8780]  }
0x38: {  	v17 =	vadd.f32 $-1.000000000e+00, v17;
	_ =	sdelay $0x1  }
0x39: {  	v17 =	vmul.f32 v18, v17  }
0x3a: {  	v19 =	vadd.f32 $-1.000000000e+00, v19  }
0x3b: {  	v18 =	vld [tilespmem:$0x8790];
	v17 =	vmul.f32 v17, v40  }
0x3c: {  	v41 =	vld [tilespmem:$0x87A0]  }
0x3d: {  	[tilespmem:$0x8200] =	vst v17;
	v20 =	vadd.f32 $-1.000000000e+00, v39  }
0x3e: {  	v22 =	vld [tilespmem:$0x8200];
	v16 =	vmul.f32 v16, v19;
	v19 =	vpop (erf)  }
0x3f: {  	v42 =	vld [tilespmem:$0x8200];
	v19 =	vmul.f32 v19, v20  }
0x40: {  	v16 =	vmul.f32 v16, v18;
	v18 =	vld [tilespmem:$0x8200]  }
0x41: {  	v43 =	vld [tilespmem:$0x8200];
	v19 =	vmul.f32 v19, v41  }
0x42: {  	[tilespmem:$0x8210] =	vst v16;
	v16 =	vperm.xlane v17, v0;
	v17 =	vld [tilespmem:$0x8200]  }
0x43: {  	v44 =	vld [tilespmem:$0x8200];
	[tilespmem:$0x8220] =	vst v19;
	v19 =	vperm.xlane v22, v1  }
0x44: {  	v45 =	vld [tilespmem:$0x8200];
	[tilespmem:$0x8280] =	vst v16;
	v16 =	vperm.xlane v42, v2  }
0x45: {  	v18 =	vperm.xlane v18, v3;
	[tilespmem:$0x8290] =	vst v19;
	v19 =	vld [tilespmem:$0x8200]  }
0x46: {  	v46 =	vld [tilespmem:$0x8200];
	[tilespmem:$0x82A0] =	vst v16;
	v16 =	vperm.xlane v43, v4  }
0x47: {  	[tilespmem:$0x82B0] =	vst v18;
	v17 =	vperm.xlane v17, v5;
	v18 =	vld [tilespmem:$0x8200]  }
0x48: {  	v47 =	vld [tilespmem:$0x8200];
	[tilespmem:$0x82C0] =	vst v16;
	v16 =	vperm.xlane v44, v6  }
0x49: {  	v48 =	vld [tilespmem:$0x8200];
	[tilespmem:$0x82D0] =	vst v17;
	v17 =	vperm.xlane v45, v7  }
0x4a: {  	[tilespmem:$0x82E0] =	vst v16;
	v16 =	vperm.xlane v19, v8;
	v19 =	vld [tilespmem:$0x8200]  }
0x4b: {  	v49 =	vld [tilespmem:$0x8200];
	[tilespmem:$0x82F0] =	vst v17;
	v17 =	vperm.xlane v46, v9  }
0x4c: {  	[tilespmem:$0x8300] =	vst v16;
	v16 =	vperm.xlane v18, v10;
	v18 =	vld [tilespmem:$0x8200]  }
0x4d: {  	v50 =	vld [tilespmem:$0x8210];
	[tilespmem:$0x8310] =	vst v17;
	v17 =	vperm.xlane v47, v11  }
0x4e: {  	v51 =	vld [tilespmem:$0x8210];
	[tilespmem:$0x8320] =	vst v16;
	v16 =	vperm.xlane v48, v12  }
0x4f: {  	[tilespmem:$0x8330] =	vst v17;
	v17 =	vperm.xlane v19, v13;
	v19 =	vld [tilespmem:$0x8210]  }
0x50: {  	v52 =	vld [tilespmem:$0x8210];
	[tilespmem:$0x8340] =	vst v16;
	v16 =	vperm.xlane v49, v14  }
0x51: {  	[tilespmem:$0x8350] =	vst v17;
	v17 =	vperm.xlane v18, v15;
	v18 =	vld [tilespmem:$0x8210]  }
0x52: {  	v53 =	vld [tilespmem:$0x8210];
	[tilespmem:$0x8360] =	vst v16;
	v16 =	vperm.xlane v50, v0  }
0x53: {  	v54 =	vld [tilespmem:$0x8210];
	[tilespmem:$0x8370] =	vst v17;
	v17 =	vperm.xlane v51, v1  }
0x54: {  	[tilespmem:$0x8380] =	vst v16;
	v16 =	vperm.xlane v19, v2;
	v19 =	vld [tilespmem:$0x8210]  }
0x55: {  	v55 =	vld [tilespmem:$0x8210];
	[tilespmem:$0x8390] =	vst v17;
	v17 =	vperm.xlane v52, v3  }
0x56: {  	[tilespmem:$0x83A0] =	vst v16;
	v16 =	vperm.xlane v18, v4;
	v18 =	vld [tilespmem:$0x8210]  }
0x57: {  	v56 =	vld [tilespmem:$0x8210];
	[tilespmem:$0x83B0] =	vst v17;
	v17 =	vperm.xlane v53, v5  }
0x58: {  	v57 =	vld [tilespmem:$0x8210];
	[tilespmem:$0x83C0] =	vst v16;
	v16 =	vperm.xlane v54, v6  }
0x59: {  	[tilespmem:$0x83D0] =	vst v17;
	v17 =	vperm.xlane v19, v7;
	v19 =	vld [tilespmem:$0x8210]  }
0x5a: {  	v58 =	vld [tilespmem:$0x8210];
	[tilespmem:$0x83E0] =	vst v16;
	v16 =	vperm.xlane v55, v8  }
0x5b: {  	[tilespmem:$0x83F0] =	vst v17;
	v17 =	vperm.xlane v18, v9;
	v18 =	vld [tilespmem:$0x8210]  }
0x5c: {  	v59 =	vld [tilespmem:$0x8210];
	[tilespmem:$0x8400] =	vst v16;
	v16 =	vperm.xlane v56, v10  }
0x5d: {  	v60 =	vld [tilespmem:$0x8220];
	[tilespmem:$0x8410] =	vst v17;
	v17 =	vperm.xlane v57, v11  }
0x5e: {  	[tilespmem:$0x8420] =	vst v16;
	v16 =	vperm.xlane v19, v12;
	v19 =	vld [tilespmem:$0x8220]  }
0x5f: {  	v61 =	vld [tilespmem:$0x8220];
	[tilespmem:$0x8430] =	vst v17;
	v17 =	vperm.xlane v58, v13  }
0x60: {  	[tilespmem:$0x8440] =	vst v16;
	v16 =	vperm.xlane v18, v14;
	v18 =	vld [tilespmem:$0x8220]  }
0x61: {  	v62 =	vld [tilespmem:$0x8220];
	[tilespmem:$0x8450] =	vst v17;
	v17 =	vperm.xlane v59, v15  }
0x62: {  	v63 =	vld [tilespmem:$0x8220];
	[tilespmem:$0x8460] =	vst v16;
	v16 =	vperm.xlane v60, v0  }
0x63: {  	[tilespmem:$0x8470] =	vst v17;
	v17 =	vperm.xlane v19, v1;
	v19 =	vld [tilespmem:$0x8220]  }
0x64: {  	[tilespmem:$0x8480] =	vst v16;
	v16 =	vperm.xlane v61, v2  }
0x65: {  	[tilespmem:$0x8490] =	vst v17;
	v17 =	vperm.xlane v18, v3  }
0x66: {  	[tilespmem:$0x84A0] =	vst v16;
	v16 =	vperm.xlane v62, v4  }
0x67: {  	s20 =	simm.s32 $0x0;
	[tilespmem:$0x84B0] =	vst v17;
	v17 =	vperm.xlane v63, v5  }
0x68: {  	s21 =	sand.u32 $0x180, s5;
	s15 =	sand.u32 $0x3FFFFE00, s20;
	[tilespmem:$0x84C0] =	vst v16;
	v16 =	vperm.xlane v19, v6  }
0x69: {  	s17 =	sand.u32 $0x70, s5;
	s14 =	sor.u32 s21, s15;
	[tilespmem:$0x84D0] =	vst v17  }
0x6a: {  	s14 =	sor.u32 s17, s14;
	[tilespmem:$0x84E0] =	vst v16  }
0x6b: {  	v16 =	vld [tilespmem:s14+$0x0];
	_ =	sdelay $0x1  }
0x6c: {  	s13 =	simm.s32 $0x1;
	s15 =	simm.s32 $0x10;
	s18 =	simm.s32 $0x0  }
0x6d: {  	s17 =	simm.s32 $0x2;
	s19 =	simm.s32 $0x10;
	s18 =	smul.u32 $0xF4240, s18  }
.LBB2_2:
0x6e: {  	p0 =	sne.s32 s17, $0x33F;
	s20 =	sand.u32 $0x180, s15;
	s19 =	sand.u32 $0x3FFFFE00, s19  }
0x6f: {  	s21 =	sand.u32 $0x70, s15;
	s19 =	sor.u32 s20, s19;
	v16 =	vadd.s32 s18, v16  }
.Ltmp0:
0x70: {  	[tilespmem:s14+$0x0] =	vst v16;
	s14 =	sor.u32 s21, s19;
	(pc) =	sbr.rel @p0 .LBB2_2-.Ltmp0, $3  }
0x71: {  	v16 =	vld [tilespmem:s14+$0x0];
	_ =	sdelay $0x1  }
0x72: {  	s15 =	sadd.s32 $0x10, s15;
	s18 =	sshrl.u32 s13, $0x5;
	s13 =	smov.u32 s17  }
0x73: {  	s17 =	sadd.s32 $0x1, s17;
	s19 =	sshll.u32 s13, $0x4;
	s18 =	smul.u32 $0xF4240, s18  }
0x74: {  	s17 =	sand.u32 $0x180, s15;
	s19 =	sand.u32 $0x3FFFFE00, s19  }
0x75: {  	s21 =	sand.u32 $0x70, s15;
	s17 =	sor.u32 s17, s19;
	v16 =	vadd.s32 s18, v16  }
0x76: {  	s15 =	sor.u32 s21, s17;
	[tilespmem:s14+$0x0] =	vst v16  }
0x77: {  	v16 =	vld [tilespmem:s15+$0x0];
	_ =	sdelay $0x1  }
0x78: {  	s13 =	sshrl.u32 s13, $0x5  }
0x79: {  	s13 =	smul.u32 $0xF4240, s13;
	_ =	sdelay $0x1  }
0x7a: {  	v16 =	vadd.s32 s13, v16  }
0x7b: {  	s18 =	simm.s32 $0x3400;
	s13 =	simm.s32 $0x0;
	[tilespmem:s15+$0x0] =	vst v16  }
0x7c: {  	[tilespmem:s18], [sflag:$0x1] =	stream.indirect.gather [hbm4b:s1+s16], $0x1, s13, s16, $0xb8;
	[tilespmem:$0x8800] =	vst v63  }
0x7d: {  	s19 =	simm.s32 $0x3480  }
0x7e: {  	[tilespmem:s19], [sflag:$0x1] =	stream.indirect.gather [hbm4b:s1+s16], $0x1, s16, s16, $0xb8;
	[tilespmem:$0x8800] =	vst v63  }
0x7f: {  	s20 =	simm.s32 $0x100;
	s21 =	simm.s32 $0x3500  }
0x80: {  	[tilespmem:s21], [sflag:$0x1] =	stream.indirect.gather [hbm4b:s1+s16], $0x1, s20, s16, $0xb8;
	[tilespmem:$0x8800] =	vst v63  }
0x81: {  	s17 =	simm.s32 $0x180;
	s18 =	simm.s32 $0x3580  }
0x82: {  	[tilespmem:s18], [sflag:$0x1] =	stream.indirect.gather [hbm4b:s1+s16], $0x1, s17, s16, $0xb8;
	[tilespmem:$0x8800] =	vst v63  }
0x83: {  	s19 =	simm.s32 $0x3600  }
0x84: {  	[tilespmem:s19], [sflag:$0x1] =	stream.indirect.gather [hbm4b:s1+s16], $0x1, s10, s16, $0xb8;
	[tilespmem:$0x8800] =	vst v63  }
0x85: {  	s20 =	simm.s32 $0x280;
	s21 =	simm.s32 $0x3680  }
0x86: {  	[tilespmem:s21], [sflag:$0x1] =	stream.indirect.gather [hbm4b:s1+s16], $0x1, s20, s16, $0xb8;
	[tilespmem:$0x8800] =	vst v63  }
0x87: {  	s15 =	simm.s32 $0x300;
	s17 =	simm.s32 $0x3700  }
0x88: {  	[tilespmem:s17], [sflag:$0x1] =	stream.indirect.gather [hbm4b:s1+s16], $0x1, s15, s16, $0xb8;
	[tilespmem:$0x8800] =	vst v63  }
0x89: {  	s18 =	simm.s32 $0x380;
	s19 =	simm.s32 $0x3780  }
0x8a: {  	[tilespmem:s19], [sflag:$0x1] =	stream.indirect.gather [hbm4b:s1+s16], $0x1, s18, s16, $0xb8;
	[tilespmem:$0x8800] =	vst v63  }
0x8b: {  	s20 =	simm.s32 $0x400;
	s21 =	simm.s32 $0x3800  }
0x8c: {  	[tilespmem:s21], [sflag:$0x1] =	stream.indirect.gather [hbm4b:s1+s16], $0x1, s20, s16, $0xb8;
	[tilespmem:$0x8800] =	vst v63  }
0x8d: {  	s15 =	simm.s32 $0x480;
	s17 =	simm.s32 $0x3880  }
0x8e: {  	[tilespmem:s17], [sflag:$0x1] =	stream.indirect.gather [hbm4b:s1+s16], $0x1, s15, s16, $0xb8;
	[tilespmem:$0x8800] =	vst v63  }
0x8f: {  	s18 =	simm.s32 $0x500;
	s19 =	simm.s32 $0x3900  }
0x90: {  	[tilespmem:s19], [sflag:$0x1] =	stream.indirect.gather [hbm4b:s1+s16], $0x1, s18, s16, $0xb8;
	[tilespmem:$0x8800] =	vst v63  }
0x91: {  	s20 =	simm.s32 $0x580;
	s21 =	simm.s32 $0x3980  }
0x92: {  	[tilespmem:s21], [sflag:$0x1] =	stream.indirect.gather [hbm4b:s1+s16], $0x1, s20, s16, $0xb8;
	[tilespmem:$0x8800] =	vst v63  }
0x93: {  	s15 =	simm.s32 $0x600;
	s17 =	simm.s32 $0x3A00  }
0x94: {  	[tilespmem:s17], [sflag:$0x1] =	stream.indirect.gather [hbm4b:s1+s16], $0x1, s15, s16, $0xb8;
	[tilespmem:$0x8800] =	vst v63  }
0x95: {  	s18 =	simm.s32 $0x680;
	s19 =	simm.s32 $0x3A80  }
0x96: {  	[tilespmem:s19], [sflag:$0x1] =	stream.indirect.gather [hbm4b:s1+s16], $0x1, s18, s16, $0xb8;
	[tilespmem:$0x8800] =	vst v63  }
0x97: {  	s20 =	simm.s32 $0x700;
	s21 =	simm.s32 $0x3B00  }
0x98: {  	[tilespmem:s21], [sflag:$0x1] =	stream.indirect.gather [hbm4b:s1+s16], $0x1, s20, s16, $0xb8;
	[tilespmem:$0x8800] =	vst v63  }
0x99: {  	s15 =	simm.s32 $0x780;
	s17 =	simm.s32 $0x3B80  }
0x9a: {  	[tilespmem:s17], [sflag:$0x1] =	stream.indirect.gather [hbm4b:s1+s16], $0x1, s15, s16, $0xb8;
	[tilespmem:$0x8800] =	vst v63  }
0x9b: {  	s18 =	simm.s32 $0x800;
	s19 =	simm.s32 $0x3C00  }
0x9c: {  	[tilespmem:s19], [sflag:$0x1] =	stream.indirect.gather [hbm4b:s1+s16], $0x1, s18, s16, $0xb8;
	[tilespmem:$0x8800] =	vst v63  }
0x9d: {  	s20 =	simm.s32 $0x880;
	s21 =	simm.s32 $0x3C80  }
0x9e: {  	[tilespmem:s21], [sflag:$0x1] =	stream.indirect.gather [hbm4b:s1+s16], $0x1, s20, s16, $0xb8;
	[tilespmem:$0x8800] =	vst v63  }
0x9f: {  	s15 =	simm.s32 $0x900;
	s17 =	simm.s32 $0x3D00  }
0xa0: {  	[tilespmem:s17], [sflag:$0x1] =	stream.indirect.gather [hbm4b:s1+s16], $0x1, s15, s16, $0xb8;
	[tilespmem:$0x8800] =	vst v63  }
0xa1: {  	s18 =	simm.s32 $0x980;
	s19 =	simm.s32 $0x3D80  }
0xa2: {  	[tilespmem:s19], [sflag:$0x1] =	stream.indirect.gather [hbm4b:s1+s16], $0x1, s18, s16, $0xb8;
	[tilespmem:$0x8800] =	vst v63  }
0xa3: {  	s20 =	simm.s32 $0xA00;
	s21 =	simm.s32 $0x3E00  }
0xa4: {  	[tilespmem:s21], [sflag:$0x1] =	stream.indirect.gather [hbm4b:s1+s16], $0x1, s20, s16, $0xb8;
	[tilespmem:$0x8800] =	vst v63  }
0xa5: {  	s15 =	simm.s32 $0xA80;
	s17 =	simm.s32 $0x3E80  }
0xa6: {  	[tilespmem:s17], [sflag:$0x1] =	stream.indirect.gather [hbm4b:s1+s16], $0x1, s15, s16, $0xb8;
	[tilespmem:$0x8800] =	vst v63  }
0xa7: {  	s18 =	simm.s32 $0xB00;
	s19 =	simm.s32 $0x3F00  }
0xa8: {  	[tilespmem:s19], [sflag:$0x1] =	stream.indirect.gather [hbm4b:s1+s16], $0x1, s18, s16, $0xb8;
	[tilespmem:$0x8800] =	vst v63  }
0xa9: {  	s20 =	simm.s32 $0xB80;
	s21 =	simm.s32 $0x3F80  }
0xaa: {  	[tilespmem:s21], [sflag:$0x1] =	stream.indirect.gather [hbm4b:s1+s16], $0x1, s20, s16, $0xb8;
	[tilespmem:$0x8800] =	vst v63  }
0xab: {  	s14 =	simm.s32 $0x4000;
	s17 =	simm.s32 $0xC00  }
0xac: {  	[tilespmem:s14], [sflag:$0x1] =	stream.indirect.gather [hbm4b:s1+s16], $0x1, s17, s16, $0xb8;
	[tilespmem:$0x8800] =	vst v63  }
0xad: {  	s18 =	simm.s32 $0xC80;
	s19 =	simm.s32 $0x4080  }
0xae: {  	[tilespmem:s19], [sflag:$0x1] =	stream.indirect.gather [hbm4b:s1+s16], $0x1, s18, s16, $0xb8;
	[tilespmem:$0x8800] =	vst v63  }
0xaf: {  	s20 =	simm.s32 $0xD00;
	s21 =	simm.s32 $0x4100  }
0xb0: {  	[tilespmem:s21], [sflag:$0x1] =	stream.indirect.gather [hbm4b:s1+s16], $0x1, s20, s16, $0xb8;
	[tilespmem:$0x8800] =	vst v63  }
0xb1: {  	s18 =	simm.s32 $0xD80;
	s19 =	simm.s32 $0x4180  }
0xb2: {  	[tilespmem:s19], [sflag:$0x1] =	stream.indirect.gather [hbm4b:s1+s16], $0x1, s18, s16, $0xb8;
	[tilespmem:$0x8800] =	vst v63  }
0xb3: {  	s20 =	simm.s32 $0xE00;
	s21 =	simm.s32 $0x4200  }
0xb4: {  	[tilespmem:s21], [sflag:$0x1] =	stream.indirect.gather [hbm4b:s1+s16], $0x1, s20, s16, $0xb8;
	[tilespmem:$0x8800] =	vst v63  }
0xb5: {  	s18 =	simm.s32 $0xE80;
	s19 =	simm.s32 $0x4280  }
0xb6: {  	[tilespmem:s19], [sflag:$0x1] =	stream.indirect.gather [hbm4b:s1+s16], $0x1, s18, s16, $0xb8;
	[tilespmem:$0x8800] =	vst v63  }
0xb7: {  	s20 =	simm.s32 $0xF00;
	s21 =	simm.s32 $0x4300  }
0xb8: {  	[tilespmem:s21], [sflag:$0x1] =	stream.indirect.gather [hbm4b:s1+s16], $0x1, s20, s16, $0xb8;
	[tilespmem:$0x8800] =	vst v63  }
0xb9: {  	s18 =	simm.s32 $0xF80;
	s19 =	simm.s32 $0x4380  }
0xba: {  	[tilespmem:s19], [sflag:$0x1] =	stream.indirect.gather [hbm4b:s1+s16], $0x1, s18, s16, $0xb8;
	[tilespmem:$0x8800] =	vst v63  }
0xbb: {  	s20 =	simm.s32 $0x1000;
	s21 =	simm.s32 $0x4400  }
0xbc: {  	[tilespmem:s21], [sflag:$0x1] =	stream.indirect.gather [hbm4b:s1+s16], $0x1, s20, s16, $0xb8;
	[tilespmem:$0x8800] =	vst v63  }
0xbd: {  	s18 =	simm.s32 $0x1080;
	s19 =	simm.s32 $0x4480  }
0xbe: {  	[tilespmem:s19], [sflag:$0x1] =	stream.indirect.gather [hbm4b:s1+s16], $0x1, s18, s16, $0xb8;
	[tilespmem:$0x8800] =	vst v63  }
0xbf: {  	s20 =	simm.s32 $0x1100;
	s21 =	simm.s32 $0x4500  }
0xc0: {  	[tilespmem:s21], [sflag:$0x1] =	stream.indirect.gather [hbm4b:s1+s16], $0x1, s20, s16, $0xb8;
	[tilespmem:$0x8800] =	vst v63  }
0xc1: {  	s18 =	simm.s32 $0x1180;
	s19 =	simm.s32 $0x4580  }
0xc2: {  	[tilespmem:s19], [sflag:$0x1] =	stream.indirect.gather [hbm4b:s1+s16], $0x1, s18, s16, $0xb8;
	[tilespmem:$0x8800] =	vst v63  }
0xc3: {  	s20 =	simm.s32 $0x1200;
	s21 =	simm.s32 $0x4600  }
0xc4: {  	[tilespmem:s21], [sflag:$0x1] =	stream.indirect.gather [hbm4b:s1+s16], $0x1, s20, s16, $0xb8;
	[tilespmem:$0x8800] =	vst v63  }
0xc5: {  	s18 =	simm.s32 $0x1280;
	s19 =	simm.s32 $0x4680  }
0xc6: {  	[tilespmem:s19], [sflag:$0x1] =	stream.indirect.gather [hbm4b:s1+s16], $0x1, s18, s16, $0xb8;
	[tilespmem:$0x8800] =	vst v63  }
0xc7: {  	s20 =	simm.s32 $0x1300;
	s21 =	simm.s32 $0x4700  }
0xc8: {  	[tilespmem:s21], [sflag:$0x1] =	stream.indirect.gather [hbm4b:s1+s16], $0x1, s20, s16, $0xb8;
	[tilespmem:$0x8800] =	vst v63  }
0xc9: {  	s18 =	simm.s32 $0x1380;
	s19 =	simm.s32 $0x4780  }
0xca: {  	[tilespmem:s19], [sflag:$0x1] =	stream.indirect.gather [hbm4b:s1+s16], $0x1, s18, s16, $0xb8;
	[tilespmem:$0x8800] =	vst v63  }
0xcb: {  	s20 =	simm.s32 $0x1400;
	s21 =	simm.s32 $0x4800  }
0xcc: {  	[tilespmem:s21], [sflag:$0x1] =	stream.indirect.gather [hbm4b:s1+s16], $0x1, s20, s16, $0xb8;
	[tilespmem:$0x8800] =	vst v63  }
0xcd: {  	s18 =	simm.s32 $0x1480;
	s19 =	simm.s32 $0x4880  }
0xce: {  	[tilespmem:s19], [sflag:$0x1] =	stream.indirect.gather [hbm4b:s1+s16], $0x1, s18, s16, $0xb8;
	[tilespmem:$0x8800] =	vst v63  }
0xcf: {  	s20 =	simm.s32 $0x1500;
	s21 =	simm.s32 $0x4900  }
0xd0: {  	[tilespmem:s21], [sflag:$0x1] =	stream.indirect.gather [hbm4b:s1+s16], $0x1, s20, s16, $0xb8;
	[tilespmem:$0x8800] =	vst v63  }
0xd1: {  	s18 =	simm.s32 $0x1580;
	s19 =	simm.s32 $0x4980  }
0xd2: {  	[tilespmem:s19], [sflag:$0x1] =	stream.indirect.gather [hbm4b:s1+s16], $0x1, s18, s16, $0xb8;
	[tilespmem:$0x8800] =	vst v63  }
0xd3: {  	s20 =	simm.s32 $0x1600;
	s21 =	simm.s32 $0x4A00  }
0xd4: {  	[tilespmem:s21], [sflag:$0x1] =	stream.indirect.gather [hbm4b:s1+s16], $0x1, s20, s16, $0xb8;
	[tilespmem:$0x8800] =	vst v63  }
0xd5: {  	s18 =	simm.s32 $0x1680;
	s19 =	simm.s32 $0x4A80  }
0xd6: {  	[tilespmem:s19], [sflag:$0x1] =	stream.indirect.gather [hbm4b:s1+s16], $0x1, s18, s16, $0xb8;
	[tilespmem:$0x8800] =	vst v63  }
0xd7: {  	s20 =	simm.s32 $0x1700;
	s21 =	simm.s32 $0x4B00  }
0xd8: {  	[tilespmem:s21], [sflag:$0x1] =	stream.indirect.gather [hbm4b:s1+s16], $0x1, s20, s16, $0xb8;
	[tilespmem:$0x8800] =	vst v63  }
0xd9: {  	s18 =	simm.s32 $0x1780;
	s19 =	simm.s32 $0x4B80  }
0xda: {  	[tilespmem:s19], [sflag:$0x1] =	stream.indirect.gather [hbm4b:s1+s16], $0x1, s18, s16, $0xb8;
	[tilespmem:$0x8800] =	vst v63  }
0xdb: {  	s20 =	simm.s32 $0x1800;
	s21 =	simm.s32 $0x4C00  }
0xdc: {  	[tilespmem:s21], [sflag:$0x1] =	stream.indirect.gather [hbm4b:s1+s16], $0x1, s20, s16, $0xb8;
	[tilespmem:$0x8800] =	vst v63  }
0xdd: {  	s18 =	simm.s32 $0x1880;
	s19 =	simm.s32 $0x4C80  }
0xde: {  	[tilespmem:s19], [sflag:$0x1] =	stream.indirect.gather [hbm4b:s1+s16], $0x1, s18, s16, $0xb8;
	[tilespmem:$0x8800] =	vst v63  }
0xdf: {  	s20 =	simm.s32 $0x1900;
	s21 =	simm.s32 $0x4D00  }
0xe0: {  	[tilespmem:s21], [sflag:$0x1] =	stream.indirect.gather [hbm4b:s1+s16], $0x1, s20, s16, $0xb8;
	[tilespmem:$0x8800] =	vst v63  }
0xe1: {  	s18 =	simm.s32 $0x1980;
	s19 =	simm.s32 $0x4D80  }
0xe2: {  	[tilespmem:s19], [sflag:$0x1] =	stream.indirect.gather [hbm4b:s1+s16], $0x1, s18, s16, $0xb8;
	[tilespmem:$0x8800] =	vst v63  }
0xe3: {  	s20 =	simm.s32 $0x1A00;
	s21 =	simm.s32 $0x4E00  }
0xe4: {  	[tilespmem:s21], [sflag:$0x1] =	stream.indirect.gather [hbm4b:s1+s16], $0x1, s20, s16, $0xb8;
	[tilespmem:$0x8800] =	vst v63  }
0xe5: {  	s18 =	simm.s32 $0x1A80;
	s19 =	simm.s32 $0x4E80  }
0xe6: {  	[tilespmem:s19], [sflag:$0x1] =	stream.indirect.gather [hbm4b:s1+s16], $0x1, s18, s16, $0xb8;
	[tilespmem:$0x8800] =	vst v63  }
0xe7: {  	s20 =	simm.s32 $0x1B00;
	s21 =	simm.s32 $0x4F00  }
0xe8: {  	[tilespmem:s21], [sflag:$0x1] =	stream.indirect.gather [hbm4b:s1+s16], $0x1, s20, s16, $0xb8;
	[tilespmem:$0x8800] =	vst v63  }
0xe9: {  	s18 =	simm.s32 $0x1B80;
	s19 =	simm.s32 $0x4F80  }
0xea: {  	[tilespmem:s19], [sflag:$0x1] =	stream.indirect.gather [hbm4b:s1+s16], $0x1, s18, s16, $0xb8;
	[tilespmem:$0x8800] =	vst v63  }
0xeb: {  	s20 =	simm.s32 $0x1C00;
	s21 =	simm.s32 $0x5000  }
0xec: {  	[tilespmem:s21], [sflag:$0x1] =	stream.indirect.gather [hbm4b:s1+s16], $0x1, s20, s16, $0xb8;
	[tilespmem:$0x8800] =	vst v63  }
0xed: {  	s18 =	simm.s32 $0x1C80;
	s19 =	simm.s32 $0x5080  }
0xee: {  	[tilespmem:s19], [sflag:$0x1] =	stream.indirect.gather [hbm4b:s1+s16], $0x1, s18, s16, $0xb8;
	[tilespmem:$0x8800] =	vst v63  }
0xef: {  	s20 =	simm.s32 $0x1D00;
	s21 =	simm.s32 $0x5100  }
0xf0: {  	[tilespmem:s21], [sflag:$0x1] =	stream.indirect.gather [hbm4b:s1+s16], $0x1, s20, s16, $0xb8;
	[tilespmem:$0x8800] =	vst v63  }
0xf1: {  	s18 =	simm.s32 $0x1D80;
	s19 =	simm.s32 $0x5180  }
0xf2: {  	[tilespmem:s19], [sflag:$0x1] =	stream.indirect.gather [hbm4b:s1+s16], $0x1, s18, s16, $0xb8;
	[tilespmem:$0x8800] =	vst v63  }
0xf3: {  	s20 =	simm.s32 $0x1E00;
	s21 =	simm.s32 $0x5200  }
0xf4: {  	[tilespmem:s21], [sflag:$0x1] =	stream.indirect.gather [hbm4b:s1+s16], $0x1, s20, s16, $0xb8;
	[tilespmem:$0x8800] =	vst v63  }
0xf5: {  	s18 =	simm.s32 $0x1E80;
	s19 =	simm.s32 $0x5280  }
0xf6: {  	[tilespmem:s19], [sflag:$0x1] =	stream.indirect.gather [hbm4b:s1+s16], $0x1, s18, s16, $0xb8;
	[tilespmem:$0x8800] =	vst v63  }
0xf7: {  	s20 =	simm.s32 $0x1F00;
	s21 =	simm.s32 $0x5300  }
0xf8: {  	[tilespmem:s21], [sflag:$0x1] =	stream.indirect.gather [hbm4b:s1+s16], $0x1, s20, s16, $0xb8;
	[tilespmem:$0x8800] =	vst v63  }
0xf9: {  	s18 =	simm.s32 $0x1F80;
	s19 =	simm.s32 $0x5380  }
0xfa: {  	[tilespmem:s19], [sflag:$0x1] =	stream.indirect.gather [hbm4b:s1+s16], $0x1, s18, s16, $0xb8;
	[tilespmem:$0x8800] =	vst v63  }
0xfb: {  	s20 =	simm.s32 $0x2000;
	s21 =	simm.s32 $0x5400  }
0xfc: {  	[tilespmem:s21], [sflag:$0x1] =	stream.indirect.gather [hbm4b:s1+s16], $0x1, s20, s16, $0xb8;
	[tilespmem:$0x8800] =	vst v63  }
0xfd: {  	s18 =	simm.s32 $0x2080;
	s19 =	simm.s32 $0x5480  }
0xfe: {  	[tilespmem:s19], [sflag:$0x1] =	stream.indirect.gather [hbm4b:s1+s16], $0x1, s18, s16, $0xb8;
	[tilespmem:$0x8800] =	vst v63  }
0xff: {  	s20 =	simm.s32 $0x2100;
	s21 =	simm.s32 $0x5500  }
0x100: {  	[tilespmem:s21], [sflag:$0x1] =	stream.indirect.gather [hbm4b:s1+s16], $0x1, s20, s16, $0xb8;
	[tilespmem:$0x8800] =	vst v63  }
0x101: {  	s18 =	simm.s32 $0x2180;
	s19 =	simm.s32 $0x5580  }
0x102: {  	[tilespmem:s19], [sflag:$0x1] =	stream.indirect.gather [hbm4b:s1+s16], $0x1, s18, s16, $0xb8;
	[tilespmem:$0x8800] =	vst v63  }
0x103: {  	s20 =	simm.s32 $0x2200;
	s21 =	simm.s32 $0x5600  }
0x104: {  	[tilespmem:s21], [sflag:$0x1] =	stream.indirect.gather [hbm4b:s1+s16], $0x1, s20, s16, $0xb8;
	[tilespmem:$0x8800] =	vst v63  }
0x105: {  	s18 =	simm.s32 $0x2280;
	s19 =	simm.s32 $0x5680  }
0x106: {  	[tilespmem:s19], [sflag:$0x1] =	stream.indirect.gather [hbm4b:s1+s16], $0x1, s18, s16, $0xb8;
	[tilespmem:$0x8800] =	vst v63  }
0x107: {  	s20 =	simm.s32 $0x2300;
	s21 =	simm.s32 $0x5700  }
0x108: {  	[tilespmem:s21], [sflag:$0x1] =	stream.indirect.gather [hbm4b:s1+s16], $0x1, s20, s16, $0xb8;
	[tilespmem:$0x8800] =	vst v63  }
0x109: {  	s18 =	simm.s32 $0x2380;
	s19 =	simm.s32 $0x5780  }
0x10a: {  	[tilespmem:s19], [sflag:$0x1] =	stream.indirect.gather [hbm4b:s1+s16], $0x1, s18, s16, $0xb8;
	[tilespmem:$0x8800] =	vst v63  }
0x10b: {  	s20 =	simm.s32 $0x2400;
	s21 =	simm.s32 $0x5800  }
0x10c: {  	[tilespmem:s21], [sflag:$0x1] =	stream.indirect.gather [hbm4b:s1+s16], $0x1, s20, s16, $0xb8;
	[tilespmem:$0x8800] =	vst v63  }
0x10d: {  	s18 =	simm.s32 $0x2480;
	s19 =	simm.s32 $0x5880  }
0x10e: {  	[tilespmem:s19], [sflag:$0x1] =	stream.indirect.gather [hbm4b:s1+s16], $0x1, s18, s16, $0xb8;
	[tilespmem:$0x8800] =	vst v63  }
0x10f: {  	s20 =	simm.s32 $0x2500;
	s21 =	simm.s32 $0x5900  }
0x110: {  	[tilespmem:s21], [sflag:$0x1] =	stream.indirect.gather [hbm4b:s1+s16], $0x1, s20, s16, $0xb8;
	[tilespmem:$0x8800] =	vst v63  }
0x111: {  	s18 =	simm.s32 $0x2580;
	s19 =	simm.s32 $0x5980  }
0x112: {  	[tilespmem:s19], [sflag:$0x1] =	stream.indirect.gather [hbm4b:s1+s16], $0x1, s18, s16, $0xb8;
	[tilespmem:$0x8800] =	vst v63  }
0x113: {  	s20 =	simm.s32 $0x2600;
	s21 =	simm.s32 $0x5A00  }
0x114: {  	[tilespmem:s21], [sflag:$0x1] =	stream.indirect.gather [hbm4b:s1+s16], $0x1, s20, s16, $0xb8;
	[tilespmem:$0x8800] =	vst v63  }
0x115: {  	s18 =	simm.s32 $0x2680;
	s19 =	simm.s32 $0x5A80  }
0x116: {  	[tilespmem:s19], [sflag:$0x1] =	stream.indirect.gather [hbm4b:s1+s16], $0x1, s18, s16, $0xb8;
	[tilespmem:$0x8800] =	vst v63  }
0x117: {  	s20 =	simm.s32 $0x2700;
	s21 =	simm.s32 $0x5B00  }
0x118: {  	[tilespmem:s21], [sflag:$0x1] =	stream.indirect.gather [hbm4b:s1+s16], $0x1, s20, s16, $0xb8;
	[tilespmem:$0x8800] =	vst v63  }
0x119: {  	s18 =	simm.s32 $0x2780;
	s19 =	simm.s32 $0x5B80  }
0x11a: {  	[tilespmem:s19], [sflag:$0x1] =	stream.indirect.gather [hbm4b:s1+s16], $0x1, s18, s16, $0xb8;
	[tilespmem:$0x8800] =	vst v63  }
0x11b: {  	s20 =	simm.s32 $0x2800;
	s21 =	simm.s32 $0x5C00  }
0x11c: {  	[tilespmem:s21], [sflag:$0x1] =	stream.indirect.gather [hbm4b:s1+s16], $0x1, s20, s16, $0xb8;
	[tilespmem:$0x8800] =	vst v63  }
0x11d: {  	s18 =	simm.s32 $0x2880;
	s19 =	simm.s32 $0x5C80  }
0x11e: {  	[tilespmem:s19], [sflag:$0x1] =	stream.indirect.gather [hbm4b:s1+s16], $0x1, s18, s16, $0xb8;
	[tilespmem:$0x8800] =	vst v63  }
0x11f: {  	s20 =	simm.s32 $0x2900;
	s21 =	simm.s32 $0x5D00  }
0x120: {  	[tilespmem:s21], [sflag:$0x1] =	stream.indirect.gather [hbm4b:s1+s16], $0x1, s20, s16, $0xb8;
	[tilespmem:$0x8800] =	vst v63  }
0x121: {  	s18 =	simm.s32 $0x2980;
	s19 =	simm.s32 $0x5D80  }
0x122: {  	[tilespmem:s19], [sflag:$0x1] =	stream.indirect.gather [hbm4b:s1+s16], $0x1, s18, s16, $0xb8;
	[tilespmem:$0x8800] =	vst v63  }
0x123: {  	s20 =	simm.s32 $0x2A00;
	s21 =	simm.s32 $0x5E00  }
0x124: {  	[tilespmem:s21], [sflag:$0x1] =	stream.indirect.gather [hbm4b:s1+s16], $0x1, s20, s16, $0xb8;
	[tilespmem:$0x8800] =	vst v63  }
0x125: {  	s18 =	simm.s32 $0x2A80;
	s19 =	simm.s32 $0x5E80  }
0x126: {  	[tilespmem:s19], [sflag:$0x1] =	stream.indirect.gather [hbm4b:s1+s16], $0x1, s18, s16, $0xb8;
	[tilespmem:$0x8800] =	vst v63  }
0x127: {  	s20 =	simm.s32 $0x2B00;
	s21 =	simm.s32 $0x5F00  }
0x128: {  	[tilespmem:s21], [sflag:$0x1] =	stream.indirect.gather [hbm4b:s1+s16], $0x1, s20, s16, $0xb8;
	[tilespmem:$0x8800] =	vst v63  }
0x129: {  	s18 =	simm.s32 $0x2B80;
	s19 =	simm.s32 $0x5F80  }
0x12a: {  	[tilespmem:s19], [sflag:$0x1] =	stream.indirect.gather [hbm4b:s1+s16], $0x1, s18, s16, $0xb8;
	[tilespmem:$0x8800] =	vst v63  }
0x12b: {  	s20 =	simm.s32 $0x2C00;
	s21 =	simm.s32 $0x6000  }
0x12c: {  	[tilespmem:s21], [sflag:$0x1] =	stream.indirect.gather [hbm4b:s1+s16], $0x1, s20, s16, $0xb8;
	[tilespmem:$0x8800] =	vst v63  }
0x12d: {  	s18 =	simm.s32 $0x2C80;
	s19 =	simm.s32 $0x6080  }
0x12e: {  	[tilespmem:s19], [sflag:$0x1] =	stream.indirect.gather [hbm4b:s1+s16], $0x1, s18, s16, $0xb8;
	[tilespmem:$0x8800] =	vst v63  }
0x12f: {  	s20 =	simm.s32 $0x2D00;
	s21 =	simm.s32 $0x6100  }
0x130: {  	[tilespmem:s21], [sflag:$0x1] =	stream.indirect.gather [hbm4b:s1+s16], $0x1, s20, s16, $0xb8;
	[tilespmem:$0x8800] =	vst v63  }
0x131: {  	s18 =	simm.s32 $0x2D80;
	s19 =	simm.s32 $0x6180  }
0x132: {  	[tilespmem:s19], [sflag:$0x1] =	stream.indirect.gather [hbm4b:s1+s16], $0x1, s18, s16, $0xb8;
	[tilespmem:$0x8800] =	vst v63  }
0x133: {  	s20 =	simm.s32 $0x2E00;
	s21 =	simm.s32 $0x6200  }
0x134: {  	[tilespmem:s21], [sflag:$0x1] =	stream.indirect.gather [hbm4b:s1+s16], $0x1, s20, s16, $0xb8;
	[tilespmem:$0x8800] =	vst v63  }
0x135: {  	s18 =	simm.s32 $0x2E80;
	s19 =	simm.s32 $0x6280  }
0x136: {  	[tilespmem:s19], [sflag:$0x1] =	stream.indirect.gather [hbm4b:s1+s16], $0x1, s18, s16, $0xb8;
	[tilespmem:$0x8800] =	vst v63  }
0x137: {  	s20 =	simm.s32 $0x2F00;
	s21 =	simm.s32 $0x6300  }
0x138: {  	[tilespmem:s21], [sflag:$0x1] =	stream.indirect.gather [hbm4b:s1+s16], $0x1, s20, s16, $0xb8;
	[tilespmem:$0x8800] =	vst v63  }
0x139: {  	s18 =	simm.s32 $0x2F80;
	s19 =	simm.s32 $0x6380  }
0x13a: {  	[tilespmem:s19], [sflag:$0x1] =	stream.indirect.gather [hbm4b:s1+s16], $0x1, s18, s16, $0xb8;
	[tilespmem:$0x8800] =	vst v63  }
0x13b: {  	s20 =	simm.s32 $0x3000;
	s21 =	simm.s32 $0x6400  }
0x13c: {  	[tilespmem:s21], [sflag:$0x1] =	stream.indirect.gather [hbm4b:s1+s16], $0x1, s20, s16, $0xb8;
	[tilespmem:$0x8800] =	vst v63  }
0x13d: {  	s18 =	simm.s32 $0x3080;
	s19 =	simm.s32 $0x6480  }
0x13e: {  	[tilespmem:s19], [sflag:$0x1] =	stream.indirect.gather [hbm4b:s1+s16], $0x1, s18, s16, $0xb8;
	[tilespmem:$0x8800] =	vst v63  }
0x13f: {  	s20 =	simm.s32 $0x3100;
	s21 =	simm.s32 $0x6500  }
0x140: {  	[tilespmem:s21], [sflag:$0x1] =	stream.indirect.gather [hbm4b:s1+s16], $0x1, s20, s16, $0xb8;
	[tilespmem:$0x8800] =	vst v63  }
0x141: {  	_ = 	snop  }
0x142: {  	[tilespmem:s23], [sflag:$0x1] =	stream.indirect.gather [hbm4b:s1+s16], $0x1, s22, s16, $0xb8;
	[tilespmem:$0x8800] =	vst v63  }
0x143: {  	_ = 	snop  }
0x144: {  	[tilespmem:s25], [sflag:$0x1] =	stream.indirect.gather [hbm4b:s1+s16], $0x1, s24, s16, $0xb8;
	[tilespmem:$0x8800] =	vst v63  }
0x145: {  	_ = 	snop  }
0x146: {  	[tilespmem:s28], [sflag:$0x1] =	stream.indirect.gather [hbm4b:s1+s16], $0x1, s26, s16, $0xb8;
	[tilespmem:$0x8800] =	vst v63  }
0x147: {  	_ = 	snop  }
0x148: {  	[tilespmem:s30], [sflag:$0x1] =	stream.indirect.gather [hbm4b:s1+s16], $0x1, s29, s16, $0xb8;
	[tilespmem:$0x8800] =	vst v63  }
0x149: {  	_ = 	snop  }
0x14a: {  	[tilespmem:s0], [sflag:$0x1] =	stream.indirect.gather [hbm4b:s1+s16], $0x1, s31, s16, $0xb8;
	[tilespmem:$0x8800] =	vst v63  }
0x14b: {  	_ =	swait.ge [sflag:s4], $0x80  }
0x14c: {  	[sflag:s4] =	ssyncset.done $0x0  }
0x14d: {  	[sflag:s4] =	ssyncadd.s32 $0xFFFFFF80  }
0x14e: {  	_ =	swait.ge [sflag:s4], $0x80  }
0x14f: {  	[sflag:s4] =	ssyncset.done $0x0  }
0x150: {  	[sflag:s4] =	ssyncadd.s32 $0xFFFFFF80  }
0x151: {  	_ =	swait.ge [sflag:s4], $0x80  }
0x152: {  	[sflag:s4] =	ssyncset.done $0x0  }
0x153: {  	[sflag:s4] =	ssyncadd.s32 $0xFFFFFF80  }
0x154: {  	_ =	swait.ge [sflag:s4], $0x80  }
0x155: {  	[sflag:s4] =	ssyncset.done $0x0  }
0x156: {  	[sflag:s4] =	ssyncadd.s32 $0xFFFFFF80  }
0x157: {  	_ =	swait.ge [sflag:s4], $0x80  }
0x158: {  	[sflag:s4] =	ssyncset.done $0x0  }
0x159: {  	[sflag:s4] =	ssyncadd.s32 $0xFFFFFF80  }
0x15a: {  	_ =	swait.ge [sflag:s4], $0x80  }
0x15b: {  	[sflag:s4] =	ssyncset.done $0x0  }
0x15c: {  	[sflag:s4] =	ssyncadd.s32 $0xFFFFFF80  }
0x15d: {  	_ =	swait.ge [sflag:s4], $0x80  }
0x15e: {  	[sflag:s4] =	ssyncset.done $0x0  }
0x15f: {  	[sflag:s4] =	ssyncadd.s32 $0xFFFFFF80  }
0x160: {  	_ =	swait.ge [sflag:s4], $0x80  }
0x161: {  	[sflag:s4] =	ssyncset.done $0x0  }
0x162: {  	[sflag:s4] =	ssyncadd.s32 $0xFFFFFF80  }
0x163: {  	_ =	swait.ge [sflag:s4], $0x80  }
0x164: {  	[sflag:s4] =	ssyncset.done $0x0  }
0x165: {  	[sflag:s4] =	ssyncadd.s32 $0xFFFFFF80  }
0x166: {  	_ =	swait.ge [sflag:s4], $0x80  }
0x167: {  	[sflag:s4] =	ssyncset.done $0x0  }
0x168: {  	[sflag:s4] =	ssyncadd.s32 $0xFFFFFF80  }
0x169: {  	_ =	swait.ge [sflag:s4], $0x80  }
0x16a: {  	[sflag:s4] =	ssyncset.done $0x0  }
0x16b: {  	[sflag:s4] =	ssyncadd.s32 $0xFFFFFF80  }
0x16c: {  	_ =	swait.ge [sflag:s4], $0x80  }
0x16d: {  	[sflag:s4] =	ssyncset.done $0x0  }
0x16e: {  	[sflag:s4] =	ssyncadd.s32 $0xFFFFFF80  }
0x16f: {  	_ =	swait.ge [sflag:s4], $0x80  }
0x170: {  	[sflag:s4] =	ssyncset.done $0x0  }
0x171: {  	[sflag:s4] =	ssyncadd.s32 $0xFFFFFF80  }
0x172: {  	_ =	swait.ge [sflag:s4], $0x80  }
0x173: {  	[sflag:s4] =	ssyncset.done $0x0  }
0x174: {  	[sflag:s4] =	ssyncadd.s32 $0xFFFFFF80  }
0x175: {  	_ =	swait.ge [sflag:s4], $0x80  }
0x176: {  	[sflag:s4] =	ssyncset.done $0x0  }
0x177: {  	[sflag:s4] =	ssyncadd.s32 $0xFFFFFF80  }
0x178: {  	_ =	swait.ge [sflag:s4], $0x80  }
0x179: {  	[sflag:s4] =	ssyncset.done $0x0  }
0x17a: {  	[sflag:s4] =	ssyncadd.s32 $0xFFFFFF80  }
0x17b: {  	_ =	swait.ge [sflag:s4], $0x80  }
0x17c: {  	[sflag:s4] =	ssyncset.done $0x0  }
0x17d: {  	[sflag:s4] =	ssyncadd.s32 $0xFFFFFF80  }
0x17e: {  	_ =	swait.ge [sflag:s4], $0x80  }
0x17f: {  	[sflag:s4] =	ssyncset.done $0x0  }
0x180: {  	[sflag:s4] =	ssyncadd.s32 $0xFFFFFF80  }
0x181: {  	_ =	swait.ge [sflag:s4], $0x80  }
0x182: {  	[sflag:s4] =	ssyncset.done $0x0  }
0x183: {  	[sflag:s4] =	ssyncadd.s32 $0xFFFFFF80  }
0x184: {  	_ =	swait.ge [sflag:s4], $0x80  }
0x185: {  	[sflag:s4] =	ssyncset.done $0x0  }
0x186: {  	[sflag:s4] =	ssyncadd.s32 $0xFFFFFF80  }
0x187: {  	_ =	swait.ge [sflag:s4], $0x80  }
0x188: {  	[sflag:s4] =	ssyncset.done $0x0  }
0x189: {  	[sflag:s4] =	ssyncadd.s32 $0xFFFFFF80  }
0x18a: {  	_ =	swait.ge [sflag:s4], $0x80  }
0x18b: {  	[sflag:s4] =	ssyncset.done $0x0  }
0x18c: {  	[sflag:s4] =	ssyncadd.s32 $0xFFFFFF80  }
0x18d: {  	_ =	swait.ge [sflag:s4], $0x80  }
0x18e: {  	[sflag:s4] =	ssyncset.done $0x0  }
0x18f: {  	[sflag:s4] =	ssyncadd.s32 $0xFFFFFF80  }
0x190: {  	_ =	swait.ge [sflag:s4], $0x80  }
0x191: {  	[sflag:s4] =	ssyncset.done $0x0  }
0x192: {  	[sflag:s4] =	ssyncadd.s32 $0xFFFFFF80  }
0x193: {  	_ =	swait.ge [sflag:s4], $0x80  }
0x194: {  	[sflag:s4] =	ssyncset.done $0x0  }
0x195: {  	[sflag:s4] =	ssyncadd.s32 $0xFFFFFF80  }
0x196: {  	_ =	swait.ge [sflag:s4], $0x80  }
0x197: {  	[sflag:s4] =	ssyncset.done $0x0  }
0x198: {  	[sflag:s4] =	ssyncadd.s32 $0xFFFFFF80  }
0x199: {  	_ =	swait.ge [sflag:s4], $0x80  }
0x19a: {  	[sflag:s4] =	ssyncset.done $0x0  }
0x19b: {  	[sflag:s4] =	ssyncadd.s32 $0xFFFFFF80  }
0x19c: {  	_ =	swait.ge [sflag:s4], $0x80  }
0x19d: {  	[sflag:s4] =	ssyncset.done $0x0  }
0x19e: {  	[sflag:s4] =	ssyncadd.s32 $0xFFFFFF80  }
0x19f: {  	_ =	swait.ge [sflag:s4], $0x80  }
0x1a0: {  	[sflag:s4] =	ssyncset.done $0x0  }
0x1a1: {  	[sflag:s4] =	ssyncadd.s32 $0xFFFFFF80  }
0x1a2: {  	_ =	swait.ge [sflag:s4], $0x80  }
0x1a3: {  	[sflag:s4] =	ssyncset.done $0x0  }
0x1a4: {  	[sflag:s4] =	ssyncadd.s32 $0xFFFFFF80  }
0x1a5: {  	_ =	swait.ge [sflag:s4], $0x80  }
0x1a6: {  	[sflag:s4] =	ssyncset.done $0x0  }
0x1a7: {  	[sflag:s4] =	ssyncadd.s32 $0xFFFFFF80  }
0x1a8: {  	_ =	swait.ge [sflag:s4], $0x80  }
0x1a9: {  	[sflag:s4] =	ssyncset.done $0x0  }
0x1aa: {  	[sflag:s4] =	ssyncadd.s32 $0xFFFFFF80  }
0x1ab: {  	_ =	swait.ge [sflag:s4], $0x80  }
0x1ac: {  	[sflag:s4] =	ssyncset.done $0x0  }
0x1ad: {  	[sflag:s4] =	ssyncadd.s32 $0xFFFFFF80  }
0x1ae: {  	_ =	swait.ge [sflag:s4], $0x80  }
0x1af: {  	[sflag:s4] =	ssyncset.done $0x0  }
0x1b0: {  	[sflag:s4] =	ssyncadd.s32 $0xFFFFFF80  }
0x1b1: {  	_ =	swait.ge [sflag:s4], $0x80  }
0x1b2: {  	[sflag:s4] =	ssyncset.done $0x0  }
0x1b3: {  	[sflag:s4] =	ssyncadd.s32 $0xFFFFFF80  }
0x1b4: {  	_ =	swait.ge [sflag:s4], $0x80  }
0x1b5: {  	[sflag:s4] =	ssyncset.done $0x0  }
0x1b6: {  	[sflag:s4] =	ssyncadd.s32 $0xFFFFFF80  }
0x1b7: {  	_ =	swait.ge [sflag:s4], $0x80  }
0x1b8: {  	[sflag:s4] =	ssyncset.done $0x0  }
0x1b9: {  	[sflag:s4] =	ssyncadd.s32 $0xFFFFFF80  }
0x1ba: {  	_ =	swait.ge [sflag:s4], $0x80  }
0x1bb: {  	[sflag:s4] =	ssyncset.done $0x0  }
0x1bc: {  	[sflag:s4] =	ssyncadd.s32 $0xFFFFFF80  }
0x1bd: {  	_ =	swait.ge [sflag:s4], $0x80  }
0x1be: {  	[sflag:s4] =	ssyncset.done $0x0  }
0x1bf: {  	[sflag:s4] =	ssyncadd.s32 $0xFFFFFF80  }
0x1c0: {  	_ =	swait.ge [sflag:s4], $0x80  }
0x1c1: {  	[sflag:s4] =	ssyncset.done $0x0  }
0x1c2: {  	[sflag:s4] =	ssyncadd.s32 $0xFFFFFF80  }
0x1c3: {  	_ =	swait.ge [sflag:s4], $0x80  }
0x1c4: {  	[sflag:s4] =	ssyncset.done $0x0  }
0x1c5: {  	[sflag:s4] =	ssyncadd.s32 $0xFFFFFF80  }
0x1c6: {  	_ =	swait.ge [sflag:s4], $0x80  }
0x1c7: {  	[sflag:s4] =	ssyncset.done $0x0  }
0x1c8: {  	[sflag:s4] =	ssyncadd.s32 $0xFFFFFF80  }
0x1c9: {  	_ =	swait.ge [sflag:s4], $0x80  }
0x1ca: {  	[sflag:s4] =	ssyncset.done $0x0  }
0x1cb: {  	[sflag:s4] =	ssyncadd.s32 $0xFFFFFF80  }
0x1cc: {  	_ =	swait.ge [sflag:s4], $0x80  }
0x1cd: {  	[sflag:s4] =	ssyncset.done $0x0  }
0x1ce: {  	[sflag:s4] =	ssyncadd.s32 $0xFFFFFF80  }
0x1cf: {  	_ =	swait.ge [sflag:s4], $0x80  }
0x1d0: {  	[sflag:s4] =	ssyncset.done $0x0  }
0x1d1: {  	[sflag:s4] =	ssyncadd.s32 $0xFFFFFF80  }
0x1d2: {  	_ =	swait.ge [sflag:s4], $0x80  }
0x1d3: {  	[sflag:s4] =	ssyncset.done $0x0  }
0x1d4: {  	[sflag:s4] =	ssyncadd.s32 $0xFFFFFF80  }
0x1d5: {  	_ =	swait.ge [sflag:s4], $0x80  }
0x1d6: {  	[sflag:s4] =	ssyncset.done $0x0  }
0x1d7: {  	[sflag:s4] =	ssyncadd.s32 $0xFFFFFF80  }
0x1d8: {  	_ =	swait.ge [sflag:s4], $0x80  }
0x1d9: {  	[sflag:s4] =	ssyncset.done $0x0  }
0x1da: {  	[sflag:s4] =	ssyncadd.s32 $0xFFFFFF80  }
0x1db: {  	_ =	swait.ge [sflag:s4], $0x80  }
0x1dc: {  	[sflag:s4] =	ssyncset.done $0x0  }
0x1dd: {  	[sflag:s4] =	ssyncadd.s32 $0xFFFFFF80  }
0x1de: {  	_ =	swait.ge [sflag:s4], $0x80  }
0x1df: {  	[sflag:s4] =	ssyncset.done $0x0  }
0x1e0: {  	[sflag:s4] =	ssyncadd.s32 $0xFFFFFF80  }
0x1e1: {  	_ =	swait.ge [sflag:s4], $0x80  }
0x1e2: {  	[sflag:s4] =	ssyncset.done $0x0  }
0x1e3: {  	[sflag:s4] =	ssyncadd.s32 $0xFFFFFF80  }
0x1e4: {  	_ =	swait.ge [sflag:s4], $0x80  }
0x1e5: {  	[sflag:s4] =	ssyncset.done $0x0  }
0x1e6: {  	[sflag:s4] =	ssyncadd.s32 $0xFFFFFF80  }
0x1e7: {  	_ =	swait.ge [sflag:s4], $0x80  }
0x1e8: {  	[sflag:s4] =	ssyncset.done $0x0  }
0x1e9: {  	[sflag:s4] =	ssyncadd.s32 $0xFFFFFF80  }
0x1ea: {  	_ =	swait.ge [sflag:s4], $0x80  }
0x1eb: {  	[sflag:s4] =	ssyncset.done $0x0  }
0x1ec: {  	[sflag:s4] =	ssyncadd.s32 $0xFFFFFF80  }
0x1ed: {  	_ =	swait.ge [sflag:s4], $0x80  }
0x1ee: {  	[sflag:s4] =	ssyncset.done $0x0  }
0x1ef: {  	[sflag:s4] =	ssyncadd.s32 $0xFFFFFF80  }
0x1f0: {  	_ =	swait.ge [sflag:s4], $0x80  }
0x1f1: {  	[sflag:s4] =	ssyncset.done $0x0  }
0x1f2: {  	[sflag:s4] =	ssyncadd.s32 $0xFFFFFF80  }
0x1f3: {  	_ =	swait.ge [sflag:s4], $0x80  }
0x1f4: {  	[sflag:s4] =	ssyncset.done $0x0  }
0x1f5: {  	[sflag:s4] =	ssyncadd.s32 $0xFFFFFF80  }
0x1f6: {  	_ =	swait.ge [sflag:s4], $0x80  }
0x1f7: {  	[sflag:s4] =	ssyncset.done $0x0  }
0x1f8: {  	[sflag:s4] =	ssyncadd.s32 $0xFFFFFF80  }
0x1f9: {  	_ =	swait.ge [sflag:s4], $0x80  }
0x1fa: {  	[sflag:s4] =	ssyncset.done $0x0  }
0x1fb: {  	[sflag:s4] =	ssyncadd.s32 $0xFFFFFF80  }
0x1fc: {  	_ =	swait.ge [sflag:s4], $0x80  }
0x1fd: {  	[sflag:s4] =	ssyncset.done $0x0  }
0x1fe: {  	[sflag:s4] =	ssyncadd.s32 $0xFFFFFF80  }
0x1ff: {  	_ =	swait.ge [sflag:s4], $0x80  }
0x200: {  	[sflag:s4] =	ssyncset.done $0x0  }
0x201: {  	[sflag:s4] =	ssyncadd.s32 $0xFFFFFF80  }
0x202: {  	_ =	swait.ge [sflag:s4], $0x80  }
0x203: {  	[sflag:s4] =	ssyncset.done $0x0  }
0x204: {  	[sflag:s4] =	ssyncadd.s32 $0xFFFFFF80  }
0x205: {  	_ =	swait.ge [sflag:s4], $0x80  }
0x206: {  	[sflag:s4] =	ssyncset.done $0x0  }
0x207: {  	[sflag:s4] =	ssyncadd.s32 $0xFFFFFF80  }
0x208: {  	_ =	swait.ge [sflag:s4], $0x80  }
0x209: {  	[sflag:s4] =	ssyncset.done $0x0  }
0x20a: {  	[sflag:s4] =	ssyncadd.s32 $0xFFFFFF80  }
0x20b: {  	_ =	swait.ge [sflag:s4], $0x80  }
0x20c: {  	[sflag:s4] =	ssyncset.done $0x0  }
0x20d: {  	[sflag:s4] =	ssyncadd.s32 $0xFFFFFF80  }
0x20e: {  	_ =	swait.ge [sflag:s4], $0x80  }
0x20f: {  	[sflag:s4] =	ssyncset.done $0x0  }
0x210: {  	[sflag:s4] =	ssyncadd.s32 $0xFFFFFF80  }
0x211: {  	_ =	swait.ge [sflag:s4], $0x80  }
0x212: {  	[sflag:s4] =	ssyncset.done $0x0  }
0x213: {  	[sflag:s4] =	ssyncadd.s32 $0xFFFFFF80  }
0x214: {  	_ =	swait.ge [sflag:s4], $0x80  }
0x215: {  	[sflag:s4] =	ssyncset.done $0x0  }
0x216: {  	[sflag:s4] =	ssyncadd.s32 $0xFFFFFF80  }
0x217: {  	_ =	swait.ge [sflag:s4], $0x80  }
0x218: {  	[sflag:s4] =	ssyncset.done $0x0  }
0x219: {  	[sflag:s4] =	ssyncadd.s32 $0xFFFFFF80  }
0x21a: {  	_ =	swait.ge [sflag:s4], $0x80  }
0x21b: {  	[sflag:s4] =	ssyncset.done $0x0  }
0x21c: {  	[sflag:s4] =	ssyncadd.s32 $0xFFFFFF80  }
0x21d: {  	_ =	swait.ge [sflag:s4], $0x80  }
0x21e: {  	[sflag:s4] =	ssyncset.done $0x0  }
0x21f: {  	[sflag:s4] =	ssyncadd.s32 $0xFFFFFF80  }
0x220: {  	_ =	swait.ge [sflag:s4], $0x80  }
0x221: {  	[sflag:s4] =	ssyncset.done $0x0  }
0x222: {  	[sflag:s4] =	ssyncadd.s32 $0xFFFFFF80  }
0x223: {  	_ =	swait.ge [sflag:s4], $0x80  }
0x224: {  	[sflag:s4] =	ssyncset.done $0x0  }
0x225: {  	[sflag:s4] =	ssyncadd.s32 $0xFFFFFF80  }
0x226: {  	_ =	swait.ge [sflag:s4], $0x80  }
0x227: {  	[sflag:s4] =	ssyncset.done $0x0  }
0x228: {  	[sflag:s4] =	ssyncadd.s32 $0xFFFFFF80  }
0x229: {  	_ =	swait.ge [sflag:s4], $0x80  }
0x22a: {  	[sflag:s4] =	ssyncset.done $0x0  }
0x22b: {  	[sflag:s4] =	ssyncadd.s32 $0xFFFFFF80  }
0x22c: {  	_ =	swait.ge [sflag:s4], $0x80  }
0x22d: {  	[sflag:s4] =	ssyncset.done $0x0  }
0x22e: {  	[sflag:s4] =	ssyncadd.s32 $0xFFFFFF80  }
0x22f: {  	_ =	swait.ge [sflag:s4], $0x80  }
0x230: {  	[sflag:s4] =	ssyncset.done $0x0  }
0x231: {  	[sflag:s4] =	ssyncadd.s32 $0xFFFFFF80  }
0x232: {  	_ =	swait.ge [sflag:s4], $0x80  }
0x233: {  	[sflag:s4] =	ssyncset.done $0x0  }
0x234: {  	[sflag:s4] =	ssyncadd.s32 $0xFFFFFF80  }
0x235: {  	_ =	swait.ge [sflag:s4], $0x80  }
0x236: {  	[sflag:s4] =	ssyncset.done $0x0  }
0x237: {  	[sflag:s4] =	ssyncadd.s32 $0xFFFFFF80  }
0x238: {  	_ =	swait.ge [sflag:s4], $0x80  }
0x239: {  	[sflag:s4] =	ssyncset.done $0x0  }
0x23a: {  	[sflag:s4] =	ssyncadd.s32 $0xFFFFFF80  }
0x23b: {  	_ =	swait.ge [sflag:s4], $0x80  }
0x23c: {  	[sflag:s4] =	ssyncset.done $0x0  }
0x23d: {  	[sflag:s4] =	ssyncadd.s32 $0xFFFFFF80  }
0x23e: {  	_ =	swait.ge [sflag:s4], $0x80  }
0x23f: {  	[sflag:s4] =	ssyncset.done $0x0  }
0x240: {  	[sflag:s4] =	ssyncadd.s32 $0xFFFFFF80  }
0x241: {  	_ =	swait.ge [sflag:s4], $0x80  }
0x242: {  	[sflag:s4] =	ssyncset.done $0x0  }
0x243: {  	[sflag:s4] =	ssyncadd.s32 $0xFFFFFF80  }
0x244: {  	_ =	swait.ge [sflag:s4], $0x80  }
0x245: {  	[sflag:s4] =	ssyncset.done $0x0  }
0x246: {  	[sflag:s4] =	ssyncadd.s32 $0xFFFFFF80  }
0x247: {  	_ =	swait.ge [sflag:s4], $0x80  }
0x248: {  	[sflag:s4] =	ssyncset.done $0x0  }
0x249: {  	[sflag:s4] =	ssyncadd.s32 $0xFFFFFF80  }
0x24a: {  	_ =	swait.ge [sflag:s4], $0x80  }
0x24b: {  	[sflag:s4] =	ssyncset.done $0x0  }
0x24c: {  	[sflag:s4] =	ssyncadd.s32 $0xFFFFFF80  }
0x24d: {  	_ =	swait.ge [sflag:s4], $0x80  }
0x24e: {  	[sflag:s4] =	ssyncset.done $0x0  }
0x24f: {  	[sflag:s4] =	ssyncadd.s32 $0xFFFFFF80  }
0x250: {  	_ =	swait.ge [sflag:s4], $0x80  }
0x251: {  	[sflag:s4] =	ssyncset.done $0x0  }
0x252: {  	[sflag:s4] =	ssyncadd.s32 $0xFFFFFF80  }
0x253: {  	_ =	swait.ge [sflag:s4], $0x80  }
0x254: {  	[sflag:s4] =	ssyncset.done $0x0  }
0x255: {  	[sflag:s4] =	ssyncadd.s32 $0xFFFFFF80  }
0x256: {  	_ =	swait.ge [sflag:s4], $0x80  }
0x257: {  	[sflag:s4] =	ssyncset.done $0x0  }
0x258: {  	[sflag:s4] =	ssyncadd.s32 $0xFFFFFF80  }
0x259: {  	_ =	swait.ge [sflag:s4], $0x80  }
0x25a: {  	[sflag:s4] =	ssyncset.done $0x0  }
0x25b: {  	[sflag:s4] =	ssyncadd.s32 $0xFFFFFF80  }
0x25c: {  	_ =	swait.ge [sflag:s4], $0x80  }
0x25d: {  	[sflag:s4] =	ssyncset.done $0x0  }
0x25e: {  	[sflag:s4] =	ssyncadd.s32 $0xFFFFFF80  }
0x25f: {  	_ =	swait.ge [sflag:s4], $0x80  }
0x260: {  	[sflag:s4] =	ssyncset.done $0x0  }
0x261: {  	[sflag:s4] =	ssyncadd.s32 $0xFFFFFF80  }
0x262: {  	_ =	swait.ge [sflag:s4], $0x80  }
0x263: {  	[sflag:s4] =	ssyncset.done $0x0  }
0x264: {  	[sflag:s4] =	ssyncadd.s32 $0xFFFFFF80  }
0x265: {  	_ =	swait.ge [sflag:s4], $0x80  }
0x266: {  	[sflag:s4] =	ssyncset.done $0x0  }
0x267: {  	[sflag:s4] =	ssyncadd.s32 $0xFFFFFF80  }
0x268: {  	_ =	swait.ge [sflag:s4], $0x80  }
0x269: {  	[sflag:s4] =	ssyncset.done $0x0  }
0x26a: {  	[sflag:s4] =	ssyncadd.s32 $0xFFFFFF80  }
0x26b: {  	_ =	swait.ge [sflag:s4], $0x80  }
0x26c: {  	[sflag:s4] =	ssyncset.done $0x0  }
0x26d: {  	[sflag:s4] =	ssyncadd.s32 $0xFFFFFF80  }
0x26e: {  	_ =	swait.ge [sflag:s4], $0x80  }
0x26f: {  	[sflag:s4] =	ssyncset.done $0x0  }
0x270: {  	[sflag:s4] =	ssyncadd.s32 $0xFFFFFF80  }
0x271: {  	_ =	swait.ge [sflag:s4], $0x80  }
0x272: {  	[sflag:s4] =	ssyncset.done $0x0  }
0x273: {  	[sflag:s4] =	ssyncadd.s32 $0xFFFFFF80  }
0x274: {  	_ =	swait.ge [sflag:s4], $0x80  }
0x275: {  	[sflag:s4] =	ssyncset.done $0x0  }
0x276: {  	[sflag:s4] =	ssyncadd.s32 $0xFFFFFF80  }
0x277: {  	_ =	swait.ge [sflag:s4], $0x80  }
0x278: {  	[sflag:s4] =	ssyncset.done $0x0  }
0x279: {  	[sflag:s4] =	ssyncadd.s32 $0xFFFFFF80  }
0x27a: {  	_ =	swait.ge [sflag:s4], $0x80  }
0x27b: {  	[sflag:s4] =	ssyncset.done $0x0  }
0x27c: {  	[sflag:s4] =	ssyncadd.s32 $0xFFFFFF80  }
0x27d: {  	_ =	swait.ge [sflag:s4], $0x80  }
0x27e: {  	[sflag:s4] =	ssyncset.done $0x0  }
0x27f: {  	[sflag:s4] =	ssyncadd.s32 $0xFFFFFF80  }
0x280: {  	_ =	swait.ge [sflag:s4], $0x80  }
0x281: {  	[sflag:s4] =	ssyncset.done $0x0  }
0x282: {  	[sflag:s4] =	ssyncadd.s32 $0xFFFFFF80  }
0x283: {  	v16 =	vld [tilespmem:s14+$0xFFFFF400]  }
0x284: {  	v17 =	vld [tilespmem:$0x8280]  }
0x285: {  	v18 =	vld [tilespmem:$0x8290]  }
0x286: {  	v19 =	vld [tilespmem:s14+$0xFFFFF600]  }
0x287: {  	v20 =	vld [tilespmem:$0x82A0]  }
0x288: {  	v21 =	vld [tilespmem:s14+$0xFFFFF800]  }
0x289: {  	v22 =	vld [tilespmem:s14+$0xFFFFFA00];
	v16 =	vmul.f32 v16, v17  }
0x28a: {  	v17 =	vld [tilespmem:$0x82B0]  }
0x28b: {  	v23 =	vld [tilespmem:s14+$0xFFFFFC00];
	v18 =	vmul.f32 v19, v18;
	v16 =	vadd.f32 $0.0e+00, v16  }
0x28c: {  	v19 =	vld [tilespmem:$0x82C0]  }
0x28d: {  	v58 =	vld [tilespmem:$0x82D0];
	v16 =	vadd.f32 v18, v16;
	v18 =	vmul.f32 v21, v20  }
0x28e: {  	v59 =	vld [tilespmem:s14+$0xFFFFFE00]  }
0x28f: {  	v60 =	vld [tilespmem:s14+$0x0];
	v17 =	vmul.f32 v22, v17;
	v16 =	vadd.f32 v18, v16  }
0x290: {  	v18 =	vld [tilespmem:$0x82E0]  }
0x291: {  	v61 =	vld [tilespmem:s14+$0x200];
	v16 =	vadd.f32 v17, v16;
	v17 =	vmul.f32 v23, v19  }
0x292: {  	v19 =	vld [tilespmem:$0x82F0]  }
0x293: {  	v62 =	vld [tilespmem:$0x8300];
	v16 =	vadd.f32 v17, v16;
	v17 =	vmul.f32 v59, v58  }
0x294: {  	v63 =	vld [tilespmem:s14+$0x400]  }
0x295: {  	v24 =	vld [tilespmem:s14+$0x600];
	v16 =	vadd.f32 v17, v16;
	v17 =	vmul.f32 v60, v18  }
0x296: {  	v18 =	vld [tilespmem:$0x8310]  }
0x297: {  	v25 =	vld [tilespmem:s14+$0x800];
	v16 =	vadd.f32 v17, v16;
	v17 =	vmul.f32 v61, v19  }
0x298: {  	v19 =	vld [tilespmem:$0x8320]  }
0x299: {  	v26 =	vld [tilespmem:$0x8330];
	v16 =	vadd.f32 v17, v16;
	v17 =	vmul.f32 v63, v62  }
0x29a: {  	v27 =	vld [tilespmem:s14+$0xA00]  }
0x29b: {  	v28 =	vld [tilespmem:s14+$0xC00];
	v16 =	vadd.f32 v17, v16;
	v17 =	vmul.f32 v24, v18  }
0x29c: {  	s13 =	sand.u32 $0x1F0, s13;
	v18 =	vld [tilespmem:$0x8340]  }
0x29d: {  	v29 =	vld [tilespmem:s13+$0x4E00];
	v16 =	vadd.f32 v17, v16;
	v17 =	vmul.f32 v25, v19  }
0x29e: {  	v19 =	vld [tilespmem:$0x8350]  }
0x29f: {  	v30 =	vld [tilespmem:$0x8360];
	v16 =	vadd.f32 v17, v16;
	v17 =	vmul.f32 v27, v26  }
0x2a0: {  	v31 =	vld [tilespmem:s13+$0x5000]  }
0x2a1: {  	v32 =	vld [tilespmem:s13+$0x5200];
	v16 =	vadd.f32 v17, v16;
	v17 =	vmul.f32 v28, v18  }
0x2a2: {  	v18 =	vld [tilespmem:$0x8370]  }
0x2a3: {  	v33 =	vld [tilespmem:s13+$0x5400];
	v16 =	vadd.f32 v17, v16;
	v17 =	vmul.f32 v29, v19  }
0x2a4: {  	v19 =	vld [tilespmem:$0x8380]  }
0x2a5: {  	v34 =	vld [tilespmem:$0x8390];
	v16 =	vadd.f32 v17, v16;
	v17 =	vmul.f32 v31, v30  }
0x2a6: {  	v35 =	vld [tilespmem:s13+$0x5600]  }
0x2a7: {  	v36 =	vld [tilespmem:s13+$0x5800];
	v16 =	vadd.f32 v17, v16;
	v17 =	vmul.f32 v32, v18  }
0x2a8: {  	v18 =	vld [tilespmem:$0x83A0]  }
0x2a9: {  	v37 =	vld [tilespmem:s13+$0x5A00];
	v16 =	vadd.f32 v17, v16;
	v17 =	vmul.f32 v33, v19  }
0x2aa: {  	v19 =	vld [tilespmem:$0x83B0]  }
0x2ab: {  	v38 =	vld [tilespmem:$0x83C0];
	v16 =	vadd.f32 v17, v16;
	v17 =	vmul.f32 v35, v34  }
0x2ac: {  	v39 =	vld [tilespmem:s13+$0x5C00]  }
0x2ad: {  	v40 =	vld [tilespmem:s13+$0x5E00];
	v16 =	vadd.f32 v17, v16;
	v17 =	vmul.f32 v36, v18  }
0x2ae: {  	v18 =	vld [tilespmem:$0x83D0]  }
0x2af: {  	v41 =	vld [tilespmem:s13+$0x6000];
	v16 =	vadd.f32 v17, v16;
	v17 =	vmul.f32 v37, v19  }
0x2b0: {  	v19 =	vld [tilespmem:$0x83E0]  }
0x2b1: {  	v42 =	vld [tilespmem:$0x83F0];
	v16 =	vadd.f32 v17, v16;
	v17 =	vmul.f32 v39, v38  }
0x2b2: {  	v43 =	vld [tilespmem:s13+$0x6200]  }
0x2b3: {  	v44 =	vld [tilespmem:s13+$0x6400];
	v16 =	vadd.f32 v17, v16;
	v17 =	vmul.f32 v40, v18  }
0x2b4: {  	v18 =	vld [tilespmem:$0x8400]  }
0x2b5: {  	v45 =	vld [tilespmem:s13+$0x6600];
	v16 =	vadd.f32 v17, v16;
	v17 =	vmul.f32 v41, v19  }
0x2b6: {  	v19 =	vld [tilespmem:$0x8410]  }
0x2b7: {  	s13 =	simm.s32 $0x7400;
	v46 =	vld [tilespmem:$0x8420];
	v16 =	vadd.f32 v17, v16;
	v17 =	vmul.f32 v43, v42  }
0x2b8: {  	v47 =	vld [tilespmem:s13+$0xFFFFF400]  }
0x2b9: {  	v48 =	vld [tilespmem:s13+$0xFFFFF600];
	v16 =	vadd.f32 v17, v16;
	v17 =	vmul.f32 v44, v18  }
0x2ba: {  	v18 =	vld [tilespmem:$0x8430]  }
0x2bb: {  	v49 =	vld [tilespmem:s13+$0xFFFFF800];
	v16 =	vadd.f32 v17, v16;
	v17 =	vmul.f32 v45, v19  }
0x2bc: {  	v19 =	vld [tilespmem:$0x8440]  }
0x2bd: {  	v50 =	vld [tilespmem:$0x8450];
	v16 =	vadd.f32 v17, v16;
	v17 =	vmul.f32 v47, v46  }
0x2be: {  	v51 =	vld [tilespmem:s13+$0xFFFFFA00]  }
0x2bf: {  	v52 =	vld [tilespmem:s13+$0xFFFFFC00];
	v16 =	vadd.f32 v17, v16;
	v17 =	vmul.f32 v48, v18  }
0x2c0: {  	v18 =	vld [tilespmem:$0x8460]  }
0x2c1: {  	v53 =	vld [tilespmem:s13+$0xFFFFFE00];
	v16 =	vadd.f32 v17, v16;
	v17 =	vmul.f32 v49, v19  }
0x2c2: {  	v19 =	vld [tilespmem:$0x8470]  }
0x2c3: {  	v54 =	vld [tilespmem:$0x8480];
	v16 =	vadd.f32 v17, v16;
	v17 =	vmul.f32 v51, v50  }
0x2c4: {  	v55 =	vld [tilespmem:s13+$0x0]  }
0x2c5: {  	v56 =	vld [tilespmem:s13+$0x200];
	v16 =	vadd.f32 v17, v16;
	v17 =	vmul.f32 v52, v18  }
0x2c6: {  	v18 =	vld [tilespmem:$0x8490]  }
0x2c7: {  	v57 =	vld [tilespmem:s13+$0x400];
	v16 =	vadd.f32 v17, v16;
	v17 =	vmul.f32 v53, v19  }
0x2c8: {  	v19 =	vld [tilespmem:$0x84A0]  }
0x2c9: {  	v58 =	vld [tilespmem:$0x84B0];
	v16 =	vadd.f32 v17, v16;
	v17 =	vmul.f32 v55, v54  }
0x2ca: {  	v59 =	vld [tilespmem:s13+$0x600]  }
0x2cb: {  	v60 =	vld [tilespmem:s13+$0x800];
	v16 =	vadd.f32 v17, v16;
	v17 =	vmul.f32 v56, v18  }
0x2cc: {  	v18 =	vld [tilespmem:$0x84C0]  }
0x2cd: {  	v61 =	vld [tilespmem:s13+$0xA00];
	v16 =	vadd.f32 v17, v16;
	v17 =	vmul.f32 v57, v19  }
0x2ce: {  	v19 =	vld [tilespmem:$0x84D0]  }
0x2cf: {  	v62 =	vld [tilespmem:$0x84E0];
	v16 =	vadd.f32 v17, v16;
	v17 =	vmul.f32 v59, v58  }
0x2d0: {  	v63 =	vld [tilespmem:s13+$0xC00]  }
0x2d1: {  	v16 =	vadd.f32 v17, v16;
	v17 =	vmul.f32 v60, v18;
	_ =	sdelay $0x1  }
0x2d2: {  	v16 =	vadd.f32 v17, v16;
	v17 =	vmul.f32 v61, v19;
	_ =	sdelay $0x1  }
0x2d3: {  	v16 =	vadd.f32 v17, v16;
	v17 =	vmul.f32 v63, v62;
	_ =	sdelay $0x1  }
0x2d4: {  	v16 =	vadd.f32 v17, v16  }
0x2d5: {  	s14 =	simm.s32 $0x8500  }
0x2d6: {  	s17 =	simm.s32 $0x4010;
	[tilespmem:s14+$0x0] =	vst v16  }
0x2d7: {  	v16 =	vld [tilespmem:s17+$0xFFFFF400]  }
0x2d8: {  	s15 =	simm.s32 $0x10;
	s18 =	simm.s32 $0x20;
	v17 =	vld [tilespmem:$0x8280]  }
.LBB2_4:
0x2d9: {  	p0 =	sne.s32 s18, $0x1F0;
	v18 =	vld [tilespmem:$0x8290]  }
0x2da: {  	v19 =	vld [tilespmem:s17+$0xFFFFF600]  }
0x2db: {  	v20 =	vld [tilespmem:$0x82A0]  }
0x2dc: {  	v21 =	vld [tilespmem:s17+$0xFFFFF800]  }
0x2dd: {  	v16 =	vmul.f32 v16, v17;
	v17 =	vld [tilespmem:$0x82B0]  }
0x2de: {  	v22 =	vld [tilespmem:s17+$0xFFFFFA00]  }
0x2df: {  	v16 =	vadd.f32 $0.0e+00, v16;
	v18 =	vmul.f32 v19, v18;
	v19 =	vld [tilespmem:$0x82C0]  }
0x2e0: {  	v23 =	vld [tilespmem:s17+$0xFFFFFC00]  }
0x2e1: {  	v16 =	vadd.f32 v18, v16;
	v18 =	vmul.f32 v21, v20;
	v20 =	vld [tilespmem:$0x82D0]  }
0x2e2: {  	v21 =	vld [tilespmem:s17+$0xFFFFFE00]  }
0x2e3: {  	v16 =	vadd.f32 v18, v16;
	v17 =	vmul.f32 v22, v17;
	v18 =	vld [tilespmem:$0x82E0]  }
0x2e4: {  	v22 =	vld [tilespmem:s17+$0x0]  }
0x2e5: {  	v16 =	vadd.f32 v17, v16;
	v17 =	vmul.f32 v23, v19;
	v19 =	vld [tilespmem:$0x82F0]  }
0x2e6: {  	v23 =	vld [tilespmem:s17+$0x200]  }
0x2e7: {  	v16 =	vadd.f32 v17, v16;
	v17 =	vmul.f32 v21, v20;
	v20 =	vld [tilespmem:$0x8300]  }
0x2e8: {  	v21 =	vld [tilespmem:s17+$0x400]  }
0x2e9: {  	v16 =	vadd.f32 v17, v16;
	v17 =	vmul.f32 v22, v18;
	v18 =	vld [tilespmem:$0x8310]  }
0x2ea: {  	v22 =	vld [tilespmem:s17+$0x600]  }
0x2eb: {  	v16 =	vadd.f32 v17, v16;
	v17 =	vmul.f32 v23, v19;
	v19 =	vld [tilespmem:$0x8320]  }
0x2ec: {  	v23 =	vld [tilespmem:s17+$0x800]  }
0x2ed: {  	v16 =	vadd.f32 v17, v16;
	v17 =	vmul.f32 v21, v20;
	v20 =	vld [tilespmem:$0x8330]  }
0x2ee: {  	v21 =	vld [tilespmem:s17+$0xA00]  }
0x2ef: {  	v16 =	vadd.f32 v17, v16;
	v17 =	vmul.f32 v22, v18;
	v18 =	vld [tilespmem:$0x8340]  }
0x2f0: {  	v22 =	vld [tilespmem:s17+$0xC00]  }
0x2f1: {  	s19 =	sand.u32 $0x1F0, s15;
	s15 =	smov.u32 s18;
	v16 =	vadd.f32 v17, v16;
	v17 =	vmul.f32 v23, v19;
	v19 =	vld [tilespmem:$0x8350]  }
0x2f2: {  	v23 =	vld [tilespmem:s19+$0x4E00]  }
0x2f3: {  	v16 =	vadd.f32 v17, v16;
	v17 =	vmul.f32 v21, v20;
	v20 =	vld [tilespmem:$0x8360]  }
0x2f4: {  	v21 =	vld [tilespmem:s19+$0x5000]  }
0x2f5: {  	v16 =	vadd.f32 v17, v16;
	v17 =	vmul.f32 v22, v18;
	v18 =	vld [tilespmem:$0x8370]  }
0x2f6: {  	v22 =	vld [tilespmem:s19+$0x5200]  }
0x2f7: {  	v16 =	vadd.f32 v17, v16;
	v17 =	vmul.f32 v23, v19;
	v19 =	vld [tilespmem:$0x8380]  }
0x2f8: {  	v23 =	vld [tilespmem:s19+$0x5400]  }
0x2f9: {  	v16 =	vadd.f32 v17, v16;
	v17 =	vmul.f32 v21, v20;
	v20 =	vld [tilespmem:$0x8390]  }
0x2fa: {  	v21 =	vld [tilespmem:s19+$0x5600]  }
0x2fb: {  	v16 =	vadd.f32 v17, v16;
	v17 =	vmul.f32 v22, v18;
	v18 =	vld [tilespmem:$0x83A0]  }
0x2fc: {  	v22 =	vld [tilespmem:s19+$0x5800]  }
0x2fd: {  	v16 =	vadd.f32 v17, v16;
	v17 =	vmul.f32 v23, v19;
	v19 =	vld [tilespmem:$0x83B0]  }
0x2fe: {  	v23 =	vld [tilespmem:s19+$0x5A00]  }
0x2ff: {  	v16 =	vadd.f32 v17, v16;
	v17 =	vmul.f32 v21, v20;
	v20 =	vld [tilespmem:$0x83C0]  }
0x300: {  	v21 =	vld [tilespmem:s19+$0x5C00]  }
0x301: {  	v16 =	vadd.f32 v17, v16;
	v17 =	vmul.f32 v22, v18;
	v18 =	vld [tilespmem:$0x83D0]  }
0x302: {  	v22 =	vld [tilespmem:s19+$0x5E00]  }
0x303: {  	v16 =	vadd.f32 v17, v16;
	v17 =	vmul.f32 v23, v19;
	v19 =	vld [tilespmem:$0x83E0]  }
0x304: {  	v23 =	vld [tilespmem:s19+$0x6000]  }
0x305: {  	v16 =	vadd.f32 v17, v16;
	v17 =	vmul.f32 v21, v20;
	v20 =	vld [tilespmem:$0x83F0]  }
0x306: {  	v21 =	vld [tilespmem:s19+$0x6200]  }
0x307: {  	v16 =	vadd.f32 v17, v16;
	v17 =	vmul.f32 v22, v18;
	v18 =	vld [tilespmem:$0x8400]  }
0x308: {  	v22 =	vld [tilespmem:s19+$0x6400]  }
0x309: {  	v16 =	vadd.f32 v17, v16;
	v17 =	vmul.f32 v23, v19;
	v19 =	vld [tilespmem:$0x8410]  }
0x30a: {  	v23 =	vld [tilespmem:s19+$0x6600]  }
0x30b: {  	s13 =	sadd.s32 $0x10, s13;
	v16 =	vadd.f32 v17, v16;
	v17 =	vmul.f32 v21, v20;
	v20 =	vld [tilespmem:$0x8420]  }
0x30c: {  	v21 =	vld [tilespmem:s13+$0xFFFFF400]  }
0x30d: {  	v16 =	vadd.f32 v17, v16;
	v17 =	vmul.f32 v22, v18;
	v18 =	vld [tilespmem:$0x8430]  }
0x30e: {  	v22 =	vld [tilespmem:s13+$0xFFFFF600]  }
0x30f: {  	v16 =	vadd.f32 v17, v16;
	v17 =	vmul.f32 v23, v19;
	v19 =	vld [tilespmem:$0x8440]  }
0x310: {  	v23 =	vld [tilespmem:s13+$0xFFFFF800]  }
0x311: {  	v16 =	vadd.f32 v17, v16;
	v17 =	vmul.f32 v21, v20;
	v20 =	vld [tilespmem:$0x8450]  }
0x312: {  	v21 =	vld [tilespmem:s13+$0xFFFFFA00]  }
0x313: {  	v16 =	vadd.f32 v17, v16;
	v17 =	vmul.f32 v22, v18;
	v18 =	vld [tilespmem:$0x8460]  }
0x314: {  	v22 =	vld [tilespmem:s13+$0xFFFFFC00]  }
0x315: {  	v16 =	vadd.f32 v17, v16;
	v17 =	vmul.f32 v23, v19;
	v19 =	vld [tilespmem:$0x8470]  }
0x316: {  	v23 =	vld [tilespmem:s13+$0xFFFFFE00]  }
0x317: {  	v16 =	vadd.f32 v17, v16;
	v17 =	vmul.f32 v21, v20;
	v20 =	vld [tilespmem:$0x8480]  }
0x318: {  	v21 =	vld [tilespmem:s13+$0x0]  }
0x319: {  	v16 =	vadd.f32 v17, v16;
	v17 =	vmul.f32 v22, v18;
	v18 =	vld [tilespmem:$0x8490]  }
0x31a: {  	v22 =	vld [tilespmem:s13+$0x200]  }
0x31b: {  	v16 =	vadd.f32 v17, v16;
	v17 =	vmul.f32 v23, v19;
	v19 =	vld [tilespmem:$0x84A0]  }
0x31c: {  	v23 =	vld [tilespmem:s13+$0x400]  }
0x31d: {  	v16 =	vadd.f32 v17, v16;
	v17 =	vmul.f32 v21, v20;
	v20 =	vld [tilespmem:$0x84B0]  }
0x31e: {  	v21 =	vld [tilespmem:s13+$0x600]  }
0x31f: {  	v16 =	vadd.f32 v17, v16;
	v17 =	vmul.f32 v22, v18;
	v18 =	vld [tilespmem:$0x84C0]  }
0x320: {  	v22 =	vld [tilespmem:s13+$0x800]  }
0x321: {  	v16 =	vadd.f32 v17, v16;
	v17 =	vmul.f32 v23, v19;
	v19 =	vld [tilespmem:$0x84D0]  }
0x322: {  	v23 =	vld [tilespmem:s13+$0xA00]  }
0x323: {  	v16 =	vadd.f32 v17, v16;
	v17 =	vmul.f32 v21, v20;
	v20 =	vld [tilespmem:$0x84E0]  }
0x324: {  	v21 =	vld [tilespmem:s13+$0xC00]  }
0x325: {  	v16 =	vadd.f32 v17, v16;
	v17 =	vmul.f32 v22, v18;
	_ =	sdelay $0x1  }
0x326: {  	v16 =	vadd.f32 v17, v16;
	v17 =	vmul.f32 v23, v19;
	_ =	sdelay $0x1  }
0x327: {  	v16 =	vadd.f32 v17, v16;
	v17 =	vmul.f32 v21, v20;
	_ =	sdelay $0x1  }
.Ltmp1:
0x328: {  	v16 =	vadd.f32 v17, v16;
	(pc) =	sbr.rel @p0 .LBB2_4-.Ltmp1, $4  }
0x329: {  	s14 =	sadd.s32 $0x10, s14  }
0x32a: {  	s17 =	sadd.s32 $0x10, s17;
	[tilespmem:s14+$0x0] =	vst v16  }
0x32b: {  	v16 =	vld [tilespmem:s17+$0xFFFFF400]  }
0x32c: {  	s18 =	sadd.s32 $0x10, s18;
	v17 =	vld [tilespmem:$0x8280]  }
0x32d: {  	v18 =	vld [tilespmem:$0x8290]  }
0x32e: {  	v19 =	vld [tilespmem:s17+$0xFFFFF600]  }
0x32f: {  	v20 =	vld [tilespmem:$0x82A0]  }
0x330: {  	v21 =	vld [tilespmem:s17+$0xFFFFF800]  }
0x331: {  	v22 =	vld [tilespmem:s17+$0xFFFFFA00];
	v16 =	vmul.f32 v16, v17  }
0x332: {  	v17 =	vld [tilespmem:$0x82B0]  }
0x333: {  	v34 =	vld [tilespmem:$0x82C0];
	v18 =	vmul.f32 v19, v18;
	v16 =	vadd.f32 $0.0e+00, v16  }
0x334: {  	v23 =	vld [tilespmem:s17+$0xFFFFFC00]  }
0x335: {  	v36 =	vld [tilespmem:$0x82D0];
	v35 =	vmul.f32 v21, v20;
	v16 =	vadd.f32 v18, v16  }
0x336: {  	v37 =	vld [tilespmem:s17+$0xFFFFFE00]  }
0x337: {  	v38 =	vld [tilespmem:$0x82E0];
	v17 =	vmul.f32 v22, v17;
	v16 =	vadd.f32 v35, v16  }
0x338: {  	v39 =	vld [tilespmem:s17+$0x0]  }
0x339: {  	v40 =	vld [tilespmem:$0x82F0];
	v16 =	vadd.f32 v17, v16;
	v17 =	vmul.f32 v23, v34  }
0x33a: {  	v41 =	vld [tilespmem:s17+$0x200]  }
0x33b: {  	v42 =	vld [tilespmem:$0x8300];
	v16 =	vadd.f32 v17, v16;
	v17 =	vmul.f32 v37, v36  }
0x33c: {  	v43 =	vld [tilespmem:s17+$0x400]  }
0x33d: {  	v44 =	vld [tilespmem:$0x8310];
	v16 =	vadd.f32 v17, v16;
	v17 =	vmul.f32 v39, v38  }
0x33e: {  	v45 =	vld [tilespmem:s17+$0x600]  }
0x33f: {  	v46 =	vld [tilespmem:$0x8320];
	v16 =	vadd.f32 v17, v16;
	v17 =	vmul.f32 v41, v40  }
0x340: {  	v47 =	vld [tilespmem:s17+$0x800]  }
0x341: {  	v48 =	vld [tilespmem:$0x8330];
	v16 =	vadd.f32 v17, v16;
	v17 =	vmul.f32 v43, v42  }
0x342: {  	v49 =	vld [tilespmem:s17+$0xA00]  }
0x343: {  	v50 =	vld [tilespmem:$0x8340];
	v16 =	vadd.f32 v17, v16;
	v17 =	vmul.f32 v45, v44  }
0x344: {  	v51 =	vld [tilespmem:s17+$0xC00]  }
0x345: {  	v52 =	vld [tilespmem:$0x8350];
	s15 =	sand.u32 $0x1F0, s15;
	v16 =	vadd.f32 v17, v16;
	v17 =	vmul.f32 v47, v46  }
0x346: {  	v53 =	vld [tilespmem:s15+$0x4E00]  }
0x347: {  	v54 =	vld [tilespmem:$0x8360];
	v16 =	vadd.f32 v17, v16;
	v17 =	vmul.f32 v49, v48  }
0x348: {  	v55 =	vld [tilespmem:s15+$0x5000]  }
0x349: {  	v56 =	vld [tilespmem:$0x8370];
	v16 =	vadd.f32 v17, v16;
	v17 =	vmul.f32 v51, v50  }
0x34a: {  	v57 =	vld [tilespmem:s15+$0x5200]  }
0x34b: {  	v58 =	vld [tilespmem:$0x8380];
	v16 =	vadd.f32 v17, v16;
	v17 =	vmul.f32 v53, v52  }
0x34c: {  	v59 =	vld [tilespmem:s15+$0x5400]  }
0x34d: {  	v60 =	vld [tilespmem:$0x8390];
	v16 =	vadd.f32 v17, v16;
	v17 =	vmul.f32 v55, v54  }
0x34e: {  	v61 =	vld [tilespmem:s15+$0x5600]  }
0x34f: {  	v62 =	vld [tilespmem:$0x83A0];
	v16 =	vadd.f32 v17, v16;
	v17 =	vmul.f32 v57, v56  }
0x350: {  	v63 =	vld [tilespmem:s15+$0x5800]  }
0x351: {  	v24 =	vld [tilespmem:$0x83B0];
	v16 =	vadd.f32 v17, v16;
	v17 =	vmul.f32 v59, v58  }
0x352: {  	v25 =	vld [tilespmem:s15+$0x5A00]  }
0x353: {  	v26 =	vld [tilespmem:$0x83C0];
	v16 =	vadd.f32 v17, v16;
	v17 =	vmul.f32 v61, v60  }
0x354: {  	v27 =	vld [tilespmem:s15+$0x5C00]  }
0x355: {  	v28 =	vld [tilespmem:$0x83D0];
	v16 =	vadd.f32 v17, v16;
	v17 =	vmul.f32 v63, v62  }
0x356: {  	v29 =	vld [tilespmem:s15+$0x5E00]  }
0x357: {  	v30 =	vld [tilespmem:$0x83E0];
	v16 =	vadd.f32 v17, v16;
	v17 =	vmul.f32 v25, v24  }
0x358: {  	v31 =	vld [tilespmem:s15+$0x6000]  }
0x359: {  	v32 =	vld [tilespmem:$0x83F0];
	v16 =	vadd.f32 v17, v16;
	v17 =	vmul.f32 v27, v26  }
0x35a: {  	v33 =	vld [tilespmem:s15+$0x6200]  }
0x35b: {  	v35 =	vld [tilespmem:s15+$0x6400];
	v16 =	vadd.f32 v17, v16;
	v17 =	vmul.f32 v29, v28  }
0x35c: {  	v34 =	vld [tilespmem:$0x8400]  }
0x35d: {  	v36 =	vld [tilespmem:$0x8410];
	v16 =	vadd.f32 v17, v16;
	v17 =	vmul.f32 v31, v30  }
0x35e: {  	v37 =	vld [tilespmem:s15+$0x6600]  }
0x35f: {  	s13 =	sadd.s32 $0x10, s13;
	v38 =	vld [tilespmem:$0x8420];
	v16 =	vadd.f32 v17, v16;
	v17 =	vmul.f32 v33, v32  }
0x360: {  	v39 =	vld [tilespmem:s13+$0xFFFFF400]  }
0x361: {  	v40 =	vld [tilespmem:$0x8430];
	v16 =	vadd.f32 v17, v16;
	v17 =	vmul.f32 v35, v34  }
0x362: {  	v41 =	vld [tilespmem:s13+$0xFFFFF600]  }
0x363: {  	v42 =	vld [tilespmem:$0x8440];
	v16 =	vadd.f32 v17, v16;
	v17 =	vmul.f32 v37, v36  }
0x364: {  	v43 =	vld [tilespmem:s13+$0xFFFFF800]  }
0x365: {  	v44 =	vld [tilespmem:$0x8450];
	v16 =	vadd.f32 v17, v16;
	v17 =	vmul.f32 v39, v38  }
0x366: {  	v45 =	vld [tilespmem:s13+$0xFFFFFA00]  }
0x367: {  	v46 =	vld [tilespmem:$0x8460];
	v16 =	vadd.f32 v17, v16;
	v17 =	vmul.f32 v41, v40  }
0x368: {  	v47 =	vld [tilespmem:s13+$0xFFFFFC00]  }
0x369: {  	v48 =	vld [tilespmem:$0x8470];
	v16 =	vadd.f32 v17, v16;
	v17 =	vmul.f32 v43, v42  }
0x36a: {  	v49 =	vld [tilespmem:s13+$0xFFFFFE00]  }
0x36b: {  	v50 =	vld [tilespmem:$0x8480];
	v16 =	vadd.f32 v17, v16;
	v17 =	vmul.f32 v45, v44  }
0x36c: {  	v51 =	vld [tilespmem:s13+$0x0]  }
0x36d: {  	v52 =	vld [tilespmem:$0x8490];
	v16 =	vadd.f32 v17, v16;
	v17 =	vmul.f32 v47, v46  }
0x36e: {  	v53 =	vld [tilespmem:s13+$0x200]  }
0x36f: {  	v54 =	vld [tilespmem:$0x84A0];
	v16 =	vadd.f32 v17, v16;
	v17 =	vmul.f32 v49, v48  }
0x370: {  	v55 =	vld [tilespmem:s13+$0x400]  }
0x371: {  	v56 =	vld [tilespmem:$0x84B0];
	v16 =	vadd.f32 v17, v16;
	v17 =	vmul.f32 v51, v50  }
0x372: {  	v57 =	vld [tilespmem:s13+$0x600]  }
0x373: {  	v58 =	vld [tilespmem:$0x84C0];
	v16 =	vadd.f32 v17, v16;
	v17 =	vmul.f32 v53, v52  }
0x374: {  	v59 =	vld [tilespmem:s13+$0x800]  }
0x375: {  	v60 =	vld [tilespmem:$0x84D0];
	v16 =	vadd.f32 v17, v16;
	v17 =	vmul.f32 v55, v54  }
0x376: {  	v61 =	vld [tilespmem:s13+$0xA00]  }
0x377: {  	v62 =	vld [tilespmem:$0x84E0];
	v16 =	vadd.f32 v17, v16;
	v17 =	vmul.f32 v57, v56  }
0x378: {  	v63 =	vld [tilespmem:s13+$0xC00]  }
0x379: {  	v16 =	vadd.f32 v17, v16;
	v17 =	vmul.f32 v59, v58;
	_ =	sdelay $0x1  }
0x37a: {  	v16 =	vadd.f32 v17, v16;
	v17 =	vmul.f32 v61, v60;
	_ =	sdelay $0x1  }
0x37b: {  	v16 =	vadd.f32 v17, v16;
	v17 =	vmul.f32 v63, v62;
	_ =	sdelay $0x1  }
0x37c: {  	s3 =	sadd.s32 $0x1, s3;
	v16 =	vadd.f32 v17, v16  }
0x37d: {  	s21 =	sadd.s32 $0x10, s14;
	p0 =	sne.s32 s3, s9  }
.Ltmp2:
0x37e: {  	[tilespmem:s21+$0x0] =	vst v16;
	(pc) =	sbr.rel @p0 .LBB2_1-.Ltmp2, $4  }
0x37f: {  	[hbm4b:s8+s5] =	stream.linear.scatter [tilespmem:s2], [sflag:$0x2], $0x200, $0x38;
	[tilespmem:$0x8800] =	vst v63  }
0x380: {  	_ =	swait.ge [sflag:s12], $0x200  }
0x381: {  	[sflag:s12] =	ssyncset.done $0x0  }
0x382: {  	[sflag:s12] =	ssyncadd.s32 $0xFFFFFE00  }
0x383: {  	_ =	sfence.sel $0x180000  }
0x384: {  	[bflag:$0x0] =	sbarrier.arrive $0xFFFF  }
0x385: {  	_ =	strace $0x90000047  }
0x386: {  	s0 =	stileid.u32;
	[bflag:$0x2] =	sbarrier.arrive $0xFFFF  }
0x387: {  	p0 =	sne.s32 s0, $0x0;
	s0 =	rddreg [dreg:$0x6]  }
0x388: {  	s0 =	sadd.s32 @!p0 $0x100000, s0  }
0x389: {  	[sflag:s0] =	ssyncadd.tile.s32 @!p0 $0x1;
	_ =	shalt  }
.Lfunc_end2:
_tile_overlayer_lowered:
.L_overlay_start_2:
0x38a: {  	(tag) =	ssettag $0x2  }
0x38b: {  	s0 =	rddreg [dreg:$0x0];
	s2 =	stileid.u32  }
0x38c: {  	s1 =	rddreg [dreg:$0x1];
	p0 =	sne.s32 s2, $0x0  }
0x38d: {  	s3 =	rddreg [dreg:$0x2];
	[bflag:$0x3] =	sbarrier.arrive $0xFFFF;
	s2 =	simm.s32 @!p0 $0x1C02  }
0x38e: {  	[timem:s3], [sflag:s2] =	dma.local @!p0 [hbm:s0], s1  }
0x38f: {  	s0 =	simm.s32 @!p0 $0x2  }
0x390: {  	_ =	swait.ge @!p0 [sflag:s0], s1  }
0x391: {  	s1 =	ssub.s32 @!p0 $0x0, s1;
	[sflag:s0] =	ssyncset.done @!p0 $0x0  }
0x392: {  	[sflag:s0] =	ssyncadd.s32 @!p0 s1  }
0x393: {  	[bflag:$0x3] =	sbarrier.arrive $0xFFFF  }
0x394: {  	_ =	shalt  }

</sc_bundles>
